<compile_context>
chip_gen: v7x
topology: tpu7x:2x2x1
jax: 0.10.2.dev20260603
libtpu: 0.0.44.dev20260713+nightly
codegen_flags: <defaults>
</compile_context>

<pallas_src>
import functools

import jax
import jax.numpy as jnp
from jax import lax
from jax.experimental import pallas as pl
from jax.experimental.pallas import tpu as pltpu
from jax.experimental.pallas import tpu_sc as plsc

B = 16384
D = 128
NTOK = 10
NB = 10
NK = D // 16

_NC = 2
_NS = 16
_NW = _NC * _NS
_CPW = B // _NW
_CH = 8
_CH2 = 32

_OFF_CLS = 0
_OFF_WM = 1
_OFF_WP = 2
_OFF_EMB = (3, 6, 9, 12, 15, 25)
_OFF_BB = 35
_OFF_WB = 36
_OFF_BM = 46
_OFF_BP = 47
_TROWS = 48


def _sl(k):
    return pl.ds(k * 16, 16)


def _body(cls_hbm, wm_hbm, wp_hbm, es1_hbm, es2_hbm, eo1_hbm, eo2_hbm,
          eg1_hbm, eg2_hbm, bb_hbm, wb_hbm, bmi_hbm, bpc_hbm,
          s1_hbm, s2_hbm, o1_hbm, o2_hbm, g1_hbm, g2_hbm,
          miss_hbm, pc_hbm, bool_hbm, out_hbm,
          tv, idxv, scal, boolv, clsb,
          ob1, ob2, ob3, ob4, ob5, ob6, ob7, ob8, ob9, sem0):
    wid = lax.axis_index("s") * _NC + lax.axis_index("c")
    base = wid * _CPW
    obt = (ob1, ob2, ob3, ob4, ob5, ob6, ob7, ob8, ob9)

    stage = [
        (cls_hbm, tv.at[pl.ds(_OFF_CLS, 1)]),
        (wm_hbm, tv.at[pl.ds(_OFF_WM, 1)]),
        (wp_hbm, tv.at[pl.ds(_OFF_WP, 1)]),
        (es1_hbm, tv.at[pl.ds(_OFF_EMB[0], 3)]),
        (es2_hbm, tv.at[pl.ds(_OFF_EMB[1], 3)]),
        (eo1_hbm, tv.at[pl.ds(_OFF_EMB[2], 3)]),
        (eo2_hbm, tv.at[pl.ds(_OFF_EMB[3], 3)]),
        (eg1_hbm, tv.at[pl.ds(_OFF_EMB[4], 10)]),
        (eg2_hbm, tv.at[pl.ds(_OFF_EMB[5], 10)]),
        (bb_hbm, tv.at[pl.ds(_OFF_BB, 1)]),
        (wb_hbm, tv.at[pl.ds(_OFF_WB, 10)]),
        (bmi_hbm, tv.at[pl.ds(_OFF_BM, 1)]),
        (bpc_hbm, tv.at[pl.ds(_OFF_BP, 1)]),
        (s1_hbm.at[pl.ds(base, _CPW)], idxv.at[0]),
        (s2_hbm.at[pl.ds(base, _CPW)], idxv.at[1]),
        (o1_hbm.at[pl.ds(base, _CPW)], idxv.at[2]),
        (o2_hbm.at[pl.ds(base, _CPW)], idxv.at[3]),
        (g1_hbm.at[pl.ds(base, _CPW)], idxv.at[4]),
        (g2_hbm.at[pl.ds(base, _CPW)], idxv.at[5]),
        (miss_hbm.at[pl.ds(base, _CPW)], scal.at[0]),
        (pc_hbm.at[pl.ds(base, _CPW)], scal.at[1]),
        (bool_hbm.at[pl.ds(base, _CPW), :], boolv),
    ]
    copies = [pltpu.async_copy(src, dst, sem0) for src, dst in stage]
    for cp in copies:
        cp.wait()

    for k in range(NK):
        v = tv[_OFF_CLS, _sl(k)]
        for l in range(_CH2):
            clsb[l, _sl(k)] = v

    def chunk_body(c, carry):
        r0 = c * _CH2
        gbase = base + r0
        sem = sem0

        @pl.when(c > 0)
        def _reclaim():
            pltpu.make_async_copy(
                clsb, out_hbm.at[pl.ds(0, _CH2), 0], sem).wait()
            for t in range(1, NTOK):
                pltpu.make_async_copy(
                    obt[t - 1], out_hbm.at[pl.ds(0, _CH2), t], sem).wait()

        wm = [tv[_OFF_WM, _sl(k)] for k in range(NK)]
        bm = [tv[_OFF_BM, _sl(k)] for k in range(NK)]
        wp = [tv[_OFF_WP, _sl(k)] for k in range(NK)]
        bp = [tv[_OFF_BP, _sl(k)] for k in range(NK)]

        @plsc.parallel_loop(0, _CH2, unroll=1)
        def row_a(row):
            rs = jnp.full((16,), r0, jnp.int32) + row
            mg = plsc.load_gather(scal, [jnp.full((16,), 0, jnp.int32), rs])
            pg = plsc.load_gather(scal, [jnp.full((16,), 1, jnp.int32), rs])
            tix = [plsc.load_gather(
                idxv, [jnp.full((16,), t, jnp.int32), rs])[0] + _OFF_EMB[t]
                for t in range(6)]
            for k in range(NK):
                sl = _sl(k)
                ob1[row, sl] = wm[k] * mg + bm[k]
                ob2[row, sl] = wp[k] * pg + bp[k]
                for t in range(6):
                    obt[t + 2][row, sl] = tv[tix[t], sl]

        pltpu.async_copy(clsb, out_hbm.at[pl.ds(gbase, _CH2), 0], sem)
        for t in range(1, 9):
            pltpu.async_copy(
                obt[t - 1], out_hbm.at[pl.ds(gbase, _CH2), t], sem)

        for kh in range(2):
            wb = [[tv[_OFF_WB + j, _sl(kh * 4 + k)] for j in range(NB)]
                  for k in range(4)]
            bb = [tv[_OFF_BB, _sl(kh * 4 + k)] for k in range(4)]

            @plsc.parallel_loop(0, _CH2, unroll=1)
            def row_b(row):
                rs = jnp.full((16,), r0, jnp.int32) + row
                bg = [plsc.load_gather(
                    boolv, [rs, jnp.full((16,), j, jnp.int32)])
                    for j in range(NB)]
                for k in range(4):
                    ps = [wb[k][j] * bg[j] for j in range(NB)]
                    while len(ps) > 1:
                        nxt = [ps[i] + ps[i + 1]
                               for i in range(0, len(ps) - 1, 2)]
                        if len(ps) % 2:
                            nxt.append(ps[-1])
                        ps = nxt
                    ob9[row, _sl(kh * 4 + k)] = ps[0] + bb[k]

        pltpu.async_copy(obt[8], out_hbm.at[pl.ds(gbase, _CH2), 9], sem)
        return carry

    lax.fori_loop(0, _CPW // _CH2, chunk_body, 0)

    pltpu.make_async_copy(
        clsb, out_hbm.at[pl.ds(0, _CH2), 0], sem0).wait()
    for t in range(1, NTOK):
        pltpu.make_async_copy(
            obt[t - 1], out_hbm.at[pl.ds(0, _CH2), t], sem0).wait()


@jax.jit
def _run(cls2d, W_miss, W_pc, E_sat1, E_sat2, E_obj1, E_obj2, E_org1,
         E_org2, bb2d, W_bool, bm2d, bp2d,
         s1, s2, o1, o2, g1, g2, miss, pc, bools):
    call = functools.partial(
        pl.kernel,
        out_type=jax.ShapeDtypeStruct((B, NTOK, D), jnp.float32),
        mesh=plsc.VectorSubcoreMesh(core_axis_name="c", subcore_axis_name="s"),
        compiler_params=pltpu.CompilerParams(needs_layout_passes=False),
        scratch_types=(
            [pltpu.VMEM((_TROWS, D), jnp.float32),
             pltpu.VMEM((6, _CPW), jnp.int32),
             pltpu.VMEM((2, _CPW), jnp.float32),
             pltpu.VMEM((_CPW, NB), jnp.float32),
             pltpu.VMEM((_CH2, D), jnp.float32)]
            + [pltpu.VMEM((_CH2, D), jnp.float32) for _ in range(9)]
            + [pltpu.SemaphoreType.DMA]
        ),
    )(_body)
    return call(cls2d, W_miss, W_pc, E_sat1, E_sat2, E_obj1, E_obj2,
                E_org1, E_org2, bb2d, W_bool, bm2d, bp2d,
                s1, s2, o1, o2, g1, g2, miss, pc, bools)


def kernel(miss_distance, pc, sat1_type, sat2_type, obj1_type, obj2_type,
           org1, org2, bool_features, W_miss, b_miss, W_pc, b_pc,
           E_sat1, E_sat2, E_obj1, E_obj2, E_org1, E_org2, W_bool, b_bool,
           CLS):
    return _run(
        CLS.reshape(1, D), W_miss, W_pc,
        E_sat1, E_sat2, E_obj1, E_obj2, E_org1, E_org2,
        b_bool.reshape(1, D), W_bool,
        b_miss.reshape(1, D), b_pc.reshape(1, D),
        sat1_type.astype(jnp.int32), sat2_type.astype(jnp.int32),
        obj1_type.astype(jnp.int32), obj2_type.astype(jnp.int32),
        org1.astype(jnp.int32), org2.astype(jnp.int32),
        miss_distance.reshape(B), pc.reshape(B), bool_features)

# --- scband reference (transcript-rebuilt; emitter-appended) ---
"""Pipeline reference for scband-feature-tokenizer-11252814316255 (READ-ONLY COPY).

The authoritative reference and input builder live on the scoring server;
editing this copy changes nothing except your own understanding.
"""

import jax, jax.numpy as jnp
import numpy as np

B = 16384
D = 128
NB = 10

def setup_inputs(seed: int = 0) -> dict:
    key = jax.random.key(seed)
    ks = jax.random.split(key, 24)
    inp = {}
    inp["miss_distance"] = jax.random.normal(ks[0], (B, 1), dtype=jnp.float32)
    inp["pc"] = jax.random.uniform(ks[1], (B, 1), dtype=jnp.float32)
    inp["sat1_type"] = jax.random.randint(ks[2], (B,), 0, 3)
    inp["sat2_type"] = jax.random.randint(ks[3], (B,), 0, 3)
    inp["obj1_type"] = jax.random.randint(ks[4], (B,), 0, 3)
    inp["obj2_type"] = jax.random.randint(ks[5], (B,), 0, 3)
    inp["org1"] = jax.random.randint(ks[6], (B,), 0, 10)
    inp["org2"] = jax.random.randint(ks[7], (B,), 0, 10)
    inp["bool_features"] = jax.random.uniform(ks[8], (B, NB), dtype=jnp.float32)
    inp["W_miss"] = jax.random.normal(ks[9], (1, D), dtype=jnp.float32) * 0.05
    inp["b_miss"] = jnp.zeros((D,), dtype=jnp.float32)
    inp["W_pc"] = jax.random.normal(ks[10], (1, D), dtype=jnp.float32) * 0.05
    inp["b_pc"] = jnp.zeros((D,), dtype=jnp.float32)
    inp["E_sat1"] = jax.random.normal(ks[11], (3, D), dtype=jnp.float32) * 0.05
    inp["E_sat2"] = jax.random.normal(ks[12], (3, D), dtype=jnp.float32) * 0.05
    inp["E_obj1"] = jax.random.normal(ks[13], (3, D), dtype=jnp.float32) * 0.05
    inp["E_obj2"] = jax.random.normal(ks[14], (3, D), dtype=jnp.float32) * 0.05
    inp["E_org1"] = jax.random.normal(ks[15], (10, D), dtype=jnp.float32) * 0.05
    inp["E_org2"] = jax.random.normal(ks[16], (10, D), dtype=jnp.float32) * 0.05
    inp["W_bool"] = jax.random.normal(ks[17], (NB, D), dtype=jnp.float32) * 0.05
    inp["b_bool"] = jnp.zeros((D,), dtype=jnp.float32)
    inp["CLS"] = jax.random.normal(ks[18], (1, 1, D), dtype=jnp.float32)
    return inp

def reference(miss_distance, pc, sat1_type, sat2_type, obj1_type, obj2_type, org1, org2, bool_features, W_miss, b_miss, W_pc, b_pc, E_sat1, E_sat2, E_obj1, E_obj2, E_org1, E_org2, W_bool, b_bool, CLS):
    Bsz = miss_distance.shape[0]
    t_miss = miss_distance @ W_miss + b_miss
    t_pc = pc @ W_pc + b_pc
    t_sat1 = jnp.take(E_sat1, sat1_type, axis=0)
    t_sat2 = jnp.take(E_sat2, sat2_type, axis=0)
    t_obj1 = jnp.take(E_obj1, obj1_type, axis=0)
    t_obj2 = jnp.take(E_obj2, obj2_type, axis=0)
    t_org1 = jnp.take(E_org1, org1, axis=0)
    t_org2 = jnp.take(E_org2, org2, axis=0)
    t_bool = bool_features @ W_bool + b_bool
    tokens = jnp.stack([t_miss, t_pc, t_sat1, t_sat2, t_obj1, t_obj2, t_org1, t_org2, t_bool], axis=1)
    cls = jnp.broadcast_to(CLS, (Bsz, 1, CLS.shape[-1]))
    return jnp.concatenate([cls, tokens], axis=1)

if __name__ == "__main__":
    import jax
    _d = setup_inputs()
    print(jax.jit(kernel)(*tuple(_d.values())))

</pallas_src>

<mosaic_0001>
#map = affine_map<(d0, d1) -> (0, 0)>
#map1 = affine_map<(d0, d1) -> (0)>
#map2 = affine_map<(d0, d1) -> (0, 0, 0)>
module attributes {stable_mosaic.version = 14 : i64} {
  func.func @_body(%arg0: i32, %arg1: i32, %arg2: memref<1x128xf32, #tpu.memory_space<hbm>>, %arg3: memref<1x128xf32, #tpu.memory_space<hbm>>, %arg4: memref<1x128xf32, #tpu.memory_space<hbm>>, %arg5: memref<3x128xf32, #tpu.memory_space<hbm>>, %arg6: memref<3x128xf32, #tpu.memory_space<hbm>>, %arg7: memref<3x128xf32, #tpu.memory_space<hbm>>, %arg8: memref<3x128xf32, #tpu.memory_space<hbm>>, %arg9: memref<10x128xf32, #tpu.memory_space<hbm>>, %arg10: memref<10x128xf32, #tpu.memory_space<hbm>>, %arg11: memref<1x128xf32, #tpu.memory_space<hbm>>, %arg12: memref<10x128xf32, #tpu.memory_space<hbm>>, %arg13: memref<1x128xf32, #tpu.memory_space<hbm>>, %arg14: memref<1x128xf32, #tpu.memory_space<hbm>>, %arg15: memref<16384xi32, #tpu.memory_space<hbm>>, %arg16: memref<16384xi32, #tpu.memory_space<hbm>>, %arg17: memref<16384xi32, #tpu.memory_space<hbm>>, %arg18: memref<16384xi32, #tpu.memory_space<hbm>>, %arg19: memref<16384xi32, #tpu.memory_space<hbm>>, %arg20: memref<16384xi32, #tpu.memory_space<hbm>>, %arg21: memref<16384xf32, #tpu.memory_space<hbm>>, %arg22: memref<16384xf32, #tpu.memory_space<hbm>>, %arg23: memref<16384x10xf32, #tpu.memory_space<hbm>>, %arg24: memref<16384x10x128xf32, #tpu.memory_space<hbm>>, %arg25: memref<48x128xf32, #tpu.memory_space<vmem>>, %arg26: memref<6x512xi32, #tpu.memory_space<vmem>>, %arg27: memref<2x512xf32, #tpu.memory_space<vmem>>, %arg28: memref<512x10xf32, #tpu.memory_space<vmem>>, %arg29: memref<32x128xf32, #tpu.memory_space<vmem>>, %arg30: memref<32x128xf32, #tpu.memory_space<vmem>>, %arg31: memref<32x128xf32, #tpu.memory_space<vmem>>, %arg32: memref<32x128xf32, #tpu.memory_space<vmem>>, %arg33: memref<32x128xf32, #tpu.memory_space<vmem>>, %arg34: memref<32x128xf32, #tpu.memory_space<vmem>>, %arg35: memref<32x128xf32, #tpu.memory_space<vmem>>, %arg36: memref<32x128xf32, #tpu.memory_space<vmem>>, %arg37: memref<32x128xf32, #tpu.memory_space<vmem>>, %arg38: memref<32x128xf32, #tpu.memory_space<vmem>>, %arg39: memref<!tpu.dma_semaphore, #tpu.memory_space<semaphore_mem>>) attributes {dimension_semantics = [#tpu.dimension_semantics<core_parallel>, #tpu.dimension_semantics<subcore_parallel>], iteration_bounds = array<i64: 2, 16>, scalar_prefetch = 0 : i64, scratch_operands = 15 : i64, tpu.core_type = #tpu.core_type<sc_vector_subcore>, window_params = [{transform_indices = #map}, {transform_indices = #map}, {transform_indices = #map}, {transform_indices = #map}, {transform_indices = #map}, {transform_indices = #map}, {transform_indices = #map}, {transform_indices = #map}, {transform_indices = #map}, {transform_indices = #map}, {transform_indices = #map}, {transform_indices = #map}, {transform_indices = #map}, {transform_indices = #map1}, {transform_indices = #map1}, {transform_indices = #map1}, {transform_indices = #map1}, {transform_indices = #map1}, {transform_indices = #map1}, {transform_indices = #map1}, {transform_indices = #map1}, {transform_indices = #map}, {transform_indices = #map2}]} {
    %mul3A = arith.constant 2 : i32
    %mul3A_0 = arith.muli %arg1, %mul3A : i32
    %add3A = arith.addi %mul3A_0, %arg0 : i32
    %mul3A_1 = arith.constant 512 : i32
    %mul3A_2 = arith.muli %add3A, %mul3A_1 : i32
    %dma_start3A = arith.constant 0 : i32
    %dma_start3A_3 = arith.constant 0 : i32
    %dma_start3A_4 = tpu.memref_slice %arg25[%dma_start3A, %dma_start3A_3] : memref<48x128xf32, #tpu.memory_space<vmem>> -> memref<1x128xf32, #tpu.memory_space<vmem>>
    %dma_start3A_5 = arith.constant 0 : i32
    %dma_start3A_6 = arith.constant 0 : i32
    %dma_start3A_7 = tpu.memref_slice %arg25[%dma_start3A_5, %dma_start3A_6] : memref<48x128xf32, #tpu.memory_space<vmem>> -> memref<1x128xf32, #tpu.memory_space<vmem>>
    tpu.enqueue_dma source(%arg2 : memref<1x128xf32, #tpu.memory_space<hbm>>) target(%dma_start3A_7 : memref<1x128xf32, #tpu.memory_space<vmem>>) target_semaphore(%arg39 : memref<!tpu.dma_semaphore, #tpu.memory_space<semaphore_mem>>)
    %dma_start3A_8 = arith.constant 1 : i32
    %dma_start3A_9 = arith.constant 0 : i32
    %dma_start3A_10 = tpu.memref_slice %arg25[%dma_start3A_8, %dma_start3A_9] : memref<48x128xf32, #tpu.memory_space<vmem>> -> memref<1x128xf32, #tpu.memory_space<vmem>>
    %dma_start3A_11 = arith.constant 1 : i32
    %dma_start3A_12 = arith.constant 0 : i32
    %dma_start3A_13 = tpu.memref_slice %arg25[%dma_start3A_11, %dma_start3A_12] : memref<48x128xf32, #tpu.memory_space<vmem>> -> memref<1x128xf32, #tpu.memory_space<vmem>>
    tpu.enqueue_dma source(%arg3 : memref<1x128xf32, #tpu.memory_space<hbm>>) target(%dma_start3A_13 : memref<1x128xf32, #tpu.memory_space<vmem>>) target_semaphore(%arg39 : memref<!tpu.dma_semaphore, #tpu.memory_space<semaphore_mem>>)
    %dma_start3A_14 = arith.constant 2 : i32
    %dma_start3A_15 = arith.constant 0 : i32
    %dma_start3A_16 = tpu.memref_slice %arg25[%dma_start3A_14, %dma_start3A_15] : memref<48x128xf32, #tpu.memory_space<vmem>> -> memref<1x128xf32, #tpu.memory_space<vmem>>
    %dma_start3A_17 = arith.constant 2 : i32
    %dma_start3A_18 = arith.constant 0 : i32
    %dma_start3A_19 = tpu.memref_slice %arg25[%dma_start3A_17, %dma_start3A_18] : memref<48x128xf32, #tpu.memory_space<vmem>> -> memref<1x128xf32, #tpu.memory_space<vmem>>
    tpu.enqueue_dma source(%arg4 : memref<1x128xf32, #tpu.memory_space<hbm>>) target(%dma_start3A_19 : memref<1x128xf32, #tpu.memory_space<vmem>>) target_semaphore(%arg39 : memref<!tpu.dma_semaphore, #tpu.memory_space<semaphore_mem>>)
    %dma_start3A_20 = arith.constant 3 : i32
    %dma_start3A_21 = arith.constant 0 : i32
    %dma_start3A_22 = tpu.memref_slice %arg25[%dma_start3A_20, %dma_start3A_21] : memref<48x128xf32, #tpu.memory_space<vmem>> -> memref<3x128xf32, #tpu.memory_space<vmem>>
    %dma_start3A_23 = arith.constant 3 : i32
    %dma_start3A_24 = arith.constant 0 : i32
    %dma_start3A_25 = tpu.memref_slice %arg25[%dma_start3A_23, %dma_start3A_24] : memref<48x128xf32, #tpu.memory_space<vmem>> -> memref<3x128xf32, #tpu.memory_space<vmem>>
    tpu.enqueue_dma source(%arg5 : memref<3x128xf32, #tpu.memory_space<hbm>>) target(%dma_start3A_25 : memref<3x128xf32, #tpu.memory_space<vmem>>) target_semaphore(%arg39 : memref<!tpu.dma_semaphore, #tpu.memory_space<semaphore_mem>>)
    %dma_start3A_26 = arith.constant 6 : i32
    %dma_start3A_27 = arith.constant 0 : i32
    %dma_start3A_28 = tpu.memref_slice %arg25[%dma_start3A_26, %dma_start3A_27] : memref<48x128xf32, #tpu.memory_space<vmem>> -> memref<3x128xf32, #tpu.memory_space<vmem>>
    %dma_start3A_29 = arith.constant 6 : i32
    %dma_start3A_30 = arith.constant 0 : i32
    %dma_start3A_31 = tpu.memref_slice %arg25[%dma_start3A_29, %dma_start3A_30] : memref<48x128xf32, #tpu.memory_space<vmem>> -> memref<3x128xf32, #tpu.memory_space<vmem>>
    tpu.enqueue_dma source(%arg6 : memref<3x128xf32, #tpu.memory_space<hbm>>) target(%dma_start3A_31 : memref<3x128xf32, #tpu.memory_space<vmem>>) target_semaphore(%arg39 : memref<!tpu.dma_semaphore, #tpu.memory_space<semaphore_mem>>)
    %dma_start3A_32 = arith.constant 9 : i32
    %dma_start3A_33 = arith.constant 0 : i32
    %dma_start3A_34 = tpu.memref_slice %arg25[%dma_start3A_32, %dma_start3A_33] : memref<48x128xf32, #tpu.memory_space<vmem>> -> memref<3x128xf32, #tpu.memory_space<vmem>>
    %dma_start3A_35 = arith.constant 9 : i32
    %dma_start3A_36 = arith.constant 0 : i32
    %dma_start3A_37 = tpu.memref_slice %arg25[%dma_start3A_35, %dma_start3A_36] : memref<48x128xf32, #tpu.memory_space<vmem>> -> memref<3x128xf32, #tpu.memory_space<vmem>>
    tpu.enqueue_dma source(%arg7 : memref<3x128xf32, #tpu.memory_space<hbm>>) target(%dma_start3A_37 : memref<3x128xf32, #tpu.memory_space<vmem>>) target_semaphore(%arg39 : memref<!tpu.dma_semaphore, #tpu.memory_space<semaphore_mem>>)
    %dma_start3A_38 = arith.constant 12 : i32
    %dma_start3A_39 = arith.constant 0 : i32
    %dma_start3A_40 = tpu.memref_slice %arg25[%dma_start3A_38, %dma_start3A_39] : memref<48x128xf32, #tpu.memory_space<vmem>> -> memref<3x128xf32, #tpu.memory_space<vmem>>
    %dma_start3A_41 = arith.constant 12 : i32
    %dma_start3A_42 = arith.constant 0 : i32
    %dma_start3A_43 = tpu.memref_slice %arg25[%dma_start3A_41, %dma_start3A_42] : memref<48x128xf32, #tpu.memory_space<vmem>> -> memref<3x128xf32, #tpu.memory_space<vmem>>
    tpu.enqueue_dma source(%arg8 : memref<3x128xf32, #tpu.memory_space<hbm>>) target(%dma_start3A_43 : memref<3x128xf32, #tpu.memory_space<vmem>>) target_semaphore(%arg39 : memref<!tpu.dma_semaphore, #tpu.memory_space<semaphore_mem>>)
    %dma_start3A_44 = arith.constant 15 : i32
    %dma_start3A_45 = arith.constant 0 : i32
    %dma_start3A_46 = tpu.memref_slice %arg25[%dma_start3A_44, %dma_start3A_45] : memref<48x128xf32, #tpu.memory_space<vmem>> -> memref<10x128xf32, #tpu.memory_space<vmem>>
    %dma_start3A_47 = arith.constant 15 : i32
    %dma_start3A_48 = arith.constant 0 : i32
    %dma_start3A_49 = tpu.memref_slice %arg25[%dma_start3A_47, %dma_start3A_48] : memref<48x128xf32, #tpu.memory_space<vmem>> -> memref<10x128xf32, #tpu.memory_space<vmem>>
    tpu.enqueue_dma source(%arg9 : memref<10x128xf32, #tpu.memory_space<hbm>>) target(%dma_start3A_49 : memref<10x128xf32, #tpu.memory_space<vmem>>) target_semaphore(%arg39 : memref<!tpu.dma_semaphore, #tpu.memory_space<semaphore_mem>>)
    %dma_start3A_50 = arith.constant 25 : i32
    %dma_start3A_51 = arith.constant 0 : i32
    %dma_start3A_52 = tpu.memref_slice %arg25[%dma_start3A_50, %dma_start3A_51] : memref<48x128xf32, #tpu.memory_space<vmem>> -> memref<10x128xf32, #tpu.memory_space<vmem>>
    %dma_start3A_53 = arith.constant 25 : i32
    %dma_start3A_54 = arith.constant 0 : i32
    %dma_start3A_55 = tpu.memref_slice %arg25[%dma_start3A_53, %dma_start3A_54] : memref<48x128xf32, #tpu.memory_space<vmem>> -> memref<10x128xf32, #tpu.memory_space<vmem>>
    tpu.enqueue_dma source(%arg10 : memref<10x128xf32, #tpu.memory_space<hbm>>) target(%dma_start3A_55 : memref<10x128xf32, #tpu.memory_space<vmem>>) target_semaphore(%arg39 : memref<!tpu.dma_semaphore, #tpu.memory_space<semaphore_mem>>)
    %dma_start3A_56 = arith.constant 35 : i32
    %dma_start3A_57 = arith.constant 0 : i32
    %dma_start3A_58 = tpu.memref_slice %arg25[%dma_start3A_56, %dma_start3A_57] : memref<48x128xf32, #tpu.memory_space<vmem>> -> memref<1x128xf32, #tpu.memory_space<vmem>>
    %dma_start3A_59 = arith.constant 35 : i32
    %dma_start3A_60 = arith.constant 0 : i32
    %dma_start3A_61 = tpu.memref_slice %arg25[%dma_start3A_59, %dma_start3A_60] : memref<48x128xf32, #tpu.memory_space<vmem>> -> memref<1x128xf32, #tpu.memory_space<vmem>>
    tpu.enqueue_dma source(%arg11 : memref<1x128xf32, #tpu.memory_space<hbm>>) target(%dma_start3A_61 : memref<1x128xf32, #tpu.memory_space<vmem>>) target_semaphore(%arg39 : memref<!tpu.dma_semaphore, #tpu.memory_space<semaphore_mem>>)
    %dma_start3A_62 = arith.constant 36 : i32
    %dma_start3A_63 = arith.constant 0 : i32
    %dma_start3A_64 = tpu.memref_slice %arg25[%dma_start3A_62, %dma_start3A_63] : memref<48x128xf32, #tpu.memory_space<vmem>> -> memref<10x128xf32, #tpu.memory_space<vmem>>
    %dma_start3A_65 = arith.constant 36 : i32
    %dma_start3A_66 = arith.constant 0 : i32
    %dma_start3A_67 = tpu.memref_slice %arg25[%dma_start3A_65, %dma_start3A_66] : memref<48x128xf32, #tpu.memory_space<vmem>> -> memref<10x128xf32, #tpu.memory_space<vmem>>
    tpu.enqueue_dma source(%arg12 : memref<10x128xf32, #tpu.memory_space<hbm>>) target(%dma_start3A_67 : memref<10x128xf32, #tpu.memory_space<vmem>>) target_semaphore(%arg39 : memref<!tpu.dma_semaphore, #tpu.memory_space<semaphore_mem>>)
    %dma_start3A_68 = arith.constant 46 : i32
    %dma_start3A_69 = arith.constant 0 : i32
    %dma_start3A_70 = tpu.memref_slice %arg25[%dma_start3A_68, %dma_start3A_69] : memref<48x128xf32, #tpu.memory_space<vmem>> -> memref<1x128xf32, #tpu.memory_space<vmem>>
    %dma_start3A_71 = arith.constant 46 : i32
    %dma_start3A_72 = arith.constant 0 : i32
    %dma_start3A_73 = tpu.memref_slice %arg25[%dma_start3A_71, %dma_start3A_72] : memref<48x128xf32, #tpu.memory_space<vmem>> -> memref<1x128xf32, #tpu.memory_space<vmem>>
    tpu.enqueue_dma source(%arg13 : memref<1x128xf32, #tpu.memory_space<hbm>>) target(%dma_start3A_73 : memref<1x128xf32, #tpu.memory_space<vmem>>) target_semaphore(%arg39 : memref<!tpu.dma_semaphore, #tpu.memory_space<semaphore_mem>>)
    %dma_start3A_74 = arith.constant 47 : i32
    %dma_start3A_75 = arith.constant 0 : i32
    %dma_start3A_76 = tpu.memref_slice %arg25[%dma_start3A_74, %dma_start3A_75] : memref<48x128xf32, #tpu.memory_space<vmem>> -> memref<1x128xf32, #tpu.memory_space<vmem>>
    %dma_start3A_77 = arith.constant 47 : i32
    %dma_start3A_78 = arith.constant 0 : i32
    %dma_start3A_79 = tpu.memref_slice %arg25[%dma_start3A_77, %dma_start3A_78] : memref<48x128xf32, #tpu.memory_space<vmem>> -> memref<1x128xf32, #tpu.memory_space<vmem>>
    tpu.enqueue_dma source(%arg14 : memref<1x128xf32, #tpu.memory_space<hbm>>) target(%dma_start3A_79 : memref<1x128xf32, #tpu.memory_space<vmem>>) target_semaphore(%arg39 : memref<!tpu.dma_semaphore, #tpu.memory_space<semaphore_mem>>)
    %dma_start3A_80 = arith.constant 0 : i32
    %dma_start3A_81 = arith.constant 0 : i32
    %dma_start3A_82 = tpu.memref_slice %arg26[%dma_start3A_80, %dma_start3A_81] : memref<6x512xi32, #tpu.memory_space<vmem>> -> memref<1x512xi32, #tpu.memory_space<vmem>>
    %dma_start3A_83 = tpu.memref_squeeze %dma_start3A_82 : memref<1x512xi32, #tpu.memory_space<vmem>> -> memref<512xi32, #tpu.memory_space<vmem>>
    %dma_start3A_84 = tpu.memref_slice %arg15[%mul3A_2] : memref<16384xi32, #tpu.memory_space<hbm>> -> memref<512xi32, #tpu.memory_space<hbm>>
    %dma_start3A_85 = arith.constant 0 : i32
    %dma_start3A_86 = tpu.memref_slice %arg26[%dma_start3A_80, %dma_start3A_85] : memref<6x512xi32, #tpu.memory_space<vmem>> -> memref<1x512xi32, #tpu.memory_space<vmem>>
    %dma_start3A_87 = tpu.memref_squeeze %dma_start3A_86 : memref<1x512xi32, #tpu.memory_space<vmem>> -> memref<512xi32, #tpu.memory_space<vmem>>
    %dma_start3A_88 = tpu.memref_slice %arg15[%mul3A_2] : memref<16384xi32, #tpu.memory_space<hbm>> -> memref<512xi32, #tpu.memory_space<hbm>>
    tpu.enqueue_dma source(%dma_start3A_88 : memref<512xi32, #tpu.memory_space<hbm>>) target(%dma_start3A_87 : memref<512xi32, #tpu.memory_space<vmem>>) target_semaphore(%arg39 : memref<!tpu.dma_semaphore, #tpu.memory_space<semaphore_mem>>)
    %dma_start3A_89 = arith.constant 1 : i32
    %dma_start3A_90 = arith.constant 0 : i32
    %dma_start3A_91 = tpu.memref_slice %arg26[%dma_start3A_89, %dma_start3A_90] : memref<6x512xi32, #tpu.memory_space<vmem>> -> memref<1x512xi32, #tpu.memory_space<vmem>>
    %dma_start3A_92 = tpu.memref_squeeze %dma_start3A_91 : memref<1x512xi32, #tpu.memory_space<vmem>> -> memref<512xi32, #tpu.memory_space<vmem>>
    %dma_start3A_93 = tpu.memref_slice %arg16[%mul3A_2] : memref<16384xi32, #tpu.memory_space<hbm>> -> memref<512xi32, #tpu.memory_space<hbm>>
    %dma_start3A_94 = arith.constant 0 : i32
    %dma_start3A_95 = tpu.memref_slice %arg26[%dma_start3A_89, %dma_start3A_94] : memref<6x512xi32, #tpu.memory_space<vmem>> -> memref<1x512xi32, #tpu.memory_space<vmem>>
    %dma_start3A_96 = tpu.memref_squeeze %dma_start3A_95 : memref<1x512xi32, #tpu.memory_space<vmem>> -> memref<512xi32, #tpu.memory_space<vmem>>
    %dma_start3A_97 = tpu.memref_slice %arg16[%mul3A_2] : memref<16384xi32, #tpu.memory_space<hbm>> -> memref<512xi32, #tpu.memory_space<hbm>>
    tpu.enqueue_dma source(%dma_start3A_97 : memref<512xi32, #tpu.memory_space<hbm>>) target(%dma_start3A_96 : memref<512xi32, #tpu.memory_space<vmem>>) target_semaphore(%arg39 : memref<!tpu.dma_semaphore, #tpu.memory_space<semaphore_mem>>)
    %dma_start3A_98 = arith.constant 2 : i32
    %dma_start3A_99 = arith.constant 0 : i32
    %dma_start3A_100 = tpu.memref_slice %arg26[%dma_start3A_98, %dma_start3A_99] : memref<6x512xi32, #tpu.memory_space<vmem>> -> memref<1x512xi32, #tpu.memory_space<vmem>>
    %dma_start3A_101 = tpu.memref_squeeze %dma_start3A_100 : memref<1x512xi32, #tpu.memory_space<vmem>> -> memref<512xi32, #tpu.memory_space<vmem>>
    %dma_start3A_102 = tpu.memref_slice %arg17[%mul3A_2] : memref<16384xi32, #tpu.memory_space<hbm>> -> memref<512xi32, #tpu.memory_space<hbm>>
    %dma_start3A_103 = arith.constant 0 : i32
    %dma_start3A_104 = tpu.memref_slice %arg26[%dma_start3A_98, %dma_start3A_103] : memref<6x512xi32, #tpu.memory_space<vmem>> -> memref<1x512xi32, #tpu.memory_space<vmem>>
    %dma_start3A_105 = tpu.memref_squeeze %dma_start3A_104 : memref<1x512xi32, #tpu.memory_space<vmem>> -> memref<512xi32, #tpu.memory_space<vmem>>
    %dma_start3A_106 = tpu.memref_slice %arg17[%mul3A_2] : memref<16384xi32, #tpu.memory_space<hbm>> -> memref<512xi32, #tpu.memory_space<hbm>>
    tpu.enqueue_dma source(%dma_start3A_106 : memref<512xi32, #tpu.memory_space<hbm>>) target(%dma_start3A_105 : memref<512xi32, #tpu.memory_space<vmem>>) target_semaphore(%arg39 : memref<!tpu.dma_semaphore, #tpu.memory_space<semaphore_mem>>)
    %dma_start3A_107 = arith.constant 3 : i32
    %dma_start3A_108 = arith.constant 0 : i32
    %dma_start3A_109 = tpu.memref_slice %arg26[%dma_start3A_107, %dma_start3A_108] : memref<6x512xi32, #tpu.memory_space<vmem>> -> memref<1x512xi32, #tpu.memory_space<vmem>>
    %dma_start3A_110 = tpu.memref_squeeze %dma_start3A_109 : memref<1x512xi32, #tpu.memory_space<vmem>> -> memref<512xi32, #tpu.memory_space<vmem>>
    %dma_start3A_111 = tpu.memref_slice %arg18[%mul3A_2] : memref<16384xi32, #tpu.memory_space<hbm>> -> memref<512xi32, #tpu.memory_space<hbm>>
    %dma_start3A_112 = arith.constant 0 : i32
    %dma_start3A_113 = tpu.memref_slice %arg26[%dma_start3A_107, %dma_start3A_112] : memref<6x512xi32, #tpu.memory_space<vmem>> -> memref<1x512xi32, #tpu.memory_space<vmem>>
    %dma_start3A_114 = tpu.memref_squeeze %dma_start3A_113 : memref<1x512xi32, #tpu.memory_space<vmem>> -> memref<512xi32, #tpu.memory_space<vmem>>
    %dma_start3A_115 = tpu.memref_slice %arg18[%mul3A_2] : memref<16384xi32, #tpu.memory_space<hbm>> -> memref<512xi32, #tpu.memory_space<hbm>>
    tpu.enqueue_dma source(%dma_start3A_115 : memref<512xi32, #tpu.memory_space<hbm>>) target(%dma_start3A_114 : memref<512xi32, #tpu.memory_space<vmem>>) target_semaphore(%arg39 : memref<!tpu.dma_semaphore, #tpu.memory_space<semaphore_mem>>)
    %dma_start3A_116 = arith.constant 4 : i32
    %dma_start3A_117 = arith.constant 0 : i32
    %dma_start3A_118 = tpu.memref_slice %arg26[%dma_start3A_116, %dma_start3A_117] : memref<6x512xi32, #tpu.memory_space<vmem>> -> memref<1x512xi32, #tpu.memory_space<vmem>>
    %dma_start3A_119 = tpu.memref_squeeze %dma_start3A_118 : memref<1x512xi32, #tpu.memory_space<vmem>> -> memref<512xi32, #tpu.memory_space<vmem>>
    %dma_start3A_120 = tpu.memref_slice %arg19[%mul3A_2] : memref<16384xi32, #tpu.memory_space<hbm>> -> memref<512xi32, #tpu.memory_space<hbm>>
    %dma_start3A_121 = arith.constant 0 : i32
    %dma_start3A_122 = tpu.memref_slice %arg26[%dma_start3A_116, %dma_start3A_121] : memref<6x512xi32, #tpu.memory_space<vmem>> -> memref<1x512xi32, #tpu.memory_space<vmem>>
    %dma_start3A_123 = tpu.memref_squeeze %dma_start3A_122 : memref<1x512xi32, #tpu.memory_space<vmem>> -> memref<512xi32, #tpu.memory_space<vmem>>
    %dma_start3A_124 = tpu.memref_slice %arg19[%mul3A_2] : memref<16384xi32, #tpu.memory_space<hbm>> -> memref<512xi32, #tpu.memory_space<hbm>>
    tpu.enqueue_dma source(%dma_start3A_124 : memref<512xi32, #tpu.memory_space<hbm>>) target(%dma_start3A_123 : memref<512xi32, #tpu.memory_space<vmem>>) target_semaphore(%arg39 : memref<!tpu.dma_semaphore, #tpu.memory_space<semaphore_mem>>)
    %dma_start3A_125 = arith.constant 5 : i32
    %dma_start3A_126 = arith.constant 0 : i32
    %dma_start3A_127 = tpu.memref_slice %arg26[%dma_start3A_125, %dma_start3A_126] : memref<6x512xi32, #tpu.memory_space<vmem>> -> memref<1x512xi32, #tpu.memory_space<vmem>>
    %dma_start3A_128 = tpu.memref_squeeze %dma_start3A_127 : memref<1x512xi32, #tpu.memory_space<vmem>> -> memref<512xi32, #tpu.memory_space<vmem>>
    %dma_start3A_129 = tpu.memref_slice %arg20[%mul3A_2] : memref<16384xi32, #tpu.memory_space<hbm>> -> memref<512xi32, #tpu.memory_space<hbm>>
    %dma_start3A_130 = arith.constant 0 : i32
    %dma_start3A_131 = tpu.memref_slice %arg26[%dma_start3A_125, %dma_start3A_130] : memref<6x512xi32, #tpu.memory_space<vmem>> -> memref<1x512xi32, #tpu.memory_space<vmem>>
    %dma_start3A_132 = tpu.memref_squeeze %dma_start3A_131 : memref<1x512xi32, #tpu.memory_space<vmem>> -> memref<512xi32, #tpu.memory_space<vmem>>
    %dma_start3A_133 = tpu.memref_slice %arg20[%mul3A_2] : memref<16384xi32, #tpu.memory_space<hbm>> -> memref<512xi32, #tpu.memory_space<hbm>>
    tpu.enqueue_dma source(%dma_start3A_133 : memref<512xi32, #tpu.memory_space<hbm>>) target(%dma_start3A_132 : memref<512xi32, #tpu.memory_space<vmem>>) target_semaphore(%arg39 : memref<!tpu.dma_semaphore, #tpu.memory_space<semaphore_mem>>)
    %dma_start3A_134 = arith.constant 0 : i32
    %dma_start3A_135 = arith.constant 0 : i32
    %dma_start3A_136 = tpu.memref_slice %arg27[%dma_start3A_134, %dma_start3A_135] : memref<2x512xf32, #tpu.memory_space<vmem>> -> memref<1x512xf32, #tpu.memory_space<vmem>>
    %dma_start3A_137 = tpu.memref_squeeze %dma_start3A_136 : memref<1x512xf32, #tpu.memory_space<vmem>> -> memref<512xf32, #tpu.memory_space<vmem>>
    %dma_start3A_138 = tpu.memref_slice %arg21[%mul3A_2] : memref<16384xf32, #tpu.memory_space<hbm>> -> memref<512xf32, #tpu.memory_space<hbm>>
    %dma_start3A_139 = arith.constant 0 : i32
    %dma_start3A_140 = tpu.memref_slice %arg27[%dma_start3A_134, %dma_start3A_139] : memref<2x512xf32, #tpu.memory_space<vmem>> -> memref<1x512xf32, #tpu.memory_space<vmem>>
    %dma_start3A_141 = tpu.memref_squeeze %dma_start3A_140 : memref<1x512xf32, #tpu.memory_space<vmem>> -> memref<512xf32, #tpu.memory_space<vmem>>
    %dma_start3A_142 = tpu.memref_slice %arg21[%mul3A_2] : memref<16384xf32, #tpu.memory_space<hbm>> -> memref<512xf32, #tpu.memory_space<hbm>>
    tpu.enqueue_dma source(%dma_start3A_142 : memref<512xf32, #tpu.memory_space<hbm>>) target(%dma_start3A_141 : memref<512xf32, #tpu.memory_space<vmem>>) target_semaphore(%arg39 : memref<!tpu.dma_semaphore, #tpu.memory_space<semaphore_mem>>)
    %dma_start3A_143 = arith.constant 1 : i32
    %dma_start3A_144 = arith.constant 0 : i32
    %dma_start3A_145 = tpu.memref_slice %arg27[%dma_start3A_143, %dma_start3A_144] : memref<2x512xf32, #tpu.memory_space<vmem>> -> memref<1x512xf32, #tpu.memory_space<vmem>>
    %dma_start3A_146 = tpu.memref_squeeze %dma_start3A_145 : memref<1x512xf32, #tpu.memory_space<vmem>> -> memref<512xf32, #tpu.memory_space<vmem>>
    %dma_start3A_147 = tpu.memref_slice %arg22[%mul3A_2] : memref<16384xf32, #tpu.memory_space<hbm>> -> memref<512xf32, #tpu.memory_space<hbm>>
    %dma_start3A_148 = arith.constant 0 : i32
    %dma_start3A_149 = tpu.memref_slice %arg27[%dma_start3A_143, %dma_start3A_148] : memref<2x512xf32, #tpu.memory_space<vmem>> -> memref<1x512xf32, #tpu.memory_space<vmem>>
    %dma_start3A_150 = tpu.memref_squeeze %dma_start3A_149 : memref<1x512xf32, #tpu.memory_space<vmem>> -> memref<512xf32, #tpu.memory_space<vmem>>
    %dma_start3A_151 = tpu.memref_slice %arg22[%mul3A_2] : memref<16384xf32, #tpu.memory_space<hbm>> -> memref<512xf32, #tpu.memory_space<hbm>>
    tpu.enqueue_dma source(%dma_start3A_151 : memref<512xf32, #tpu.memory_space<hbm>>) target(%dma_start3A_150 : memref<512xf32, #tpu.memory_space<vmem>>) target_semaphore(%arg39 : memref<!tpu.dma_semaphore, #tpu.memory_space<semaphore_mem>>)
    %dma_start3A_152 = arith.constant 0 : i32
    %dma_start3A_153 = tpu.memref_slice %arg23[%mul3A_2, %dma_start3A_152] : memref<16384x10xf32, #tpu.memory_space<hbm>> -> memref<512x10xf32, #tpu.memory_space<hbm>>
    %dma_start3A_154 = arith.constant 0 : i32
    %dma_start3A_155 = tpu.memref_slice %arg23[%mul3A_2, %dma_start3A_154] : memref<16384x10xf32, #tpu.memory_space<hbm>> -> memref<512x10xf32, #tpu.memory_space<hbm>>
    tpu.enqueue_dma source(%dma_start3A_155 : memref<512x10xf32, #tpu.memory_space<hbm>>) target(%arg28 : memref<512x10xf32, #tpu.memory_space<vmem>>) target_semaphore(%arg39 : memref<!tpu.dma_semaphore, #tpu.memory_space<semaphore_mem>>)
    %dma_wait3A = arith.constant 0 : i32
    %dma_wait3A_156 = arith.constant 0 : i32
    %dma_wait3A_157 = tpu.memref_slice %arg25[%dma_wait3A, %dma_wait3A_156] : memref<48x128xf32, #tpu.memory_space<vmem>> -> memref<1x128xf32, #tpu.memory_space<vmem>>
    %dma_wait3A_158 = arith.constant 0 : i32
    %dma_wait3A_159 = arith.constant 0 : i32
    %dma_wait3A_160 = tpu.memref_slice %arg25[%dma_wait3A_158, %dma_wait3A_159] : memref<48x128xf32, #tpu.memory_space<vmem>> -> memref<1x128xf32, #tpu.memory_space<vmem>>
    tpu.wait_dma2 semaphore(%arg39 : memref<!tpu.dma_semaphore, #tpu.memory_space<semaphore_mem>>) src(%arg2 : memref<1x128xf32, #tpu.memory_space<hbm>>) dst(%dma_wait3A_160 : memref<1x128xf32, #tpu.memory_space<vmem>>)
    %dma_wait3A_161 = arith.constant 1 : i32
    %dma_wait3A_162 = arith.constant 0 : i32
    %dma_wait3A_163 = tpu.memref_slice %arg25[%dma_wait3A_161, %dma_wait3A_162] : memref<48x128xf32, #tpu.memory_space<vmem>> -> memref<1x128xf32, #tpu.memory_space<vmem>>
    %dma_wait3A_164 = arith.constant 1 : i32
    %dma_wait3A_165 = arith.constant 0 : i32
    %dma_wait3A_166 = tpu.memref_slice %arg25[%dma_wait3A_164, %dma_wait3A_165] : memref<48x128xf32, #tpu.memory_space<vmem>> -> memref<1x128xf32, #tpu.memory_space<vmem>>
    tpu.wait_dma2 semaphore(%arg39 : memref<!tpu.dma_semaphore, #tpu.memory_space<semaphore_mem>>) src(%arg3 : memref<1x128xf32, #tpu.memory_space<hbm>>) dst(%dma_wait3A_166 : memref<1x128xf32, #tpu.memory_space<vmem>>)
    %dma_wait3A_167 = arith.constant 2 : i32
    %dma_wait3A_168 = arith.constant 0 : i32
    %dma_wait3A_169 = tpu.memref_slice %arg25[%dma_wait3A_167, %dma_wait3A_168] : memref<48x128xf32, #tpu.memory_space<vmem>> -> memref<1x128xf32, #tpu.memory_space<vmem>>
    %dma_wait3A_170 = arith.constant 2 : i32
    %dma_wait3A_171 = arith.constant 0 : i32
    %dma_wait3A_172 = tpu.memref_slice %arg25[%dma_wait3A_170, %dma_wait3A_171] : memref<48x128xf32, #tpu.memory_space<vmem>> -> memref<1x128xf32, #tpu.memory_space<vmem>>
    tpu.wait_dma2 semaphore(%arg39 : memref<!tpu.dma_semaphore, #tpu.memory_space<semaphore_mem>>) src(%arg4 : memref<1x128xf32, #tpu.memory_space<hbm>>) dst(%dma_wait3A_172 : memref<1x128xf32, #tpu.memory_space<vmem>>)
    %dma_wait3A_173 = arith.constant 3 : i32
    %dma_wait3A_174 = arith.constant 0 : i32
    %dma_wait3A_175 = tpu.memref_slice %arg25[%dma_wait3A_173, %dma_wait3A_174] : memref<48x128xf32, #tpu.memory_space<vmem>> -> memref<3x128xf32, #tpu.memory_space<vmem>>
    %dma_wait3A_176 = arith.constant 3 : i32
    %dma_wait3A_177 = arith.constant 0 : i32
    %dma_wait3A_178 = tpu.memref_slice %arg25[%dma_wait3A_176, %dma_wait3A_177] : memref<48x128xf32, #tpu.memory_space<vmem>> -> memref<3x128xf32, #tpu.memory_space<vmem>>
    tpu.wait_dma2 semaphore(%arg39 : memref<!tpu.dma_semaphore, #tpu.memory_space<semaphore_mem>>) src(%arg5 : memref<3x128xf32, #tpu.memory_space<hbm>>) dst(%dma_wait3A_178 : memref<3x128xf32, #tpu.memory_space<vmem>>)
    %dma_wait3A_179 = arith.constant 6 : i32
    %dma_wait3A_180 = arith.constant 0 : i32
    %dma_wait3A_181 = tpu.memref_slice %arg25[%dma_wait3A_179, %dma_wait3A_180] : memref<48x128xf32, #tpu.memory_space<vmem>> -> memref<3x128xf32, #tpu.memory_space<vmem>>
    %dma_wait3A_182 = arith.constant 6 : i32
    %dma_wait3A_183 = arith.constant 0 : i32
    %dma_wait3A_184 = tpu.memref_slice %arg25[%dma_wait3A_182, %dma_wait3A_183] : memref<48x128xf32, #tpu.memory_space<vmem>> -> memref<3x128xf32, #tpu.memory_space<vmem>>
    tpu.wait_dma2 semaphore(%arg39 : memref<!tpu.dma_semaphore, #tpu.memory_space<semaphore_mem>>) src(%arg6 : memref<3x128xf32, #tpu.memory_space<hbm>>) dst(%dma_wait3A_184 : memref<3x128xf32, #tpu.memory_space<vmem>>)
    %dma_wait3A_185 = arith.constant 9 : i32
    %dma_wait3A_186 = arith.constant 0 : i32
    %dma_wait3A_187 = tpu.memref_slice %arg25[%dma_wait3A_185, %dma_wait3A_186] : memref<48x128xf32, #tpu.memory_space<vmem>> -> memref<3x128xf32, #tpu.memory_space<vmem>>
    %dma_wait3A_188 = arith.constant 9 : i32
    %dma_wait3A_189 = arith.constant 0 : i32
    %dma_wait3A_190 = tpu.memref_slice %arg25[%dma_wait3A_188, %dma_wait3A_189] : memref<48x128xf32, #tpu.memory_space<vmem>> -> memref<3x128xf32, #tpu.memory_space<vmem>>
    tpu.wait_dma2 semaphore(%arg39 : memref<!tpu.dma_semaphore, #tpu.memory_space<semaphore_mem>>) src(%arg7 : memref<3x128xf32, #tpu.memory_space<hbm>>) dst(%dma_wait3A_190 : memref<3x128xf32, #tpu.memory_space<vmem>>)
    %dma_wait3A_191 = arith.constant 12 : i32
    %dma_wait3A_192 = arith.constant 0 : i32
    %dma_wait3A_193 = tpu.memref_slice %arg25[%dma_wait3A_191, %dma_wait3A_192] : memref<48x128xf32, #tpu.memory_space<vmem>> -> memref<3x128xf32, #tpu.memory_space<vmem>>
    %dma_wait3A_194 = arith.constant 12 : i32
    %dma_wait3A_195 = arith.constant 0 : i32
    %dma_wait3A_196 = tpu.memref_slice %arg25[%dma_wait3A_194, %dma_wait3A_195] : memref<48x128xf32, #tpu.memory_space<vmem>> -> memref<3x128xf32, #tpu.memory_space<vmem>>
    tpu.wait_dma2 semaphore(%arg39 : memref<!tpu.dma_semaphore, #tpu.memory_space<semaphore_mem>>) src(%arg8 : memref<3x128xf32, #tpu.memory_space<hbm>>) dst(%dma_wait3A_196 : memref<3x128xf32, #tpu.memory_space<vmem>>)
    %dma_wait3A_197 = arith.constant 15 : i32
    %dma_wait3A_198 = arith.constant 0 : i32
    %dma_wait3A_199 = tpu.memref_slice %arg25[%dma_wait3A_197, %dma_wait3A_198] : memref<48x128xf32, #tpu.memory_space<vmem>> -> memref<10x128xf32, #tpu.memory_space<vmem>>
    %dma_wait3A_200 = arith.constant 15 : i32
    %dma_wait3A_201 = arith.constant 0 : i32
    %dma_wait3A_202 = tpu.memref_slice %arg25[%dma_wait3A_200, %dma_wait3A_201] : memref<48x128xf32, #tpu.memory_space<vmem>> -> memref<10x128xf32, #tpu.memory_space<vmem>>
    tpu.wait_dma2 semaphore(%arg39 : memref<!tpu.dma_semaphore, #tpu.memory_space<semaphore_mem>>) src(%arg9 : memref<10x128xf32, #tpu.memory_space<hbm>>) dst(%dma_wait3A_202 : memref<10x128xf32, #tpu.memory_space<vmem>>)
    %dma_wait3A_203 = arith.constant 25 : i32
    %dma_wait3A_204 = arith.constant 0 : i32
    %dma_wait3A_205 = tpu.memref_slice %arg25[%dma_wait3A_203, %dma_wait3A_204] : memref<48x128xf32, #tpu.memory_space<vmem>> -> memref<10x128xf32, #tpu.memory_space<vmem>>
    %dma_wait3A_206 = arith.constant 25 : i32
    %dma_wait3A_207 = arith.constant 0 : i32
    %dma_wait3A_208 = tpu.memref_slice %arg25[%dma_wait3A_206, %dma_wait3A_207] : memref<48x128xf32, #tpu.memory_space<vmem>> -> memref<10x128xf32, #tpu.memory_space<vmem>>
    tpu.wait_dma2 semaphore(%arg39 : memref<!tpu.dma_semaphore, #tpu.memory_space<semaphore_mem>>) src(%arg10 : memref<10x128xf32, #tpu.memory_space<hbm>>) dst(%dma_wait3A_208 : memref<10x128xf32, #tpu.memory_space<vmem>>)
    %dma_wait3A_209 = arith.constant 35 : i32
    %dma_wait3A_210 = arith.constant 0 : i32
    %dma_wait3A_211 = tpu.memref_slice %arg25[%dma_wait3A_209, %dma_wait3A_210] : memref<48x128xf32, #tpu.memory_space<vmem>> -> memref<1x128xf32, #tpu.memory_space<vmem>>
    %dma_wait3A_212 = arith.constant 35 : i32
    %dma_wait3A_213 = arith.constant 0 : i32
    %dma_wait3A_214 = tpu.memref_slice %arg25[%dma_wait3A_212, %dma_wait3A_213] : memref<48x128xf32, #tpu.memory_space<vmem>> -> memref<1x128xf32, #tpu.memory_space<vmem>>
    tpu.wait_dma2 semaphore(%arg39 : memref<!tpu.dma_semaphore, #tpu.memory_space<semaphore_mem>>) src(%arg11 : memref<1x128xf32, #tpu.memory_space<hbm>>) dst(%dma_wait3A_214 : memref<1x128xf32, #tpu.memory_space<vmem>>)
    %dma_wait3A_215 = arith.constant 36 : i32
    %dma_wait3A_216 = arith.constant 0 : i32
    %dma_wait3A_217 = tpu.memref_slice %arg25[%dma_wait3A_215, %dma_wait3A_216] : memref<48x128xf32, #tpu.memory_space<vmem>> -> memref<10x128xf32, #tpu.memory_space<vmem>>
    %dma_wait3A_218 = arith.constant 36 : i32
    %dma_wait3A_219 = arith.constant 0 : i32
    %dma_wait3A_220 = tpu.memref_slice %arg25[%dma_wait3A_218, %dma_wait3A_219] : memref<48x128xf32, #tpu.memory_space<vmem>> -> memref<10x128xf32, #tpu.memory_space<vmem>>
    tpu.wait_dma2 semaphore(%arg39 : memref<!tpu.dma_semaphore, #tpu.memory_space<semaphore_mem>>) src(%arg12 : memref<10x128xf32, #tpu.memory_space<hbm>>) dst(%dma_wait3A_220 : memref<10x128xf32, #tpu.memory_space<vmem>>)
    %dma_wait3A_221 = arith.constant 46 : i32
    %dma_wait3A_222 = arith.constant 0 : i32
    %dma_wait3A_223 = tpu.memref_slice %arg25[%dma_wait3A_221, %dma_wait3A_222] : memref<48x128xf32, #tpu.memory_space<vmem>> -> memref<1x128xf32, #tpu.memory_space<vmem>>
    %dma_wait3A_224 = arith.constant 46 : i32
    %dma_wait3A_225 = arith.constant 0 : i32
    %dma_wait3A_226 = tpu.memref_slice %arg25[%dma_wait3A_224, %dma_wait3A_225] : memref<48x128xf32, #tpu.memory_space<vmem>> -> memref<1x128xf32, #tpu.memory_space<vmem>>
    tpu.wait_dma2 semaphore(%arg39 : memref<!tpu.dma_semaphore, #tpu.memory_space<semaphore_mem>>) src(%arg13 : memref<1x128xf32, #tpu.memory_space<hbm>>) dst(%dma_wait3A_226 : memref<1x128xf32, #tpu.memory_space<vmem>>)
    %dma_wait3A_227 = arith.constant 47 : i32
    %dma_wait3A_228 = arith.constant 0 : i32
    %dma_wait3A_229 = tpu.memref_slice %arg25[%dma_wait3A_227, %dma_wait3A_228] : memref<48x128xf32, #tpu.memory_space<vmem>> -> memref<1x128xf32, #tpu.memory_space<vmem>>
    %dma_wait3A_230 = arith.constant 47 : i32
    %dma_wait3A_231 = arith.constant 0 : i32
    %dma_wait3A_232 = tpu.memref_slice %arg25[%dma_wait3A_230, %dma_wait3A_231] : memref<48x128xf32, #tpu.memory_space<vmem>> -> memref<1x128xf32, #tpu.memory_space<vmem>>
    tpu.wait_dma2 semaphore(%arg39 : memref<!tpu.dma_semaphore, #tpu.memory_space<semaphore_mem>>) src(%arg14 : memref<1x128xf32, #tpu.memory_space<hbm>>) dst(%dma_wait3A_232 : memref<1x128xf32, #tpu.memory_space<vmem>>)
    %dma_wait3A_233 = arith.constant 0 : i32
    %dma_wait3A_234 = arith.constant 0 : i32
    %dma_wait3A_235 = tpu.memref_slice %arg26[%dma_wait3A_233, %dma_wait3A_234] : memref<6x512xi32, #tpu.memory_space<vmem>> -> memref<1x512xi32, #tpu.memory_space<vmem>>
    %dma_wait3A_236 = tpu.memref_squeeze %dma_wait3A_235 : memref<1x512xi32, #tpu.memory_space<vmem>> -> memref<512xi32, #tpu.memory_space<vmem>>
    %dma_wait3A_237 = tpu.memref_slice %arg15[%mul3A_2] : memref<16384xi32, #tpu.memory_space<hbm>> -> memref<512xi32, #tpu.memory_space<hbm>>
    %dma_wait3A_238 = arith.constant 0 : i32
    %dma_wait3A_239 = tpu.memref_slice %arg26[%dma_wait3A_233, %dma_wait3A_238] : memref<6x512xi32, #tpu.memory_space<vmem>> -> memref<1x512xi32, #tpu.memory_space<vmem>>
    %dma_wait3A_240 = tpu.memref_squeeze %dma_wait3A_239 : memref<1x512xi32, #tpu.memory_space<vmem>> -> memref<512xi32, #tpu.memory_space<vmem>>
    %dma_wait3A_241 = tpu.memref_slice %arg15[%mul3A_2] : memref<16384xi32, #tpu.memory_space<hbm>> -> memref<512xi32, #tpu.memory_space<hbm>>
    tpu.wait_dma2 semaphore(%arg39 : memref<!tpu.dma_semaphore, #tpu.memory_space<semaphore_mem>>) src(%dma_wait3A_241 : memref<512xi32, #tpu.memory_space<hbm>>) dst(%dma_wait3A_240 : memref<512xi32, #tpu.memory_space<vmem>>)
    %dma_wait3A_242 = arith.constant 1 : i32
    %dma_wait3A_243 = arith.constant 0 : i32
    %dma_wait3A_244 = tpu.memref_slice %arg26[%dma_wait3A_242, %dma_wait3A_243] : memref<6x512xi32, #tpu.memory_space<vmem>> -> memref<1x512xi32, #tpu.memory_space<vmem>>
    %dma_wait3A_245 = tpu.memref_squeeze %dma_wait3A_244 : memref<1x512xi32, #tpu.memory_space<vmem>> -> memref<512xi32, #tpu.memory_space<vmem>>
    %dma_wait3A_246 = tpu.memref_slice %arg16[%mul3A_2] : memref<16384xi32, #tpu.memory_space<hbm>> -> memref<512xi32, #tpu.memory_space<hbm>>
    %dma_wait3A_247 = arith.constant 0 : i32
    %dma_wait3A_248 = tpu.memref_slice %arg26[%dma_wait3A_242, %dma_wait3A_247] : memref<6x512xi32, #tpu.memory_space<vmem>> -> memref<1x512xi32, #tpu.memory_space<vmem>>
    %dma_wait3A_249 = tpu.memref_squeeze %dma_wait3A_248 : memref<1x512xi32, #tpu.memory_space<vmem>> -> memref<512xi32, #tpu.memory_space<vmem>>
    %dma_wait3A_250 = tpu.memref_slice %arg16[%mul3A_2] : memref<16384xi32, #tpu.memory_space<hbm>> -> memref<512xi32, #tpu.memory_space<hbm>>
    tpu.wait_dma2 semaphore(%arg39 : memref<!tpu.dma_semaphore, #tpu.memory_space<semaphore_mem>>) src(%dma_wait3A_250 : memref<512xi32, #tpu.memory_space<hbm>>) dst(%dma_wait3A_249 : memref<512xi32, #tpu.memory_space<vmem>>)
    %dma_wait3A_251 = arith.constant 2 : i32
    %dma_wait3A_252 = arith.constant 0 : i32
    %dma_wait3A_253 = tpu.memref_slice %arg26[%dma_wait3A_251, %dma_wait3A_252] : memref<6x512xi32, #tpu.memory_space<vmem>> -> memref<1x512xi32, #tpu.memory_space<vmem>>
    %dma_wait3A_254 = tpu.memref_squeeze %dma_wait3A_253 : memref<1x512xi32, #tpu.memory_space<vmem>> -> memref<512xi32, #tpu.memory_space<vmem>>
    %dma_wait3A_255 = tpu.memref_slice %arg17[%mul3A_2] : memref<16384xi32, #tpu.memory_space<hbm>> -> memref<512xi32, #tpu.memory_space<hbm>>
    %dma_wait3A_256 = arith.constant 0 : i32
    %dma_wait3A_257 = tpu.memref_slice %arg26[%dma_wait3A_251, %dma_wait3A_256] : memref<6x512xi32, #tpu.memory_space<vmem>> -> memref<1x512xi32, #tpu.memory_space<vmem>>
    %dma_wait3A_258 = tpu.memref_squeeze %dma_wait3A_257 : memref<1x512xi32, #tpu.memory_space<vmem>> -> memref<512xi32, #tpu.memory_space<vmem>>
    %dma_wait3A_259 = tpu.memref_slice %arg17[%mul3A_2] : memref<16384xi32, #tpu.memory_space<hbm>> -> memref<512xi32, #tpu.memory_space<hbm>>
    tpu.wait_dma2 semaphore(%arg39 : memref<!tpu.dma_semaphore, #tpu.memory_space<semaphore_mem>>) src(%dma_wait3A_259 : memref<512xi32, #tpu.memory_space<hbm>>) dst(%dma_wait3A_258 : memref<512xi32, #tpu.memory_space<vmem>>)
    %dma_wait3A_260 = arith.constant 3 : i32
    %dma_wait3A_261 = arith.constant 0 : i32
    %dma_wait3A_262 = tpu.memref_slice %arg26[%dma_wait3A_260, %dma_wait3A_261] : memref<6x512xi32, #tpu.memory_space<vmem>> -> memref<1x512xi32, #tpu.memory_space<vmem>>
    %dma_wait3A_263 = tpu.memref_squeeze %dma_wait3A_262 : memref<1x512xi32, #tpu.memory_space<vmem>> -> memref<512xi32, #tpu.memory_space<vmem>>
    %dma_wait3A_264 = tpu.memref_slice %arg18[%mul3A_2] : memref<16384xi32, #tpu.memory_space<hbm>> -> memref<512xi32, #tpu.memory_space<hbm>>
    %dma_wait3A_265 = arith.constant 0 : i32
    %dma_wait3A_266 = tpu.memref_slice %arg26[%dma_wait3A_260, %dma_wait3A_265] : memref<6x512xi32, #tpu.memory_space<vmem>> -> memref<1x512xi32, #tpu.memory_space<vmem>>
    %dma_wait3A_267 = tpu.memref_squeeze %dma_wait3A_266 : memref<1x512xi32, #tpu.memory_space<vmem>> -> memref<512xi32, #tpu.memory_space<vmem>>
    %dma_wait3A_268 = tpu.memref_slice %arg18[%mul3A_2] : memref<16384xi32, #tpu.memory_space<hbm>> -> memref<512xi32, #tpu.memory_space<hbm>>
    tpu.wait_dma2 semaphore(%arg39 : memref<!tpu.dma_semaphore, #tpu.memory_space<semaphore_mem>>) src(%dma_wait3A_268 : memref<512xi32, #tpu.memory_space<hbm>>) dst(%dma_wait3A_267 : memref<512xi32, #tpu.memory_space<vmem>>)
    %dma_wait3A_269 = arith.constant 4 : i32
    %dma_wait3A_270 = arith.constant 0 : i32
    %dma_wait3A_271 = tpu.memref_slice %arg26[%dma_wait3A_269, %dma_wait3A_270] : memref<6x512xi32, #tpu.memory_space<vmem>> -> memref<1x512xi32, #tpu.memory_space<vmem>>
    %dma_wait3A_272 = tpu.memref_squeeze %dma_wait3A_271 : memref<1x512xi32, #tpu.memory_space<vmem>> -> memref<512xi32, #tpu.memory_space<vmem>>
    %dma_wait3A_273 = tpu.memref_slice %arg19[%mul3A_2] : memref<16384xi32, #tpu.memory_space<hbm>> -> memref<512xi32, #tpu.memory_space<hbm>>
    %dma_wait3A_274 = arith.constant 0 : i32
    %dma_wait3A_275 = tpu.memref_slice %arg26[%dma_wait3A_269, %dma_wait3A_274] : memref<6x512xi32, #tpu.memory_space<vmem>> -> memref<1x512xi32, #tpu.memory_space<vmem>>
    %dma_wait3A_276 = tpu.memref_squeeze %dma_wait3A_275 : memref<1x512xi32, #tpu.memory_space<vmem>> -> memref<512xi32, #tpu.memory_space<vmem>>
    %dma_wait3A_277 = tpu.memref_slice %arg19[%mul3A_2] : memref<16384xi32, #tpu.memory_space<hbm>> -> memref<512xi32, #tpu.memory_space<hbm>>
    tpu.wait_dma2 semaphore(%arg39 : memref<!tpu.dma_semaphore, #tpu.memory_space<semaphore_mem>>) src(%dma_wait3A_277 : memref<512xi32, #tpu.memory_space<hbm>>) dst(%dma_wait3A_276 : memref<512xi32, #tpu.memory_space<vmem>>)
    %dma_wait3A_278 = arith.constant 5 : i32
    %dma_wait3A_279 = arith.constant 0 : i32
    %dma_wait3A_280 = tpu.memref_slice %arg26[%dma_wait3A_278, %dma_wait3A_279] : memref<6x512xi32, #tpu.memory_space<vmem>> -> memref<1x512xi32, #tpu.memory_space<vmem>>
    %dma_wait3A_281 = tpu.memref_squeeze %dma_wait3A_280 : memref<1x512xi32, #tpu.memory_space<vmem>> -> memref<512xi32, #tpu.memory_space<vmem>>
    %dma_wait3A_282 = tpu.memref_slice %arg20[%mul3A_2] : memref<16384xi32, #tpu.memory_space<hbm>> -> memref<512xi32, #tpu.memory_space<hbm>>
    %dma_wait3A_283 = arith.constant 0 : i32
    %dma_wait3A_284 = tpu.memref_slice %arg26[%dma_wait3A_278, %dma_wait3A_283] : memref<6x512xi32, #tpu.memory_space<vmem>> -> memref<1x512xi32, #tpu.memory_space<vmem>>
    %dma_wait3A_285 = tpu.memref_squeeze %dma_wait3A_284 : memref<1x512xi32, #tpu.memory_space<vmem>> -> memref<512xi32, #tpu.memory_space<vmem>>
    %dma_wait3A_286 = tpu.memref_slice %arg20[%mul3A_2] : memref<16384xi32, #tpu.memory_space<hbm>> -> memref<512xi32, #tpu.memory_space<hbm>>
    tpu.wait_dma2 semaphore(%arg39 : memref<!tpu.dma_semaphore, #tpu.memory_space<semaphore_mem>>) src(%dma_wait3A_286 : memref<512xi32, #tpu.memory_space<hbm>>) dst(%dma_wait3A_285 : memref<512xi32, #tpu.memory_space<vmem>>)
    %dma_wait3A_287 = arith.constant 0 : i32
    %dma_wait3A_288 = arith.constant 0 : i32
    %dma_wait3A_289 = tpu.memref_slice %arg27[%dma_wait3A_287, %dma_wait3A_288] : memref<2x512xf32, #tpu.memory_space<vmem>> -> memref<1x512xf32, #tpu.memory_space<vmem>>
    %dma_wait3A_290 = tpu.memref_squeeze %dma_wait3A_289 : memref<1x512xf32, #tpu.memory_space<vmem>> -> memref<512xf32, #tpu.memory_space<vmem>>
    %dma_wait3A_291 = tpu.memref_slice %arg21[%mul3A_2] : memref<16384xf32, #tpu.memory_space<hbm>> -> memref<512xf32, #tpu.memory_space<hbm>>
    %dma_wait3A_292 = arith.constant 0 : i32
    %dma_wait3A_293 = tpu.memref_slice %arg27[%dma_wait3A_287, %dma_wait3A_292] : memref<2x512xf32, #tpu.memory_space<vmem>> -> memref<1x512xf32, #tpu.memory_space<vmem>>
    %dma_wait3A_294 = tpu.memref_squeeze %dma_wait3A_293 : memref<1x512xf32, #tpu.memory_space<vmem>> -> memref<512xf32, #tpu.memory_space<vmem>>
    %dma_wait3A_295 = tpu.memref_slice %arg21[%mul3A_2] : memref<16384xf32, #tpu.memory_space<hbm>> -> memref<512xf32, #tpu.memory_space<hbm>>
    tpu.wait_dma2 semaphore(%arg39 : memref<!tpu.dma_semaphore, #tpu.memory_space<semaphore_mem>>) src(%dma_wait3A_295 : memref<512xf32, #tpu.memory_space<hbm>>) dst(%dma_wait3A_294 : memref<512xf32, #tpu.memory_space<vmem>>)
    %dma_wait3A_296 = arith.constant 1 : i32
    %dma_wait3A_297 = arith.constant 0 : i32
    %dma_wait3A_298 = tpu.memref_slice %arg27[%dma_wait3A_296, %dma_wait3A_297] : memref<2x512xf32, #tpu.memory_space<vmem>> -> memref<1x512xf32, #tpu.memory_space<vmem>>
    %dma_wait3A_299 = tpu.memref_squeeze %dma_wait3A_298 : memref<1x512xf32, #tpu.memory_space<vmem>> -> memref<512xf32, #tpu.memory_space<vmem>>
    %dma_wait3A_300 = tpu.memref_slice %arg22[%mul3A_2] : memref<16384xf32, #tpu.memory_space<hbm>> -> memref<512xf32, #tpu.memory_space<hbm>>
    %dma_wait3A_301 = arith.constant 0 : i32
    %dma_wait3A_302 = tpu.memref_slice %arg27[%dma_wait3A_296, %dma_wait3A_301] : memref<2x512xf32, #tpu.memory_space<vmem>> -> memref<1x512xf32, #tpu.memory_space<vmem>>
    %dma_wait3A_303 = tpu.memref_squeeze %dma_wait3A_302 : memref<1x512xf32, #tpu.memory_space<vmem>> -> memref<512xf32, #tpu.memory_space<vmem>>
    %dma_wait3A_304 = tpu.memref_slice %arg22[%mul3A_2] : memref<16384xf32, #tpu.memory_space<hbm>> -> memref<512xf32, #tpu.memory_space<hbm>>
    tpu.wait_dma2 semaphore(%arg39 : memref<!tpu.dma_semaphore, #tpu.memory_space<semaphore_mem>>) src(%dma_wait3A_304 : memref<512xf32, #tpu.memory_space<hbm>>) dst(%dma_wait3A_303 : memref<512xf32, #tpu.memory_space<vmem>>)
    %dma_wait3A_305 = arith.constant 0 : i32
    %dma_wait3A_306 = tpu.memref_slice %arg23[%mul3A_2, %dma_wait3A_305] : memref<16384x10xf32, #tpu.memory_space<hbm>> -> memref<512x10xf32, #tpu.memory_space<hbm>>
    %dma_wait3A_307 = arith.constant 0 : i32
    %dma_wait3A_308 = tpu.memref_slice %arg23[%mul3A_2, %dma_wait3A_307] : memref<16384x10xf32, #tpu.memory_space<hbm>> -> memref<512x10xf32, #tpu.memory_space<hbm>>
    tpu.wait_dma2 semaphore(%arg39 : memref<!tpu.dma_semaphore, #tpu.memory_space<semaphore_mem>>) src(%dma_wait3A_308 : memref<512x10xf32, #tpu.memory_space<hbm>>) dst(%arg28 : memref<512x10xf32, #tpu.memory_space<vmem>>)
    %get3A = arith.constant 0 : i32
    %get3A_309 = arith.index_cast %get3A : i32 to index
    %get3A_310 = arith.constant 0 : index
    %get3A_311 = tpu.vector_load %arg25[%get3A_309, %get3A_310] {strides = array<i32>} : memref<48x128xf32, #tpu.memory_space<vmem>>, vector<16xf32>,
    %swap3A = arith.constant 0 : i32
    %swap3A_312 = arith.index_cast %swap3A : i32 to index
    %swap3A_313 = arith.constant 0 : index
    %swap3A_314 = tpu.vector_load %arg29[%swap3A_312, %swap3A_313] {strides = array<i32>} : memref<32x128xf32, #tpu.memory_space<vmem>>, vector<16xf32>,
    tpu.vector_store %arg29[%swap3A_312, %swap3A_313], %get3A_311 {strides = array<i32>} : memref<32x128xf32, #tpu.memory_space<vmem>>, vector<16xf32>,
    %swap3A_315 = arith.constant 1 : i32
    %swap3A_316 = arith.index_cast %swap3A_315 : i32 to index
    %swap3A_317 = arith.constant 0 : index
    %swap3A_318 = tpu.vector_load %arg29[%swap3A_316, %swap3A_317] {strides = array<i32>} : memref<32x128xf32, #tpu.memory_space<vmem>>, vector<16xf32>,
    tpu.vector_store %arg29[%swap3A_316, %swap3A_317], %get3A_311 {strides = array<i32>} : memref<32x128xf32, #tpu.memory_space<vmem>>, vector<16xf32>,
    %swap3A_319 = arith.constant 2 : i32
    %swap3A_320 = arith.index_cast %swap3A_319 : i32 to index
    %swap3A_321 = arith.constant 0 : index
    %swap3A_322 = tpu.vector_load %arg29[%swap3A_320, %swap3A_321] {strides = array<i32>} : memref<32x128xf32, #tpu.memory_space<vmem>>, vector<16xf32>,
    tpu.vector_store %arg29[%swap3A_320, %swap3A_321], %get3A_311 {strides = array<i32>} : memref<32x128xf32, #tpu.memory_space<vmem>>, vector<16xf32>,
    %swap3A_323 = arith.constant 3 : i32
    %swap3A_324 = arith.index_cast %swap3A_323 : i32 to index
    %swap3A_325 = arith.constant 0 : index
    %swap3A_326 = tpu.vector_load %arg29[%swap3A_324, %swap3A_325] {strides = array<i32>} : memref<32x128xf32, #tpu.memory_space<vmem>>, vector<16xf32>,
    tpu.vector_store %arg29[%swap3A_324, %swap3A_325], %get3A_311 {strides = array<i32>} : memref<32x128xf32, #tpu.memory_space<vmem>>, vector<16xf32>,
    %swap3A_327 = arith.constant 4 : i32
    %swap3A_328 = arith.index_cast %swap3A_327 : i32 to index
    %swap3A_329 = arith.constant 0 : index
    %swap3A_330 = tpu.vector_load %arg29[%swap3A_328, %swap3A_329] {strides = array<i32>} : memref<32x128xf32, #tpu.memory_space<vmem>>, vector<16xf32>,
    tpu.vector_store %arg29[%swap3A_328, %swap3A_329], %get3A_311 {strides = array<i32>} : memref<32x128xf32, #tpu.memory_space<vmem>>, vector<16xf32>,
    %swap3A_331 = arith.constant 5 : i32
    %swap3A_332 = arith.index_cast %swap3A_331 : i32 to index
    %swap3A_333 = arith.constant 0 : index
    %swap3A_334 = tpu.vector_load %arg29[%swap3A_332, %swap3A_333] {strides = array<i32>} : memref<32x128xf32, #tpu.memory_space<vmem>>, vector<16xf32>,
    tpu.vector_store %arg29[%swap3A_332, %swap3A_333], %get3A_311 {strides = array<i32>} : memref<32x128xf32, #tpu.memory_space<vmem>>, vector<16xf32>,
    %swap3A_335 = arith.constant 6 : i32
    %swap3A_336 = arith.index_cast %swap3A_335 : i32 to index
    %swap3A_337 = arith.constant 0 : index
    %swap3A_338 = tpu.vector_load %arg29[%swap3A_336, %swap3A_337] {strides = array<i32>} : memref<32x128xf32, #tpu.memory_space<vmem>>, vector<16xf32>,
    tpu.vector_store %arg29[%swap3A_336, %swap3A_337], %get3A_311 {strides = array<i32>} : memref<32x128xf32, #tpu.memory_space<vmem>>, vector<16xf32>,
    %swap3A_339 = arith.constant 7 : i32
    %swap3A_340 = arith.index_cast %swap3A_339 : i32 to index
    %swap3A_341 = arith.constant 0 : index
    %swap3A_342 = tpu.vector_load %arg29[%swap3A_340, %swap3A_341] {strides = array<i32>} : memref<32x128xf32, #tpu.memory_space<vmem>>, vector<16xf32>,
    tpu.vector_store %arg29[%swap3A_340, %swap3A_341], %get3A_311 {strides = array<i32>} : memref<32x128xf32, #tpu.memory_space<vmem>>, vector<16xf32>,
    %swap3A_343 = arith.constant 8 : i32
    %swap3A_344 = arith.index_cast %swap3A_343 : i32 to index
    %swap3A_345 = arith.constant 0 : index
    %swap3A_346 = tpu.vector_load %arg29[%swap3A_344, %swap3A_345] {strides = array<i32>} : memref<32x128xf32, #tpu.memory_space<vmem>>, vector<16xf32>,
    tpu.vector_store %arg29[%swap3A_344, %swap3A_345], %get3A_311 {strides = array<i32>} : memref<32x128xf32, #tpu.memory_space<vmem>>, vector<16xf32>,
    %swap3A_347 = arith.constant 9 : i32
    %swap3A_348 = arith.index_cast %swap3A_347 : i32 to index
    %swap3A_349 = arith.constant 0 : index
    %swap3A_350 = tpu.vector_load %arg29[%swap3A_348, %swap3A_349] {strides = array<i32>} : memref<32x128xf32, #tpu.memory_space<vmem>>, vector<16xf32>,
    tpu.vector_store %arg29[%swap3A_348, %swap3A_349], %get3A_311 {strides = array<i32>} : memref<32x128xf32, #tpu.memory_space<vmem>>, vector<16xf32>,
    %swap3A_351 = arith.constant 10 : i32
    %swap3A_352 = arith.index_cast %swap3A_351 : i32 to index
    %swap3A_353 = arith.constant 0 : index
    %swap3A_354 = tpu.vector_load %arg29[%swap3A_352, %swap3A_353] {strides = array<i32>} : memref<32x128xf32, #tpu.memory_space<vmem>>, vector<16xf32>,
    tpu.vector_store %arg29[%swap3A_352, %swap3A_353], %get3A_311 {strides = array<i32>} : memref<32x128xf32, #tpu.memory_space<vmem>>, vector<16xf32>,
    %swap3A_355 = arith.constant 11 : i32
    %swap3A_356 = arith.index_cast %swap3A_355 : i32 to index
    %swap3A_357 = arith.constant 0 : index
    %swap3A_358 = tpu.vector_load %arg29[%swap3A_356, %swap3A_357] {strides = array<i32>} : memref<32x128xf32, #tpu.memory_space<vmem>>, vector<16xf32>,
    tpu.vector_store %arg29[%swap3A_356, %swap3A_357], %get3A_311 {strides = array<i32>} : memref<32x128xf32, #tpu.memory_space<vmem>>, vector<16xf32>,
    %swap3A_359 = arith.constant 12 : i32
    %swap3A_360 = arith.index_cast %swap3A_359 : i32 to index
    %swap3A_361 = arith.constant 0 : index
    %swap3A_362 = tpu.vector_load %arg29[%swap3A_360, %swap3A_361] {strides = array<i32>} : memref<32x128xf32, #tpu.memory_space<vmem>>, vector<16xf32>,
    tpu.vector_store %arg29[%swap3A_360, %swap3A_361], %get3A_311 {strides = array<i32>} : memref<32x128xf32, #tpu.memory_space<vmem>>, vector<16xf32>,
    %swap3A_363 = arith.constant 13 : i32
    %swap3A_364 = arith.index_cast %swap3A_363 : i32 to index
    %swap3A_365 = arith.constant 0 : index
    %swap3A_366 = tpu.vector_load %arg29[%swap3A_364, %swap3A_365] {strides = array<i32>} : memref<32x128xf32, #tpu.memory_space<vmem>>, vector<16xf32>,
    tpu.vector_store %arg29[%swap3A_364, %swap3A_365], %get3A_311 {strides = array<i32>} : memref<32x128xf32, #tpu.memory_space<vmem>>, vector<16xf32>,
    %swap3A_367 = arith.constant 14 : i32
    %swap3A_368 = arith.index_cast %swap3A_367 : i32 to index
    %swap3A_369 = arith.constant 0 : index
    %swap3A_370 = tpu.vector_load %arg29[%swap3A_368, %swap3A_369] {strides = array<i32>} : memref<32x128xf32, #tpu.memory_space<vmem>>, vector<16xf32>,
    tpu.vector_store %arg29[%swap3A_368, %swap3A_369], %get3A_311 {strides = array<i32>} : memref<32x128xf32, #tpu.memory_space<vmem>>, vector<16xf32>,
    %swap3A_371 = arith.constant 15 : i32
    %swap3A_372 = arith.index_cast %swap3A_371 : i32 to index
    %swap3A_373 = arith.constant 0 : index
    %swap3A_374 = tpu.vector_load %arg29[%swap3A_372, %swap3A_373] {strides = array<i32>} : memref<32x128xf32, #tpu.memory_space<vmem>>, vector<16xf32>,
    tpu.vector_store %arg29[%swap3A_372, %swap3A_373], %get3A_311 {strides = array<i32>} : memref<32x128xf32, #tpu.memory_space<vmem>>, vector<16xf32>,
    %swap3A_375 = arith.constant 16 : i32
    %swap3A_376 = arith.index_cast %swap3A_375 : i32 to index
    %swap3A_377 = arith.constant 0 : index
    %swap3A_378 = tpu.vector_load %arg29[%swap3A_376, %swap3A_377] {strides = array<i32>} : memref<32x128xf32, #tpu.memory_space<vmem>>, vector<16xf32>,
    tpu.vector_store %arg29[%swap3A_376, %swap3A_377], %get3A_311 {strides = array<i32>} : memref<32x128xf32, #tpu.memory_space<vmem>>, vector<16xf32>,
    %swap3A_379 = arith.constant 17 : i32
    %swap3A_380 = arith.index_cast %swap3A_379 : i32 to index
    %swap3A_381 = arith.constant 0 : index
    %swap3A_382 = tpu.vector_load %arg29[%swap3A_380, %swap3A_381] {strides = array<i32>} : memref<32x128xf32, #tpu.memory_space<vmem>>, vector<16xf32>,
    tpu.vector_store %arg29[%swap3A_380, %swap3A_381], %get3A_311 {strides = array<i32>} : memref<32x128xf32, #tpu.memory_space<vmem>>, vector<16xf32>,
    %swap3A_383 = arith.constant 18 : i32
    %swap3A_384 = arith.index_cast %swap3A_383 : i32 to index
    %swap3A_385 = arith.constant 0 : index
    %swap3A_386 = tpu.vector_load %arg29[%swap3A_384, %swap3A_385] {strides = array<i32>} : memref<32x128xf32, #tpu.memory_space<vmem>>, vector<16xf32>,
    tpu.vector_store %arg29[%swap3A_384, %swap3A_385], %get3A_311 {strides = array<i32>} : memref<32x128xf32, #tpu.memory_space<vmem>>, vector<16xf32>,
    %swap3A_387 = arith.constant 19 : i32
    %swap3A_388 = arith.index_cast %swap3A_387 : i32 to index
    %swap3A_389 = arith.constant 0 : index
    %swap3A_390 = tpu.vector_load %arg29[%swap3A_388, %swap3A_389] {strides = array<i32>} : memref<32x128xf32, #tpu.memory_space<vmem>>, vector<16xf32>,
    tpu.vector_store %arg29[%swap3A_388, %swap3A_389], %get3A_311 {strides = array<i32>} : memref<32x128xf32, #tpu.memory_space<vmem>>, vector<16xf32>,
    %swap3A_391 = arith.constant 20 : i32
    %swap3A_392 = arith.index_cast %swap3A_391 : i32 to index
    %swap3A_393 = arith.constant 0 : index
    %swap3A_394 = tpu.vector_load %arg29[%swap3A_392, %swap3A_393] {strides = array<i32>} : memref<32x128xf32, #tpu.memory_space<vmem>>, vector<16xf32>,
    tpu.vector_store %arg29[%swap3A_392, %swap3A_393], %get3A_311 {strides = array<i32>} : memref<32x128xf32, #tpu.memory_space<vmem>>, vector<16xf32>,
    %swap3A_395 = arith.constant 21 : i32
    %swap3A_396 = arith.index_cast %swap3A_395 : i32 to index
    %swap3A_397 = arith.constant 0 : index
    %swap3A_398 = tpu.vector_load %arg29[%swap3A_396, %swap3A_397] {strides = array<i32>} : memref<32x128xf32, #tpu.memory_space<vmem>>, vector<16xf32>,
    tpu.vector_store %arg29[%swap3A_396, %swap3A_397], %get3A_311 {strides = array<i32>} : memref<32x128xf32, #tpu.memory_space<vmem>>, vector<16xf32>,
    %swap3A_399 = arith.constant 22 : i32
    %swap3A_400 = arith.index_cast %swap3A_399 : i32 to index
    %swap3A_401 = arith.constant 0 : index
    %swap3A_402 = tpu.vector_load %arg29[%swap3A_400, %swap3A_401] {strides = array<i32>} : memref<32x128xf32, #tpu.memory_space<vmem>>, vector<16xf32>,
    tpu.vector_store %arg29[%swap3A_400, %swap3A_401], %get3A_311 {strides = array<i32>} : memref<32x128xf32, #tpu.memory_space<vmem>>, vector<16xf32>,
    %swap3A_403 = arith.constant 23 : i32
    %swap3A_404 = arith.index_cast %swap3A_403 : i32 to index
    %swap3A_405 = arith.constant 0 : index
    %swap3A_406 = tpu.vector_load %arg29[%swap3A_404, %swap3A_405] {strides = array<i32>} : memref<32x128xf32, #tpu.memory_space<vmem>>, vector<16xf32>,
    tpu.vector_store %arg29[%swap3A_404, %swap3A_405], %get3A_311 {strides = array<i32>} : memref<32x128xf32, #tpu.memory_space<vmem>>, vector<16xf32>,
    %swap3A_407 = arith.constant 24 : i32
    %swap3A_408 = arith.index_cast %swap3A_407 : i32 to index
    %swap3A_409 = arith.constant 0 : index
    %swap3A_410 = tpu.vector_load %arg29[%swap3A_408, %swap3A_409] {strides = array<i32>} : memref<32x128xf32, #tpu.memory_space<vmem>>, vector<16xf32>,
    tpu.vector_store %arg29[%swap3A_408, %swap3A_409], %get3A_311 {strides = array<i32>} : memref<32x128xf32, #tpu.memory_space<vmem>>, vector<16xf32>,
    %swap3A_411 = arith.constant 25 : i32
    %swap3A_412 = arith.index_cast %swap3A_411 : i32 to index
    %swap3A_413 = arith.constant 0 : index
    %swap3A_414 = tpu.vector_load %arg29[%swap3A_412, %swap3A_413] {strides = array<i32>} : memref<32x128xf32, #tpu.memory_space<vmem>>, vector<16xf32>,
    tpu.vector_store %arg29[%swap3A_412, %swap3A_413], %get3A_311 {strides = array<i32>} : memref<32x128xf32, #tpu.memory_space<vmem>>, vector<16xf32>,
    %swap3A_415 = arith.constant 26 : i32
    %swap3A_416 = arith.index_cast %swap3A_415 : i32 to index
    %swap3A_417 = arith.constant 0 : index
    %swap3A_418 = tpu.vector_load %arg29[%swap3A_416, %swap3A_417] {strides = array<i32>} : memref<32x128xf32, #tpu.memory_space<vmem>>, vector<16xf32>,
    tpu.vector_store %arg29[%swap3A_416, %swap3A_417], %get3A_311 {strides = array<i32>} : memref<32x128xf32, #tpu.memory_space<vmem>>, vector<16xf32>,
    %swap3A_419 = arith.constant 27 : i32
    %swap3A_420 = arith.index_cast %swap3A_419 : i32 to index
    %swap3A_421 = arith.constant 0 : index
    %swap3A_422 = tpu.vector_load %arg29[%swap3A_420, %swap3A_421] {strides = array<i32>} : memref<32x128xf32, #tpu.memory_space<vmem>>, vector<16xf32>,
    tpu.vector_store %arg29[%swap3A_420, %swap3A_421], %get3A_311 {strides = array<i32>} : memref<32x128xf32, #tpu.memory_space<vmem>>, vector<16xf32>,
    %swap3A_423 = arith.constant 28 : i32
    %swap3A_424 = arith.index_cast %swap3A_423 : i32 to index
    %swap3A_425 = arith.constant 0 : index
    %swap3A_426 = tpu.vector_load %arg29[%swap3A_424, %swap3A_425] {strides = array<i32>} : memref<32x128xf32, #tpu.memory_space<vmem>>, vector<16xf32>,
    tpu.vector_store %arg29[%swap3A_424, %swap3A_425], %get3A_311 {strides = array<i32>} : memref<32x128xf32, #tpu.memory_space<vmem>>, vector<16xf32>,
    %swap3A_427 = arith.constant 29 : i32
    %swap3A_428 = arith.index_cast %swap3A_427 : i32 to index
    %swap3A_429 = arith.constant 0 : index
    %swap3A_430 = tpu.vector_load %arg29[%swap3A_428, %swap3A_429] {strides = array<i32>} : memref<32x128xf32, #tpu.memory_space<vmem>>, vector<16xf32>,
    tpu.vector_store %arg29[%swap3A_428, %swap3A_429], %get3A_311 {strides = array<i32>} : memref<32x128xf32, #tpu.memory_space<vmem>>, vector<16xf32>,
    %swap3A_431 = arith.constant 30 : i32
    %swap3A_432 = arith.index_cast %swap3A_431 : i32 to index
    %swap3A_433 = arith.constant 0 : index
    %swap3A_434 = tpu.vector_load %arg29[%swap3A_432, %swap3A_433] {strides = array<i32>} : memref<32x128xf32, #tpu.memory_space<vmem>>, vector<16xf32>,
    tpu.vector_store %arg29[%swap3A_432, %swap3A_433], %get3A_311 {strides = array<i32>} : memref<32x128xf32, #tpu.memory_space<vmem>>, vector<16xf32>,
    %swap3A_435 = arith.constant 31 : i32
    %swap3A_436 = arith.index_cast %swap3A_435 : i32 to index
    %swap3A_437 = arith.constant 0 : index
    %swap3A_438 = tpu.vector_load %arg29[%swap3A_436, %swap3A_437] {strides = array<i32>} : memref<32x128xf32, #tpu.memory_space<vmem>>, vector<16xf32>,
    tpu.vector_store %arg29[%swap3A_436, %swap3A_437], %get3A_311 {strides = array<i32>} : memref<32x128xf32, #tpu.memory_space<vmem>>, vector<16xf32>,
    %get3A_439 = arith.constant 0 : i32
    %get3A_440 = arith.index_cast %get3A_439 : i32 to index
    %get3A_441 = arith.constant 16 : index
    %get3A_442 = tpu.vector_load %arg25[%get3A_440, %get3A_441] {strides = array<i32>} : memref<48x128xf32, #tpu.memory_space<vmem>>, vector<16xf32>,
    %swap3A_443 = arith.constant 0 : i32
    %swap3A_444 = arith.index_cast %swap3A_443 : i32 to index
    %swap3A_445 = arith.constant 16 : index
    %swap3A_446 = tpu.vector_load %arg29[%swap3A_444, %swap3A_445] {strides = array<i32>} : memref<32x128xf32, #tpu.memory_space<vmem>>, vector<16xf32>,
    tpu.vector_store %arg29[%swap3A_444, %swap3A_445], %get3A_442 {strides = array<i32>} : memref<32x128xf32, #tpu.memory_space<vmem>>, vector<16xf32>,
    %swap3A_447 = arith.constant 1 : i32
    %swap3A_448 = arith.index_cast %swap3A_447 : i32 to index
    %swap3A_449 = arith.constant 16 : index
    %swap3A_450 = tpu.vector_load %arg29[%swap3A_448, %swap3A_449] {strides = array<i32>} : memref<32x128xf32, #tpu.memory_space<vmem>>, vector<16xf32>,
    tpu.vector_store %arg29[%swap3A_448, %swap3A_449], %get3A_442 {strides = array<i32>} : memref<32x128xf32, #tpu.memory_space<vmem>>, vector<16xf32>,
    %swap3A_451 = arith.constant 2 : i32
    %swap3A_452 = arith.index_cast %swap3A_451 : i32 to index
    %swap3A_453 = arith.constant 16 : index
    %swap3A_454 = tpu.vector_load %arg29[%swap3A_452, %swap3A_453] {strides = array<i32>} : memref<32x128xf32, #tpu.memory_space<vmem>>, vector<16xf32>,
    tpu.vector_store %arg29[%swap3A_452, %swap3A_453], %get3A_442 {strides = array<i32>} : memref<32x128xf32, #tpu.memory_space<vmem>>, vector<16xf32>,
    %swap3A_455 = arith.constant 3 : i32
    %swap3A_456 = arith.index_cast %swap3A_455 : i32 to index
    %swap3A_457 = arith.constant 16 : index
    %swap3A_458 = tpu.vector_load %arg29[%swap3A_456, %swap3A_457] {strides = array<i32>} : memref<32x128xf32, #tpu.memory_space<vmem>>, vector<16xf32>,
    tpu.vector_store %arg29[%swap3A_456, %swap3A_457], %get3A_442 {strides = array<i32>} : memref<32x128xf32, #tpu.memory_space<vmem>>, vector<16xf32>,
    %swap3A_459 = arith.constant 4 : i32
    %swap3A_460 = arith.index_cast %swap3A_459 : i32 to index
    %swap3A_461 = arith.constant 16 : index
    %swap3A_462 = tpu.vector_load %arg29[%swap3A_460, %swap3A_461] {strides = array<i32>} : memref<32x128xf32, #tpu.memory_space<vmem>>, vector<16xf32>,
    tpu.vector_store %arg29[%swap3A_460, %swap3A_461], %get3A_442 {strides = array<i32>} : memref<32x128xf32, #tpu.memory_space<vmem>>, vector<16xf32>,
    %swap3A_463 = arith.constant 5 : i32
    %swap3A_464 = arith.index_cast %swap3A_463 : i32 to index
    %swap3A_465 = arith.constant 16 : index
    %swap3A_466 = tpu.vector_load %arg29[%swap3A_464, %swap3A_465] {strides = array<i32>} : memref<32x128xf32, #tpu.memory_space<vmem>>, vector<16xf32>,
    tpu.vector_store %arg29[%swap3A_464, %swap3A_465], %get3A_442 {strides = array<i32>} : memref<32x128xf32, #tpu.memory_space<vmem>>, vector<16xf32>,
    %swap3A_467 = arith.constant 6 : i32
    %swap3A_468 = arith.index_cast %swap3A_467 : i32 to index
    %swap3A_469 = arith.constant 16 : index
    %swap3A_470 = tpu.vector_load %arg29[%swap3A_468, %swap3A_469] {strides = array<i32>} : memref<32x128xf32, #tpu.memory_space<vmem>>, vector<16xf32>,
    tpu.vector_store %arg29[%swap3A_468, %swap3A_469], %get3A_442 {strides = array<i32>} : memref<32x128xf32, #tpu.memory_space<vmem>>, vector<16xf32>,
    %swap3A_471 = arith.constant 7 : i32
    %swap3A_472 = arith.index_cast %swap3A_471 : i32 to index
    %swap3A_473 = arith.constant 16 : index
    %swap3A_474 = tpu.vector_load %arg29[%swap3A_472, %swap3A_473] {strides = array<i32>} : memref<32x128xf32, #tpu.memory_space<vmem>>, vector<16xf32>,
    tpu.vector_store %arg29[%swap3A_472, %swap3A_473], %get3A_442 {strides = array<i32>} : memref<32x128xf32, #tpu.memory_space<vmem>>, vector<16xf32>,
    %swap3A_475 = arith.constant 8 : i32
    %swap3A_476 = arith.index_cast %swap3A_475 : i32 to index
    %swap3A_477 = arith.constant 16 : index
    %swap3A_478 = tpu.vector_load %arg29[%swap3A_476, %swap3A_477] {strides = array<i32>} : memref<32x128xf32, #tpu.memory_space<vmem>>, vector<16xf32>,
    tpu.vector_store %arg29[%swap3A_476, %swap3A_477], %get3A_442 {strides = array<i32>} : memref<32x128xf32, #tpu.memory_space<vmem>>, vector<16xf32>,
    %swap3A_479 = arith.constant 9 : i32
    %swap3A_480 = arith.index_cast %swap3A_479 : i32 to index
    %swap3A_481 = arith.constant 16 : index
    %swap3A_482 = tpu.vector_load %arg29[%swap3A_480, %swap3A_481] {strides = array<i32>} : memref<32x128xf32, #tpu.memory_space<vmem>>, vector<16xf32>,
    tpu.vector_store %arg29[%swap3A_480, %swap3A_481], %get3A_442 {strides = array<i32>} : memref<32x128xf32, #tpu.memory_space<vmem>>, vector<16xf32>,
    %swap3A_483 = arith.constant 10 : i32
    %swap3A_484 = arith.index_cast %swap3A_483 : i32 to index
    %swap3A_485 = arith.constant 16 : index
    %swap3A_486 = tpu.vector_load %arg29[%swap3A_484, %swap3A_485] {strides = array<i32>} : memref<32x128xf32, #tpu.memory_space<vmem>>, vector<16xf32>,
    tpu.vector_store %arg29[%swap3A_484, %swap3A_485], %get3A_442 {strides = array<i32>} : memref<32x128xf32, #tpu.memory_space<vmem>>, vector<16xf32>,
    %swap3A_487 = arith.constant 11 : i32
    %swap3A_488 = arith.index_cast %swap3A_487 : i32 to index
    %swap3A_489 = arith.constant 16 : index
    %swap3A_490 = tpu.vector_load %arg29[%swap3A_488, %swap3A_489] {strides = array<i32>} : memref<32x128xf32, #tpu.memory_space<vmem>>, vector<16xf32>,
    tpu.vector_store %arg29[%swap3A_488, %swap3A_489], %get3A_442 {strides = array<i32>} : memref<32x128xf32, #tpu.memory_space<vmem>>, vector<16xf32>,
    %swap3A_491 = arith.constant 12 : i32
    %swap3A_492 = arith.index_cast %swap3A_491 : i32 to index
    %swap3A_493 = arith.constant 16 : index
    %swap3A_494 = tpu.vector_load %arg29[%swap3A_492, %swap3A_493] {strides = array<i32>} : memref<32x128xf32, #tpu.memory_space<vmem>>, vector<16xf32>,
    tpu.vector_store %arg29[%swap3A_492, %swap3A_493], %get3A_442 {strides = array<i32>} : memref<32x128xf32, #tpu.memory_space<vmem>>, vector<16xf32>,
    %swap3A_495 = arith.constant 13 : i32
    %swap3A_496 = arith.index_cast %swap3A_495 : i32 to index
    %swap3A_497 = arith.constant 16 : index
    %swap3A_498 = tpu.vector_load %arg29[%swap3A_496, %swap3A_497] {strides = array<i32>} : memref<32x128xf32, #tpu.memory_space<vmem>>, vector<16xf32>,
    tpu.vector_store %arg29[%swap3A_496, %swap3A_497], %get3A_442 {strides = array<i32>} : memref<32x128xf32, #tpu.memory_space<vmem>>, vector<16xf32>,
    %swap3A_499 = arith.constant 14 : i32
    %swap3A_500 = arith.index_cast %swap3A_499 : i32 to index
    %swap3A_501 = arith.constant 16 : index
    %swap3A_502 = tpu.vector_load %arg29[%swap3A_500, %swap3A_501] {strides = array<i32>} : memref<32x128xf32, #tpu.memory_space<vmem>>, vector<16xf32>,
    tpu.vector_store %arg29[%swap3A_500, %swap3A_501], %get3A_442 {strides = array<i32>} : memref<32x128xf32, #tpu.memory_space<vmem>>, vector<16xf32>,
    %swap3A_503 = arith.constant 15 : i32
    %swap3A_504 = arith.index_cast %swap3A_503 : i32 to index
    %swap3A_505 = arith.constant 16 : index
    %swap3A_506 = tpu.vector_load %arg29[%swap3A_504, %swap3A_505] {strides = array<i32>} : memref<32x128xf32, #tpu.memory_space<vmem>>, vector<16xf32>,
    tpu.vector_store %arg29[%swap3A_504, %swap3A_505], %get3A_442 {strides = array<i32>} : memref<32x128xf32, #tpu.memory_space<vmem>>, vector<16xf32>,
    %swap3A_507 = arith.constant 16 : i32
    %swap3A_508 = arith.index_cast %swap3A_507 : i32 to index
    %swap3A_509 = arith.constant 16 : index
    %swap3A_510 = tpu.vector_load %arg29[%swap3A_508, %swap3A_509] {strides = array<i32>} : memref<32x128xf32, #tpu.memory_space<vmem>>, vector<16xf32>,
    tpu.vector_store %arg29[%swap3A_508, %swap3A_509], %get3A_442 {strides = array<i32>} : memref<32x128xf32, #tpu.memory_space<vmem>>, vector<16xf32>,
    %swap3A_511 = arith.constant 17 : i32
    %swap3A_512 = arith.index_cast %swap3A_511 : i32 to index
    %swap3A_513 = arith.constant 16 : index
    %swap3A_514 = tpu.vector_load %arg29[%swap3A_512, %swap3A_513] {strides = array<i32>} : memref<32x128xf32, #tpu.memory_space<vmem>>, vector<16xf32>,
    tpu.vector_store %arg29[%swap3A_512, %swap3A_513], %get3A_442 {strides = array<i32>} : memref<32x128xf32, #tpu.memory_space<vmem>>, vector<16xf32>,
    %swap3A_515 = arith.constant 18 : i32
    %swap3A_516 = arith.index_cast %swap3A_515 : i32 to index
    %swap3A_517 = arith.constant 16 : index
    %swap3A_518 = tpu.vector_load %arg29[%swap3A_516, %swap3A_517] {strides = array<i32>} : memref<32x128xf32, #tpu.memory_space<vmem>>, vector<16xf32>,
    tpu.vector_store %arg29[%swap3A_516, %swap3A_517], %get3A_442 {strides = array<i32>} : memref<32x128xf32, #tpu.memory_space<vmem>>, vector<16xf32>,
    %swap3A_519 = arith.constant 19 : i32
    %swap3A_520 = arith.index_cast %swap3A_519 : i32 to index
    %swap3A_521 = arith.constant 16 : index
    %swap3A_522 = tpu.vector_load %arg29[%swap3A_520, %swap3A_521] {strides = array<i32>} : memref<32x128xf32, #tpu.memory_space<vmem>>, vector<16xf32>,
    tpu.vector_store %arg29[%swap3A_520, %swap3A_521], %get3A_442 {strides = array<i32>} : memref<32x128xf32, #tpu.memory_space<vmem>>, vector<16xf32>,
    %swap3A_523 = arith.constant 20 : i32
    %swap3A_524 = arith.index_cast %swap3A_523 : i32 to index
    %swap3A_525 = arith.constant 16 : index
    %swap3A_526 = tpu.vector_load %arg29[%swap3A_524, %swap3A_525] {strides = array<i32>} : memref<32x128xf32, #tpu.memory_space<vmem>>, vector<16xf32>,
    tpu.vector_store %arg29[%swap3A_524, %swap3A_525], %get3A_442 {strides = array<i32>} : memref<32x128xf32, #tpu.memory_space<vmem>>, vector<16xf32>,
    %swap3A_527 = arith.constant 21 : i32
    %swap3A_528 = arith.index_cast %swap3A_527 : i32 to index
    %swap3A_529 = arith.constant 16 : index
    %swap3A_530 = tpu.vector_load %arg29[%swap3A_528, %swap3A_529] {strides = array<i32>} : memref<32x128xf32, #tpu.memory_space<vmem>>, vector<16xf32>,
    tpu.vector_store %arg29[%swap3A_528, %swap3A_529], %get3A_442 {strides = array<i32>} : memref<32x128xf32, #tpu.memory_space<vmem>>, vector<16xf32>,
    %swap3A_531 = arith.constant 22 : i32
    %swap3A_532 = arith.index_cast %swap3A_531 : i32 to index
    %swap3A_533 = arith.constant 16 : index
    %swap3A_534 = tpu.vector_load %arg29[%swap3A_532, %swap3A_533] {strides = array<i32>} : memref<32x128xf32, #tpu.memory_space<vmem>>, vector<16xf32>,
    tpu.vector_store %arg29[%swap3A_532, %swap3A_533], %get3A_442 {strides = array<i32>} : memref<32x128xf32, #tpu.memory_space<vmem>>, vector<16xf32>,
    %swap3A_535 = arith.constant 23 : i32
    %swap3A_536 = arith.index_cast %swap3A_535 : i32 to index
    %swap3A_537 = arith.constant 16 : index
    %swap3A_538 = tpu.vector_load %arg29[%swap3A_536, %swap3A_537] {strides = array<i32>} : memref<32x128xf32, #tpu.memory_space<vmem>>, vector<16xf32>,
    tpu.vector_store %arg29[%swap3A_536, %swap3A_537], %get3A_442 {strides = array<i32>} : memref<32x128xf32, #tpu.memory_space<vmem>>, vector<16xf32>,
    %swap3A_539 = arith.constant 24 : i32
    %swap3A_540 = arith.index_cast %swap3A_539 : i32 to index
    %swap3A_541 = arith.constant 16 : index
    %swap3A_542 = tpu.vector_load %arg29[%swap3A_540, %swap3A_541] {strides = array<i32>} : memref<32x128xf32, #tpu.memory_space<vmem>>, vector<16xf32>,
    tpu.vector_store %arg29[%swap3A_540, %swap3A_541], %get3A_442 {strides = array<i32>} : memref<32x128xf32, #tpu.memory_space<vmem>>, vector<16xf32>,
    %swap3A_543 = arith.constant 25 : i32
    %swap3A_544 = arith.index_cast %swap3A_543 : i32 to index
    %swap3A_545 = arith.constant 16 : index
    %swap3A_546 = tpu.vector_load %arg29[%swap3A_544, %swap3A_545] {strides = array<i32>} : memref<32x128xf32, #tpu.memory_space<vmem>>, vector<16xf32>,
    tpu.vector_store %arg29[%swap3A_544, %swap3A_545], %get3A_442 {strides = array<i32>} : memref<32x128xf32, #tpu.memory_space<vmem>>, vector<16xf32>,
    %swap3A_547 = arith.constant 26 : i32
    %swap3A_548 = arith.index_cast %swap3A_547 : i32 to index
    %swap3A_549 = arith.constant 16 : index
    %swap3A_550 = tpu.vector_load %arg29[%swap3A_548, %swap3A_549] {strides = array<i32>} : memref<32x128xf32, #tpu.memory_space<vmem>>, vector<16xf32>,
    tpu.vector_store %arg29[%swap3A_548, %swap3A_549], %get3A_442 {strides = array<i32>} : memref<32x128xf32, #tpu.memory_space<vmem>>, vector<16xf32>,
    %swap3A_551 = arith.constant 27 : i32
    %swap3A_552 = arith.index_cast %swap3A_551 : i32 to index
    %swap3A_553 = arith.constant 16 : index
    %swap3A_554 = tpu.vector_load %arg29[%swap3A_552, %swap3A_553] {strides = array<i32>} : memref<32x128xf32, #tpu.memory_space<vmem>>, vector<16xf32>,
    tpu.vector_store %arg29[%swap3A_552, %swap3A_553], %get3A_442 {strides = array<i32>} : memref<32x128xf32, #tpu.memory_space<vmem>>, vector<16xf32>,
    %swap3A_555 = arith.constant 28 : i32
    %swap3A_556 = arith.index_cast %swap3A_555 : i32 to index
    %swap3A_557 = arith.constant 16 : index
    %swap3A_558 = tpu.vector_load %arg29[%swap3A_556, %swap3A_557] {strides = array<i32>} : memref<32x128xf32, #tpu.memory_space<vmem>>, vector<16xf32>,
    tpu.vector_store %arg29[%swap3A_556, %swap3A_557], %get3A_442 {strides = array<i32>} : memref<32x128xf32, #tpu.memory_space<vmem>>, vector<16xf32>,
    %swap3A_559 = arith.constant 29 : i32
    %swap3A_560 = arith.index_cast %swap3A_559 : i32 to index
    %swap3A_561 = arith.constant 16 : index
    %swap3A_562 = tpu.vector_load %arg29[%swap3A_560, %swap3A_561] {strides = array<i32>} : memref<32x128xf32, #tpu.memory_space<vmem>>, vector<16xf32>,
    tpu.vector_store %arg29[%swap3A_560, %swap3A_561], %get3A_442 {strides = array<i32>} : memref<32x128xf32, #tpu.memory_space<vmem>>, vector<16xf32>,
    %swap3A_563 = arith.constant 30 : i32
    %swap3A_564 = arith.index_cast %swap3A_563 : i32 to index
    %swap3A_565 = arith.constant 16 : index
    %swap3A_566 = tpu.vector_load %arg29[%swap3A_564, %swap3A_565] {strides = array<i32>} : memref<32x128xf32, #tpu.memory_space<vmem>>, vector<16xf32>,
    tpu.vector_store %arg29[%swap3A_564, %swap3A_565], %get3A_442 {strides = array<i32>} : memref<32x128xf32, #tpu.memory_space<vmem>>, vector<16xf32>,
    %swap3A_567 = arith.constant 31 : i32
    %swap3A_568 = arith.index_cast %swap3A_567 : i32 to index
    %swap3A_569 = arith.constant 16 : index
    %swap3A_570 = tpu.vector_load %arg29[%swap3A_568, %swap3A_569] {strides = array<i32>} : memref<32x128xf32, #tpu.memory_space<vmem>>, vector<16xf32>,
    tpu.vector_store %arg29[%swap3A_568, %swap3A_569], %get3A_442 {strides = array<i32>} : memref<32x128xf32, #tpu.memory_space<vmem>>, vector<16xf32>,
    %get3A_571 = arith.constant 0 : i32
    %get3A_572 = arith.index_cast %get3A_571 : i32 to index
    %get3A_573 = arith.constant 32 : index
    %get3A_574 = tpu.vector_load %arg25[%get3A_572, %get3A_573] {strides = array<i32>} : memref<48x128xf32, #tpu.memory_space<vmem>>, vector<16xf32>,
    %swap3A_575 = arith.constant 0 : i32
    %swap3A_576 = arith.index_cast %swap3A_575 : i32 to index
    %swap3A_577 = arith.constant 32 : index
    %swap3A_578 = tpu.vector_load %arg29[%swap3A_576, %swap3A_577] {strides = array<i32>} : memref<32x128xf32, #tpu.memory_space<vmem>>, vector<16xf32>,
    tpu.vector_store %arg29[%swap3A_576, %swap3A_577], %get3A_574 {strides = array<i32>} : memref<32x128xf32, #tpu.memory_space<vmem>>, vector<16xf32>,
    %swap3A_579 = arith.constant 1 : i32
    %swap3A_580 = arith.index_cast %swap3A_579 : i32 to index
    %swap3A_581 = arith.constant 32 : index
    %swap3A_582 = tpu.vector_load %arg29[%swap3A_580, %swap3A_581] {strides = array<i32>} : memref<32x128xf32, #tpu.memory_space<vmem>>, vector<16xf32>,
    tpu.vector_store %arg29[%swap3A_580, %swap3A_581], %get3A_574 {strides = array<i32>} : memref<32x128xf32, #tpu.memory_space<vmem>>, vector<16xf32>,
    %swap3A_583 = arith.constant 2 : i32
    %swap3A_584 = arith.index_cast %swap3A_583 : i32 to index
    %swap3A_585 = arith.constant 32 : index
    %swap3A_586 = tpu.vector_load %arg29[%swap3A_584, %swap3A_585] {strides = array<i32>} : memref<32x128xf32, #tpu.memory_space<vmem>>, vector<16xf32>,
    tpu.vector_store %arg29[%swap3A_584, %swap3A_585], %get3A_574 {strides = array<i32>} : memref<32x128xf32, #tpu.memory_space<vmem>>, vector<16xf32>,
    %swap3A_587 = arith.constant 3 : i32
    %swap3A_588 = arith.index_cast %swap3A_587 : i32 to index
    %swap3A_589 = arith.constant 32 : index
    %swap3A_590 = tpu.vector_load %arg29[%swap3A_588, %swap3A_589] {strides = array<i32>} : memref<32x128xf32, #tpu.memory_space<vmem>>, vector<16xf32>,
    tpu.vector_store %arg29[%swap3A_588, %swap3A_589], %get3A_574 {strides = array<i32>} : memref<32x128xf32, #tpu.memory_space<vmem>>, vector<16xf32>,
    %swap3A_591 = arith.constant 4 : i32
    %swap3A_592 = arith.index_cast %swap3A_591 : i32 to index
    %swap3A_593 = arith.constant 32 : index
    %swap3A_594 = tpu.vector_load %arg29[%swap3A_592, %swap3A_593] {strides = array<i32>} : memref<32x128xf32, #tpu.memory_space<vmem>>, vector<16xf32>,
    tpu.vector_store %arg29[%swap3A_592, %swap3A_593], %get3A_574 {strides = array<i32>} : memref<32x128xf32, #tpu.memory_space<vmem>>, vector<16xf32>,
    %swap3A_595 = arith.constant 5 : i32
    %swap3A_596 = arith.index_cast %swap3A_595 : i32 to index
    %swap3A_597 = arith.constant 32 : index
    %swap3A_598 = tpu.vector_load %arg29[%swap3A_596, %swap3A_597] {strides = array<i32>} : memref<32x128xf32, #tpu.memory_space<vmem>>, vector<16xf32>,
    tpu.vector_store %arg29[%swap3A_596, %swap3A_597], %get3A_574 {strides = array<i32>} : memref<32x128xf32, #tpu.memory_space<vmem>>, vector<16xf32>,
    %swap3A_599 = arith.constant 6 : i32
    %swap3A_600 = arith.index_cast %swap3A_599 : i32 to index
    %swap3A_601 = arith.constant 32 : index
    %swap3A_602 = tpu.vector_load %arg29[%swap3A_600, %swap3A_601] {strides = array<i32>} : memref<32x128xf32, #tpu.memory_space<vmem>>, vector<16xf32>,
    tpu.vector_store %arg29[%swap3A_600, %swap3A_601], %get3A_574 {strides = array<i32>} : memref<32x128xf32, #tpu.memory_space<vmem>>, vector<16xf32>,
    %swap3A_603 = arith.constant 7 : i32
    %swap3A_604 = arith.index_cast %swap3A_603 : i32 to index
    %swap3A_605 = arith.constant 32 : index
    %swap3A_606 = tpu.vector_load %arg29[%swap3A_604, %swap3A_605] {strides = array<i32>} : memref<32x128xf32, #tpu.memory_space<vmem>>, vector<16xf32>,
    tpu.vector_store %arg29[%swap3A_604, %swap3A_605], %get3A_574 {strides = array<i32>} : memref<32x128xf32, #tpu.memory_space<vmem>>, vector<16xf32>,
    %swap3A_607 = arith.constant 8 : i32
    %swap3A_608 = arith.index_cast %swap3A_607 : i32 to index
    %swap3A_609 = arith.constant 32 : index
    %swap3A_610 = tpu.vector_load %arg29[%swap3A_608, %swap3A_609] {strides = array<i32>} : memref<32x128xf32, #tpu.memory_space<vmem>>, vector<16xf32>,
    tpu.vector_store %arg29[%swap3A_608, %swap3A_609], %get3A_574 {strides = array<i32>} : memref<32x128xf32, #tpu.memory_space<vmem>>, vector<16xf32>,
    %swap3A_611 = arith.constant 9 : i32
    %swap3A_612 = arith.index_cast %swap3A_611 : i32 to index
    %swap3A_613 = arith.constant 32 : index
    %swap3A_614 = tpu.vector_load %arg29[%swap3A_612, %swap3A_613] {strides = array<i32>} : memref<32x128xf32, #tpu.memory_space<vmem>>, vector<16xf32>,
    tpu.vector_store %arg29[%swap3A_612, %swap3A_613], %get3A_574 {strides = array<i32>} : memref<32x128xf32, #tpu.memory_space<vmem>>, vector<16xf32>,
    %swap3A_615 = arith.constant 10 : i32
    %swap3A_616 = arith.index_cast %swap3A_615 : i32 to index
    %swap3A_617 = arith.constant 32 : index
    %swap3A_618 = tpu.vector_load %arg29[%swap3A_616, %swap3A_617] {strides = array<i32>} : memref<32x128xf32, #tpu.memory_space<vmem>>, vector<16xf32>,
    tpu.vector_store %arg29[%swap3A_616, %swap3A_617], %get3A_574 {strides = array<i32>} : memref<32x128xf32, #tpu.memory_space<vmem>>, vector<16xf32>,
    %swap3A_619 = arith.constant 11 : i32
    %swap3A_620 = arith.index_cast %swap3A_619 : i32 to index
    %swap3A_621 = arith.constant 32 : index
    %swap3A_622 = tpu.vector_load %arg29[%swap3A_620, %swap3A_621] {strides = array<i32>} : memref<32x128xf32, #tpu.memory_space<vmem>>, vector<16xf32>,
    tpu.vector_store %arg29[%swap3A_620, %swap3A_621], %get3A_574 {strides = array<i32>} : memref<32x128xf32, #tpu.memory_space<vmem>>, vector<16xf32>,
    %swap3A_623 = arith.constant 12 : i32
    %swap3A_624 = arith.index_cast %swap3A_623 : i32 to index
    %swap3A_625 = arith.constant 32 : index
    %swap3A_626 = tpu.vector_load %arg29[%swap3A_624, %swap3A_625] {strides = array<i32>} : memref<32x128xf32, #tpu.memory_space<vmem>>, vector<16xf32>,
    tpu.vector_store %arg29[%swap3A_624, %swap3A_625], %get3A_574 {strides = array<i32>} : memref<32x128xf32, #tpu.memory_space<vmem>>, vector<16xf32>,
    %swap3A_627 = arith.constant 13 : i32
    %swap3A_628 = arith.index_cast %swap3A_627 : i32 to index
    %swap3A_629 = arith.constant 32 : index
    %swap3A_630 = tpu.vector_load %arg29[%swap3A_628, %swap3A_629] {strides = array<i32>} : memref<32x128xf32, #tpu.memory_space<vmem>>, vector<16xf32>,
    tpu.vector_store %arg29[%swap3A_628, %swap3A_629], %get3A_574 {strides = array<i32>} : memref<32x128xf32, #tpu.memory_space<vmem>>, vector<16xf32>,
    %swap3A_631 = arith.constant 14 : i32
    %swap3A_632 = arith.index_cast %swap3A_631 : i32 to index
    %swap3A_633 = arith.constant 32 : index
    %swap3A_634 = tpu.vector_load %arg29[%swap3A_632, %swap3A_633] {strides = array<i32>} : memref<32x128xf32, #tpu.memory_space<vmem>>, vector<16xf32>,
    tpu.vector_store %arg29[%swap3A_632, %swap3A_633], %get3A_574 {strides = array<i32>} : memref<32x128xf32, #tpu.memory_space<vmem>>, vector<16xf32>,
    %swap3A_635 = arith.constant 15 : i32
    %swap3A_636 = arith.index_cast %swap3A_635 : i32 to index
    %swap3A_637 = arith.constant 32 : index
    %swap3A_638 = tpu.vector_load %arg29[%swap3A_636, %swap3A_637] {strides = array<i32>} : memref<32x128xf32, #tpu.memory_space<vmem>>, vector<16xf32>,
    tpu.vector_store %arg29[%swap3A_636, %swap3A_637], %get3A_574 {strides = array<i32>} : memref<32x128xf32, #tpu.memory_space<vmem>>, vector<16xf32>,
    %swap3A_639 = arith.constant 16 : i32
    %swap3A_640 = arith.index_cast %swap3A_639 : i32 to index
    %swap3A_641 = arith.constant 32 : index
    %swap3A_642 = tpu.vector_load %arg29[%swap3A_640, %swap3A_641] {strides = array<i32>} : memref<32x128xf32, #tpu.memory_space<vmem>>, vector<16xf32>,
    tpu.vector_store %arg29[%swap3A_640, %swap3A_641], %get3A_574 {strides = array<i32>} : memref<32x128xf32, #tpu.memory_space<vmem>>, vector<16xf32>,
    %swap3A_643 = arith.constant 17 : i32
    %swap3A_644 = arith.index_cast %swap3A_643 : i32 to index
    %swap3A_645 = arith.constant 32 : index
    %swap3A_646 = tpu.vector_load %arg29[%swap3A_644, %swap3A_645] {strides = array<i32>} : memref<32x128xf32, #tpu.memory_space<vmem>>, vector<16xf32>,
    tpu.vector_store %arg29[%swap3A_644, %swap3A_645], %get3A_574 {strides = array<i32>} : memref<32x128xf32, #tpu.memory_space<vmem>>, vector<16xf32>,
    %swap3A_647 = arith.constant 18 : i32
    %swap3A_648 = arith.index_cast %swap3A_647 : i32 to index
    %swap3A_649 = arith.constant 32 : index
    %swap3A_650 = tpu.vector_load %arg29[%swap3A_648, %swap3A_649] {strides = array<i32>} : memref<32x128xf32, #tpu.memory_space<vmem>>, vector<16xf32>,
    tpu.vector_store %arg29[%swap3A_648, %swap3A_649], %get3A_574 {strides = array<i32>} : memref<32x128xf32, #tpu.memory_space<vmem>>, vector<16xf32>,
    %swap3A_651 = arith.constant 19 : i32
    %swap3A_652 = arith.index_cast %swap3A_651 : i32 to index
    %swap3A_653 = arith.constant 32 : index
    %swap3A_654 = tpu.vector_load %arg29[%swap3A_652, %swap3A_653] {strides = array<i32>} : memref<32x128xf32, #tpu.memory_space<vmem>>, vector<16xf32>,
    tpu.vector_store %arg29[%swap3A_652, %swap3A_653], %get3A_574 {strides = array<i32>} : memref<32x128xf32, #tpu.memory_space<vmem>>, vector<16xf32>,
    %swap3A_655 = arith.constant 20 : i32
    %swap3A_656 = arith.index_cast %swap3A_655 : i32 to index
    %swap3A_657 = arith.constant 32 : index
    %swap3A_658 = tpu.vector_load %arg29[%swap3A_656, %swap3A_657] {strides = array<i32>} : memref<32x128xf32, #tpu.memory_space<vmem>>, vector<16xf32>,
    tpu.vector_store %arg29[%swap3A_656, %swap3A_657], %get3A_574 {strides = array<i32>} : memref<32x128xf32, #tpu.memory_space<vmem>>, vector<16xf32>,
    %swap3A_659 = arith.constant 21 : i32
    %swap3A_660 = arith.index_cast %swap3A_659 : i32 to index
    %swap3A_661 = arith.constant 32 : index
    %swap3A_662 = tpu.vector_load %arg29[%swap3A_660, %swap3A_661] {strides = array<i32>} : memref<32x128xf32, #tpu.memory_space<vmem>>, vector<16xf32>,
    tpu.vector_store %arg29[%swap3A_660, %swap3A_661], %get3A_574 {strides = array<i32>} : memref<32x128xf32, #tpu.memory_space<vmem>>, vector<16xf32>,
    %swap3A_663 = arith.constant 22 : i32
    %swap3A_664 = arith.index_cast %swap3A_663 : i32 to index
    %swap3A_665 = arith.constant 32 : index
    %swap3A_666 = tpu.vector_load %arg29[%swap3A_664, %swap3A_665] {strides = array<i32>} : memref<32x128xf32, #tpu.memory_space<vmem>>, vector<16xf32>,
    tpu.vector_store %arg29[%swap3A_664, %swap3A_665], %get3A_574 {strides = array<i32>} : memref<32x128xf32, #tpu.memory_space<vmem>>, vector<16xf32>,
    %swap3A_667 = arith.constant 23 : i32
    %swap3A_668 = arith.index_cast %swap3A_667 : i32 to index
    %swap3A_669 = arith.constant 32 : index
    %swap3A_670 = tpu.vector_load %arg29[%swap3A_668, %swap3A_669] {strides = array<i32>} : memref<32x128xf32, #tpu.memory_space<vmem>>, vector<16xf32>,
    tpu.vector_store %arg29[%swap3A_668, %swap3A_669], %get3A_574 {strides = array<i32>} : memref<32x128xf32, #tpu.memory_space<vmem>>, vector<16xf32>,
    %swap3A_671 = arith.constant 24 : i32
    %swap3A_672 = arith.index_cast %swap3A_671 : i32 to index
    %swap3A_673 = arith.constant 32 : index
    %swap3A_674 = tpu.vector_load %arg29[%swap3A_672, %swap3A_673] {strides = array<i32>} : memref<32x128xf32, #tpu.memory_space<vmem>>, vector<16xf32>,
    tpu.vector_store %arg29[%swap3A_672, %swap3A_673], %get3A_574 {strides = array<i32>} : memref<32x128xf32, #tpu.memory_space<vmem>>, vector<16xf32>,
    %swap3A_675 = arith.constant 25 : i32
    %swap3A_676 = arith.index_cast %swap3A_675 : i32 to index
    %swap3A_677 = arith.constant 32 : index
    %swap3A_678 = tpu.vector_load %arg29[%swap3A_676, %swap3A_677] {strides = array<i32>} : memref<32x128xf32, #tpu.memory_space<vmem>>, vector<16xf32>,
    tpu.vector_store %arg29[%swap3A_676, %swap3A_677], %get3A_574 {strides = array<i32>} : memref<32x128xf32, #tpu.memory_space<vmem>>, vector<16xf32>,
    %swap3A_679 = arith.constant 26 : i32
    %swap3A_680 = arith.index_cast %swap3A_679 : i32 to index
    %swap3A_681 = arith.constant 32 : index
    %swap3A_682 = tpu.vector_load %arg29[%swap3A_680, %swap3A_681] {strides = array<i32>} : memref<32x128xf32, #tpu.memory_space<vmem>>, vector<16xf32>,
    tpu.vector_store %arg29[%swap3A_680, %swap3A_681], %get3A_574 {strides = array<i32>} : memref<32x128xf32, #tpu.memory_space<vmem>>, vector<16xf32>,
    %swap3A_683 = arith.constant 27 : i32
    %swap3A_684 = arith.index_cast %swap3A_683 : i32 to index
    %swap3A_685 = arith.constant 32 : index
    %swap3A_686 = tpu.vector_load %arg29[%swap3A_684, %swap3A_685] {strides = array<i32>} : memref<32x128xf32, #tpu.memory_space<vmem>>, vector<16xf32>,
    tpu.vector_store %arg29[%swap3A_684, %swap3A_685], %get3A_574 {strides = array<i32>} : memref<32x128xf32, #tpu.memory_space<vmem>>, vector<16xf32>,
    %swap3A_687 = arith.constant 28 : i32
    %swap3A_688 = arith.index_cast %swap3A_687 : i32 to index
    %swap3A_689 = arith.constant 32 : index
    %swap3A_690 = tpu.vector_load %arg29[%swap3A_688, %swap3A_689] {strides = array<i32>} : memref<32x128xf32, #tpu.memory_space<vmem>>, vector<16xf32>,
    tpu.vector_store %arg29[%swap3A_688, %swap3A_689], %get3A_574 {strides = array<i32>} : memref<32x128xf32, #tpu.memory_space<vmem>>, vector<16xf32>,
    %swap3A_691 = arith.constant 29 : i32
    %swap3A_692 = arith.index_cast %swap3A_691 : i32 to index
    %swap3A_693 = arith.constant 32 : index
    %swap3A_694 = tpu.vector_load %arg29[%swap3A_692, %swap3A_693] {strides = array<i32>} : memref<32x128xf32, #tpu.memory_space<vmem>>, vector<16xf32>,
    tpu.vector_store %arg29[%swap3A_692, %swap3A_693], %get3A_574 {strides = array<i32>} : memref<32x128xf32, #tpu.memory_space<vmem>>, vector<16xf32>,
    %swap3A_695 = arith.constant 30 : i32
    %swap3A_696 = arith.index_cast %swap3A_695 : i32 to index
    %swap3A_697 = arith.constant 32 : index
    %swap3A_698 = tpu.vector_load %arg29[%swap3A_696, %swap3A_697] {strides = array<i32>} : memref<32x128xf32, #tpu.memory_space<vmem>>, vector<16xf32>,
    tpu.vector_store %arg29[%swap3A_696, %swap3A_697], %get3A_574 {strides = array<i32>} : memref<32x128xf32, #tpu.memory_space<vmem>>, vector<16xf32>,
    %swap3A_699 = arith.constant 31 : i32
    %swap3A_700 = arith.index_cast %swap3A_699 : i32 to index
    %swap3A_701 = arith.constant 32 : index
    %swap3A_702 = tpu.vector_load %arg29[%swap3A_700, %swap3A_701] {strides = array<i32>} : memref<32x128xf32, #tpu.memory_space<vmem>>, vector<16xf32>,
    tpu.vector_store %arg29[%swap3A_700, %swap3A_701], %get3A_574 {strides = array<i32>} : memref<32x128xf32, #tpu.memory_space<vmem>>, vector<16xf32>,
    %get3A_703 = arith.constant 0 : i32
    %get3A_704 = arith.index_cast %get3A_703 : i32 to index
    %get3A_705 = arith.constant 48 : index
    %get3A_706 = tpu.vector_load %arg25[%get3A_704, %get3A_705] {strides = array<i32>} : memref<48x128xf32, #tpu.memory_space<vmem>>, vector<16xf32>,
    %swap3A_707 = arith.constant 0 : i32
    %swap3A_708 = arith.index_cast %swap3A_707 : i32 to index
    %swap3A_709 = arith.constant 48 : index
    %swap3A_710 = tpu.vector_load %arg29[%swap3A_708, %swap3A_709] {strides = array<i32>} : memref<32x128xf32, #tpu.memory_space<vmem>>, vector<16xf32>,
    tpu.vector_store %arg29[%swap3A_708, %swap3A_709], %get3A_706 {strides = array<i32>} : memref<32x128xf32, #tpu.memory_space<vmem>>, vector<16xf32>,
    %swap3A_711 = arith.constant 1 : i32
    %swap3A_712 = arith.index_cast %swap3A_711 : i32 to index
    %swap3A_713 = arith.constant 48 : index
    %swap3A_714 = tpu.vector_load %arg29[%swap3A_712, %swap3A_713] {strides = array<i32>} : memref<32x128xf32, #tpu.memory_space<vmem>>, vector<16xf32>,
    tpu.vector_store %arg29[%swap3A_712, %swap3A_713], %get3A_706 {strides = array<i32>} : memref<32x128xf32, #tpu.memory_space<vmem>>, vector<16xf32>,
    %swap3A_715 = arith.constant 2 : i32
    %swap3A_716 = arith.index_cast %swap3A_715 : i32 to index
    %swap3A_717 = arith.constant 48 : index
    %swap3A_718 = tpu.vector_load %arg29[%swap3A_716, %swap3A_717] {strides = array<i32>} : memref<32x128xf32, #tpu.memory_space<vmem>>, vector<16xf32>,
    tpu.vector_store %arg29[%swap3A_716, %swap3A_717], %get3A_706 {strides = array<i32>} : memref<32x128xf32, #tpu.memory_space<vmem>>, vector<16xf32>,
    %swap3A_719 = arith.constant 3 : i32
    %swap3A_720 = arith.index_cast %swap3A_719 : i32 to index
    %swap3A_721 = arith.constant 48 : index
    %swap3A_722 = tpu.vector_load %arg29[%swap3A_720, %swap3A_721] {strides = array<i32>} : memref<32x128xf32, #tpu.memory_space<vmem>>, vector<16xf32>,
    tpu.vector_store %arg29[%swap3A_720, %swap3A_721], %get3A_706 {strides = array<i32>} : memref<32x128xf32, #tpu.memory_space<vmem>>, vector<16xf32>,
    %swap3A_723 = arith.constant 4 : i32
    %swap3A_724 = arith.index_cast %swap3A_723 : i32 to index
    %swap3A_725 = arith.constant 48 : index
    %swap3A_726 = tpu.vector_load %arg29[%swap3A_724, %swap3A_725] {strides = array<i32>} : memref<32x128xf32, #tpu.memory_space<vmem>>, vector<16xf32>,
    tpu.vector_store %arg29[%swap3A_724, %swap3A_725], %get3A_706 {strides = array<i32>} : memref<32x128xf32, #tpu.memory_space<vmem>>, vector<16xf32>,
    %swap3A_727 = arith.constant 5 : i32
    %swap3A_728 = arith.index_cast %swap3A_727 : i32 to index
    %swap3A_729 = arith.constant 48 : index
    %swap3A_730 = tpu.vector_load %arg29[%swap3A_728, %swap3A_729] {strides = array<i32>} : memref<32x128xf32, #tpu.memory_space<vmem>>, vector<16xf32>,
    tpu.vector_store %arg29[%swap3A_728, %swap3A_729], %get3A_706 {strides = array<i32>} : memref<32x128xf32, #tpu.memory_space<vmem>>, vector<16xf32>,
    %swap3A_731 = arith.constant 6 : i32
    %swap3A_732 = arith.index_cast %swap3A_731 : i32 to index
    %swap3A_733 = arith.constant 48 : index
    %swap3A_734 = tpu.vector_load %arg29[%swap3A_732, %swap3A_733] {strides = array<i32>} : memref<32x128xf32, #tpu.memory_space<vmem>>, vector<16xf32>,
    tpu.vector_store %arg29[%swap3A_732, %swap3A_733], %get3A_706 {strides = array<i32>} : memref<32x128xf32, #tpu.memory_space<vmem>>, vector<16xf32>,
    %swap3A_735 = arith.constant 7 : i32
    %swap3A_736 = arith.index_cast %swap3A_735 : i32 to index
    %swap3A_737 = arith.constant 48 : index
    %swap3A_738 = tpu.vector_load %arg29[%swap3A_736, %swap3A_737] {strides = array<i32>} : memref<32x128xf32, #tpu.memory_space<vmem>>, vector<16xf32>,
    tpu.vector_store %arg29[%swap3A_736, %swap3A_737], %get3A_706 {strides = array<i32>} : memref<32x128xf32, #tpu.memory_space<vmem>>, vector<16xf32>,
    %swap3A_739 = arith.constant 8 : i32
    %swap3A_740 = arith.index_cast %swap3A_739 : i32 to index
    %swap3A_741 = arith.constant 48 : index
    %swap3A_742 = tpu.vector_load %arg29[%swap3A_740, %swap3A_741] {strides = array<i32>} : memref<32x128xf32, #tpu.memory_space<vmem>>, vector<16xf32>,
    tpu.vector_store %arg29[%swap3A_740, %swap3A_741], %get3A_706 {strides = array<i32>} : memref<32x128xf32, #tpu.memory_space<vmem>>, vector<16xf32>,
    %swap3A_743 = arith.constant 9 : i32
    %swap3A_744 = arith.index_cast %swap3A_743 : i32 to index
    %swap3A_745 = arith.constant 48 : index
    %swap3A_746 = tpu.vector_load %arg29[%swap3A_744, %swap3A_745] {strides = array<i32>} : memref<32x128xf32, #tpu.memory_space<vmem>>, vector<16xf32>,
    tpu.vector_store %arg29[%swap3A_744, %swap3A_745], %get3A_706 {strides = array<i32>} : memref<32x128xf32, #tpu.memory_space<vmem>>, vector<16xf32>,
    %swap3A_747 = arith.constant 10 : i32
    %swap3A_748 = arith.index_cast %swap3A_747 : i32 to index
    %swap3A_749 = arith.constant 48 : index
    %swap3A_750 = tpu.vector_load %arg29[%swap3A_748, %swap3A_749] {strides = array<i32>} : memref<32x128xf32, #tpu.memory_space<vmem>>, vector<16xf32>,
    tpu.vector_store %arg29[%swap3A_748, %swap3A_749], %get3A_706 {strides = array<i32>} : memref<32x128xf32, #tpu.memory_space<vmem>>, vector<16xf32>,
    %swap3A_751 = arith.constant 11 : i32
    %swap3A_752 = arith.index_cast %swap3A_751 : i32 to index
    %swap3A_753 = arith.constant 48 : index
    %swap3A_754 = tpu.vector_load %arg29[%swap3A_752, %swap3A_753] {strides = array<i32>} : memref<32x128xf32, #tpu.memory_space<vmem>>, vector<16xf32>,
    tpu.vector_store %arg29[%swap3A_752, %swap3A_753], %get3A_706 {strides = array<i32>} : memref<32x128xf32, #tpu.memory_space<vmem>>, vector<16xf32>,
    %swap3A_755 = arith.constant 12 : i32
    %swap3A_756 = arith.index_cast %swap3A_755 : i32 to index
    %swap3A_757 = arith.constant 48 : index
    %swap3A_758 = tpu.vector_load %arg29[%swap3A_756, %swap3A_757] {strides = array<i32>} : memref<32x128xf32, #tpu.memory_space<vmem>>, vector<16xf32>,
    tpu.vector_store %arg29[%swap3A_756, %swap3A_757], %get3A_706 {strides = array<i32>} : memref<32x128xf32, #tpu.memory_space<vmem>>, vector<16xf32>,
    %swap3A_759 = arith.constant 13 : i32
    %swap3A_760 = arith.index_cast %swap3A_759 : i32 to index
    %swap3A_761 = arith.constant 48 : index
    %swap3A_762 = tpu.vector_load %arg29[%swap3A_760, %swap3A_761] {strides = array<i32>} : memref<32x128xf32, #tpu.memory_space<vmem>>, vector<16xf32>,
    tpu.vector_store %arg29[%swap3A_760, %swap3A_761], %get3A_706 {strides = array<i32>} : memref<32x128xf32, #tpu.memory_space<vmem>>, vector<16xf32>,
    %swap3A_763 = arith.constant 14 : i32
    %swap3A_764 = arith.index_cast %swap3A_763 : i32 to index
    %swap3A_765 = arith.constant 48 : index
    %swap3A_766 = tpu.vector_load %arg29[%swap3A_764, %swap3A_765] {strides = array<i32>} : memref<32x128xf32, #tpu.memory_space<vmem>>, vector<16xf32>,
    tpu.vector_store %arg29[%swap3A_764, %swap3A_765], %get3A_706 {strides = array<i32>} : memref<32x128xf32, #tpu.memory_space<vmem>>, vector<16xf32>,
    %swap3A_767 = arith.constant 15 : i32
    %swap3A_768 = arith.index_cast %swap3A_767 : i32 to index
    %swap3A_769 = arith.constant 48 : index
    %swap3A_770 = tpu.vector_load %arg29[%swap3A_768, %swap3A_769] {strides = array<i32>} : memref<32x128xf32, #tpu.memory_space<vmem>>, vector<16xf32>,
    tpu.vector_store %arg29[%swap3A_768, %swap3A_769], %get3A_706 {strides = array<i32>} : memref<32x128xf32, #tpu.memory_space<vmem>>, vector<16xf32>,
    %swap3A_771 = arith.constant 16 : i32
    %swap3A_772 = arith.index_cast %swap3A_771 : i32 to index
    %swap3A_773 = arith.constant 48 : index
    %swap3A_774 = tpu.vector_load %arg29[%swap3A_772, %swap3A_773] {strides = array<i32>} : memref<32x128xf32, #tpu.memory_space<vmem>>, vector<16xf32>,
    tpu.vector_store %arg29[%swap3A_772, %swap3A_773], %get3A_706 {strides = array<i32>} : memref<32x128xf32, #tpu.memory_space<vmem>>, vector<16xf32>,
    %swap3A_775 = arith.constant 17 : i32
    %swap3A_776 = arith.index_cast %swap3A_775 : i32 to index
    %swap3A_777 = arith.constant 48 : index
    %swap3A_778 = tpu.vector_load %arg29[%swap3A_776, %swap3A_777] {strides = array<i32>} : memref<32x128xf32, #tpu.memory_space<vmem>>, vector<16xf32>,
    tpu.vector_store %arg29[%swap3A_776, %swap3A_777], %get3A_706 {strides = array<i32>} : memref<32x128xf32, #tpu.memory_space<vmem>>, vector<16xf32>,
    %swap3A_779 = arith.constant 18 : i32
    %swap3A_780 = arith.index_cast %swap3A_779 : i32 to index
    %swap3A_781 = arith.constant 48 : index
    %swap3A_782 = tpu.vector_load %arg29[%swap3A_780, %swap3A_781] {strides = array<i32>} : memref<32x128xf32, #tpu.memory_space<vmem>>, vector<16xf32>,
    tpu.vector_store %arg29[%swap3A_780, %swap3A_781], %get3A_706 {strides = array<i32>} : memref<32x128xf32, #tpu.memory_space<vmem>>, vector<16xf32>,
    %swap3A_783 = arith.constant 19 : i32
    %swap3A_784 = arith.index_cast %swap3A_783 : i32 to index
    %swap3A_785 = arith.constant 48 : index
    %swap3A_786 = tpu.vector_load %arg29[%swap3A_784, %swap3A_785] {strides = array<i32>} : memref<32x128xf32, #tpu.memory_space<vmem>>, vector<16xf32>,
    tpu.vector_store %arg29[%swap3A_784, %swap3A_785], %get3A_706 {strides = array<i32>} : memref<32x128xf32, #tpu.memory_space<vmem>>, vector<16xf32>,
    %swap3A_787 = arith.constant 20 : i32
    %swap3A_788 = arith.index_cast %swap3A_787 : i32 to index
    %swap3A_789 = arith.constant 48 : index
    %swap3A_790 = tpu.vector_load %arg29[%swap3A_788, %swap3A_789] {strides = array<i32>} : memref<32x128xf32, #tpu.memory_space<vmem>>, vector<16xf32>,
    tpu.vector_store %arg29[%swap3A_788, %swap3A_789], %get3A_706 {strides = array<i32>} : memref<32x128xf32, #tpu.memory_space<vmem>>, vector<16xf32>,
    %swap3A_791 = arith.constant 21 : i32
    %swap3A_792 = arith.index_cast %swap3A_791 : i32 to index
    %swap3A_793 = arith.constant 48 : index
    %swap3A_794 = tpu.vector_load %arg29[%swap3A_792, %swap3A_793] {strides = array<i32>} : memref<32x128xf32, #tpu.memory_space<vmem>>, vector<16xf32>,
    tpu.vector_store %arg29[%swap3A_792, %swap3A_793], %get3A_706 {strides = array<i32>} : memref<32x128xf32, #tpu.memory_space<vmem>>, vector<16xf32>,
    %swap3A_795 = arith.constant 22 : i32
    %swap3A_796 = arith.index_cast %swap3A_795 : i32 to index
    %swap3A_797 = arith.constant 48 : index
    %swap3A_798 = tpu.vector_load %arg29[%swap3A_796, %swap3A_797] {strides = array<i32>} : memref<32x128xf32, #tpu.memory_space<vmem>>, vector<16xf32>,
    tpu.vector_store %arg29[%swap3A_796, %swap3A_797], %get3A_706 {strides = array<i32>} : memref<32x128xf32, #tpu.memory_space<vmem>>, vector<16xf32>,
    %swap3A_799 = arith.constant 23 : i32
    %swap3A_800 = arith.index_cast %swap3A_799 : i32 to index
    %swap3A_801 = arith.constant 48 : index
    %swap3A_802 = tpu.vector_load %arg29[%swap3A_800, %swap3A_801] {strides = array<i32>} : memref<32x128xf32, #tpu.memory_space<vmem>>, vector<16xf32>,
    tpu.vector_store %arg29[%swap3A_800, %swap3A_801], %get3A_706 {strides = array<i32>} : memref<32x128xf32, #tpu.memory_space<vmem>>, vector<16xf32>,
    %swap3A_803 = arith.constant 24 : i32
    %swap3A_804 = arith.index_cast %swap3A_803 : i32 to index
    %swap3A_805 = arith.constant 48 : index
    %swap3A_806 = tpu.vector_load %arg29[%swap3A_804, %swap3A_805] {strides = array<i32>} : memref<32x128xf32, #tpu.memory_space<vmem>>, vector<16xf32>,
    tpu.vector_store %arg29[%swap3A_804, %swap3A_805], %get3A_706 {strides = array<i32>} : memref<32x128xf32, #tpu.memory_space<vmem>>, vector<16xf32>,
    %swap3A_807 = arith.constant 25 : i32
    %swap3A_808 = arith.index_cast %swap3A_807 : i32 to index
    %swap3A_809 = arith.constant 48 : index
    %swap3A_810 = tpu.vector_load %arg29[%swap3A_808, %swap3A_809] {strides = array<i32>} : memref<32x128xf32, #tpu.memory_space<vmem>>, vector<16xf32>,
    tpu.vector_store %arg29[%swap3A_808, %swap3A_809], %get3A_706 {strides = array<i32>} : memref<32x128xf32, #tpu.memory_space<vmem>>, vector<16xf32>,
    %swap3A_811 = arith.constant 26 : i32
    %swap3A_812 = arith.index_cast %swap3A_811 : i32 to index
    %swap3A_813 = arith.constant 48 : index
    %swap3A_814 = tpu.vector_load %arg29[%swap3A_812, %swap3A_813] {strides = array<i32>} : memref<32x128xf32, #tpu.memory_space<vmem>>, vector<16xf32>,
    tpu.vector_store %arg29[%swap3A_812, %swap3A_813], %get3A_706 {strides = array<i32>} : memref<32x128xf32, #tpu.memory_space<vmem>>, vector<16xf32>,
    %swap3A_815 = arith.constant 27 : i32
    %swap3A_816 = arith.index_cast %swap3A_815 : i32 to index
    %swap3A_817 = arith.constant 48 : index
    %swap3A_818 = tpu.vector_load %arg29[%swap3A_816, %swap3A_817] {strides = array<i32>} : memref<32x128xf32, #tpu.memory_space<vmem>>, vector<16xf32>,
    tpu.vector_store %arg29[%swap3A_816, %swap3A_817], %get3A_706 {strides = array<i32>} : memref<32x128xf32, #tpu.memory_space<vmem>>, vector<16xf32>,
    %swap3A_819 = arith.constant 28 : i32
    %swap3A_820 = arith.index_cast %swap3A_819 : i32 to index
    %swap3A_821 = arith.constant 48 : index
    %swap3A_822 = tpu.vector_load %arg29[%swap3A_820, %swap3A_821] {strides = array<i32>} : memref<32x128xf32, #tpu.memory_space<vmem>>, vector<16xf32>,
    tpu.vector_store %arg29[%swap3A_820, %swap3A_821], %get3A_706 {strides = array<i32>} : memref<32x128xf32, #tpu.memory_space<vmem>>, vector<16xf32>,
    %swap3A_823 = arith.constant 29 : i32
    %swap3A_824 = arith.index_cast %swap3A_823 : i32 to index
    %swap3A_825 = arith.constant 48 : index
    %swap3A_826 = tpu.vector_load %arg29[%swap3A_824, %swap3A_825] {strides = array<i32>} : memref<32x128xf32, #tpu.memory_space<vmem>>, vector<16xf32>,
    tpu.vector_store %arg29[%swap3A_824, %swap3A_825], %get3A_706 {strides = array<i32>} : memref<32x128xf32, #tpu.memory_space<vmem>>, vector<16xf32>,
    %swap3A_827 = arith.constant 30 : i32
    %swap3A_828 = arith.index_cast %swap3A_827 : i32 to index
    %swap3A_829 = arith.constant 48 : index
    %swap3A_830 = tpu.vector_load %arg29[%swap3A_828, %swap3A_829] {strides = array<i32>} : memref<32x128xf32, #tpu.memory_space<vmem>>, vector<16xf32>,
    tpu.vector_store %arg29[%swap3A_828, %swap3A_829], %get3A_706 {strides = array<i32>} : memref<32x128xf32, #tpu.memory_space<vmem>>, vector<16xf32>,
    %swap3A_831 = arith.constant 31 : i32
    %swap3A_832 = arith.index_cast %swap3A_831 : i32 to index
    %swap3A_833 = arith.constant 48 : index
    %swap3A_834 = tpu.vector_load %arg29[%swap3A_832, %swap3A_833] {strides = array<i32>} : memref<32x128xf32, #tpu.memory_space<vmem>>, vector<16xf32>,
    tpu.vector_store %arg29[%swap3A_832, %swap3A_833], %get3A_706 {strides = array<i32>} : memref<32x128xf32, #tpu.memory_space<vmem>>, vector<16xf32>,
    %get3A_835 = arith.constant 0 : i32
    %get3A_836 = arith.index_cast %get3A_835 : i32 to index
    %get3A_837 = arith.constant 64 : index
    %get3A_838 = tpu.vector_load %arg25[%get3A_836, %get3A_837] {strides = array<i32>} : memref<48x128xf32, #tpu.memory_space<vmem>>, vector<16xf32>,
    %swap3A_839 = arith.constant 0 : i32
    %swap3A_840 = arith.index_cast %swap3A_839 : i32 to index
    %swap3A_841 = arith.constant 64 : index
    %swap3A_842 = tpu.vector_load %arg29[%swap3A_840, %swap3A_841] {strides = array<i32>} : memref<32x128xf32, #tpu.memory_space<vmem>>, vector<16xf32>,
    tpu.vector_store %arg29[%swap3A_840, %swap3A_841], %get3A_838 {strides = array<i32>} : memref<32x128xf32, #tpu.memory_space<vmem>>, vector<16xf32>,
    %swap3A_843 = arith.constant 1 : i32
    %swap3A_844 = arith.index_cast %swap3A_843 : i32 to index
    %swap3A_845 = arith.constant 64 : index
    %swap3A_846 = tpu.vector_load %arg29[%swap3A_844, %swap3A_845] {strides = array<i32>} : memref<32x128xf32, #tpu.memory_space<vmem>>, vector<16xf32>,
    tpu.vector_store %arg29[%swap3A_844, %swap3A_845], %get3A_838 {strides = array<i32>} : memref<32x128xf32, #tpu.memory_space<vmem>>, vector<16xf32>,
    %swap3A_847 = arith.constant 2 : i32
    %swap3A_848 = arith.index_cast %swap3A_847 : i32 to index
    %swap3A_849 = arith.constant 64 : index
    %swap3A_850 = tpu.vector_load %arg29[%swap3A_848, %swap3A_849] {strides = array<i32>} : memref<32x128xf32, #tpu.memory_space<vmem>>, vector<16xf32>,
    tpu.vector_store %arg29[%swap3A_848, %swap3A_849], %get3A_838 {strides = array<i32>} : memref<32x128xf32, #tpu.memory_space<vmem>>, vector<16xf32>,
    %swap3A_851 = arith.constant 3 : i32
    %swap3A_852 = arith.index_cast %swap3A_851 : i32 to index
    %swap3A_853 = arith.constant 64 : index
    %swap3A_854 = tpu.vector_load %arg29[%swap3A_852, %swap3A_853] {strides = array<i32>} : memref<32x128xf32, #tpu.memory_space<vmem>>, vector<16xf32>,
    tpu.vector_store %arg29[%swap3A_852, %swap3A_853], %get3A_838 {strides = array<i32>} : memref<32x128xf32, #tpu.memory_space<vmem>>, vector<16xf32>,
    %swap3A_855 = arith.constant 4 : i32
    %swap3A_856 = arith.index_cast %swap3A_855 : i32 to index
    %swap3A_857 = arith.constant 64 : index
    %swap3A_858 = tpu.vector_load %arg29[%swap3A_856, %swap3A_857] {strides = array<i32>} : memref<32x128xf32, #tpu.memory_space<vmem>>, vector<16xf32>,
    tpu.vector_store %arg29[%swap3A_856, %swap3A_857], %get3A_838 {strides = array<i32>} : memref<32x128xf32, #tpu.memory_space<vmem>>, vector<16xf32>,
    %swap3A_859 = arith.constant 5 : i32
    %swap3A_860 = arith.index_cast %swap3A_859 : i32 to index
    %swap3A_861 = arith.constant 64 : index
    %swap3A_862 = tpu.vector_load %arg29[%swap3A_860, %swap3A_861] {strides = array<i32>} : memref<32x128xf32, #tpu.memory_space<vmem>>, vector<16xf32>,
    tpu.vector_store %arg29[%swap3A_860, %swap3A_861], %get3A_838 {strides = array<i32>} : memref<32x128xf32, #tpu.memory_space<vmem>>, vector<16xf32>,
    %swap3A_863 = arith.constant 6 : i32
    %swap3A_864 = arith.index_cast %swap3A_863 : i32 to index
    %swap3A_865 = arith.constant 64 : index
    %swap3A_866 = tpu.vector_load %arg29[%swap3A_864, %swap3A_865] {strides = array<i32>} : memref<32x128xf32, #tpu.memory_space<vmem>>, vector<16xf32>,
    tpu.vector_store %arg29[%swap3A_864, %swap3A_865], %get3A_838 {strides = array<i32>} : memref<32x128xf32, #tpu.memory_space<vmem>>, vector<16xf32>,
    %swap3A_867 = arith.constant 7 : i32
    %swap3A_868 = arith.index_cast %swap3A_867 : i32 to index
    %swap3A_869 = arith.constant 64 : index
    %swap3A_870 = tpu.vector_load %arg29[%swap3A_868, %swap3A_869] {strides = array<i32>} : memref<32x128xf32, #tpu.memory_space<vmem>>, vector<16xf32>,
    tpu.vector_store %arg29[%swap3A_868, %swap3A_869], %get3A_838 {strides = array<i32>} : memref<32x128xf32, #tpu.memory_space<vmem>>, vector<16xf32>,
    %swap3A_871 = arith.constant 8 : i32
    %swap3A_872 = arith.index_cast %swap3A_871 : i32 to index
    %swap3A_873 = arith.constant 64 : index
    %swap3A_874 = tpu.vector_load %arg29[%swap3A_872, %swap3A_873] {strides = array<i32>} : memref<32x128xf32, #tpu.memory_space<vmem>>, vector<16xf32>,
    tpu.vector_store %arg29[%swap3A_872, %swap3A_873], %get3A_838 {strides = array<i32>} : memref<32x128xf32, #tpu.memory_space<vmem>>, vector<16xf32>,
    %swap3A_875 = arith.constant 9 : i32
    %swap3A_876 = arith.index_cast %swap3A_875 : i32 to index
    %swap3A_877 = arith.constant 64 : index
    %swap3A_878 = tpu.vector_load %arg29[%swap3A_876, %swap3A_877] {strides = array<i32>} : memref<32x128xf32, #tpu.memory_space<vmem>>, vector<16xf32>,
    tpu.vector_store %arg29[%swap3A_876, %swap3A_877], %get3A_838 {strides = array<i32>} : memref<32x128xf32, #tpu.memory_space<vmem>>, vector<16xf32>,
    %swap3A_879 = arith.constant 10 : i32
    %swap3A_880 = arith.index_cast %swap3A_879 : i32 to index
    %swap3A_881 = arith.constant 64 : index
    %swap3A_882 = tpu.vector_load %arg29[%swap3A_880, %swap3A_881] {strides = array<i32>} : memref<32x128xf32, #tpu.memory_space<vmem>>, vector<16xf32>,
    tpu.vector_store %arg29[%swap3A_880, %swap3A_881], %get3A_838 {strides = array<i32>} : memref<32x128xf32, #tpu.memory_space<vmem>>, vector<16xf32>,
    %swap3A_883 = arith.constant 11 : i32
    %swap3A_884 = arith.index_cast %swap3A_883 : i32 to index
    %swap3A_885 = arith.constant 64 : index
    %swap3A_886 = tpu.vector_load %arg29[%swap3A_884, %swap3A_885] {strides = array<i32>} : memref<32x128xf32, #tpu.memory_space<vmem>>, vector<16xf32>,
    tpu.vector_store %arg29[%swap3A_884, %swap3A_885], %get3A_838 {strides = array<i32>} : memref<32x128xf32, #tpu.memory_space<vmem>>, vector<16xf32>,
    %swap3A_887 = arith.constant 12 : i32
    %swap3A_888 = arith.index_cast %swap3A_887 : i32 to index
    %swap3A_889 = arith.constant 64 : index
    %swap3A_890 = tpu.vector_load %arg29[%swap3A_888, %swap3A_889] {strides = array<i32>} : memref<32x128xf32, #tpu.memory_space<vmem>>, vector<16xf32>,
    tpu.vector_store %arg29[%swap3A_888, %swap3A_889], %get3A_838 {strides = array<i32>} : memref<32x128xf32, #tpu.memory_space<vmem>>, vector<16xf32>,
    %swap3A_891 = arith.constant 13 : i32
    %swap3A_892 = arith.index_cast %swap3A_891 : i32 to index
    %swap3A_893 = arith.constant 64 : index
    %swap3A_894 = tpu.vector_load %arg29[%swap3A_892, %swap3A_893] {strides = array<i32>} : memref<32x128xf32, #tpu.memory_space<vmem>>, vector<16xf32>,
    tpu.vector_store %arg29[%swap3A_892, %swap3A_893], %get3A_838 {strides = array<i32>} : memref<32x128xf32, #tpu.memory_space<vmem>>, vector<16xf32>,
    %swap3A_895 = arith.constant 14 : i32
    %swap3A_896 = arith.index_cast %swap3A_895 : i32 to index
    %swap3A_897 = arith.constant 64 : index
    %swap3A_898 = tpu.vector_load %arg29[%swap3A_896, %swap3A_897] {strides = array<i32>} : memref<32x128xf32, #tpu.memory_space<vmem>>, vector<16xf32>,
    tpu.vector_store %arg29[%swap3A_896, %swap3A_897], %get3A_838 {strides = array<i32>} : memref<32x128xf32, #tpu.memory_space<vmem>>, vector<16xf32>,
    %swap3A_899 = arith.constant 15 : i32
    %swap3A_900 = arith.index_cast %swap3A_899 : i32 to index
    %swap3A_901 = arith.constant 64 : index
    %swap3A_902 = tpu.vector_load %arg29[%swap3A_900, %swap3A_901] {strides = array<i32>} : memref<32x128xf32, #tpu.memory_space<vmem>>, vector<16xf32>,
    tpu.vector_store %arg29[%swap3A_900, %swap3A_901], %get3A_838 {strides = array<i32>} : memref<32x128xf32, #tpu.memory_space<vmem>>, vector<16xf32>,
    %swap3A_903 = arith.constant 16 : i32
    %swap3A_904 = arith.index_cast %swap3A_903 : i32 to index
    %swap3A_905 = arith.constant 64 : index
    %swap3A_906 = tpu.vector_load %arg29[%swap3A_904, %swap3A_905] {strides = array<i32>} : memref<32x128xf32, #tpu.memory_space<vmem>>, vector<16xf32>,
    tpu.vector_store %arg29[%swap3A_904, %swap3A_905], %get3A_838 {strides = array<i32>} : memref<32x128xf32, #tpu.memory_space<vmem>>, vector<16xf32>,
    %swap3A_907 = arith.constant 17 : i32
    %swap3A_908 = arith.index_cast %swap3A_907 : i32 to index
    %swap3A_909 = arith.constant 64 : index
    %swap3A_910 = tpu.vector_load %arg29[%swap3A_908, %swap3A_909] {strides = array<i32>} : memref<32x128xf32, #tpu.memory_space<vmem>>, vector<16xf32>,
    tpu.vector_store %arg29[%swap3A_908, %swap3A_909], %get3A_838 {strides = array<i32>} : memref<32x128xf32, #tpu.memory_space<vmem>>, vector<16xf32>,
    %swap3A_911 = arith.constant 18 : i32
    %swap3A_912 = arith.index_cast %swap3A_911 : i32 to index
    %swap3A_913 = arith.constant 64 : index
    %swap3A_914 = tpu.vector_load %arg29[%swap3A_912, %swap3A_913] {strides = array<i32>} : memref<32x128xf32, #tpu.memory_space<vmem>>, vector<16xf32>,
    tpu.vector_store %arg29[%swap3A_912, %swap3A_913], %get3A_838 {strides = array<i32>} : memref<32x128xf32, #tpu.memory_space<vmem>>, vector<16xf32>,
    %swap3A_915 = arith.constant 19 : i32
    %swap3A_916 = arith.index_cast %swap3A_915 : i32 to index
    %swap3A_917 = arith.constant 64 : index
    %swap3A_918 = tpu.vector_load %arg29[%swap3A_916, %swap3A_917] {strides = array<i32>} : memref<32x128xf32, #tpu.memory_space<vmem>>, vector<16xf32>,
    tpu.vector_store %arg29[%swap3A_916, %swap3A_917], %get3A_838 {strides = array<i32>} : memref<32x128xf32, #tpu.memory_space<vmem>>, vector<16xf32>,
    %swap3A_919 = arith.constant 20 : i32
    %swap3A_920 = arith.index_cast %swap3A_919 : i32 to index
    %swap3A_921 = arith.constant 64 : index
    %swap3A_922 = tpu.vector_load %arg29[%swap3A_920, %swap3A_921] {strides = array<i32>} : memref<32x128xf32, #tpu.memory_space<vmem>>, vector<16xf32>,
    tpu.vector_store %arg29[%swap3A_920, %swap3A_921], %get3A_838 {strides = array<i32>} : memref<32x128xf32, #tpu.memory_space<vmem>>, vector<16xf32>,
    %swap3A_923 = arith.constant 21 : i32
    %swap3A_924 = arith.index_cast %swap3A_923 : i32 to index
    %swap3A_925 = arith.constant 64 : index
    %swap3A_926 = tpu.vector_load %arg29[%swap3A_924, %swap3A_925] {strides = array<i32>} : memref<32x128xf32, #tpu.memory_space<vmem>>, vector<16xf32>,
    tpu.vector_store %arg29[%swap3A_924, %swap3A_925], %get3A_838 {strides = array<i32>} : memref<32x128xf32, #tpu.memory_space<vmem>>, vector<16xf32>,
    %swap3A_927 = arith.constant 22 : i32
    %swap3A_928 = arith.index_cast %swap3A_927 : i32 to index
    %swap3A_929 = arith.constant 64 : index
    %swap3A_930 = tpu.vector_load %arg29[%swap3A_928, %swap3A_929] {strides = array<i32>} : memref<32x128xf32, #tpu.memory_space<vmem>>, vector<16xf32>,
    tpu.vector_store %arg29[%swap3A_928, %swap3A_929], %get3A_838 {strides = array<i32>} : memref<32x128xf32, #tpu.memory_space<vmem>>, vector<16xf32>,
    %swap3A_931 = arith.constant 23 : i32
    %swap3A_932 = arith.index_cast %swap3A_931 : i32 to index
    %swap3A_933 = arith.constant 64 : index
    %swap3A_934 = tpu.vector_load %arg29[%swap3A_932, %swap3A_933] {strides = array<i32>} : memref<32x128xf32, #tpu.memory_space<vmem>>, vector<16xf32>,
    tpu.vector_store %arg29[%swap3A_932, %swap3A_933], %get3A_838 {strides = array<i32>} : memref<32x128xf32, #tpu.memory_space<vmem>>, vector<16xf32>,
    %swap3A_935 = arith.constant 24 : i32
    %swap3A_936 = arith.index_cast %swap3A_935 : i32 to index
    %swap3A_937 = arith.constant 64 : index
    %swap3A_938 = tpu.vector_load %arg29[%swap3A_936, %swap3A_937] {strides = array<i32>} : memref<32x128xf32, #tpu.memory_space<vmem>>, vector<16xf32>,
    tpu.vector_store %arg29[%swap3A_936, %swap3A_937], %get3A_838 {strides = array<i32>} : memref<32x128xf32, #tpu.memory_space<vmem>>, vector<16xf32>,
    %swap3A_939 = arith.constant 25 : i32
    %swap3A_940 = arith.index_cast %swap3A_939 : i32 to index
    %swap3A_941 = arith.constant 64 : index
    %swap3A_942 = tpu.vector_load %arg29[%swap3A_940, %swap3A_941] {strides = array<i32>} : memref<32x128xf32, #tpu.memory_space<vmem>>, vector<16xf32>,
    tpu.vector_store %arg29[%swap3A_940, %swap3A_941], %get3A_838 {strides = array<i32>} : memref<32x128xf32, #tpu.memory_space<vmem>>, vector<16xf32>,
    %swap3A_943 = arith.constant 26 : i32
    %swap3A_944 = arith.index_cast %swap3A_943 : i32 to index
    %swap3A_945 = arith.constant 64 : index
    %swap3A_946 = tpu.vector_load %arg29[%swap3A_944, %swap3A_945] {strides = array<i32>} : memref<32x128xf32, #tpu.memory_space<vmem>>, vector<16xf32>,
    tpu.vector_store %arg29[%swap3A_944, %swap3A_945], %get3A_838 {strides = array<i32>} : memref<32x128xf32, #tpu.memory_space<vmem>>, vector<16xf32>,
    %swap3A_947 = arith.constant 27 : i32
    %swap3A_948 = arith.index_cast %swap3A_947 : i32 to index
    %swap3A_949 = arith.constant 64 : index
    %swap3A_950 = tpu.vector_load %arg29[%swap3A_948, %swap3A_949] {strides = array<i32>} : memref<32x128xf32, #tpu.memory_space<vmem>>, vector<16xf32>,
    tpu.vector_store %arg29[%swap3A_948, %swap3A_949], %get3A_838 {strides = array<i32>} : memref<32x128xf32, #tpu.memory_space<vmem>>, vector<16xf32>,
    %swap3A_951 = arith.constant 28 : i32
    %swap3A_952 = arith.index_cast %swap3A_951 : i32 to index
    %swap3A_953 = arith.constant 64 : index
    %swap3A_954 = tpu.vector_load %arg29[%swap3A_952, %swap3A_953] {strides = array<i32>} : memref<32x128xf32, #tpu.memory_space<vmem>>, vector<16xf32>,
    tpu.vector_store %arg29[%swap3A_952, %swap3A_953], %get3A_838 {strides = array<i32>} : memref<32x128xf32, #tpu.memory_space<vmem>>, vector<16xf32>,
    %swap3A_955 = arith.constant 29 : i32
    %swap3A_956 = arith.index_cast %swap3A_955 : i32 to index
    %swap3A_957 = arith.constant 64 : index
    %swap3A_958 = tpu.vector_load %arg29[%swap3A_956, %swap3A_957] {strides = array<i32>} : memref<32x128xf32, #tpu.memory_space<vmem>>, vector<16xf32>,
    tpu.vector_store %arg29[%swap3A_956, %swap3A_957], %get3A_838 {strides = array<i32>} : memref<32x128xf32, #tpu.memory_space<vmem>>, vector<16xf32>,
    %swap3A_959 = arith.constant 30 : i32
    %swap3A_960 = arith.index_cast %swap3A_959 : i32 to index
    %swap3A_961 = arith.constant 64 : index
    %swap3A_962 = tpu.vector_load %arg29[%swap3A_960, %swap3A_961] {strides = array<i32>} : memref<32x128xf32, #tpu.memory_space<vmem>>, vector<16xf32>,
    tpu.vector_store %arg29[%swap3A_960, %swap3A_961], %get3A_838 {strides = array<i32>} : memref<32x128xf32, #tpu.memory_space<vmem>>, vector<16xf32>,
    %swap3A_963 = arith.constant 31 : i32
    %swap3A_964 = arith.index_cast %swap3A_963 : i32 to index
    %swap3A_965 = arith.constant 64 : index
    %swap3A_966 = tpu.vector_load %arg29[%swap3A_964, %swap3A_965] {strides = array<i32>} : memref<32x128xf32, #tpu.memory_space<vmem>>, vector<16xf32>,
    tpu.vector_store %arg29[%swap3A_964, %swap3A_965], %get3A_838 {strides = array<i32>} : memref<32x128xf32, #tpu.memory_space<vmem>>, vector<16xf32>,
    %get3A_967 = arith.constant 0 : i32
    %get3A_968 = arith.index_cast %get3A_967 : i32 to index
    %get3A_969 = arith.constant 80 : index
    %get3A_970 = tpu.vector_load %arg25[%get3A_968, %get3A_969] {strides = array<i32>} : memref<48x128xf32, #tpu.memory_space<vmem>>, vector<16xf32>,
    %swap3A_971 = arith.constant 0 : i32
    %swap3A_972 = arith.index_cast %swap3A_971 : i32 to index
    %swap3A_973 = arith.constant 80 : index
    %swap3A_974 = tpu.vector_load %arg29[%swap3A_972, %swap3A_973] {strides = array<i32>} : memref<32x128xf32, #tpu.memory_space<vmem>>, vector<16xf32>,
    tpu.vector_store %arg29[%swap3A_972, %swap3A_973], %get3A_970 {strides = array<i32>} : memref<32x128xf32, #tpu.memory_space<vmem>>, vector<16xf32>,
    %swap3A_975 = arith.constant 1 : i32
    %swap3A_976 = arith.index_cast %swap3A_975 : i32 to index
    %swap3A_977 = arith.constant 80 : index
    %swap3A_978 = tpu.vector_load %arg29[%swap3A_976, %swap3A_977] {strides = array<i32>} : memref<32x128xf32, #tpu.memory_space<vmem>>, vector<16xf32>,
    tpu.vector_store %arg29[%swap3A_976, %swap3A_977], %get3A_970 {strides = array<i32>} : memref<32x128xf32, #tpu.memory_space<vmem>>, vector<16xf32>,
    %swap3A_979 = arith.constant 2 : i32
    %swap3A_980 = arith.index_cast %swap3A_979 : i32 to index
    %swap3A_981 = arith.constant 80 : index
    %swap3A_982 = tpu.vector_load %arg29[%swap3A_980, %swap3A_981] {strides = array<i32>} : memref<32x128xf32, #tpu.memory_space<vmem>>, vector<16xf32>,
    tpu.vector_store %arg29[%swap3A_980, %swap3A_981], %get3A_970 {strides = array<i32>} : memref<32x128xf32, #tpu.memory_space<vmem>>, vector<16xf32>,
    %swap3A_983 = arith.constant 3 : i32
    %swap3A_984 = arith.index_cast %swap3A_983 : i32 to index
    %swap3A_985 = arith.constant 80 : index
    %swap3A_986 = tpu.vector_load %arg29[%swap3A_984, %swap3A_985] {strides = array<i32>} : memref<32x128xf32, #tpu.memory_space<vmem>>, vector<16xf32>,
    tpu.vector_store %arg29[%swap3A_984, %swap3A_985], %get3A_970 {strides = array<i32>} : memref<32x128xf32, #tpu.memory_space<vmem>>, vector<16xf32>,
    %swap3A_987 = arith.constant 4 : i32
    %swap3A_988 = arith.index_cast %swap3A_987 : i32 to index
    %swap3A_989 = arith.constant 80 : index
    %swap3A_990 = tpu.vector_load %arg29[%swap3A_988, %swap3A_989] {strides = array<i32>} : memref<32x128xf32, #tpu.memory_space<vmem>>, vector<16xf32>,
    tpu.vector_store %arg29[%swap3A_988, %swap3A_989], %get3A_970 {strides = array<i32>} : memref<32x128xf32, #tpu.memory_space<vmem>>, vector<16xf32>,
    %swap3A_991 = arith.constant 5 : i32
    %swap3A_992 = arith.index_cast %swap3A_991 : i32 to index
    %swap3A_993 = arith.constant 80 : index
    %swap3A_994 = tpu.vector_load %arg29[%swap3A_992, %swap3A_993] {strides = array<i32>} : memref<32x128xf32, #tpu.memory_space<vmem>>, vector<16xf32>,
    tpu.vector_store %arg29[%swap3A_992, %swap3A_993], %get3A_970 {strides = array<i32>} : memref<32x128xf32, #tpu.memory_space<vmem>>, vector<16xf32>,
    %swap3A_995 = arith.constant 6 : i32
    %swap3A_996 = arith.index_cast %swap3A_995 : i32 to index
    %swap3A_997 = arith.constant 80 : index
    %swap3A_998 = tpu.vector_load %arg29[%swap3A_996, %swap3A_997] {strides = array<i32>} : memref<32x128xf32, #tpu.memory_space<vmem>>, vector<16xf32>,
    tpu.vector_store %arg29[%swap3A_996, %swap3A_997], %get3A_970 {strides = array<i32>} : memref<32x128xf32, #tpu.memory_space<vmem>>, vector<16xf32>,
    %swap3A_999 = arith.constant 7 : i32
    %swap3A_1000 = arith.index_cast %swap3A_999 : i32 to index
    %swap3A_1001 = arith.constant 80 : index
    %swap3A_1002 = tpu.vector_load %arg29[%swap3A_1000, %swap3A_1001] {strides = array<i32>} : memref<32x128xf32, #tpu.memory_space<vmem>>, vector<16xf32>,
    tpu.vector_store %arg29[%swap3A_1000, %swap3A_1001], %get3A_970 {strides = array<i32>} : memref<32x128xf32, #tpu.memory_space<vmem>>, vector<16xf32>,
    %swap3A_1003 = arith.constant 8 : i32
    %swap3A_1004 = arith.index_cast %swap3A_1003 : i32 to index
    %swap3A_1005 = arith.constant 80 : index
    %swap3A_1006 = tpu.vector_load %arg29[%swap3A_1004, %swap3A_1005] {strides = array<i32>} : memref<32x128xf32, #tpu.memory_space<vmem>>, vector<16xf32>,
    tpu.vector_store %arg29[%swap3A_1004, %swap3A_1005], %get3A_970 {strides = array<i32>} : memref<32x128xf32, #tpu.memory_space<vmem>>, vector<16xf32>,
    %swap3A_1007 = arith.constant 9 : i32
    %swap3A_1008 = arith.index_cast %swap3A_1007 : i32 to index
    %swap3A_1009 = arith.constant 80 : index
    %swap3A_1010 = tpu.vector_load %arg29[%swap3A_1008, %swap3A_1009] {strides = array<i32>} : memref<32x128xf32, #tpu.memory_space<vmem>>, vector<16xf32>,
    tpu.vector_store %arg29[%swap3A_1008, %swap3A_1009], %get3A_970 {strides = array<i32>} : memref<32x128xf32, #tpu.memory_space<vmem>>, vector<16xf32>,
    %swap3A_1011 = arith.constant 10 : i32
    %swap3A_1012 = arith.index_cast %swap3A_1011 : i32 to index
    %swap3A_1013 = arith.constant 80 : index
    %swap3A_1014 = tpu.vector_load %arg29[%swap3A_1012, %swap3A_1013] {strides = array<i32>} : memref<32x128xf32, #tpu.memory_space<vmem>>, vector<16xf32>,
    tpu.vector_store %arg29[%swap3A_1012, %swap3A_1013], %get3A_970 {strides = array<i32>} : memref<32x128xf32, #tpu.memory_space<vmem>>, vector<16xf32>,
    %swap3A_1015 = arith.constant 11 : i32
    %swap3A_1016 = arith.index_cast %swap3A_1015 : i32 to index
    %swap3A_1017 = arith.constant 80 : index
    %swap3A_1018 = tpu.vector_load %arg29[%swap3A_1016, %swap3A_1017] {strides = array<i32>} : memref<32x128xf32, #tpu.memory_space<vmem>>, vector<16xf32>,
    tpu.vector_store %arg29[%swap3A_1016, %swap3A_1017], %get3A_970 {strides = array<i32>} : memref<32x128xf32, #tpu.memory_space<vmem>>, vector<16xf32>,
    %swap3A_1019 = arith.constant 12 : i32
    %swap3A_1020 = arith.index_cast %swap3A_1019 : i32 to index
    %swap3A_1021 = arith.constant 80 : index
    %swap3A_1022 = tpu.vector_load %arg29[%swap3A_1020, %swap3A_1021] {strides = array<i32>} : memref<32x128xf32, #tpu.memory_space<vmem>>, vector<16xf32>,
    tpu.vector_store %arg29[%swap3A_1020, %swap3A_1021], %get3A_970 {strides = array<i32>} : memref<32x128xf32, #tpu.memory_space<vmem>>, vector<16xf32>,
    %swap3A_1023 = arith.constant 13 : i32
    %swap3A_1024 = arith.index_cast %swap3A_1023 : i32 to index
    %swap3A_1025 = arith.constant 80 : index
    %swap3A_1026 = tpu.vector_load %arg29[%swap3A_1024, %swap3A_1025] {strides = array<i32>} : memref<32x128xf32, #tpu.memory_space<vmem>>, vector<16xf32>,
    tpu.vector_store %arg29[%swap3A_1024, %swap3A_1025], %get3A_970 {strides = array<i32>} : memref<32x128xf32, #tpu.memory_space<vmem>>, vector<16xf32>,
    %swap3A_1027 = arith.constant 14 : i32
    %swap3A_1028 = arith.index_cast %swap3A_1027 : i32 to index
    %swap3A_1029 = arith.constant 80 : index
    %swap3A_1030 = tpu.vector_load %arg29[%swap3A_1028, %swap3A_1029] {strides = array<i32>} : memref<32x128xf32, #tpu.memory_space<vmem>>, vector<16xf32>,
    tpu.vector_store %arg29[%swap3A_1028, %swap3A_1029], %get3A_970 {strides = array<i32>} : memref<32x128xf32, #tpu.memory_space<vmem>>, vector<16xf32>,
    %swap3A_1031 = arith.constant 15 : i32
    %swap3A_1032 = arith.index_cast %swap3A_1031 : i32 to index
    %swap3A_1033 = arith.constant 80 : index
    %swap3A_1034 = tpu.vector_load %arg29[%swap3A_1032, %swap3A_1033] {strides = array<i32>} : memref<32x128xf32, #tpu.memory_space<vmem>>, vector<16xf32>,
    tpu.vector_store %arg29[%swap3A_1032, %swap3A_1033], %get3A_970 {strides = array<i32>} : memref<32x128xf32, #tpu.memory_space<vmem>>, vector<16xf32>,
    %swap3A_1035 = arith.constant 16 : i32
    %swap3A_1036 = arith.index_cast %swap3A_1035 : i32 to index
    %swap3A_1037 = arith.constant 80 : index
    %swap3A_1038 = tpu.vector_load %arg29[%swap3A_1036, %swap3A_1037] {strides = array<i32>} : memref<32x128xf32, #tpu.memory_space<vmem>>, vector<16xf32>,
    tpu.vector_store %arg29[%swap3A_1036, %swap3A_1037], %get3A_970 {strides = array<i32>} : memref<32x128xf32, #tpu.memory_space<vmem>>, vector<16xf32>,
    %swap3A_1039 = arith.constant 17 : i32
    %swap3A_1040 = arith.index_cast %swap3A_1039 : i32 to index
    %swap3A_1041 = arith.constant 80 : index
    %swap3A_1042 = tpu.vector_load %arg29[%swap3A_1040, %swap3A_1041] {strides = array<i32>} : memref<32x128xf32, #tpu.memory_space<vmem>>, vector<16xf32>,
    tpu.vector_store %arg29[%swap3A_1040, %swap3A_1041], %get3A_970 {strides = array<i32>} : memref<32x128xf32, #tpu.memory_space<vmem>>, vector<16xf32>,
    %swap3A_1043 = arith.constant 18 : i32
    %swap3A_1044 = arith.index_cast %swap3A_1043 : i32 to index
    %swap3A_1045 = arith.constant 80 : index
    %swap3A_1046 = tpu.vector_load %arg29[%swap3A_1044, %swap3A_1045] {strides = array<i32>} : memref<32x128xf32, #tpu.memory_space<vmem>>, vector<16xf32>,
    tpu.vector_store %arg29[%swap3A_1044, %swap3A_1045], %get3A_970 {strides = array<i32>} : memref<32x128xf32, #tpu.memory_space<vmem>>, vector<16xf32>,
    %swap3A_1047 = arith.constant 19 : i32
    %swap3A_1048 = arith.index_cast %swap3A_1047 : i32 to index
    %swap3A_1049 = arith.constant 80 : index
    %swap3A_1050 = tpu.vector_load %arg29[%swap3A_1048, %swap3A_1049] {strides = array<i32>} : memref<32x128xf32, #tpu.memory_space<vmem>>, vector<16xf32>,
    tpu.vector_store %arg29[%swap3A_1048, %swap3A_1049], %get3A_970 {strides = array<i32>} : memref<32x128xf32, #tpu.memory_space<vmem>>, vector<16xf32>,
    %swap3A_1051 = arith.constant 20 : i32
    %swap3A_1052 = arith.index_cast %swap3A_1051 : i32 to index
    %swap3A_1053 = arith.constant 80 : index
    %swap3A_1054 = tpu.vector_load %arg29[%swap3A_1052, %swap3A_1053] {strides = array<i32>} : memref<32x128xf32, #tpu.memory_space<vmem>>, vector<16xf32>,
    tpu.vector_store %arg29[%swap3A_1052, %swap3A_1053], %get3A_970 {strides = array<i32>} : memref<32x128xf32, #tpu.memory_space<vmem>>, vector<16xf32>,
    %swap3A_1055 = arith.constant 21 : i32
    %swap3A_1056 = arith.index_cast %swap3A_1055 : i32 to index
    %swap3A_1057 = arith.constant 80 : index
    %swap3A_1058 = tpu.vector_load %arg29[%swap3A_1056, %swap3A_1057] {strides = array<i32>} : memref<32x128xf32, #tpu.memory_space<vmem>>, vector<16xf32>,
    tpu.vector_store %arg29[%swap3A_1056, %swap3A_1057], %get3A_970 {strides = array<i32>} : memref<32x128xf32, #tpu.memory_space<vmem>>, vector<16xf32>,
    %swap3A_1059 = arith.constant 22 : i32
    %swap3A_1060 = arith.index_cast %swap3A_1059 : i32 to index
    %swap3A_1061 = arith.constant 80 : index
    %swap3A_1062 = tpu.vector_load %arg29[%swap3A_1060, %swap3A_1061] {strides = array<i32>} : memref<32x128xf32, #tpu.memory_space<vmem>>, vector<16xf32>,
    tpu.vector_store %arg29[%swap3A_1060, %swap3A_1061], %get3A_970 {strides = array<i32>} : memref<32x128xf32, #tpu.memory_space<vmem>>, vector<16xf32>,
    %swap3A_1063 = arith.constant 23 : i32
    %swap3A_1064 = arith.index_cast %swap3A_1063 : i32 to index
    %swap3A_1065 = arith.constant 80 : index
    %swap3A_1066 = tpu.vector_load %arg29[%swap3A_1064, %swap3A_1065] {strides = array<i32>} : memref<32x128xf32, #tpu.memory_space<vmem>>, vector<16xf32>,
    tpu.vector_store %arg29[%swap3A_1064, %swap3A_1065], %get3A_970 {strides = array<i32>} : memref<32x128xf32, #tpu.memory_space<vmem>>, vector<16xf32>,
    %swap3A_1067 = arith.constant 24 : i32
    %swap3A_1068 = arith.index_cast %swap3A_1067 : i32 to index
    %swap3A_1069 = arith.constant 80 : index
    %swap3A_1070 = tpu.vector_load %arg29[%swap3A_1068, %swap3A_1069] {strides = array<i32>} : memref<32x128xf32, #tpu.memory_space<vmem>>, vector<16xf32>,
    tpu.vector_store %arg29[%swap3A_1068, %swap3A_1069], %get3A_970 {strides = array<i32>} : memref<32x128xf32, #tpu.memory_space<vmem>>, vector<16xf32>,
    %swap3A_1071 = arith.constant 25 : i32
    %swap3A_1072 = arith.index_cast %swap3A_1071 : i32 to index
    %swap3A_1073 = arith.constant 80 : index
    %swap3A_1074 = tpu.vector_load %arg29[%swap3A_1072, %swap3A_1073] {strides = array<i32>} : memref<32x128xf32, #tpu.memory_space<vmem>>, vector<16xf32>,
    tpu.vector_store %arg29[%swap3A_1072, %swap3A_1073], %get3A_970 {strides = array<i32>} : memref<32x128xf32, #tpu.memory_space<vmem>>, vector<16xf32>,
    %swap3A_1075 = arith.constant 26 : i32
    %swap3A_1076 = arith.index_cast %swap3A_1075 : i32 to index
    %swap3A_1077 = arith.constant 80 : index
    %swap3A_1078 = tpu.vector_load %arg29[%swap3A_1076, %swap3A_1077] {strides = array<i32>} : memref<32x128xf32, #tpu.memory_space<vmem>>, vector<16xf32>,
    tpu.vector_store %arg29[%swap3A_1076, %swap3A_1077], %get3A_970 {strides = array<i32>} : memref<32x128xf32, #tpu.memory_space<vmem>>, vector<16xf32>,
    %swap3A_1079 = arith.constant 27 : i32
    %swap3A_1080 = arith.index_cast %swap3A_1079 : i32 to index
    %swap3A_1081 = arith.constant 80 : index
    %swap3A_1082 = tpu.vector_load %arg29[%swap3A_1080, %swap3A_1081] {strides = array<i32>} : memref<32x128xf32, #tpu.memory_space<vmem>>, vector<16xf32>,
    tpu.vector_store %arg29[%swap3A_1080, %swap3A_1081], %get3A_970 {strides = array<i32>} : memref<32x128xf32, #tpu.memory_space<vmem>>, vector<16xf32>,
    %swap3A_1083 = arith.constant 28 : i32
    %swap3A_1084 = arith.index_cast %swap3A_1083 : i32 to index
    %swap3A_1085 = arith.constant 80 : index
    %swap3A_1086 = tpu.vector_load %arg29[%swap3A_1084, %swap3A_1085] {strides = array<i32>} : memref<32x128xf32, #tpu.memory_space<vmem>>, vector<16xf32>,
    tpu.vector_store %arg29[%swap3A_1084, %swap3A_1085], %get3A_970 {strides = array<i32>} : memref<32x128xf32, #tpu.memory_space<vmem>>, vector<16xf32>,
    %swap3A_1087 = arith.constant 29 : i32
    %swap3A_1088 = arith.index_cast %swap3A_1087 : i32 to index
    %swap3A_1089 = arith.constant 80 : index
    %swap3A_1090 = tpu.vector_load %arg29[%swap3A_1088, %swap3A_1089] {strides = array<i32>} : memref<32x128xf32, #tpu.memory_space<vmem>>, vector<16xf32>,
    tpu.vector_store %arg29[%swap3A_1088, %swap3A_1089], %get3A_970 {strides = array<i32>} : memref<32x128xf32, #tpu.memory_space<vmem>>, vector<16xf32>,
    %swap3A_1091 = arith.constant 30 : i32
    %swap3A_1092 = arith.index_cast %swap3A_1091 : i32 to index
    %swap3A_1093 = arith.constant 80 : index
    %swap3A_1094 = tpu.vector_load %arg29[%swap3A_1092, %swap3A_1093] {strides = array<i32>} : memref<32x128xf32, #tpu.memory_space<vmem>>, vector<16xf32>,
    tpu.vector_store %arg29[%swap3A_1092, %swap3A_1093], %get3A_970 {strides = array<i32>} : memref<32x128xf32, #tpu.memory_space<vmem>>, vector<16xf32>,
    %swap3A_1095 = arith.constant 31 : i32
    %swap3A_1096 = arith.index_cast %swap3A_1095 : i32 to index
    %swap3A_1097 = arith.constant 80 : index
    %swap3A_1098 = tpu.vector_load %arg29[%swap3A_1096, %swap3A_1097] {strides = array<i32>} : memref<32x128xf32, #tpu.memory_space<vmem>>, vector<16xf32>,
    tpu.vector_store %arg29[%swap3A_1096, %swap3A_1097], %get3A_970 {strides = array<i32>} : memref<32x128xf32, #tpu.memory_space<vmem>>, vector<16xf32>,
    %get3A_1099 = arith.constant 0 : i32
    %get3A_1100 = arith.index_cast %get3A_1099 : i32 to index
    %get3A_1101 = arith.constant 96 : index
    %get3A_1102 = tpu.vector_load %arg25[%get3A_1100, %get3A_1101] {strides = array<i32>} : memref<48x128xf32, #tpu.memory_space<vmem>>, vector<16xf32>,
    %swap3A_1103 = arith.constant 0 : i32
    %swap3A_1104 = arith.index_cast %swap3A_1103 : i32 to index
    %swap3A_1105 = arith.constant 96 : index
    %swap3A_1106 = tpu.vector_load %arg29[%swap3A_1104, %swap3A_1105] {strides = array<i32>} : memref<32x128xf32, #tpu.memory_space<vmem>>, vector<16xf32>,
    tpu.vector_store %arg29[%swap3A_1104, %swap3A_1105], %get3A_1102 {strides = array<i32>} : memref<32x128xf32, #tpu.memory_space<vmem>>, vector<16xf32>,
    %swap3A_1107 = arith.constant 1 : i32
    %swap3A_1108 = arith.index_cast %swap3A_1107 : i32 to index
    %swap3A_1109 = arith.constant 96 : index
    %swap3A_1110 = tpu.vector_load %arg29[%swap3A_1108, %swap3A_1109] {strides = array<i32>} : memref<32x128xf32, #tpu.memory_space<vmem>>, vector<16xf32>,
    tpu.vector_store %arg29[%swap3A_1108, %swap3A_1109], %get3A_1102 {strides = array<i32>} : memref<32x128xf32, #tpu.memory_space<vmem>>, vector<16xf32>,
    %swap3A_1111 = arith.constant 2 : i32
    %swap3A_1112 = arith.index_cast %swap3A_1111 : i32 to index
    %swap3A_1113 = arith.constant 96 : index
    %swap3A_1114 = tpu.vector_load %arg29[%swap3A_1112, %swap3A_1113] {strides = array<i32>} : memref<32x128xf32, #tpu.memory_space<vmem>>, vector<16xf32>,
    tpu.vector_store %arg29[%swap3A_1112, %swap3A_1113], %get3A_1102 {strides = array<i32>} : memref<32x128xf32, #tpu.memory_space<vmem>>, vector<16xf32>,
    %swap3A_1115 = arith.constant 3 : i32
    %swap3A_1116 = arith.index_cast %swap3A_1115 : i32 to index
    %swap3A_1117 = arith.constant 96 : index
    %swap3A_1118 = tpu.vector_load %arg29[%swap3A_1116, %swap3A_1117] {strides = array<i32>} : memref<32x128xf32, #tpu.memory_space<vmem>>, vector<16xf32>,
    tpu.vector_store %arg29[%swap3A_1116, %swap3A_1117], %get3A_1102 {strides = array<i32>} : memref<32x128xf32, #tpu.memory_space<vmem>>, vector<16xf32>,
    %swap3A_1119 = arith.constant 4 : i32
    %swap3A_1120 = arith.index_cast %swap3A_1119 : i32 to index
    %swap3A_1121 = arith.constant 96 : index
    %swap3A_1122 = tpu.vector_load %arg29[%swap3A_1120, %swap3A_1121] {strides = array<i32>} : memref<32x128xf32, #tpu.memory_space<vmem>>, vector<16xf32>,
    tpu.vector_store %arg29[%swap3A_1120, %swap3A_1121], %get3A_1102 {strides = array<i32>} : memref<32x128xf32, #tpu.memory_space<vmem>>, vector<16xf32>,
    %swap3A_1123 = arith.constant 5 : i32
    %swap3A_1124 = arith.index_cast %swap3A_1123 : i32 to index
    %swap3A_1125 = arith.constant 96 : index
    %swap3A_1126 = tpu.vector_load %arg29[%swap3A_1124, %swap3A_1125] {strides = array<i32>} : memref<32x128xf32, #tpu.memory_space<vmem>>, vector<16xf32>,
    tpu.vector_store %arg29[%swap3A_1124, %swap3A_1125], %get3A_1102 {strides = array<i32>} : memref<32x128xf32, #tpu.memory_space<vmem>>, vector<16xf32>,
    %swap3A_1127 = arith.constant 6 : i32
    %swap3A_1128 = arith.index_cast %swap3A_1127 : i32 to index
    %swap3A_1129 = arith.constant 96 : index
    %swap3A_1130 = tpu.vector_load %arg29[%swap3A_1128, %swap3A_1129] {strides = array<i32>} : memref<32x128xf32, #tpu.memory_space<vmem>>, vector<16xf32>,
    tpu.vector_store %arg29[%swap3A_1128, %swap3A_1129], %get3A_1102 {strides = array<i32>} : memref<32x128xf32, #tpu.memory_space<vmem>>, vector<16xf32>,
    %swap3A_1131 = arith.constant 7 : i32
    %swap3A_1132 = arith.index_cast %swap3A_1131 : i32 to index
    %swap3A_1133 = arith.constant 96 : index
    %swap3A_1134 = tpu.vector_load %arg29[%swap3A_1132, %swap3A_1133] {strides = array<i32>} : memref<32x128xf32, #tpu.memory_space<vmem>>, vector<16xf32>,
    tpu.vector_store %arg29[%swap3A_1132, %swap3A_1133], %get3A_1102 {strides = array<i32>} : memref<32x128xf32, #tpu.memory_space<vmem>>, vector<16xf32>,
    %swap3A_1135 = arith.constant 8 : i32
    %swap3A_1136 = arith.index_cast %swap3A_1135 : i32 to index
    %swap3A_1137 = arith.constant 96 : index
    %swap3A_1138 = tpu.vector_load %arg29[%swap3A_1136, %swap3A_1137] {strides = array<i32>} : memref<32x128xf32, #tpu.memory_space<vmem>>, vector<16xf32>,
    tpu.vector_store %arg29[%swap3A_1136, %swap3A_1137], %get3A_1102 {strides = array<i32>} : memref<32x128xf32, #tpu.memory_space<vmem>>, vector<16xf32>,
    %swap3A_1139 = arith.constant 9 : i32
    %swap3A_1140 = arith.index_cast %swap3A_1139 : i32 to index
    %swap3A_1141 = arith.constant 96 : index
    %swap3A_1142 = tpu.vector_load %arg29[%swap3A_1140, %swap3A_1141] {strides = array<i32>} : memref<32x128xf32, #tpu.memory_space<vmem>>, vector<16xf32>,
    tpu.vector_store %arg29[%swap3A_1140, %swap3A_1141], %get3A_1102 {strides = array<i32>} : memref<32x128xf32, #tpu.memory_space<vmem>>, vector<16xf32>,
    %swap3A_1143 = arith.constant 10 : i32
    %swap3A_1144 = arith.index_cast %swap3A_1143 : i32 to index
    %swap3A_1145 = arith.constant 96 : index
    %swap3A_1146 = tpu.vector_load %arg29[%swap3A_1144, %swap3A_1145] {strides = array<i32>} : memref<32x128xf32, #tpu.memory_space<vmem>>, vector<16xf32>,
    tpu.vector_store %arg29[%swap3A_1144, %swap3A_1145], %get3A_1102 {strides = array<i32>} : memref<32x128xf32, #tpu.memory_space<vmem>>, vector<16xf32>,
    %swap3A_1147 = arith.constant 11 : i32
    %swap3A_1148 = arith.index_cast %swap3A_1147 : i32 to index
    %swap3A_1149 = arith.constant 96 : index
    %swap3A_1150 = tpu.vector_load %arg29[%swap3A_1148, %swap3A_1149] {strides = array<i32>} : memref<32x128xf32, #tpu.memory_space<vmem>>, vector<16xf32>,
    tpu.vector_store %arg29[%swap3A_1148, %swap3A_1149], %get3A_1102 {strides = array<i32>} : memref<32x128xf32, #tpu.memory_space<vmem>>, vector<16xf32>,
    %swap3A_1151 = arith.constant 12 : i32
    %swap3A_1152 = arith.index_cast %swap3A_1151 : i32 to index
    %swap3A_1153 = arith.constant 96 : index
    %swap3A_1154 = tpu.vector_load %arg29[%swap3A_1152, %swap3A_1153] {strides = array<i32>} : memref<32x128xf32, #tpu.memory_space<vmem>>, vector<16xf32>,
    tpu.vector_store %arg29[%swap3A_1152, %swap3A_1153], %get3A_1102 {strides = array<i32>} : memref<32x128xf32, #tpu.memory_space<vmem>>, vector<16xf32>,
    %swap3A_1155 = arith.constant 13 : i32
    %swap3A_1156 = arith.index_cast %swap3A_1155 : i32 to index
    %swap3A_1157 = arith.constant 96 : index
    %swap3A_1158 = tpu.vector_load %arg29[%swap3A_1156, %swap3A_1157] {strides = array<i32>} : memref<32x128xf32, #tpu.memory_space<vmem>>, vector<16xf32>,
    tpu.vector_store %arg29[%swap3A_1156, %swap3A_1157], %get3A_1102 {strides = array<i32>} : memref<32x128xf32, #tpu.memory_space<vmem>>, vector<16xf32>,
    %swap3A_1159 = arith.constant 14 : i32
    %swap3A_1160 = arith.index_cast %swap3A_1159 : i32 to index
    %swap3A_1161 = arith.constant 96 : index
    %swap3A_1162 = tpu.vector_load %arg29[%swap3A_1160, %swap3A_1161] {strides = array<i32>} : memref<32x128xf32, #tpu.memory_space<vmem>>, vector<16xf32>,
    tpu.vector_store %arg29[%swap3A_1160, %swap3A_1161], %get3A_1102 {strides = array<i32>} : memref<32x128xf32, #tpu.memory_space<vmem>>, vector<16xf32>,
    %swap3A_1163 = arith.constant 15 : i32
    %swap3A_1164 = arith.index_cast %swap3A_1163 : i32 to index
    %swap3A_1165 = arith.constant 96 : index
    %swap3A_1166 = tpu.vector_load %arg29[%swap3A_1164, %swap3A_1165] {strides = array<i32>} : memref<32x128xf32, #tpu.memory_space<vmem>>, vector<16xf32>,
    tpu.vector_store %arg29[%swap3A_1164, %swap3A_1165], %get3A_1102 {strides = array<i32>} : memref<32x128xf32, #tpu.memory_space<vmem>>, vector<16xf32>,
    %swap3A_1167 = arith.constant 16 : i32
    %swap3A_1168 = arith.index_cast %swap3A_1167 : i32 to index
    %swap3A_1169 = arith.constant 96 : index
    %swap3A_1170 = tpu.vector_load %arg29[%swap3A_1168, %swap3A_1169] {strides = array<i32>} : memref<32x128xf32, #tpu.memory_space<vmem>>, vector<16xf32>,
    tpu.vector_store %arg29[%swap3A_1168, %swap3A_1169], %get3A_1102 {strides = array<i32>} : memref<32x128xf32, #tpu.memory_space<vmem>>, vector<16xf32>,
    %swap3A_1171 = arith.constant 17 : i32
    %swap3A_1172 = arith.index_cast %swap3A_1171 : i32 to index
    %swap3A_1173 = arith.constant 96 : index
    %swap3A_1174 = tpu.vector_load %arg29[%swap3A_1172, %swap3A_1173] {strides = array<i32>} : memref<32x128xf32, #tpu.memory_space<vmem>>, vector<16xf32>,
    tpu.vector_store %arg29[%swap3A_1172, %swap3A_1173], %get3A_1102 {strides = array<i32>} : memref<32x128xf32, #tpu.memory_space<vmem>>, vector<16xf32>,
    %swap3A_1175 = arith.constant 18 : i32
    %swap3A_1176 = arith.index_cast %swap3A_1175 : i32 to index
    %swap3A_1177 = arith.constant 96 : index
    %swap3A_1178 = tpu.vector_load %arg29[%swap3A_1176, %swap3A_1177] {strides = array<i32>} : memref<32x128xf32, #tpu.memory_space<vmem>>, vector<16xf32>,
    tpu.vector_store %arg29[%swap3A_1176, %swap3A_1177], %get3A_1102 {strides = array<i32>} : memref<32x128xf32, #tpu.memory_space<vmem>>, vector<16xf32>,
    %swap3A_1179 = arith.constant 19 : i32
    %swap3A_1180 = arith.index_cast %swap3A_1179 : i32 to index
    %swap3A_1181 = arith.constant 96 : index
    %swap3A_1182 = tpu.vector_load %arg29[%swap3A_1180, %swap3A_1181] {strides = array<i32>} : memref<32x128xf32, #tpu.memory_space<vmem>>, vector<16xf32>,
    tpu.vector_store %arg29[%swap3A_1180, %swap3A_1181], %get3A_1102 {strides = array<i32>} : memref<32x128xf32, #tpu.memory_space<vmem>>, vector<16xf32>,
    %swap3A_1183 = arith.constant 20 : i32
    %swap3A_1184 = arith.index_cast %swap3A_1183 : i32 to index
    %swap3A_1185 = arith.constant 96 : index
    %swap3A_1186 = tpu.vector_load %arg29[%swap3A_1184, %swap3A_1185] {strides = array<i32>} : memref<32x128xf32, #tpu.memory_space<vmem>>, vector<16xf32>,
    tpu.vector_store %arg29[%swap3A_1184, %swap3A_1185], %get3A_1102 {strides = array<i32>} : memref<32x128xf32, #tpu.memory_space<vmem>>, vector<16xf32>,
    %swap3A_1187 = arith.constant 21 : i32
    %swap3A_1188 = arith.index_cast %swap3A_1187 : i32 to index
    %swap3A_1189 = arith.constant 96 : index
    %swap3A_1190 = tpu.vector_load %arg29[%swap3A_1188, %swap3A_1189] {strides = array<i32>} : memref<32x128xf32, #tpu.memory_space<vmem>>, vector<16xf32>,
    tpu.vector_store %arg29[%swap3A_1188, %swap3A_1189], %get3A_1102 {strides = array<i32>} : memref<32x128xf32, #tpu.memory_space<vmem>>, vector<16xf32>,
    %swap3A_1191 = arith.constant 22 : i32
    %swap3A_1192 = arith.index_cast %swap3A_1191 : i32 to index
    %swap3A_1193 = arith.constant 96 : index
    %swap3A_1194 = tpu.vector_load %arg29[%swap3A_1192, %swap3A_1193] {strides = array<i32>} : memref<32x128xf32, #tpu.memory_space<vmem>>, vector<16xf32>,
    tpu.vector_store %arg29[%swap3A_1192, %swap3A_1193], %get3A_1102 {strides = array<i32>} : memref<32x128xf32, #tpu.memory_space<vmem>>, vector<16xf32>,
    %swap3A_1195 = arith.constant 23 : i32
    %swap3A_1196 = arith.index_cast %swap3A_1195 : i32 to index
    %swap3A_1197 = arith.constant 96 : index
    %swap3A_1198 = tpu.vector_load %arg29[%swap3A_1196, %swap3A_1197] {strides = array<i32>} : memref<32x128xf32, #tpu.memory_space<vmem>>, vector<16xf32>,
    tpu.vector_store %arg29[%swap3A_1196, %swap3A_1197], %get3A_1102 {strides = array<i32>} : memref<32x128xf32, #tpu.memory_space<vmem>>, vector<16xf32>,
    %swap3A_1199 = arith.constant 24 : i32
    %swap3A_1200 = arith.index_cast %swap3A_1199 : i32 to index
    %swap3A_1201 = arith.constant 96 : index
    %swap3A_1202 = tpu.vector_load %arg29[%swap3A_1200, %swap3A_1201] {strides = array<i32>} : memref<32x128xf32, #tpu.memory_space<vmem>>, vector<16xf32>,
    tpu.vector_store %arg29[%swap3A_1200, %swap3A_1201], %get3A_1102 {strides = array<i32>} : memref<32x128xf32, #tpu.memory_space<vmem>>, vector<16xf32>,
    %swap3A_1203 = arith.constant 25 : i32
    %swap3A_1204 = arith.index_cast %swap3A_1203 : i32 to index
    %swap3A_1205 = arith.constant 96 : index
    %swap3A_1206 = tpu.vector_load %arg29[%swap3A_1204, %swap3A_1205] {strides = array<i32>} : memref<32x128xf32, #tpu.memory_space<vmem>>, vector<16xf32>,
    tpu.vector_store %arg29[%swap3A_1204, %swap3A_1205], %get3A_1102 {strides = array<i32>} : memref<32x128xf32, #tpu.memory_space<vmem>>, vector<16xf32>,
    %swap3A_1207 = arith.constant 26 : i32
    %swap3A_1208 = arith.index_cast %swap3A_1207 : i32 to index
    %swap3A_1209 = arith.constant 96 : index
    %swap3A_1210 = tpu.vector_load %arg29[%swap3A_1208, %swap3A_1209] {strides = array<i32>} : memref<32x128xf32, #tpu.memory_space<vmem>>, vector<16xf32>,
    tpu.vector_store %arg29[%swap3A_1208, %swap3A_1209], %get3A_1102 {strides = array<i32>} : memref<32x128xf32, #tpu.memory_space<vmem>>, vector<16xf32>,
    %swap3A_1211 = arith.constant 27 : i32
    %swap3A_1212 = arith.index_cast %swap3A_1211 : i32 to index
    %swap3A_1213 = arith.constant 96 : index
    %swap3A_1214 = tpu.vector_load %arg29[%swap3A_1212, %swap3A_1213] {strides = array<i32>} : memref<32x128xf32, #tpu.memory_space<vmem>>, vector<16xf32>,
    tpu.vector_store %arg29[%swap3A_1212, %swap3A_1213], %get3A_1102 {strides = array<i32>} : memref<32x128xf32, #tpu.memory_space<vmem>>, vector<16xf32>,
    %swap3A_1215 = arith.constant 28 : i32
    %swap3A_1216 = arith.index_cast %swap3A_1215 : i32 to index
    %swap3A_1217 = arith.constant 96 : index
    %swap3A_1218 = tpu.vector_load %arg29[%swap3A_1216, %swap3A_1217] {strides = array<i32>} : memref<32x128xf32, #tpu.memory_space<vmem>>, vector<16xf32>,
    tpu.vector_store %arg29[%swap3A_1216, %swap3A_1217], %get3A_1102 {strides = array<i32>} : memref<32x128xf32, #tpu.memory_space<vmem>>, vector<16xf32>,
    %swap3A_1219 = arith.constant 29 : i32
    %swap3A_1220 = arith.index_cast %swap3A_1219 : i32 to index
    %swap3A_1221 = arith.constant 96 : index
    %swap3A_1222 = tpu.vector_load %arg29[%swap3A_1220, %swap3A_1221] {strides = array<i32>} : memref<32x128xf32, #tpu.memory_space<vmem>>, vector<16xf32>,
    tpu.vector_store %arg29[%swap3A_1220, %swap3A_1221], %get3A_1102 {strides = array<i32>} : memref<32x128xf32, #tpu.memory_space<vmem>>, vector<16xf32>,
    %swap3A_1223 = arith.constant 30 : i32
    %swap3A_1224 = arith.index_cast %swap3A_1223 : i32 to index
    %swap3A_1225 = arith.constant 96 : index
    %swap3A_1226 = tpu.vector_load %arg29[%swap3A_1224, %swap3A_1225] {strides = array<i32>} : memref<32x128xf32, #tpu.memory_space<vmem>>, vector<16xf32>,
    tpu.vector_store %arg29[%swap3A_1224, %swap3A_1225], %get3A_1102 {strides = array<i32>} : memref<32x128xf32, #tpu.memory_space<vmem>>, vector<16xf32>,
    %swap3A_1227 = arith.constant 31 : i32
    %swap3A_1228 = arith.index_cast %swap3A_1227 : i32 to index
    %swap3A_1229 = arith.constant 96 : index
    %swap3A_1230 = tpu.vector_load %arg29[%swap3A_1228, %swap3A_1229] {strides = array<i32>} : memref<32x128xf32, #tpu.memory_space<vmem>>, vector<16xf32>,
    tpu.vector_store %arg29[%swap3A_1228, %swap3A_1229], %get3A_1102 {strides = array<i32>} : memref<32x128xf32, #tpu.memory_space<vmem>>, vector<16xf32>,
    %get3A_1231 = arith.constant 0 : i32
    %get3A_1232 = arith.index_cast %get3A_1231 : i32 to index
    %get3A_1233 = arith.constant 112 : index
    %get3A_1234 = tpu.vector_load %arg25[%get3A_1232, %get3A_1233] {strides = array<i32>} : memref<48x128xf32, #tpu.memory_space<vmem>>, vector<16xf32>,
    %swap3A_1235 = arith.constant 0 : i32
    %swap3A_1236 = arith.index_cast %swap3A_1235 : i32 to index
    %swap3A_1237 = arith.constant 112 : index
    %swap3A_1238 = tpu.vector_load %arg29[%swap3A_1236, %swap3A_1237] {strides = array<i32>} : memref<32x128xf32, #tpu.memory_space<vmem>>, vector<16xf32>,
    tpu.vector_store %arg29[%swap3A_1236, %swap3A_1237], %get3A_1234 {strides = array<i32>} : memref<32x128xf32, #tpu.memory_space<vmem>>, vector<16xf32>,
    %swap3A_1239 = arith.constant 1 : i32
    %swap3A_1240 = arith.index_cast %swap3A_1239 : i32 to index
    %swap3A_1241 = arith.constant 112 : index
    %swap3A_1242 = tpu.vector_load %arg29[%swap3A_1240, %swap3A_1241] {strides = array<i32>} : memref<32x128xf32, #tpu.memory_space<vmem>>, vector<16xf32>,
    tpu.vector_store %arg29[%swap3A_1240, %swap3A_1241], %get3A_1234 {strides = array<i32>} : memref<32x128xf32, #tpu.memory_space<vmem>>, vector<16xf32>,
    %swap3A_1243 = arith.constant 2 : i32
    %swap3A_1244 = arith.index_cast %swap3A_1243 : i32 to index
    %swap3A_1245 = arith.constant 112 : index
    %swap3A_1246 = tpu.vector_load %arg29[%swap3A_1244, %swap3A_1245] {strides = array<i32>} : memref<32x128xf32, #tpu.memory_space<vmem>>, vector<16xf32>,
    tpu.vector_store %arg29[%swap3A_1244, %swap3A_1245], %get3A_1234 {strides = array<i32>} : memref<32x128xf32, #tpu.memory_space<vmem>>, vector<16xf32>,
    %swap3A_1247 = arith.constant 3 : i32
    %swap3A_1248 = arith.index_cast %swap3A_1247 : i32 to index
    %swap3A_1249 = arith.constant 112 : index
    %swap3A_1250 = tpu.vector_load %arg29[%swap3A_1248, %swap3A_1249] {strides = array<i32>} : memref<32x128xf32, #tpu.memory_space<vmem>>, vector<16xf32>,
    tpu.vector_store %arg29[%swap3A_1248, %swap3A_1249], %get3A_1234 {strides = array<i32>} : memref<32x128xf32, #tpu.memory_space<vmem>>, vector<16xf32>,
    %swap3A_1251 = arith.constant 4 : i32
    %swap3A_1252 = arith.index_cast %swap3A_1251 : i32 to index
    %swap3A_1253 = arith.constant 112 : index
    %swap3A_1254 = tpu.vector_load %arg29[%swap3A_1252, %swap3A_1253] {strides = array<i32>} : memref<32x128xf32, #tpu.memory_space<vmem>>, vector<16xf32>,
    tpu.vector_store %arg29[%swap3A_1252, %swap3A_1253], %get3A_1234 {strides = array<i32>} : memref<32x128xf32, #tpu.memory_space<vmem>>, vector<16xf32>,
    %swap3A_1255 = arith.constant 5 : i32
    %swap3A_1256 = arith.index_cast %swap3A_1255 : i32 to index
    %swap3A_1257 = arith.constant 112 : index
    %swap3A_1258 = tpu.vector_load %arg29[%swap3A_1256, %swap3A_1257] {strides = array<i32>} : memref<32x128xf32, #tpu.memory_space<vmem>>, vector<16xf32>,
    tpu.vector_store %arg29[%swap3A_1256, %swap3A_1257], %get3A_1234 {strides = array<i32>} : memref<32x128xf32, #tpu.memory_space<vmem>>, vector<16xf32>,
    %swap3A_1259 = arith.constant 6 : i32
    %swap3A_1260 = arith.index_cast %swap3A_1259 : i32 to index
    %swap3A_1261 = arith.constant 112 : index
    %swap3A_1262 = tpu.vector_load %arg29[%swap3A_1260, %swap3A_1261] {strides = array<i32>} : memref<32x128xf32, #tpu.memory_space<vmem>>, vector<16xf32>,
    tpu.vector_store %arg29[%swap3A_1260, %swap3A_1261], %get3A_1234 {strides = array<i32>} : memref<32x128xf32, #tpu.memory_space<vmem>>, vector<16xf32>,
    %swap3A_1263 = arith.constant 7 : i32
    %swap3A_1264 = arith.index_cast %swap3A_1263 : i32 to index
    %swap3A_1265 = arith.constant 112 : index
    %swap3A_1266 = tpu.vector_load %arg29[%swap3A_1264, %swap3A_1265] {strides = array<i32>} : memref<32x128xf32, #tpu.memory_space<vmem>>, vector<16xf32>,
    tpu.vector_store %arg29[%swap3A_1264, %swap3A_1265], %get3A_1234 {strides = array<i32>} : memref<32x128xf32, #tpu.memory_space<vmem>>, vector<16xf32>,
    %swap3A_1267 = arith.constant 8 : i32
    %swap3A_1268 = arith.index_cast %swap3A_1267 : i32 to index
    %swap3A_1269 = arith.constant 112 : index
    %swap3A_1270 = tpu.vector_load %arg29[%swap3A_1268, %swap3A_1269] {strides = array<i32>} : memref<32x128xf32, #tpu.memory_space<vmem>>, vector<16xf32>,
    tpu.vector_store %arg29[%swap3A_1268, %swap3A_1269], %get3A_1234 {strides = array<i32>} : memref<32x128xf32, #tpu.memory_space<vmem>>, vector<16xf32>,
    %swap3A_1271 = arith.constant 9 : i32
    %swap3A_1272 = arith.index_cast %swap3A_1271 : i32 to index
    %swap3A_1273 = arith.constant 112 : index
    %swap3A_1274 = tpu.vector_load %arg29[%swap3A_1272, %swap3A_1273] {strides = array<i32>} : memref<32x128xf32, #tpu.memory_space<vmem>>, vector<16xf32>,
    tpu.vector_store %arg29[%swap3A_1272, %swap3A_1273], %get3A_1234 {strides = array<i32>} : memref<32x128xf32, #tpu.memory_space<vmem>>, vector<16xf32>,
    %swap3A_1275 = arith.constant 10 : i32
    %swap3A_1276 = arith.index_cast %swap3A_1275 : i32 to index
    %swap3A_1277 = arith.constant 112 : index
    %swap3A_1278 = tpu.vector_load %arg29[%swap3A_1276, %swap3A_1277] {strides = array<i32>} : memref<32x128xf32, #tpu.memory_space<vmem>>, vector<16xf32>,
    tpu.vector_store %arg29[%swap3A_1276, %swap3A_1277], %get3A_1234 {strides = array<i32>} : memref<32x128xf32, #tpu.memory_space<vmem>>, vector<16xf32>,
    %swap3A_1279 = arith.constant 11 : i32
    %swap3A_1280 = arith.index_cast %swap3A_1279 : i32 to index
    %swap3A_1281 = arith.constant 112 : index
    %swap3A_1282 = tpu.vector_load %arg29[%swap3A_1280, %swap3A_1281] {strides = array<i32>} : memref<32x128xf32, #tpu.memory_space<vmem>>, vector<16xf32>,
    tpu.vector_store %arg29[%swap3A_1280, %swap3A_1281], %get3A_1234 {strides = array<i32>} : memref<32x128xf32, #tpu.memory_space<vmem>>, vector<16xf32>,
    %swap3A_1283 = arith.constant 12 : i32
    %swap3A_1284 = arith.index_cast %swap3A_1283 : i32 to index
    %swap3A_1285 = arith.constant 112 : index
    %swap3A_1286 = tpu.vector_load %arg29[%swap3A_1284, %swap3A_1285] {strides = array<i32>} : memref<32x128xf32, #tpu.memory_space<vmem>>, vector<16xf32>,
    tpu.vector_store %arg29[%swap3A_1284, %swap3A_1285], %get3A_1234 {strides = array<i32>} : memref<32x128xf32, #tpu.memory_space<vmem>>, vector<16xf32>,
    %swap3A_1287 = arith.constant 13 : i32
    %swap3A_1288 = arith.index_cast %swap3A_1287 : i32 to index
    %swap3A_1289 = arith.constant 112 : index
    %swap3A_1290 = tpu.vector_load %arg29[%swap3A_1288, %swap3A_1289] {strides = array<i32>} : memref<32x128xf32, #tpu.memory_space<vmem>>, vector<16xf32>,
    tpu.vector_store %arg29[%swap3A_1288, %swap3A_1289], %get3A_1234 {strides = array<i32>} : memref<32x128xf32, #tpu.memory_space<vmem>>, vector<16xf32>,
    %swap3A_1291 = arith.constant 14 : i32
    %swap3A_1292 = arith.index_cast %swap3A_1291 : i32 to index
    %swap3A_1293 = arith.constant 112 : index
    %swap3A_1294 = tpu.vector_load %arg29[%swap3A_1292, %swap3A_1293] {strides = array<i32>} : memref<32x128xf32, #tpu.memory_space<vmem>>, vector<16xf32>,
    tpu.vector_store %arg29[%swap3A_1292, %swap3A_1293], %get3A_1234 {strides = array<i32>} : memref<32x128xf32, #tpu.memory_space<vmem>>, vector<16xf32>,
    %swap3A_1295 = arith.constant 15 : i32
    %swap3A_1296 = arith.index_cast %swap3A_1295 : i32 to index
    %swap3A_1297 = arith.constant 112 : index
    %swap3A_1298 = tpu.vector_load %arg29[%swap3A_1296, %swap3A_1297] {strides = array<i32>} : memref<32x128xf32, #tpu.memory_space<vmem>>, vector<16xf32>,
    tpu.vector_store %arg29[%swap3A_1296, %swap3A_1297], %get3A_1234 {strides = array<i32>} : memref<32x128xf32, #tpu.memory_space<vmem>>, vector<16xf32>,
    %swap3A_1299 = arith.constant 16 : i32
    %swap3A_1300 = arith.index_cast %swap3A_1299 : i32 to index
    %swap3A_1301 = arith.constant 112 : index
    %swap3A_1302 = tpu.vector_load %arg29[%swap3A_1300, %swap3A_1301] {strides = array<i32>} : memref<32x128xf32, #tpu.memory_space<vmem>>, vector<16xf32>,
    tpu.vector_store %arg29[%swap3A_1300, %swap3A_1301], %get3A_1234 {strides = array<i32>} : memref<32x128xf32, #tpu.memory_space<vmem>>, vector<16xf32>,
    %swap3A_1303 = arith.constant 17 : i32
    %swap3A_1304 = arith.index_cast %swap3A_1303 : i32 to index
    %swap3A_1305 = arith.constant 112 : index
    %swap3A_1306 = tpu.vector_load %arg29[%swap3A_1304, %swap3A_1305] {strides = array<i32>} : memref<32x128xf32, #tpu.memory_space<vmem>>, vector<16xf32>,
    tpu.vector_store %arg29[%swap3A_1304, %swap3A_1305], %get3A_1234 {strides = array<i32>} : memref<32x128xf32, #tpu.memory_space<vmem>>, vector<16xf32>,
    %swap3A_1307 = arith.constant 18 : i32
    %swap3A_1308 = arith.index_cast %swap3A_1307 : i32 to index
    %swap3A_1309 = arith.constant 112 : index
    %swap3A_1310 = tpu.vector_load %arg29[%swap3A_1308, %swap3A_1309] {strides = array<i32>} : memref<32x128xf32, #tpu.memory_space<vmem>>, vector<16xf32>,
    tpu.vector_store %arg29[%swap3A_1308, %swap3A_1309], %get3A_1234 {strides = array<i32>} : memref<32x128xf32, #tpu.memory_space<vmem>>, vector<16xf32>,
    %swap3A_1311 = arith.constant 19 : i32
    %swap3A_1312 = arith.index_cast %swap3A_1311 : i32 to index
    %swap3A_1313 = arith.constant 112 : index
    %swap3A_1314 = tpu.vector_load %arg29[%swap3A_1312, %swap3A_1313] {strides = array<i32>} : memref<32x128xf32, #tpu.memory_space<vmem>>, vector<16xf32>,
    tpu.vector_store %arg29[%swap3A_1312, %swap3A_1313], %get3A_1234 {strides = array<i32>} : memref<32x128xf32, #tpu.memory_space<vmem>>, vector<16xf32>,
    %swap3A_1315 = arith.constant 20 : i32
    %swap3A_1316 = arith.index_cast %swap3A_1315 : i32 to index
    %swap3A_1317 = arith.constant 112 : index
    %swap3A_1318 = tpu.vector_load %arg29[%swap3A_1316, %swap3A_1317] {strides = array<i32>} : memref<32x128xf32, #tpu.memory_space<vmem>>, vector<16xf32>,
    tpu.vector_store %arg29[%swap3A_1316, %swap3A_1317], %get3A_1234 {strides = array<i32>} : memref<32x128xf32, #tpu.memory_space<vmem>>, vector<16xf32>,
    %swap3A_1319 = arith.constant 21 : i32
    %swap3A_1320 = arith.index_cast %swap3A_1319 : i32 to index
    %swap3A_1321 = arith.constant 112 : index
    %swap3A_1322 = tpu.vector_load %arg29[%swap3A_1320, %swap3A_1321] {strides = array<i32>} : memref<32x128xf32, #tpu.memory_space<vmem>>, vector<16xf32>,
    tpu.vector_store %arg29[%swap3A_1320, %swap3A_1321], %get3A_1234 {strides = array<i32>} : memref<32x128xf32, #tpu.memory_space<vmem>>, vector<16xf32>,
    %swap3A_1323 = arith.constant 22 : i32
    %swap3A_1324 = arith.index_cast %swap3A_1323 : i32 to index
    %swap3A_1325 = arith.constant 112 : index
    %swap3A_1326 = tpu.vector_load %arg29[%swap3A_1324, %swap3A_1325] {strides = array<i32>} : memref<32x128xf32, #tpu.memory_space<vmem>>, vector<16xf32>,
    tpu.vector_store %arg29[%swap3A_1324, %swap3A_1325], %get3A_1234 {strides = array<i32>} : memref<32x128xf32, #tpu.memory_space<vmem>>, vector<16xf32>,
    %swap3A_1327 = arith.constant 23 : i32
    %swap3A_1328 = arith.index_cast %swap3A_1327 : i32 to index
    %swap3A_1329 = arith.constant 112 : index
    %swap3A_1330 = tpu.vector_load %arg29[%swap3A_1328, %swap3A_1329] {strides = array<i32>} : memref<32x128xf32, #tpu.memory_space<vmem>>, vector<16xf32>,
    tpu.vector_store %arg29[%swap3A_1328, %swap3A_1329], %get3A_1234 {strides = array<i32>} : memref<32x128xf32, #tpu.memory_space<vmem>>, vector<16xf32>,
    %swap3A_1331 = arith.constant 24 : i32
    %swap3A_1332 = arith.index_cast %swap3A_1331 : i32 to index
    %swap3A_1333 = arith.constant 112 : index
    %swap3A_1334 = tpu.vector_load %arg29[%swap3A_1332, %swap3A_1333] {strides = array<i32>} : memref<32x128xf32, #tpu.memory_space<vmem>>, vector<16xf32>,
    tpu.vector_store %arg29[%swap3A_1332, %swap3A_1333], %get3A_1234 {strides = array<i32>} : memref<32x128xf32, #tpu.memory_space<vmem>>, vector<16xf32>,
    %swap3A_1335 = arith.constant 25 : i32
    %swap3A_1336 = arith.index_cast %swap3A_1335 : i32 to index
    %swap3A_1337 = arith.constant 112 : index
    %swap3A_1338 = tpu.vector_load %arg29[%swap3A_1336, %swap3A_1337] {strides = array<i32>} : memref<32x128xf32, #tpu.memory_space<vmem>>, vector<16xf32>,
    tpu.vector_store %arg29[%swap3A_1336, %swap3A_1337], %get3A_1234 {strides = array<i32>} : memref<32x128xf32, #tpu.memory_space<vmem>>, vector<16xf32>,
    %swap3A_1339 = arith.constant 26 : i32
    %swap3A_1340 = arith.index_cast %swap3A_1339 : i32 to index
    %swap3A_1341 = arith.constant 112 : index
    %swap3A_1342 = tpu.vector_load %arg29[%swap3A_1340, %swap3A_1341] {strides = array<i32>} : memref<32x128xf32, #tpu.memory_space<vmem>>, vector<16xf32>,
    tpu.vector_store %arg29[%swap3A_1340, %swap3A_1341], %get3A_1234 {strides = array<i32>} : memref<32x128xf32, #tpu.memory_space<vmem>>, vector<16xf32>,
    %swap3A_1343 = arith.constant 27 : i32
    %swap3A_1344 = arith.index_cast %swap3A_1343 : i32 to index
    %swap3A_1345 = arith.constant 112 : index
    %swap3A_1346 = tpu.vector_load %arg29[%swap3A_1344, %swap3A_1345] {strides = array<i32>} : memref<32x128xf32, #tpu.memory_space<vmem>>, vector<16xf32>,
    tpu.vector_store %arg29[%swap3A_1344, %swap3A_1345], %get3A_1234 {strides = array<i32>} : memref<32x128xf32, #tpu.memory_space<vmem>>, vector<16xf32>,
    %swap3A_1347 = arith.constant 28 : i32
    %swap3A_1348 = arith.index_cast %swap3A_1347 : i32 to index
    %swap3A_1349 = arith.constant 112 : index
    %swap3A_1350 = tpu.vector_load %arg29[%swap3A_1348, %swap3A_1349] {strides = array<i32>} : memref<32x128xf32, #tpu.memory_space<vmem>>, vector<16xf32>,
    tpu.vector_store %arg29[%swap3A_1348, %swap3A_1349], %get3A_1234 {strides = array<i32>} : memref<32x128xf32, #tpu.memory_space<vmem>>, vector<16xf32>,
    %swap3A_1351 = arith.constant 29 : i32
    %swap3A_1352 = arith.index_cast %swap3A_1351 : i32 to index
    %swap3A_1353 = arith.constant 112 : index
    %swap3A_1354 = tpu.vector_load %arg29[%swap3A_1352, %swap3A_1353] {strides = array<i32>} : memref<32x128xf32, #tpu.memory_space<vmem>>, vector<16xf32>,
    tpu.vector_store %arg29[%swap3A_1352, %swap3A_1353], %get3A_1234 {strides = array<i32>} : memref<32x128xf32, #tpu.memory_space<vmem>>, vector<16xf32>,
    %swap3A_1355 = arith.constant 30 : i32
    %swap3A_1356 = arith.index_cast %swap3A_1355 : i32 to index
    %swap3A_1357 = arith.constant 112 : index
    %swap3A_1358 = tpu.vector_load %arg29[%swap3A_1356, %swap3A_1357] {strides = array<i32>} : memref<32x128xf32, #tpu.memory_space<vmem>>, vector<16xf32>,
    tpu.vector_store %arg29[%swap3A_1356, %swap3A_1357], %get3A_1234 {strides = array<i32>} : memref<32x128xf32, #tpu.memory_space<vmem>>, vector<16xf32>,
    %swap3A_1359 = arith.constant 31 : i32
    %swap3A_1360 = arith.index_cast %swap3A_1359 : i32 to index
    %swap3A_1361 = arith.constant 112 : index
    %swap3A_1362 = tpu.vector_load %arg29[%swap3A_1360, %swap3A_1361] {strides = array<i32>} : memref<32x128xf32, #tpu.memory_space<vmem>>, vector<16xf32>,
    tpu.vector_store %arg29[%swap3A_1360, %swap3A_1361], %get3A_1234 {strides = array<i32>} : memref<32x128xf32, #tpu.memory_space<vmem>>, vector<16xf32>,
    %scan3A = arith.constant 0 : i32
    %scan3A_1363 = arith.constant 0 : i32
    %scan3A_1364 = arith.constant 16 : i32
    %scan3A_1365 = arith.addi %scan3A_1363, %scan3A_1364 : i32
    %scan3A_1366 = arith.constant 1 : i32
    scf.for %scan3A_1458 = %scan3A_1363 to %scan3A_1365 step %scan3A_1366  : i32 {
      %mul3A_1459 = arith.constant 32 : i32
      %mul3A_1460 = arith.muli %scan3A_1458, %mul3A_1459 : i32
      %add3A_1461 = arith.addi %mul3A_2, %mul3A_1460 : i32
      %gt3A = arith.constant 0 : i32
      %gt3A_1462 = arith.cmpi sgt, %scan3A_1458, %gt3A : i32
      %convert_element_type3A = arith.extui %gt3A_1462 : i1 to i32
      %cond3A = arith.constant 0 : i32
      %cond3A_1463 = arith.cmpi ne, %convert_element_type3A, %cond3A : i32
      scf.if %cond3A_1463 {
        %dma_wait3A_2022 = arith.constant 0 : i32
        %dma_wait3A_2023 = arith.constant 0 : i32
        %dma_wait3A_2024 = arith.constant 0 : i32
        %dma_wait3A_2025 = tpu.memref_slice %arg24[%dma_wait3A_2023, %dma_wait3A_2022, %dma_wait3A_2024] : memref<16384x10x128xf32, #tpu.memory_space<hbm>> -> memref<32x1x128xf32, #tpu.memory_space<hbm>>
        %dma_wait3A_2026 = tpu.memref_squeeze %dma_wait3A_2025 : memref<32x1x128xf32, #tpu.memory_space<hbm>> -> memref<32x128xf32, #tpu.memory_space<hbm>>
        %dma_wait3A_2027 = arith.constant 0 : i32
        %dma_wait3A_2028 = arith.constant 0 : i32
        %dma_wait3A_2029 = tpu.memref_slice %arg24[%dma_wait3A_2027, %dma_wait3A_2022, %dma_wait3A_2028] : memref<16384x10x128xf32, #tpu.memory_space<hbm>> -> memref<32x1x128xf32, #tpu.memory_space<hbm>>
        %dma_wait3A_2030 = tpu.memref_squeeze %dma_wait3A_2029 : memref<32x1x128xf32, #tpu.memory_space<hbm>> -> memref<32x128xf32, #tpu.memory_space<hbm>>
        tpu.wait_dma2 semaphore(%arg39 : memref<!tpu.dma_semaphore, #tpu.memory_space<semaphore_mem>>) src(%arg29 : memref<32x128xf32, #tpu.memory_space<vmem>>) dst(%dma_wait3A_2030 : memref<32x128xf32, #tpu.memory_space<hbm>>)
        %dma_wait3A_2031 = arith.constant 1 : i32
        %dma_wait3A_2032 = arith.constant 0 : i32
        %dma_wait3A_2033 = arith.constant 0 : i32
        %dma_wait3A_2034 = tpu.memref_slice %arg24[%dma_wait3A_2032, %dma_wait3A_2031, %dma_wait3A_2033] : memref<16384x10x128xf32, #tpu.memory_space<hbm>> -> memref<32x1x128xf32, #tpu.memory_space<hbm>>
        %dma_wait3A_2035 = tpu.memref_squeeze %dma_wait3A_2034 : memref<32x1x128xf32, #tpu.memory_space<hbm>> -> memref<32x128xf32, #tpu.memory_space<hbm>>
        %dma_wait3A_2036 = arith.constant 0 : i32
        %dma_wait3A_2037 = arith.constant 0 : i32
        %dma_wait3A_2038 = tpu.memref_slice %arg24[%dma_wait3A_2036, %dma_wait3A_2031, %dma_wait3A_2037] : memref<16384x10x128xf32, #tpu.memory_space<hbm>> -> memref<32x1x128xf32, #tpu.memory_space<hbm>>
        %dma_wait3A_2039 = tpu.memref_squeeze %dma_wait3A_2038 : memref<32x1x128xf32, #tpu.memory_space<hbm>> -> memref<32x128xf32, #tpu.memory_space<hbm>>
        tpu.wait_dma2 semaphore(%arg39 : memref<!tpu.dma_semaphore, #tpu.memory_space<semaphore_mem>>) src(%arg30 : memref<32x128xf32, #tpu.memory_space<vmem>>) dst(%dma_wait3A_2039 : memref<32x128xf32, #tpu.memory_space<hbm>>)
        %dma_wait3A_2040 = arith.constant 2 : i32
        %dma_wait3A_2041 = arith.constant 0 : i32
        %dma_wait3A_2042 = arith.constant 0 : i32
        %dma_wait3A_2043 = tpu.memref_slice %arg24[%dma_wait3A_2041, %dma_wait3A_2040, %dma_wait3A_2042] : memref<16384x10x128xf32, #tpu.memory_space<hbm>> -> memref<32x1x128xf32, #tpu.memory_space<hbm>>
        %dma_wait3A_2044 = tpu.memref_squeeze %dma_wait3A_2043 : memref<32x1x128xf32, #tpu.memory_space<hbm>> -> memref<32x128xf32, #tpu.memory_space<hbm>>
        %dma_wait3A_2045 = arith.constant 0 : i32
        %dma_wait3A_2046 = arith.constant 0 : i32
        %dma_wait3A_2047 = tpu.memref_slice %arg24[%dma_wait3A_2045, %dma_wait3A_2040, %dma_wait3A_2046] : memref<16384x10x128xf32, #tpu.memory_space<hbm>> -> memref<32x1x128xf32, #tpu.memory_space<hbm>>
        %dma_wait3A_2048 = tpu.memref_squeeze %dma_wait3A_2047 : memref<32x1x128xf32, #tpu.memory_space<hbm>> -> memref<32x128xf32, #tpu.memory_space<hbm>>
        tpu.wait_dma2 semaphore(%arg39 : memref<!tpu.dma_semaphore, #tpu.memory_space<semaphore_mem>>) src(%arg31 : memref<32x128xf32, #tpu.memory_space<vmem>>) dst(%dma_wait3A_2048 : memref<32x128xf32, #tpu.memory_space<hbm>>)
        %dma_wait3A_2049 = arith.constant 3 : i32
        %dma_wait3A_2050 = arith.constant 0 : i32
        %dma_wait3A_2051 = arith.constant 0 : i32
        %dma_wait3A_2052 = tpu.memref_slice %arg24[%dma_wait3A_2050, %dma_wait3A_2049, %dma_wait3A_2051] : memref<16384x10x128xf32, #tpu.memory_space<hbm>> -> memref<32x1x128xf32, #tpu.memory_space<hbm>>
        %dma_wait3A_2053 = tpu.memref_squeeze %dma_wait3A_2052 : memref<32x1x128xf32, #tpu.memory_space<hbm>> -> memref<32x128xf32, #tpu.memory_space<hbm>>
        %dma_wait3A_2054 = arith.constant 0 : i32
        %dma_wait3A_2055 = arith.constant 0 : i32
        %dma_wait3A_2056 = tpu.memref_slice %arg24[%dma_wait3A_2054, %dma_wait3A_2049, %dma_wait3A_2055] : memref<16384x10x128xf32, #tpu.memory_space<hbm>> -> memref<32x1x128xf32, #tpu.memory_space<hbm>>
        %dma_wait3A_2057 = tpu.memref_squeeze %dma_wait3A_2056 : memref<32x1x128xf32, #tpu.memory_space<hbm>> -> memref<32x128xf32, #tpu.memory_space<hbm>>
        tpu.wait_dma2 semaphore(%arg39 : memref<!tpu.dma_semaphore, #tpu.memory_space<semaphore_mem>>) src(%arg32 : memref<32x128xf32, #tpu.memory_space<vmem>>) dst(%dma_wait3A_2057 : memref<32x128xf32, #tpu.memory_space<hbm>>)
        %dma_wait3A_2058 = arith.constant 4 : i32
        %dma_wait3A_2059 = arith.constant 0 : i32
        %dma_wait3A_2060 = arith.constant 0 : i32
        %dma_wait3A_2061 = tpu.memref_slice %arg24[%dma_wait3A_2059, %dma_wait3A_2058, %dma_wait3A_2060] : memref<16384x10x128xf32, #tpu.memory_space<hbm>> -> memref<32x1x128xf32, #tpu.memory_space<hbm>>
        %dma_wait3A_2062 = tpu.memref_squeeze %dma_wait3A_2061 : memref<32x1x128xf32, #tpu.memory_space<hbm>> -> memref<32x128xf32, #tpu.memory_space<hbm>>
        %dma_wait3A_2063 = arith.constant 0 : i32
        %dma_wait3A_2064 = arith.constant 0 : i32
        %dma_wait3A_2065 = tpu.memref_slice %arg24[%dma_wait3A_2063, %dma_wait3A_2058, %dma_wait3A_2064] : memref<16384x10x128xf32, #tpu.memory_space<hbm>> -> memref<32x1x128xf32, #tpu.memory_space<hbm>>
        %dma_wait3A_2066 = tpu.memref_squeeze %dma_wait3A_2065 : memref<32x1x128xf32, #tpu.memory_space<hbm>> -> memref<32x128xf32, #tpu.memory_space<hbm>>
        tpu.wait_dma2 semaphore(%arg39 : memref<!tpu.dma_semaphore, #tpu.memory_space<semaphore_mem>>) src(%arg33 : memref<32x128xf32, #tpu.memory_space<vmem>>) dst(%dma_wait3A_2066 : memref<32x128xf32, #tpu.memory_space<hbm>>)
        %dma_wait3A_2067 = arith.constant 5 : i32
        %dma_wait3A_2068 = arith.constant 0 : i32
        %dma_wait3A_2069 = arith.constant 0 : i32
        %dma_wait3A_2070 = tpu.memref_slice %arg24[%dma_wait3A_2068, %dma_wait3A_2067, %dma_wait3A_2069] : memref<16384x10x128xf32, #tpu.memory_space<hbm>> -> memref<32x1x128xf32, #tpu.memory_space<hbm>>
        %dma_wait3A_2071 = tpu.memref_squeeze %dma_wait3A_2070 : memref<32x1x128xf32, #tpu.memory_space<hbm>> -> memref<32x128xf32, #tpu.memory_space<hbm>>
        %dma_wait3A_2072 = arith.constant 0 : i32
        %dma_wait3A_2073 = arith.constant 0 : i32
        %dma_wait3A_2074 = tpu.memref_slice %arg24[%dma_wait3A_2072, %dma_wait3A_2067, %dma_wait3A_2073] : memref<16384x10x128xf32, #tpu.memory_space<hbm>> -> memref<32x1x128xf32, #tpu.memory_space<hbm>>
        %dma_wait3A_2075 = tpu.memref_squeeze %dma_wait3A_2074 : memref<32x1x128xf32, #tpu.memory_space<hbm>> -> memref<32x128xf32, #tpu.memory_space<hbm>>
        tpu.wait_dma2 semaphore(%arg39 : memref<!tpu.dma_semaphore, #tpu.memory_space<semaphore_mem>>) src(%arg34 : memref<32x128xf32, #tpu.memory_space<vmem>>) dst(%dma_wait3A_2075 : memref<32x128xf32, #tpu.memory_space<hbm>>)
        %dma_wait3A_2076 = arith.constant 6 : i32
        %dma_wait3A_2077 = arith.constant 0 : i32
        %dma_wait3A_2078 = arith.constant 0 : i32
        %dma_wait3A_2079 = tpu.memref_slice %arg24[%dma_wait3A_2077, %dma_wait3A_2076, %dma_wait3A_2078] : memref<16384x10x128xf32, #tpu.memory_space<hbm>> -> memref<32x1x128xf32, #tpu.memory_space<hbm>>
        %dma_wait3A_2080 = tpu.memref_squeeze %dma_wait3A_2079 : memref<32x1x128xf32, #tpu.memory_space<hbm>> -> memref<32x128xf32, #tpu.memory_space<hbm>>
        %dma_wait3A_2081 = arith.constant 0 : i32
        %dma_wait3A_2082 = arith.constant 0 : i32
        %dma_wait3A_2083 = tpu.memref_slice %arg24[%dma_wait3A_2081, %dma_wait3A_2076, %dma_wait3A_2082] : memref<16384x10x128xf32, #tpu.memory_space<hbm>> -> memref<32x1x128xf32, #tpu.memory_space<hbm>>
        %dma_wait3A_2084 = tpu.memref_squeeze %dma_wait3A_2083 : memref<32x1x128xf32, #tpu.memory_space<hbm>> -> memref<32x128xf32, #tpu.memory_space<hbm>>
        tpu.wait_dma2 semaphore(%arg39 : memref<!tpu.dma_semaphore, #tpu.memory_space<semaphore_mem>>) src(%arg35 : memref<32x128xf32, #tpu.memory_space<vmem>>) dst(%dma_wait3A_2084 : memref<32x128xf32, #tpu.memory_space<hbm>>)
        %dma_wait3A_2085 = arith.constant 7 : i32
        %dma_wait3A_2086 = arith.constant 0 : i32
        %dma_wait3A_2087 = arith.constant 0 : i32
        %dma_wait3A_2088 = tpu.memref_slice %arg24[%dma_wait3A_2086, %dma_wait3A_2085, %dma_wait3A_2087] : memref<16384x10x128xf32, #tpu.memory_space<hbm>> -> memref<32x1x128xf32, #tpu.memory_space<hbm>>
        %dma_wait3A_2089 = tpu.memref_squeeze %dma_wait3A_2088 : memref<32x1x128xf32, #tpu.memory_space<hbm>> -> memref<32x128xf32, #tpu.memory_space<hbm>>
        %dma_wait3A_2090 = arith.constant 0 : i32
        %dma_wait3A_2091 = arith.constant 0 : i32
        %dma_wait3A_2092 = tpu.memref_slice %arg24[%dma_wait3A_2090, %dma_wait3A_2085, %dma_wait3A_2091] : memref<16384x10x128xf32, #tpu.memory_space<hbm>> -> memref<32x1x128xf32, #tpu.memory_space<hbm>>
        %dma_wait3A_2093 = tpu.memref_squeeze %dma_wait3A_2092 : memref<32x1x128xf32, #tpu.memory_space<hbm>> -> memref<32x128xf32, #tpu.memory_space<hbm>>
        tpu.wait_dma2 semaphore(%arg39 : memref<!tpu.dma_semaphore, #tpu.memory_space<semaphore_mem>>) src(%arg36 : memref<32x128xf32, #tpu.memory_space<vmem>>) dst(%dma_wait3A_2093 : memref<32x128xf32, #tpu.memory_space<hbm>>)
        %dma_wait3A_2094 = arith.constant 8 : i32
        %dma_wait3A_2095 = arith.constant 0 : i32
        %dma_wait3A_2096 = arith.constant 0 : i32
        %dma_wait3A_2097 = tpu.memref_slice %arg24[%dma_wait3A_2095, %dma_wait3A_2094, %dma_wait3A_2096] : memref<16384x10x128xf32, #tpu.memory_space<hbm>> -> memref<32x1x128xf32, #tpu.memory_space<hbm>>
        %dma_wait3A_2098 = tpu.memref_squeeze %dma_wait3A_2097 : memref<32x1x128xf32, #tpu.memory_space<hbm>> -> memref<32x128xf32, #tpu.memory_space<hbm>>
        %dma_wait3A_2099 = arith.constant 0 : i32
        %dma_wait3A_2100 = arith.constant 0 : i32
        %dma_wait3A_2101 = tpu.memref_slice %arg24[%dma_wait3A_2099, %dma_wait3A_2094, %dma_wait3A_2100] : memref<16384x10x128xf32, #tpu.memory_space<hbm>> -> memref<32x1x128xf32, #tpu.memory_space<hbm>>
        %dma_wait3A_2102 = tpu.memref_squeeze %dma_wait3A_2101 : memref<32x1x128xf32, #tpu.memory_space<hbm>> -> memref<32x128xf32, #tpu.memory_space<hbm>>
        tpu.wait_dma2 semaphore(%arg39 : memref<!tpu.dma_semaphore, #tpu.memory_space<semaphore_mem>>) src(%arg37 : memref<32x128xf32, #tpu.memory_space<vmem>>) dst(%dma_wait3A_2102 : memref<32x128xf32, #tpu.memory_space<hbm>>)
        %dma_wait3A_2103 = arith.constant 9 : i32
        %dma_wait3A_2104 = arith.constant 0 : i32
        %dma_wait3A_2105 = arith.constant 0 : i32
        %dma_wait3A_2106 = tpu.memref_slice %arg24[%dma_wait3A_2104, %dma_wait3A_2103, %dma_wait3A_2105] : memref<16384x10x128xf32, #tpu.memory_space<hbm>> -> memref<32x1x128xf32, #tpu.memory_space<hbm>>
        %dma_wait3A_2107 = tpu.memref_squeeze %dma_wait3A_2106 : memref<32x1x128xf32, #tpu.memory_space<hbm>> -> memref<32x128xf32, #tpu.memory_space<hbm>>
        %dma_wait3A_2108 = arith.constant 0 : i32
        %dma_wait3A_2109 = arith.constant 0 : i32
        %dma_wait3A_2110 = tpu.memref_slice %arg24[%dma_wait3A_2108, %dma_wait3A_2103, %dma_wait3A_2109] : memref<16384x10x128xf32, #tpu.memory_space<hbm>> -> memref<32x1x128xf32, #tpu.memory_space<hbm>>
        %dma_wait3A_2111 = tpu.memref_squeeze %dma_wait3A_2110 : memref<32x1x128xf32, #tpu.memory_space<hbm>> -> memref<32x128xf32, #tpu.memory_space<hbm>>
        tpu.wait_dma2 semaphore(%arg39 : memref<!tpu.dma_semaphore, #tpu.memory_space<semaphore_mem>>) src(%arg38 : memref<32x128xf32, #tpu.memory_space<vmem>>) dst(%dma_wait3A_2111 : memref<32x128xf32, #tpu.memory_space<hbm>>)
      } else {
      }
      %get3A_1464 = arith.constant 1 : i32
      %get3A_1465 = arith.index_cast %get3A_1464 : i32 to index
      %get3A_1466 = arith.constant 0 : index
      %get3A_1467 = tpu.vector_load %arg25[%get3A_1465, %get3A_1466] {strides = array<i32>} : memref<48x128xf32, #tpu.memory_space<vmem>>, vector<16xf32>,
      %get3A_1468 = arith.constant 1 : i32
      %get3A_1469 = arith.index_cast %get3A_1468 : i32 to index
      %get3A_1470 = arith.constant 16 : index
      %get3A_1471 = tpu.vector_load %arg25[%get3A_1469, %get3A_1470] {strides = array<i32>} : memref<48x128xf32, #tpu.memory_space<vmem>>, vector<16xf32>,
      %get3A_1472 = arith.constant 1 : i32
      %get3A_1473 = arith.index_cast %get3A_1472 : i32 to index
      %get3A_1474 = arith.constant 32 : index
      %get3A_1475 = tpu.vector_load %arg25[%get3A_1473, %get3A_1474] {strides = array<i32>} : memref<48x128xf32, #tpu.memory_space<vmem>>, vector<16xf32>,
      %get3A_1476 = arith.constant 1 : i32
      %get3A_1477 = arith.index_cast %get3A_1476 : i32 to index
      %get3A_1478 = arith.constant 48 : index
      %get3A_1479 = tpu.vector_load %arg25[%get3A_1477, %get3A_1478] {strides = array<i32>} : memref<48x128xf32, #tpu.memory_space<vmem>>, vector<16xf32>,
      %get3A_1480 = arith.constant 1 : i32
      %get3A_1481 = arith.index_cast %get3A_1480 : i32 to index
      %get3A_1482 = arith.constant 64 : index
      %get3A_1483 = tpu.vector_load %arg25[%get3A_1481, %get3A_1482] {strides = array<i32>} : memref<48x128xf32, #tpu.memory_space<vmem>>, vector<16xf32>,
      %get3A_1484 = arith.constant 1 : i32
      %get3A_1485 = arith.index_cast %get3A_1484 : i32 to index
      %get3A_1486 = arith.constant 80 : index
      %get3A_1487 = tpu.vector_load %arg25[%get3A_1485, %get3A_1486] {strides = array<i32>} : memref<48x128xf32, #tpu.memory_space<vmem>>, vector<16xf32>,
      %get3A_1488 = arith.constant 1 : i32
      %get3A_1489 = arith.index_cast %get3A_1488 : i32 to index
      %get3A_1490 = arith.constant 96 : index
      %get3A_1491 = tpu.vector_load %arg25[%get3A_1489, %get3A_1490] {strides = array<i32>} : memref<48x128xf32, #tpu.memory_space<vmem>>, vector<16xf32>,
      %get3A_1492 = arith.constant 1 : i32
      %get3A_1493 = arith.index_cast %get3A_1492 : i32 to index
      %get3A_1494 = arith.constant 112 : index
      %get3A_1495 = tpu.vector_load %arg25[%get3A_1493, %get3A_1494] {strides = array<i32>} : memref<48x128xf32, #tpu.memory_space<vmem>>, vector<16xf32>,
      %get3A_1496 = arith.constant 46 : i32
      %get3A_1497 = arith.index_cast %get3A_1496 : i32 to index
      %get3A_1498 = arith.constant 0 : index
      %get3A_1499 = tpu.vector_load %arg25[%get3A_1497, %get3A_1498] {strides = array<i32>} : memref<48x128xf32, #tpu.memory_space<vmem>>, vector<16xf32>,
      %get3A_1500 = arith.constant 46 : i32
      %get3A_1501 = arith.index_cast %get3A_1500 : i32 to index
      %get3A_1502 = arith.constant 16 : index
      %get3A_1503 = tpu.vector_load %arg25[%get3A_1501, %get3A_1502] {strides = array<i32>} : memref<48x128xf32, #tpu.memory_space<vmem>>, vector<16xf32>,
      %get3A_1504 = arith.constant 46 : i32
      %get3A_1505 = arith.index_cast %get3A_1504 : i32 to index
      %get3A_1506 = arith.constant 32 : index
      %get3A_1507 = tpu.vector_load %arg25[%get3A_1505, %get3A_1506] {strides = array<i32>} : memref<48x128xf32, #tpu.memory_space<vmem>>, vector<16xf32>,
      %get3A_1508 = arith.constant 46 : i32
      %get3A_1509 = arith.index_cast %get3A_1508 : i32 to index
      %get3A_1510 = arith.constant 48 : index
      %get3A_1511 = tpu.vector_load %arg25[%get3A_1509, %get3A_1510] {strides = array<i32>} : memref<48x128xf32, #tpu.memory_space<vmem>>, vector<16xf32>,
      %get3A_1512 = arith.constant 46 : i32
      %get3A_1513 = arith.index_cast %get3A_1512 : i32 to index
      %get3A_1514 = arith.constant 64 : index
      %get3A_1515 = tpu.vector_load %arg25[%get3A_1513, %get3A_1514] {strides = array<i32>} : memref<48x128xf32, #tpu.memory_space<vmem>>, vector<16xf32>,
      %get3A_1516 = arith.constant 46 : i32
      %get3A_1517 = arith.index_cast %get3A_1516 : i32 to index
      %get3A_1518 = arith.constant 80 : index
      %get3A_1519 = tpu.vector_load %arg25[%get3A_1517, %get3A_1518] {strides = array<i32>} : memref<48x128xf32, #tpu.memory_space<vmem>>, vector<16xf32>,
      %get3A_1520 = arith.constant 46 : i32
      %get3A_1521 = arith.index_cast %get3A_1520 : i32 to index
      %get3A_1522 = arith.constant 96 : index
      %get3A_1523 = tpu.vector_load %arg25[%get3A_1521, %get3A_1522] {strides = array<i32>} : memref<48x128xf32, #tpu.memory_space<vmem>>, vector<16xf32>,
      %get3A_1524 = arith.constant 46 : i32
      %get3A_1525 = arith.index_cast %get3A_1524 : i32 to index
      %get3A_1526 = arith.constant 112 : index
      %get3A_1527 = tpu.vector_load %arg25[%get3A_1525, %get3A_1526] {strides = array<i32>} : memref<48x128xf32, #tpu.memory_space<vmem>>, vector<16xf32>,
      %get3A_1528 = arith.constant 2 : i32
      %get3A_1529 = arith.index_cast %get3A_1528 : i32 to index
      %get3A_1530 = arith.constant 0 : index
      %get3A_1531 = tpu.vector_load %arg25[%get3A_1529, %get3A_1530] {strides = array<i32>} : memref<48x128xf32, #tpu.memory_space<vmem>>, vector<16xf32>,
      %get3A_1532 = arith.constant 2 : i32
      %get3A_1533 = arith.index_cast %get3A_1532 : i32 to index
      %get3A_1534 = arith.constant 16 : index
      %get3A_1535 = tpu.vector_load %arg25[%get3A_1533, %get3A_1534] {strides = array<i32>} : memref<48x128xf32, #tpu.memory_space<vmem>>, vector<16xf32>,
      %get3A_1536 = arith.constant 2 : i32
      %get3A_1537 = arith.index_cast %get3A_1536 : i32 to index
      %get3A_1538 = arith.constant 32 : index
      %get3A_1539 = tpu.vector_load %arg25[%get3A_1537, %get3A_1538] {strides = array<i32>} : memref<48x128xf32, #tpu.memory_space<vmem>>, vector<16xf32>,
      %get3A_1540 = arith.constant 2 : i32
      %get3A_1541 = arith.index_cast %get3A_1540 : i32 to index
      %get3A_1542 = arith.constant 48 : index
      %get3A_1543 = tpu.vector_load %arg25[%get3A_1541, %get3A_1542] {strides = array<i32>} : memref<48x128xf32, #tpu.memory_space<vmem>>, vector<16xf32>,
      %get3A_1544 = arith.constant 2 : i32
      %get3A_1545 = arith.index_cast %get3A_1544 : i32 to index
      %get3A_1546 = arith.constant 64 : index
      %get3A_1547 = tpu.vector_load %arg25[%get3A_1545, %get3A_1546] {strides = array<i32>} : memref<48x128xf32, #tpu.memory_space<vmem>>, vector<16xf32>,
      %get3A_1548 = arith.constant 2 : i32
      %get3A_1549 = arith.index_cast %get3A_1548 : i32 to index
      %get3A_1550 = arith.constant 80 : index
      %get3A_1551 = tpu.vector_load %arg25[%get3A_1549, %get3A_1550] {strides = array<i32>} : memref<48x128xf32, #tpu.memory_space<vmem>>, vector<16xf32>,
      %get3A_1552 = arith.constant 2 : i32
      %get3A_1553 = arith.index_cast %get3A_1552 : i32 to index
      %get3A_1554 = arith.constant 96 : index
      %get3A_1555 = tpu.vector_load %arg25[%get3A_1553, %get3A_1554] {strides = array<i32>} : memref<48x128xf32, #tpu.memory_space<vmem>>, vector<16xf32>,
      %get3A_1556 = arith.constant 2 : i32
      %get3A_1557 = arith.index_cast %get3A_1556 : i32 to index
      %get3A_1558 = arith.constant 112 : index
      %get3A_1559 = tpu.vector_load %arg25[%get3A_1557, %get3A_1558] {strides = array<i32>} : memref<48x128xf32, #tpu.memory_space<vmem>>, vector<16xf32>,
      %get3A_1560 = arith.constant 47 : i32
      %get3A_1561 = arith.index_cast %get3A_1560 : i32 to index
      %get3A_1562 = arith.constant 0 : index
      %get3A_1563 = tpu.vector_load %arg25[%get3A_1561, %get3A_1562] {strides = array<i32>} : memref<48x128xf32, #tpu.memory_space<vmem>>, vector<16xf32>,
      %get3A_1564 = arith.constant 47 : i32
      %get3A_1565 = arith.index_cast %get3A_1564 : i32 to index
      %get3A_1566 = arith.constant 16 : index
      %get3A_1567 = tpu.vector_load %arg25[%get3A_1565, %get3A_1566] {strides = array<i32>} : memref<48x128xf32, #tpu.memory_space<vmem>>, vector<16xf32>,
      %get3A_1568 = arith.constant 47 : i32
      %get3A_1569 = arith.index_cast %get3A_1568 : i32 to index
      %get3A_1570 = arith.constant 32 : index
      %get3A_1571 = tpu.vector_load %arg25[%get3A_1569, %get3A_1570] {strides = array<i32>} : memref<48x128xf32, #tpu.memory_space<vmem>>, vector<16xf32>,
      %get3A_1572 = arith.constant 47 : i32
      %get3A_1573 = arith.index_cast %get3A_1572 : i32 to index
      %get3A_1574 = arith.constant 48 : index
      %get3A_1575 = tpu.vector_load %arg25[%get3A_1573, %get3A_1574] {strides = array<i32>} : memref<48x128xf32, #tpu.memory_space<vmem>>, vector<16xf32>,
      %get3A_1576 = arith.constant 47 : i32
      %get3A_1577 = arith.index_cast %get3A_1576 : i32 to index
      %get3A_1578 = arith.constant 64 : index
      %get3A_1579 = tpu.vector_load %arg25[%get3A_1577, %get3A_1578] {strides = array<i32>} : memref<48x128xf32, #tpu.memory_space<vmem>>, vector<16xf32>,
      %get3A_1580 = arith.constant 47 : i32
      %get3A_1581 = arith.index_cast %get3A_1580 : i32 to index
      %get3A_1582 = arith.constant 80 : index
      %get3A_1583 = tpu.vector_load %arg25[%get3A_1581, %get3A_1582] {strides = array<i32>} : memref<48x128xf32, #tpu.memory_space<vmem>>, vector<16xf32>,
      %get3A_1584 = arith.constant 47 : i32
      %get3A_1585 = arith.index_cast %get3A_1584 : i32 to index
      %get3A_1586 = arith.constant 96 : index
      %get3A_1587 = tpu.vector_load %arg25[%get3A_1585, %get3A_1586] {strides = array<i32>} : memref<48x128xf32, #tpu.memory_space<vmem>>, vector<16xf32>,
      %get3A_1588 = arith.constant 47 : i32
      %get3A_1589 = arith.index_cast %get3A_1588 : i32 to index
      %get3A_1590 = arith.constant 112 : index
      %get3A_1591 = tpu.vector_load %arg25[%get3A_1589, %get3A_1590] {strides = array<i32>} : memref<48x128xf32, #tpu.memory_space<vmem>>, vector<16xf32>,
      %parallel_loop3A = arith.constant 0 : i32
      %parallel_loop3A_1592 = arith.constant 32 : i32
      %parallel_loop3A_1593 = arith.constant 1 : i32
      scf.for %parallel_loop3A_2022 = %parallel_loop3A to %parallel_loop3A_1592 step %parallel_loop3A_1593  : i32 {
        %parallel_loop3A_2023 = vector.broadcast %mul3A_1460 : i32 to vector<16xi32>
        %parallel_loop3A_2024 = vector.broadcast %parallel_loop3A_2022 : i32 to vector<16xi32>
        %parallel_loop3A_2025 = arith.addi %parallel_loop3A_2023, %parallel_loop3A_2024 : vector<16xi32>
        %parallel_loop3A_2026 = arith.constant 0 : i32
        %parallel_loop3A_2027 = vector.broadcast %parallel_loop3A_2026 : i32 to vector<16xi32>
        %parallel_loop3A_2028 = tpu.vector_load_idx %arg27[%parallel_loop3A_2027, %parallel_loop3A_2025] : memref<2x512xf32, #tpu.memory_space<vmem>>[vector<16xi32>, vector<16xi32>], vector<16xf32>,
        %parallel_loop3A_2029 = arith.constant 1 : i32
        %parallel_loop3A_2030 = vector.broadcast %parallel_loop3A_2029 : i32 to vector<16xi32>
        %parallel_loop3A_2031 = tpu.vector_load_idx %arg27[%parallel_loop3A_2030, %parallel_loop3A_2025] : memref<2x512xf32, #tpu.memory_space<vmem>>[vector<16xi32>, vector<16xi32>], vector<16xf32>,
        %parallel_loop3A_2032 = arith.constant 0 : i32
        %parallel_loop3A_2033 = vector.broadcast %parallel_loop3A_2032 : i32 to vector<16xi32>
        %parallel_loop3A_2034 = tpu.vector_load_idx %arg26[%parallel_loop3A_2033, %parallel_loop3A_2025] : memref<6x512xi32, #tpu.memory_space<vmem>>[vector<16xi32>, vector<16xi32>], vector<16xi32>,
        %parallel_loop3A_2035 = vector.extract_strided_slice %parallel_loop3A_2034 {offsets = [0], sizes = [1], strides = [1]} : vector<16xi32> to vector<1xi32>
        %parallel_loop3A_2036 = vector.extract %parallel_loop3A_2035[0] : i32 from vector<1xi32>
        %parallel_loop3A_2037 = arith.constant 3 : i32
        %parallel_loop3A_2038 = arith.addi %parallel_loop3A_2036, %parallel_loop3A_2037 : i32
        %parallel_loop3A_2039 = arith.constant 1 : i32
        %parallel_loop3A_2040 = vector.broadcast %parallel_loop3A_2039 : i32 to vector<16xi32>
        %parallel_loop3A_2041 = tpu.vector_load_idx %arg26[%parallel_loop3A_2040, %parallel_loop3A_2025] : memref<6x512xi32, #tpu.memory_space<vmem>>[vector<16xi32>, vector<16xi32>], vector<16xi32>,
        %parallel_loop3A_2042 = vector.extract_strided_slice %parallel_loop3A_2041 {offsets = [0], sizes = [1], strides = [1]} : vector<16xi32> to vector<1xi32>
        %parallel_loop3A_2043 = vector.extract %parallel_loop3A_2042[0] : i32 from vector<1xi32>
        %parallel_loop3A_2044 = arith.constant 6 : i32
        %parallel_loop3A_2045 = arith.addi %parallel_loop3A_2043, %parallel_loop3A_2044 : i32
        %parallel_loop3A_2046 = arith.constant 2 : i32
        %parallel_loop3A_2047 = vector.broadcast %parallel_loop3A_2046 : i32 to vector<16xi32>
        %parallel_loop3A_2048 = tpu.vector_load_idx %arg26[%parallel_loop3A_2047, %parallel_loop3A_2025] : memref<6x512xi32, #tpu.memory_space<vmem>>[vector<16xi32>, vector<16xi32>], vector<16xi32>,
        %parallel_loop3A_2049 = vector.extract_strided_slice %parallel_loop3A_2048 {offsets = [0], sizes = [1], strides = [1]} : vector<16xi32> to vector<1xi32>
        %parallel_loop3A_2050 = vector.extract %parallel_loop3A_2049[0] : i32 from vector<1xi32>
        %parallel_loop3A_2051 = arith.constant 9 : i32
        %parallel_loop3A_2052 = arith.addi %parallel_loop3A_2050, %parallel_loop3A_2051 : i32
        %parallel_loop3A_2053 = arith.constant 3 : i32
        %parallel_loop3A_2054 = vector.broadcast %parallel_loop3A_2053 : i32 to vector<16xi32>
        %parallel_loop3A_2055 = tpu.vector_load_idx %arg26[%parallel_loop3A_2054, %parallel_loop3A_2025] : memref<6x512xi32, #tpu.memory_space<vmem>>[vector<16xi32>, vector<16xi32>], vector<16xi32>,
        %parallel_loop3A_2056 = vector.extract_strided_slice %parallel_loop3A_2055 {offsets = [0], sizes = [1], strides = [1]} : vector<16xi32> to vector<1xi32>
        %parallel_loop3A_2057 = vector.extract %parallel_loop3A_2056[0] : i32 from vector<1xi32>
        %parallel_loop3A_2058 = arith.constant 12 : i32
        %parallel_loop3A_2059 = arith.addi %parallel_loop3A_2057, %parallel_loop3A_2058 : i32
        %parallel_loop3A_2060 = arith.constant 4 : i32
        %parallel_loop3A_2061 = vector.broadcast %parallel_loop3A_2060 : i32 to vector<16xi32>
        %parallel_loop3A_2062 = tpu.vector_load_idx %arg26[%parallel_loop3A_2061, %parallel_loop3A_2025] : memref<6x512xi32, #tpu.memory_space<vmem>>[vector<16xi32>, vector<16xi32>], vector<16xi32>,
        %parallel_loop3A_2063 = vector.extract_strided_slice %parallel_loop3A_2062 {offsets = [0], sizes = [1], strides = [1]} : vector<16xi32> to vector<1xi32>
        %parallel_loop3A_2064 = vector.extract %parallel_loop3A_2063[0] : i32 from vector<1xi32>
        %parallel_loop3A_2065 = arith.constant 15 : i32
        %parallel_loop3A_2066 = arith.addi %parallel_loop3A_2064, %parallel_loop3A_2065 : i32
        %parallel_loop3A_2067 = arith.constant 5 : i32
        %parallel_loop3A_2068 = vector.broadcast %parallel_loop3A_2067 : i32 to vector<16xi32>
        %parallel_loop3A_2069 = tpu.vector_load_idx %arg26[%parallel_loop3A_2068, %parallel_loop3A_2025] : memref<6x512xi32, #tpu.memory_space<vmem>>[vector<16xi32>, vector<16xi32>], vector<16xi32>,
        %parallel_loop3A_2070 = vector.extract_strided_slice %parallel_loop3A_2069 {offsets = [0], sizes = [1], strides = [1]} : vector<16xi32> to vector<1xi32>
        %parallel_loop3A_2071 = vector.extract %parallel_loop3A_2070[0] : i32 from vector<1xi32>
        %parallel_loop3A_2072 = arith.constant 25 : i32
        %parallel_loop3A_2073 = arith.addi %parallel_loop3A_2071, %parallel_loop3A_2072 : i32
        %parallel_loop3A_2074 = arith.mulf %get3A_1467, %parallel_loop3A_2028 : vector<16xf32>
        %parallel_loop3A_2075 = arith.addf %parallel_loop3A_2074, %get3A_1499 : vector<16xf32>
        %parallel_loop3A_2076 = arith.index_cast %parallel_loop3A_2022 : i32 to index
        %parallel_loop3A_2077 = arith.constant 0 : index
        %parallel_loop3A_2078 = tpu.vector_load %arg30[%parallel_loop3A_2076, %parallel_loop3A_2077] {strides = array<i32>} : memref<32x128xf32, #tpu.memory_space<vmem>>, vector<16xf32>,
        tpu.vector_store %arg30[%parallel_loop3A_2076, %parallel_loop3A_2077], %parallel_loop3A_2075 {strides = array<i32>} : memref<32x128xf32, #tpu.memory_space<vmem>>, vector<16xf32>,
        %parallel_loop3A_2079 = arith.mulf %get3A_1531, %parallel_loop3A_2031 : vector<16xf32>
        %parallel_loop3A_2080 = arith.addf %parallel_loop3A_2079, %get3A_1563 : vector<16xf32>
        %parallel_loop3A_2081 = arith.index_cast %parallel_loop3A_2022 : i32 to index
        %parallel_loop3A_2082 = arith.constant 0 : index
        %parallel_loop3A_2083 = tpu.vector_load %arg31[%parallel_loop3A_2081, %parallel_loop3A_2082] {strides = array<i32>} : memref<32x128xf32, #tpu.memory_space<vmem>>, vector<16xf32>,
        tpu.vector_store %arg31[%parallel_loop3A_2081, %parallel_loop3A_2082], %parallel_loop3A_2080 {strides = array<i32>} : memref<32x128xf32, #tpu.memory_space<vmem>>, vector<16xf32>,
        %parallel_loop3A_2084 = arith.index_cast %parallel_loop3A_2038 : i32 to index
        %parallel_loop3A_2085 = arith.constant 0 : index
        %parallel_loop3A_2086 = tpu.vector_load %arg25[%parallel_loop3A_2084, %parallel_loop3A_2085] {strides = array<i32>} : memref<48x128xf32, #tpu.memory_space<vmem>>, vector<16xf32>,
        %parallel_loop3A_2087 = arith.index_cast %parallel_loop3A_2022 : i32 to index
        %parallel_loop3A_2088 = arith.constant 0 : index
        %parallel_loop3A_2089 = tpu.vector_load %arg32[%parallel_loop3A_2087, %parallel_loop3A_2088] {strides = array<i32>} : memref<32x128xf32, #tpu.memory_space<vmem>>, vector<16xf32>,
        tpu.vector_store %arg32[%parallel_loop3A_2087, %parallel_loop3A_2088], %parallel_loop3A_2086 {strides = array<i32>} : memref<32x128xf32, #tpu.memory_space<vmem>>, vector<16xf32>,
        %parallel_loop3A_2090 = arith.index_cast %parallel_loop3A_2045 : i32 to index
        %parallel_loop3A_2091 = arith.constant 0 : index
        %parallel_loop3A_2092 = tpu.vector_load %arg25[%parallel_loop3A_2090, %parallel_loop3A_2091] {strides = array<i32>} : memref<48x128xf32, #tpu.memory_space<vmem>>, vector<16xf32>,
        %parallel_loop3A_2093 = arith.index_cast %parallel_loop3A_2022 : i32 to index
        %parallel_loop3A_2094 = arith.constant 0 : index
        %parallel_loop3A_2095 = tpu.vector_load %arg33[%parallel_loop3A_2093, %parallel_loop3A_2094] {strides = array<i32>} : memref<32x128xf32, #tpu.memory_space<vmem>>, vector<16xf32>,
        tpu.vector_store %arg33[%parallel_loop3A_2093, %parallel_loop3A_2094], %parallel_loop3A_2092 {strides = array<i32>} : memref<32x128xf32, #tpu.memory_space<vmem>>, vector<16xf32>,
        %parallel_loop3A_2096 = arith.index_cast %parallel_loop3A_2052 : i32 to index
        %parallel_loop3A_2097 = arith.constant 0 : index
        %parallel_loop3A_2098 = tpu.vector_load %arg25[%parallel_loop3A_2096, %parallel_loop3A_2097] {strides = array<i32>} : memref<48x128xf32, #tpu.memory_space<vmem>>, vector<16xf32>,
        %parallel_loop3A_2099 = arith.index_cast %parallel_loop3A_2022 : i32 to index
        %parallel_loop3A_2100 = arith.constant 0 : index
        %parallel_loop3A_2101 = tpu.vector_load %arg34[%parallel_loop3A_2099, %parallel_loop3A_2100] {strides = array<i32>} : memref<32x128xf32, #tpu.memory_space<vmem>>, vector<16xf32>,
        tpu.vector_store %arg34[%parallel_loop3A_2099, %parallel_loop3A_2100], %parallel_loop3A_2098 {strides = array<i32>} : memref<32x128xf32, #tpu.memory_space<vmem>>, vector<16xf32>,
        %parallel_loop3A_2102 = arith.index_cast %parallel_loop3A_2059 : i32 to index
        %parallel_loop3A_2103 = arith.constant 0 : index
        %parallel_loop3A_2104 = tpu.vector_load %arg25[%parallel_loop3A_2102, %parallel_loop3A_2103] {strides = array<i32>} : memref<48x128xf32, #tpu.memory_space<vmem>>, vector<16xf32>,
        %parallel_loop3A_2105 = arith.index_cast %parallel_loop3A_2022 : i32 to index
        %parallel_loop3A_2106 = arith.constant 0 : index
        %parallel_loop3A_2107 = tpu.vector_load %arg35[%parallel_loop3A_2105, %parallel_loop3A_2106] {strides = array<i32>} : memref<32x128xf32, #tpu.memory_space<vmem>>, vector<16xf32>,
        tpu.vector_store %arg35[%parallel_loop3A_2105, %parallel_loop3A_2106], %parallel_loop3A_2104 {strides = array<i32>} : memref<32x128xf32, #tpu.memory_space<vmem>>, vector<16xf32>,
        %parallel_loop3A_2108 = arith.index_cast %parallel_loop3A_2066 : i32 to index
        %parallel_loop3A_2109 = arith.constant 0 : index
        %parallel_loop3A_2110 = tpu.vector_load %arg25[%parallel_loop3A_2108, %parallel_loop3A_2109] {strides = array<i32>} : memref<48x128xf32, #tpu.memory_space<vmem>>, vector<16xf32>,
        %parallel_loop3A_2111 = arith.index_cast %parallel_loop3A_2022 : i32 to index
        %parallel_loop3A_2112 = arith.constant 0 : index
        %parallel_loop3A_2113 = tpu.vector_load %arg36[%parallel_loop3A_2111, %parallel_loop3A_2112] {strides = array<i32>} : memref<32x128xf32, #tpu.memory_space<vmem>>, vector<16xf32>,
        tpu.vector_store %arg36[%parallel_loop3A_2111, %parallel_loop3A_2112], %parallel_loop3A_2110 {strides = array<i32>} : memref<32x128xf32, #tpu.memory_space<vmem>>, vector<16xf32>,
        %parallel_loop3A_2114 = arith.index_cast %parallel_loop3A_2073 : i32 to index
        %parallel_loop3A_2115 = arith.constant 0 : index
        %parallel_loop3A_2116 = tpu.vector_load %arg25[%parallel_loop3A_2114, %parallel_loop3A_2115] {strides = array<i32>} : memref<48x128xf32, #tpu.memory_space<vmem>>, vector<16xf32>,
        %parallel_loop3A_2117 = arith.index_cast %parallel_loop3A_2022 : i32 to index
        %parallel_loop3A_2118 = arith.constant 0 : index
        %parallel_loop3A_2119 = tpu.vector_load %arg37[%parallel_loop3A_2117, %parallel_loop3A_2118] {strides = array<i32>} : memref<32x128xf32, #tpu.memory_space<vmem>>, vector<16xf32>,
        tpu.vector_store %arg37[%parallel_loop3A_2117, %parallel_loop3A_2118], %parallel_loop3A_2116 {strides = array<i32>} : memref<32x128xf32, #tpu.memory_space<vmem>>, vector<16xf32>,
        %parallel_loop3A_2120 = arith.mulf %get3A_1471, %parallel_loop3A_2028 : vector<16xf32>
        %parallel_loop3A_2121 = arith.addf %parallel_loop3A_2120, %get3A_1503 : vector<16xf32>
        %parallel_loop3A_2122 = arith.index_cast %parallel_loop3A_2022 : i32 to index
        %parallel_loop3A_2123 = arith.constant 16 : index
        %parallel_loop3A_2124 = tpu.vector_load %arg30[%parallel_loop3A_2122, %parallel_loop3A_2123] {strides = array<i32>} : memref<32x128xf32, #tpu.memory_space<vmem>>, vector<16xf32>,
        tpu.vector_store %arg30[%parallel_loop3A_2122, %parallel_loop3A_2123], %parallel_loop3A_2121 {strides = array<i32>} : memref<32x128xf32, #tpu.memory_space<vmem>>, vector<16xf32>,
        %parallel_loop3A_2125 = arith.mulf %get3A_1535, %parallel_loop3A_2031 : vector<16xf32>
        %parallel_loop3A_2126 = arith.addf %parallel_loop3A_2125, %get3A_1567 : vector<16xf32>
        %parallel_loop3A_2127 = arith.index_cast %parallel_loop3A_2022 : i32 to index
        %parallel_loop3A_2128 = arith.constant 16 : index
        %parallel_loop3A_2129 = tpu.vector_load %arg31[%parallel_loop3A_2127, %parallel_loop3A_2128] {strides = array<i32>} : memref<32x128xf32, #tpu.memory_space<vmem>>, vector<16xf32>,
        tpu.vector_store %arg31[%parallel_loop3A_2127, %parallel_loop3A_2128], %parallel_loop3A_2126 {strides = array<i32>} : memref<32x128xf32, #tpu.memory_space<vmem>>, vector<16xf32>,
        %parallel_loop3A_2130 = arith.index_cast %parallel_loop3A_2038 : i32 to index
        %parallel_loop3A_2131 = arith.constant 16 : index
        %parallel_loop3A_2132 = tpu.vector_load %arg25[%parallel_loop3A_2130, %parallel_loop3A_2131] {strides = array<i32>} : memref<48x128xf32, #tpu.memory_space<vmem>>, vector<16xf32>,
        %parallel_loop3A_2133 = arith.index_cast %parallel_loop3A_2022 : i32 to index
        %parallel_loop3A_2134 = arith.constant 16 : index
        %parallel_loop3A_2135 = tpu.vector_load %arg32[%parallel_loop3A_2133, %parallel_loop3A_2134] {strides = array<i32>} : memref<32x128xf32, #tpu.memory_space<vmem>>, vector<16xf32>,
        tpu.vector_store %arg32[%parallel_loop3A_2133, %parallel_loop3A_2134], %parallel_loop3A_2132 {strides = array<i32>} : memref<32x128xf32, #tpu.memory_space<vmem>>, vector<16xf32>,
        %parallel_loop3A_2136 = arith.index_cast %parallel_loop3A_2045 : i32 to index
        %parallel_loop3A_2137 = arith.constant 16 : index
        %parallel_loop3A_2138 = tpu.vector_load %arg25[%parallel_loop3A_2136, %parallel_loop3A_2137] {strides = array<i32>} : memref<48x128xf32, #tpu.memory_space<vmem>>, vector<16xf32>,
        %parallel_loop3A_2139 = arith.index_cast %parallel_loop3A_2022 : i32 to index
        %parallel_loop3A_2140 = arith.constant 16 : index
        %parallel_loop3A_2141 = tpu.vector_load %arg33[%parallel_loop3A_2139, %parallel_loop3A_2140] {strides = array<i32>} : memref<32x128xf32, #tpu.memory_space<vmem>>, vector<16xf32>,
        tpu.vector_store %arg33[%parallel_loop3A_2139, %parallel_loop3A_2140], %parallel_loop3A_2138 {strides = array<i32>} : memref<32x128xf32, #tpu.memory_space<vmem>>, vector<16xf32>,
        %parallel_loop3A_2142 = arith.index_cast %parallel_loop3A_2052 : i32 to index
        %parallel_loop3A_2143 = arith.constant 16 : index
        %parallel_loop3A_2144 = tpu.vector_load %arg25[%parallel_loop3A_2142, %parallel_loop3A_2143] {strides = array<i32>} : memref<48x128xf32, #tpu.memory_space<vmem>>, vector<16xf32>,
        %parallel_loop3A_2145 = arith.index_cast %parallel_loop3A_2022 : i32 to index
        %parallel_loop3A_2146 = arith.constant 16 : index
        %parallel_loop3A_2147 = tpu.vector_load %arg34[%parallel_loop3A_2145, %parallel_loop3A_2146] {strides = array<i32>} : memref<32x128xf32, #tpu.memory_space<vmem>>, vector<16xf32>,
        tpu.vector_store %arg34[%parallel_loop3A_2145, %parallel_loop3A_2146], %parallel_loop3A_2144 {strides = array<i32>} : memref<32x128xf32, #tpu.memory_space<vmem>>, vector<16xf32>,
        %parallel_loop3A_2148 = arith.index_cast %parallel_loop3A_2059 : i32 to index
        %parallel_loop3A_2149 = arith.constant 16 : index
        %parallel_loop3A_2150 = tpu.vector_load %arg25[%parallel_loop3A_2148, %parallel_loop3A_2149] {strides = array<i32>} : memref<48x128xf32, #tpu.memory_space<vmem>>, vector<16xf32>,
        %parallel_loop3A_2151 = arith.index_cast %parallel_loop3A_2022 : i32 to index
        %parallel_loop3A_2152 = arith.constant 16 : index
        %parallel_loop3A_2153 = tpu.vector_load %arg35[%parallel_loop3A_2151, %parallel_loop3A_2152] {strides = array<i32>} : memref<32x128xf32, #tpu.memory_space<vmem>>, vector<16xf32>,
        tpu.vector_store %arg35[%parallel_loop3A_2151, %parallel_loop3A_2152], %parallel_loop3A_2150 {strides = array<i32>} : memref<32x128xf32, #tpu.memory_space<vmem>>, vector<16xf32>,
        %parallel_loop3A_2154 = arith.index_cast %parallel_loop3A_2066 : i32 to index
        %parallel_loop3A_2155 = arith.constant 16 : index
        %parallel_loop3A_2156 = tpu.vector_load %arg25[%parallel_loop3A_2154, %parallel_loop3A_2155] {strides = array<i32>} : memref<48x128xf32, #tpu.memory_space<vmem>>, vector<16xf32>,
        %parallel_loop3A_2157 = arith.index_cast %parallel_loop3A_2022 : i32 to index
        %parallel_loop3A_2158 = arith.constant 16 : index
        %parallel_loop3A_2159 = tpu.vector_load %arg36[%parallel_loop3A_2157, %parallel_loop3A_2158] {strides = array<i32>} : memref<32x128xf32, #tpu.memory_space<vmem>>, vector<16xf32>,
        tpu.vector_store %arg36[%parallel_loop3A_2157, %parallel_loop3A_2158], %parallel_loop3A_2156 {strides = array<i32>} : memref<32x128xf32, #tpu.memory_space<vmem>>, vector<16xf32>,
        %parallel_loop3A_2160 = arith.index_cast %parallel_loop3A_2073 : i32 to index
        %parallel_loop3A_2161 = arith.constant 16 : index
        %parallel_loop3A_2162 = tpu.vector_load %arg25[%parallel_loop3A_2160, %parallel_loop3A_2161] {strides = array<i32>} : memref<48x128xf32, #tpu.memory_space<vmem>>, vector<16xf32>,
        %parallel_loop3A_2163 = arith.index_cast %parallel_loop3A_2022 : i32 to index
        %parallel_loop3A_2164 = arith.constant 16 : index
        %parallel_loop3A_2165 = tpu.vector_load %arg37[%parallel_loop3A_2163, %parallel_loop3A_2164] {strides = array<i32>} : memref<32x128xf32, #tpu.memory_space<vmem>>, vector<16xf32>,
        tpu.vector_store %arg37[%parallel_loop3A_2163, %parallel_loop3A_2164], %parallel_loop3A_2162 {strides = array<i32>} : memref<32x128xf32, #tpu.memory_space<vmem>>, vector<16xf32>,
        %parallel_loop3A_2166 = arith.mulf %get3A_1475, %parallel_loop3A_2028 : vector<16xf32>
        %parallel_loop3A_2167 = arith.addf %parallel_loop3A_2166, %get3A_1507 : vector<16xf32>
        %parallel_loop3A_2168 = arith.index_cast %parallel_loop3A_2022 : i32 to index
        %parallel_loop3A_2169 = arith.constant 32 : index
        %parallel_loop3A_2170 = tpu.vector_load %arg30[%parallel_loop3A_2168, %parallel_loop3A_2169] {strides = array<i32>} : memref<32x128xf32, #tpu.memory_space<vmem>>, vector<16xf32>,
        tpu.vector_store %arg30[%parallel_loop3A_2168, %parallel_loop3A_2169], %parallel_loop3A_2167 {strides = array<i32>} : memref<32x128xf32, #tpu.memory_space<vmem>>, vector<16xf32>,
        %parallel_loop3A_2171 = arith.mulf %get3A_1539, %parallel_loop3A_2031 : vector<16xf32>
        %parallel_loop3A_2172 = arith.addf %parallel_loop3A_2171, %get3A_1571 : vector<16xf32>
        %parallel_loop3A_2173 = arith.index_cast %parallel_loop3A_2022 : i32 to index
        %parallel_loop3A_2174 = arith.constant 32 : index
        %parallel_loop3A_2175 = tpu.vector_load %arg31[%parallel_loop3A_2173, %parallel_loop3A_2174] {strides = array<i32>} : memref<32x128xf32, #tpu.memory_space<vmem>>, vector<16xf32>,
        tpu.vector_store %arg31[%parallel_loop3A_2173, %parallel_loop3A_2174], %parallel_loop3A_2172 {strides = array<i32>} : memref<32x128xf32, #tpu.memory_space<vmem>>, vector<16xf32>,
        %parallel_loop3A_2176 = arith.index_cast %parallel_loop3A_2038 : i32 to index
        %parallel_loop3A_2177 = arith.constant 32 : index
        %parallel_loop3A_2178 = tpu.vector_load %arg25[%parallel_loop3A_2176, %parallel_loop3A_2177] {strides = array<i32>} : memref<48x128xf32, #tpu.memory_space<vmem>>, vector<16xf32>,
        %parallel_loop3A_2179 = arith.index_cast %parallel_loop3A_2022 : i32 to index
        %parallel_loop3A_2180 = arith.constant 32 : index
        %parallel_loop3A_2181 = tpu.vector_load %arg32[%parallel_loop3A_2179, %parallel_loop3A_2180] {strides = array<i32>} : memref<32x128xf32, #tpu.memory_space<vmem>>, vector<16xf32>,
        tpu.vector_store %arg32[%parallel_loop3A_2179, %parallel_loop3A_2180], %parallel_loop3A_2178 {strides = array<i32>} : memref<32x128xf32, #tpu.memory_space<vmem>>, vector<16xf32>,
        %parallel_loop3A_2182 = arith.index_cast %parallel_loop3A_2045 : i32 to index
        %parallel_loop3A_2183 = arith.constant 32 : index
        %parallel_loop3A_2184 = tpu.vector_load %arg25[%parallel_loop3A_2182, %parallel_loop3A_2183] {strides = array<i32>} : memref<48x128xf32, #tpu.memory_space<vmem>>, vector<16xf32>,
        %parallel_loop3A_2185 = arith.index_cast %parallel_loop3A_2022 : i32 to index
        %parallel_loop3A_2186 = arith.constant 32 : index
        %parallel_loop3A_2187 = tpu.vector_load %arg33[%parallel_loop3A_2185, %parallel_loop3A_2186] {strides = array<i32>} : memref<32x128xf32, #tpu.memory_space<vmem>>, vector<16xf32>,
        tpu.vector_store %arg33[%parallel_loop3A_2185, %parallel_loop3A_2186], %parallel_loop3A_2184 {strides = array<i32>} : memref<32x128xf32, #tpu.memory_space<vmem>>, vector<16xf32>,
        %parallel_loop3A_2188 = arith.index_cast %parallel_loop3A_2052 : i32 to index
        %parallel_loop3A_2189 = arith.constant 32 : index
        %parallel_loop3A_2190 = tpu.vector_load %arg25[%parallel_loop3A_2188, %parallel_loop3A_2189] {strides = array<i32>} : memref<48x128xf32, #tpu.memory_space<vmem>>, vector<16xf32>,
        %parallel_loop3A_2191 = arith.index_cast %parallel_loop3A_2022 : i32 to index
        %parallel_loop3A_2192 = arith.constant 32 : index
        %parallel_loop3A_2193 = tpu.vector_load %arg34[%parallel_loop3A_2191, %parallel_loop3A_2192] {strides = array<i32>} : memref<32x128xf32, #tpu.memory_space<vmem>>, vector<16xf32>,
        tpu.vector_store %arg34[%parallel_loop3A_2191, %parallel_loop3A_2192], %parallel_loop3A_2190 {strides = array<i32>} : memref<32x128xf32, #tpu.memory_space<vmem>>, vector<16xf32>,
        %parallel_loop3A_2194 = arith.index_cast %parallel_loop3A_2059 : i32 to index
        %parallel_loop3A_2195 = arith.constant 32 : index
        %parallel_loop3A_2196 = tpu.vector_load %arg25[%parallel_loop3A_2194, %parallel_loop3A_2195] {strides = array<i32>} : memref<48x128xf32, #tpu.memory_space<vmem>>, vector<16xf32>,
        %parallel_loop3A_2197 = arith.index_cast %parallel_loop3A_2022 : i32 to index
        %parallel_loop3A_2198 = arith.constant 32 : index
        %parallel_loop3A_2199 = tpu.vector_load %arg35[%parallel_loop3A_2197, %parallel_loop3A_2198] {strides = array<i32>} : memref<32x128xf32, #tpu.memory_space<vmem>>, vector<16xf32>,
        tpu.vector_store %arg35[%parallel_loop3A_2197, %parallel_loop3A_2198], %parallel_loop3A_2196 {strides = array<i32>} : memref<32x128xf32, #tpu.memory_space<vmem>>, vector<16xf32>,
        %parallel_loop3A_2200 = arith.index_cast %parallel_loop3A_2066 : i32 to index
        %parallel_loop3A_2201 = arith.constant 32 : index
        %parallel_loop3A_2202 = tpu.vector_load %arg25[%parallel_loop3A_2200, %parallel_loop3A_2201] {strides = array<i32>} : memref<48x128xf32, #tpu.memory_space<vmem>>, vector<16xf32>,
        %parallel_loop3A_2203 = arith.index_cast %parallel_loop3A_2022 : i32 to index
        %parallel_loop3A_2204 = arith.constant 32 : index
        %parallel_loop3A_2205 = tpu.vector_load %arg36[%parallel_loop3A_2203, %parallel_loop3A_2204] {strides = array<i32>} : memref<32x128xf32, #tpu.memory_space<vmem>>, vector<16xf32>,
        tpu.vector_store %arg36[%parallel_loop3A_2203, %parallel_loop3A_2204], %parallel_loop3A_2202 {strides = array<i32>} : memref<32x128xf32, #tpu.memory_space<vmem>>, vector<16xf32>,
        %parallel_loop3A_2206 = arith.index_cast %parallel_loop3A_2073 : i32 to index
        %parallel_loop3A_2207 = arith.constant 32 : index
        %parallel_loop3A_2208 = tpu.vector_load %arg25[%parallel_loop3A_2206, %parallel_loop3A_2207] {strides = array<i32>} : memref<48x128xf32, #tpu.memory_space<vmem>>, vector<16xf32>,
        %parallel_loop3A_2209 = arith.index_cast %parallel_loop3A_2022 : i32 to index
        %parallel_loop3A_2210 = arith.constant 32 : index
        %parallel_loop3A_2211 = tpu.vector_load %arg37[%parallel_loop3A_2209, %parallel_loop3A_2210] {strides = array<i32>} : memref<32x128xf32, #tpu.memory_space<vmem>>, vector<16xf32>,
        tpu.vector_store %arg37[%parallel_loop3A_2209, %parallel_loop3A_2210], %parallel_loop3A_2208 {strides = array<i32>} : memref<32x128xf32, #tpu.memory_space<vmem>>, vector<16xf32>,
        %parallel_loop3A_2212 = arith.mulf %get3A_1479, %parallel_loop3A_2028 : vector<16xf32>
        %parallel_loop3A_2213 = arith.addf %parallel_loop3A_2212, %get3A_1511 : vector<16xf32>
        %parallel_loop3A_2214 = arith.index_cast %parallel_loop3A_2022 : i32 to index
        %parallel_loop3A_2215 = arith.constant 48 : index
        %parallel_loop3A_2216 = tpu.vector_load %arg30[%parallel_loop3A_2214, %parallel_loop3A_2215] {strides = array<i32>} : memref<32x128xf32, #tpu.memory_space<vmem>>, vector<16xf32>,
        tpu.vector_store %arg30[%parallel_loop3A_2214, %parallel_loop3A_2215], %parallel_loop3A_2213 {strides = array<i32>} : memref<32x128xf32, #tpu.memory_space<vmem>>, vector<16xf32>,
        %parallel_loop3A_2217 = arith.mulf %get3A_1543, %parallel_loop3A_2031 : vector<16xf32>
        %parallel_loop3A_2218 = arith.addf %parallel_loop3A_2217, %get3A_1575 : vector<16xf32>
        %parallel_loop3A_2219 = arith.index_cast %parallel_loop3A_2022 : i32 to index
        %parallel_loop3A_2220 = arith.constant 48 : index
        %parallel_loop3A_2221 = tpu.vector_load %arg31[%parallel_loop3A_2219, %parallel_loop3A_2220] {strides = array<i32>} : memref<32x128xf32, #tpu.memory_space<vmem>>, vector<16xf32>,
        tpu.vector_store %arg31[%parallel_loop3A_2219, %parallel_loop3A_2220], %parallel_loop3A_2218 {strides = array<i32>} : memref<32x128xf32, #tpu.memory_space<vmem>>, vector<16xf32>,
        %parallel_loop3A_2222 = arith.index_cast %parallel_loop3A_2038 : i32 to index
        %parallel_loop3A_2223 = arith.constant 48 : index
        %parallel_loop3A_2224 = tpu.vector_load %arg25[%parallel_loop3A_2222, %parallel_loop3A_2223] {strides = array<i32>} : memref<48x128xf32, #tpu.memory_space<vmem>>, vector<16xf32>,
        %parallel_loop3A_2225 = arith.index_cast %parallel_loop3A_2022 : i32 to index
        %parallel_loop3A_2226 = arith.constant 48 : index
        %parallel_loop3A_2227 = tpu.vector_load %arg32[%parallel_loop3A_2225, %parallel_loop3A_2226] {strides = array<i32>} : memref<32x128xf32, #tpu.memory_space<vmem>>, vector<16xf32>,
        tpu.vector_store %arg32[%parallel_loop3A_2225, %parallel_loop3A_2226], %parallel_loop3A_2224 {strides = array<i32>} : memref<32x128xf32, #tpu.memory_space<vmem>>, vector<16xf32>,
        %parallel_loop3A_2228 = arith.index_cast %parallel_loop3A_2045 : i32 to index
        %parallel_loop3A_2229 = arith.constant 48 : index
        %parallel_loop3A_2230 = tpu.vector_load %arg25[%parallel_loop3A_2228, %parallel_loop3A_2229] {strides = array<i32>} : memref<48x128xf32, #tpu.memory_space<vmem>>, vector<16xf32>,
        %parallel_loop3A_2231 = arith.index_cast %parallel_loop3A_2022 : i32 to index
        %parallel_loop3A_2232 = arith.constant 48 : index
        %parallel_loop3A_2233 = tpu.vector_load %arg33[%parallel_loop3A_2231, %parallel_loop3A_2232] {strides = array<i32>} : memref<32x128xf32, #tpu.memory_space<vmem>>, vector<16xf32>,
        tpu.vector_store %arg33[%parallel_loop3A_2231, %parallel_loop3A_2232], %parallel_loop3A_2230 {strides = array<i32>} : memref<32x128xf32, #tpu.memory_space<vmem>>, vector<16xf32>,
        %parallel_loop3A_2234 = arith.index_cast %parallel_loop3A_2052 : i32 to index
        %parallel_loop3A_2235 = arith.constant 48 : index
        %parallel_loop3A_2236 = tpu.vector_load %arg25[%parallel_loop3A_2234, %parallel_loop3A_2235] {strides = array<i32>} : memref<48x128xf32, #tpu.memory_space<vmem>>, vector<16xf32>,
        %parallel_loop3A_2237 = arith.index_cast %parallel_loop3A_2022 : i32 to index
        %parallel_loop3A_2238 = arith.constant 48 : index
        %parallel_loop3A_2239 = tpu.vector_load %arg34[%parallel_loop3A_2237, %parallel_loop3A_2238] {strides = array<i32>} : memref<32x128xf32, #tpu.memory_space<vmem>>, vector<16xf32>,
        tpu.vector_store %arg34[%parallel_loop3A_2237, %parallel_loop3A_2238], %parallel_loop3A_2236 {strides = array<i32>} : memref<32x128xf32, #tpu.memory_space<vmem>>, vector<16xf32>,
        %parallel_loop3A_2240 = arith.index_cast %parallel_loop3A_2059 : i32 to index
        %parallel_loop3A_2241 = arith.constant 48 : index
        %parallel_loop3A_2242 = tpu.vector_load %arg25[%parallel_loop3A_2240, %parallel_loop3A_2241] {strides = array<i32>} : memref<48x128xf32, #tpu.memory_space<vmem>>, vector<16xf32>,
        %parallel_loop3A_2243 = arith.index_cast %parallel_loop3A_2022 : i32 to index
        %parallel_loop3A_2244 = arith.constant 48 : index
        %parallel_loop3A_2245 = tpu.vector_load %arg35[%parallel_loop3A_2243, %parallel_loop3A_2244] {strides = array<i32>} : memref<32x128xf32, #tpu.memory_space<vmem>>, vector<16xf32>,
        tpu.vector_store %arg35[%parallel_loop3A_2243, %parallel_loop3A_2244], %parallel_loop3A_2242 {strides = array<i32>} : memref<32x128xf32, #tpu.memory_space<vmem>>, vector<16xf32>,
        %parallel_loop3A_2246 = arith.index_cast %parallel_loop3A_2066 : i32 to index
        %parallel_loop3A_2247 = arith.constant 48 : index
        %parallel_loop3A_2248 = tpu.vector_load %arg25[%parallel_loop3A_2246, %parallel_loop3A_2247] {strides = array<i32>} : memref<48x128xf32, #tpu.memory_space<vmem>>, vector<16xf32>,
        %parallel_loop3A_2249 = arith.index_cast %parallel_loop3A_2022 : i32 to index
        %parallel_loop3A_2250 = arith.constant 48 : index
        %parallel_loop3A_2251 = tpu.vector_load %arg36[%parallel_loop3A_2249, %parallel_loop3A_2250] {strides = array<i32>} : memref<32x128xf32, #tpu.memory_space<vmem>>, vector<16xf32>,
        tpu.vector_store %arg36[%parallel_loop3A_2249, %parallel_loop3A_2250], %parallel_loop3A_2248 {strides = array<i32>} : memref<32x128xf32, #tpu.memory_space<vmem>>, vector<16xf32>,
        %parallel_loop3A_2252 = arith.index_cast %parallel_loop3A_2073 : i32 to index
        %parallel_loop3A_2253 = arith.constant 48 : index
        %parallel_loop3A_2254 = tpu.vector_load %arg25[%parallel_loop3A_2252, %parallel_loop3A_2253] {strides = array<i32>} : memref<48x128xf32, #tpu.memory_space<vmem>>, vector<16xf32>,
        %parallel_loop3A_2255 = arith.index_cast %parallel_loop3A_2022 : i32 to index
        %parallel_loop3A_2256 = arith.constant 48 : index
        %parallel_loop3A_2257 = tpu.vector_load %arg37[%parallel_loop3A_2255, %parallel_loop3A_2256] {strides = array<i32>} : memref<32x128xf32, #tpu.memory_space<vmem>>, vector<16xf32>,
        tpu.vector_store %arg37[%parallel_loop3A_2255, %parallel_loop3A_2256], %parallel_loop3A_2254 {strides = array<i32>} : memref<32x128xf32, #tpu.memory_space<vmem>>, vector<16xf32>,
        %parallel_loop3A_2258 = arith.mulf %get3A_1483, %parallel_loop3A_2028 : vector<16xf32>
        %parallel_loop3A_2259 = arith.addf %parallel_loop3A_2258, %get3A_1515 : vector<16xf32>
        %parallel_loop3A_2260 = arith.index_cast %parallel_loop3A_2022 : i32 to index
        %parallel_loop3A_2261 = arith.constant 64 : index
        %parallel_loop3A_2262 = tpu.vector_load %arg30[%parallel_loop3A_2260, %parallel_loop3A_2261] {strides = array<i32>} : memref<32x128xf32, #tpu.memory_space<vmem>>, vector<16xf32>,
        tpu.vector_store %arg30[%parallel_loop3A_2260, %parallel_loop3A_2261], %parallel_loop3A_2259 {strides = array<i32>} : memref<32x128xf32, #tpu.memory_space<vmem>>, vector<16xf32>,
        %parallel_loop3A_2263 = arith.mulf %get3A_1547, %parallel_loop3A_2031 : vector<16xf32>
        %parallel_loop3A_2264 = arith.addf %parallel_loop3A_2263, %get3A_1579 : vector<16xf32>
        %parallel_loop3A_2265 = arith.index_cast %parallel_loop3A_2022 : i32 to index
        %parallel_loop3A_2266 = arith.constant 64 : index
        %parallel_loop3A_2267 = tpu.vector_load %arg31[%parallel_loop3A_2265, %parallel_loop3A_2266] {strides = array<i32>} : memref<32x128xf32, #tpu.memory_space<vmem>>, vector<16xf32>,
        tpu.vector_store %arg31[%parallel_loop3A_2265, %parallel_loop3A_2266], %parallel_loop3A_2264 {strides = array<i32>} : memref<32x128xf32, #tpu.memory_space<vmem>>, vector<16xf32>,
        %parallel_loop3A_2268 = arith.index_cast %parallel_loop3A_2038 : i32 to index
        %parallel_loop3A_2269 = arith.constant 64 : index
        %parallel_loop3A_2270 = tpu.vector_load %arg25[%parallel_loop3A_2268, %parallel_loop3A_2269] {strides = array<i32>} : memref<48x128xf32, #tpu.memory_space<vmem>>, vector<16xf32>,
        %parallel_loop3A_2271 = arith.index_cast %parallel_loop3A_2022 : i32 to index
        %parallel_loop3A_2272 = arith.constant 64 : index
        %parallel_loop3A_2273 = tpu.vector_load %arg32[%parallel_loop3A_2271, %parallel_loop3A_2272] {strides = array<i32>} : memref<32x128xf32, #tpu.memory_space<vmem>>, vector<16xf32>,
        tpu.vector_store %arg32[%parallel_loop3A_2271, %parallel_loop3A_2272], %parallel_loop3A_2270 {strides = array<i32>} : memref<32x128xf32, #tpu.memory_space<vmem>>, vector<16xf32>,
        %parallel_loop3A_2274 = arith.index_cast %parallel_loop3A_2045 : i32 to index
        %parallel_loop3A_2275 = arith.constant 64 : index
        %parallel_loop3A_2276 = tpu.vector_load %arg25[%parallel_loop3A_2274, %parallel_loop3A_2275] {strides = array<i32>} : memref<48x128xf32, #tpu.memory_space<vmem>>, vector<16xf32>,
        %parallel_loop3A_2277 = arith.index_cast %parallel_loop3A_2022 : i32 to index
        %parallel_loop3A_2278 = arith.constant 64 : index
        %parallel_loop3A_2279 = tpu.vector_load %arg33[%parallel_loop3A_2277, %parallel_loop3A_2278] {strides = array<i32>} : memref<32x128xf32, #tpu.memory_space<vmem>>, vector<16xf32>,
        tpu.vector_store %arg33[%parallel_loop3A_2277, %parallel_loop3A_2278], %parallel_loop3A_2276 {strides = array<i32>} : memref<32x128xf32, #tpu.memory_space<vmem>>, vector<16xf32>,
        %parallel_loop3A_2280 = arith.index_cast %parallel_loop3A_2052 : i32 to index
        %parallel_loop3A_2281 = arith.constant 64 : index
        %parallel_loop3A_2282 = tpu.vector_load %arg25[%parallel_loop3A_2280, %parallel_loop3A_2281] {strides = array<i32>} : memref<48x128xf32, #tpu.memory_space<vmem>>, vector<16xf32>,
        %parallel_loop3A_2283 = arith.index_cast %parallel_loop3A_2022 : i32 to index
        %parallel_loop3A_2284 = arith.constant 64 : index
        %parallel_loop3A_2285 = tpu.vector_load %arg34[%parallel_loop3A_2283, %parallel_loop3A_2284] {strides = array<i32>} : memref<32x128xf32, #tpu.memory_space<vmem>>, vector<16xf32>,
        tpu.vector_store %arg34[%parallel_loop3A_2283, %parallel_loop3A_2284], %parallel_loop3A_2282 {strides = array<i32>} : memref<32x128xf32, #tpu.memory_space<vmem>>, vector<16xf32>,
        %parallel_loop3A_2286 = arith.index_cast %parallel_loop3A_2059 : i32 to index
        %parallel_loop3A_2287 = arith.constant 64 : index
        %parallel_loop3A_2288 = tpu.vector_load %arg25[%parallel_loop3A_2286, %parallel_loop3A_2287] {strides = array<i32>} : memref<48x128xf32, #tpu.memory_space<vmem>>, vector<16xf32>,
        %parallel_loop3A_2289 = arith.index_cast %parallel_loop3A_2022 : i32 to index
        %parallel_loop3A_2290 = arith.constant 64 : index
        %parallel_loop3A_2291 = tpu.vector_load %arg35[%parallel_loop3A_2289, %parallel_loop3A_2290] {strides = array<i32>} : memref<32x128xf32, #tpu.memory_space<vmem>>, vector<16xf32>,
        tpu.vector_store %arg35[%parallel_loop3A_2289, %parallel_loop3A_2290], %parallel_loop3A_2288 {strides = array<i32>} : memref<32x128xf32, #tpu.memory_space<vmem>>, vector<16xf32>,
        %parallel_loop3A_2292 = arith.index_cast %parallel_loop3A_2066 : i32 to index
        %parallel_loop3A_2293 = arith.constant 64 : index
        %parallel_loop3A_2294 = tpu.vector_load %arg25[%parallel_loop3A_2292, %parallel_loop3A_2293] {strides = array<i32>} : memref<48x128xf32, #tpu.memory_space<vmem>>, vector<16xf32>,
        %parallel_loop3A_2295 = arith.index_cast %parallel_loop3A_2022 : i32 to index
        %parallel_loop3A_2296 = arith.constant 64 : index
        %parallel_loop3A_2297 = tpu.vector_load %arg36[%parallel_loop3A_2295, %parallel_loop3A_2296] {strides = array<i32>} : memref<32x128xf32, #tpu.memory_space<vmem>>, vector<16xf32>,
        tpu.vector_store %arg36[%parallel_loop3A_2295, %parallel_loop3A_2296], %parallel_loop3A_2294 {strides = array<i32>} : memref<32x128xf32, #tpu.memory_space<vmem>>, vector<16xf32>,
        %parallel_loop3A_2298 = arith.index_cast %parallel_loop3A_2073 : i32 to index
        %parallel_loop3A_2299 = arith.constant 64 : index
        %parallel_loop3A_2300 = tpu.vector_load %arg25[%parallel_loop3A_2298, %parallel_loop3A_2299] {strides = array<i32>} : memref<48x128xf32, #tpu.memory_space<vmem>>, vector<16xf32>,
        %parallel_loop3A_2301 = arith.index_cast %parallel_loop3A_2022 : i32 to index
        %parallel_loop3A_2302 = arith.constant 64 : index
        %parallel_loop3A_2303 = tpu.vector_load %arg37[%parallel_loop3A_2301, %parallel_loop3A_2302] {strides = array<i32>} : memref<32x128xf32, #tpu.memory_space<vmem>>, vector<16xf32>,
        tpu.vector_store %arg37[%parallel_loop3A_2301, %parallel_loop3A_2302], %parallel_loop3A_2300 {strides = array<i32>} : memref<32x128xf32, #tpu.memory_space<vmem>>, vector<16xf32>,
        %parallel_loop3A_2304 = arith.mulf %get3A_1487, %parallel_loop3A_2028 : vector<16xf32>
        %parallel_loop3A_2305 = arith.addf %parallel_loop3A_2304, %get3A_1519 : vector<16xf32>
        %parallel_loop3A_2306 = arith.index_cast %parallel_loop3A_2022 : i32 to index
        %parallel_loop3A_2307 = arith.constant 80 : index
        %parallel_loop3A_2308 = tpu.vector_load %arg30[%parallel_loop3A_2306, %parallel_loop3A_2307] {strides = array<i32>} : memref<32x128xf32, #tpu.memory_space<vmem>>, vector<16xf32>,
        tpu.vector_store %arg30[%parallel_loop3A_2306, %parallel_loop3A_2307], %parallel_loop3A_2305 {strides = array<i32>} : memref<32x128xf32, #tpu.memory_space<vmem>>, vector<16xf32>,
        %parallel_loop3A_2309 = arith.mulf %get3A_1551, %parallel_loop3A_2031 : vector<16xf32>
        %parallel_loop3A_2310 = arith.addf %parallel_loop3A_2309, %get3A_1583 : vector<16xf32>
        %parallel_loop3A_2311 = arith.index_cast %parallel_loop3A_2022 : i32 to index
        %parallel_loop3A_2312 = arith.constant 80 : index
        %parallel_loop3A_2313 = tpu.vector_load %arg31[%parallel_loop3A_2311, %parallel_loop3A_2312] {strides = array<i32>} : memref<32x128xf32, #tpu.memory_space<vmem>>, vector<16xf32>,
        tpu.vector_store %arg31[%parallel_loop3A_2311, %parallel_loop3A_2312], %parallel_loop3A_2310 {strides = array<i32>} : memref<32x128xf32, #tpu.memory_space<vmem>>, vector<16xf32>,
        %parallel_loop3A_2314 = arith.index_cast %parallel_loop3A_2038 : i32 to index
        %parallel_loop3A_2315 = arith.constant 80 : index
        %parallel_loop3A_2316 = tpu.vector_load %arg25[%parallel_loop3A_2314, %parallel_loop3A_2315] {strides = array<i32>} : memref<48x128xf32, #tpu.memory_space<vmem>>, vector<16xf32>,
        %parallel_loop3A_2317 = arith.index_cast %parallel_loop3A_2022 : i32 to index
        %parallel_loop3A_2318 = arith.constant 80 : index
        %parallel_loop3A_2319 = tpu.vector_load %arg32[%parallel_loop3A_2317, %parallel_loop3A_2318] {strides = array<i32>} : memref<32x128xf32, #tpu.memory_space<vmem>>, vector<16xf32>,
        tpu.vector_store %arg32[%parallel_loop3A_2317, %parallel_loop3A_2318], %parallel_loop3A_2316 {strides = array<i32>} : memref<32x128xf32, #tpu.memory_space<vmem>>, vector<16xf32>,
        %parallel_loop3A_2320 = arith.index_cast %parallel_loop3A_2045 : i32 to index
        %parallel_loop3A_2321 = arith.constant 80 : index
        %parallel_loop3A_2322 = tpu.vector_load %arg25[%parallel_loop3A_2320, %parallel_loop3A_2321] {strides = array<i32>} : memref<48x128xf32, #tpu.memory_space<vmem>>, vector<16xf32>,
        %parallel_loop3A_2323 = arith.index_cast %parallel_loop3A_2022 : i32 to index
        %parallel_loop3A_2324 = arith.constant 80 : index
        %parallel_loop3A_2325 = tpu.vector_load %arg33[%parallel_loop3A_2323, %parallel_loop3A_2324] {strides = array<i32>} : memref<32x128xf32, #tpu.memory_space<vmem>>, vector<16xf32>,
        tpu.vector_store %arg33[%parallel_loop3A_2323, %parallel_loop3A_2324], %parallel_loop3A_2322 {strides = array<i32>} : memref<32x128xf32, #tpu.memory_space<vmem>>, vector<16xf32>,
        %parallel_loop3A_2326 = arith.index_cast %parallel_loop3A_2052 : i32 to index
        %parallel_loop3A_2327 = arith.constant 80 : index
        %parallel_loop3A_2328 = tpu.vector_load %arg25[%parallel_loop3A_2326, %parallel_loop3A_2327] {strides = array<i32>} : memref<48x128xf32, #tpu.memory_space<vmem>>, vector<16xf32>,
        %parallel_loop3A_2329 = arith.index_cast %parallel_loop3A_2022 : i32 to index
        %parallel_loop3A_2330 = arith.constant 80 : index
        %parallel_loop3A_2331 = tpu.vector_load %arg34[%parallel_loop3A_2329, %parallel_loop3A_2330] {strides = array<i32>} : memref<32x128xf32, #tpu.memory_space<vmem>>, vector<16xf32>,
        tpu.vector_store %arg34[%parallel_loop3A_2329, %parallel_loop3A_2330], %parallel_loop3A_2328 {strides = array<i32>} : memref<32x128xf32, #tpu.memory_space<vmem>>, vector<16xf32>,
        %parallel_loop3A_2332 = arith.index_cast %parallel_loop3A_2059 : i32 to index
        %parallel_loop3A_2333 = arith.constant 80 : index
        %parallel_loop3A_2334 = tpu.vector_load %arg25[%parallel_loop3A_2332, %parallel_loop3A_2333] {strides = array<i32>} : memref<48x128xf32, #tpu.memory_space<vmem>>, vector<16xf32>,
        %parallel_loop3A_2335 = arith.index_cast %parallel_loop3A_2022 : i32 to index
        %parallel_loop3A_2336 = arith.constant 80 : index
        %parallel_loop3A_2337 = tpu.vector_load %arg35[%parallel_loop3A_2335, %parallel_loop3A_2336] {strides = array<i32>} : memref<32x128xf32, #tpu.memory_space<vmem>>, vector<16xf32>,
        tpu.vector_store %arg35[%parallel_loop3A_2335, %parallel_loop3A_2336], %parallel_loop3A_2334 {strides = array<i32>} : memref<32x128xf32, #tpu.memory_space<vmem>>, vector<16xf32>,
        %parallel_loop3A_2338 = arith.index_cast %parallel_loop3A_2066 : i32 to index
        %parallel_loop3A_2339 = arith.constant 80 : index
        %parallel_loop3A_2340 = tpu.vector_load %arg25[%parallel_loop3A_2338, %parallel_loop3A_2339] {strides = array<i32>} : memref<48x128xf32, #tpu.memory_space<vmem>>, vector<16xf32>,
        %parallel_loop3A_2341 = arith.index_cast %parallel_loop3A_2022 : i32 to index
        %parallel_loop3A_2342 = arith.constant 80 : index
        %parallel_loop3A_2343 = tpu.vector_load %arg36[%parallel_loop3A_2341, %parallel_loop3A_2342] {strides = array<i32>} : memref<32x128xf32, #tpu.memory_space<vmem>>, vector<16xf32>,
        tpu.vector_store %arg36[%parallel_loop3A_2341, %parallel_loop3A_2342], %parallel_loop3A_2340 {strides = array<i32>} : memref<32x128xf32, #tpu.memory_space<vmem>>, vector<16xf32>,
        %parallel_loop3A_2344 = arith.index_cast %parallel_loop3A_2073 : i32 to index
        %parallel_loop3A_2345 = arith.constant 80 : index
        %parallel_loop3A_2346 = tpu.vector_load %arg25[%parallel_loop3A_2344, %parallel_loop3A_2345] {strides = array<i32>} : memref<48x128xf32, #tpu.memory_space<vmem>>, vector<16xf32>,
        %parallel_loop3A_2347 = arith.index_cast %parallel_loop3A_2022 : i32 to index
        %parallel_loop3A_2348 = arith.constant 80 : index
        %parallel_loop3A_2349 = tpu.vector_load %arg37[%parallel_loop3A_2347, %parallel_loop3A_2348] {strides = array<i32>} : memref<32x128xf32, #tpu.memory_space<vmem>>, vector<16xf32>,
        tpu.vector_store %arg37[%parallel_loop3A_2347, %parallel_loop3A_2348], %parallel_loop3A_2346 {strides = array<i32>} : memref<32x128xf32, #tpu.memory_space<vmem>>, vector<16xf32>,
        %parallel_loop3A_2350 = arith.mulf %get3A_1491, %parallel_loop3A_2028 : vector<16xf32>
        %parallel_loop3A_2351 = arith.addf %parallel_loop3A_2350, %get3A_1523 : vector<16xf32>
        %parallel_loop3A_2352 = arith.index_cast %parallel_loop3A_2022 : i32 to index
        %parallel_loop3A_2353 = arith.constant 96 : index
        %parallel_loop3A_2354 = tpu.vector_load %arg30[%parallel_loop3A_2352, %parallel_loop3A_2353] {strides = array<i32>} : memref<32x128xf32, #tpu.memory_space<vmem>>, vector<16xf32>,
        tpu.vector_store %arg30[%parallel_loop3A_2352, %parallel_loop3A_2353], %parallel_loop3A_2351 {strides = array<i32>} : memref<32x128xf32, #tpu.memory_space<vmem>>, vector<16xf32>,
        %parallel_loop3A_2355 = arith.mulf %get3A_1555, %parallel_loop3A_2031 : vector<16xf32>
        %parallel_loop3A_2356 = arith.addf %parallel_loop3A_2355, %get3A_1587 : vector<16xf32>
        %parallel_loop3A_2357 = arith.index_cast %parallel_loop3A_2022 : i32 to index
        %parallel_loop3A_2358 = arith.constant 96 : index
        %parallel_loop3A_2359 = tpu.vector_load %arg31[%parallel_loop3A_2357, %parallel_loop3A_2358] {strides = array<i32>} : memref<32x128xf32, #tpu.memory_space<vmem>>, vector<16xf32>,
        tpu.vector_store %arg31[%parallel_loop3A_2357, %parallel_loop3A_2358], %parallel_loop3A_2356 {strides = array<i32>} : memref<32x128xf32, #tpu.memory_space<vmem>>, vector<16xf32>,
        %parallel_loop3A_2360 = arith.index_cast %parallel_loop3A_2038 : i32 to index
        %parallel_loop3A_2361 = arith.constant 96 : index
        %parallel_loop3A_2362 = tpu.vector_load %arg25[%parallel_loop3A_2360, %parallel_loop3A_2361] {strides = array<i32>} : memref<48x128xf32, #tpu.memory_space<vmem>>, vector<16xf32>,
        %parallel_loop3A_2363 = arith.index_cast %parallel_loop3A_2022 : i32 to index
        %parallel_loop3A_2364 = arith.constant 96 : index
        %parallel_loop3A_2365 = tpu.vector_load %arg32[%parallel_loop3A_2363, %parallel_loop3A_2364] {strides = array<i32>} : memref<32x128xf32, #tpu.memory_space<vmem>>, vector<16xf32>,
        tpu.vector_store %arg32[%parallel_loop3A_2363, %parallel_loop3A_2364], %parallel_loop3A_2362 {strides = array<i32>} : memref<32x128xf32, #tpu.memory_space<vmem>>, vector<16xf32>,
        %parallel_loop3A_2366 = arith.index_cast %parallel_loop3A_2045 : i32 to index
        %parallel_loop3A_2367 = arith.constant 96 : index
        %parallel_loop3A_2368 = tpu.vector_load %arg25[%parallel_loop3A_2366, %parallel_loop3A_2367] {strides = array<i32>} : memref<48x128xf32, #tpu.memory_space<vmem>>, vector<16xf32>,
        %parallel_loop3A_2369 = arith.index_cast %parallel_loop3A_2022 : i32 to index
        %parallel_loop3A_2370 = arith.constant 96 : index
        %parallel_loop3A_2371 = tpu.vector_load %arg33[%parallel_loop3A_2369, %parallel_loop3A_2370] {strides = array<i32>} : memref<32x128xf32, #tpu.memory_space<vmem>>, vector<16xf32>,
        tpu.vector_store %arg33[%parallel_loop3A_2369, %parallel_loop3A_2370], %parallel_loop3A_2368 {strides = array<i32>} : memref<32x128xf32, #tpu.memory_space<vmem>>, vector<16xf32>,
        %parallel_loop3A_2372 = arith.index_cast %parallel_loop3A_2052 : i32 to index
        %parallel_loop3A_2373 = arith.constant 96 : index
        %parallel_loop3A_2374 = tpu.vector_load %arg25[%parallel_loop3A_2372, %parallel_loop3A_2373] {strides = array<i32>} : memref<48x128xf32, #tpu.memory_space<vmem>>, vector<16xf32>,
        %parallel_loop3A_2375 = arith.index_cast %parallel_loop3A_2022 : i32 to index
        %parallel_loop3A_2376 = arith.constant 96 : index
        %parallel_loop3A_2377 = tpu.vector_load %arg34[%parallel_loop3A_2375, %parallel_loop3A_2376] {strides = array<i32>} : memref<32x128xf32, #tpu.memory_space<vmem>>, vector<16xf32>,
        tpu.vector_store %arg34[%parallel_loop3A_2375, %parallel_loop3A_2376], %parallel_loop3A_2374 {strides = array<i32>} : memref<32x128xf32, #tpu.memory_space<vmem>>, vector<16xf32>,
        %parallel_loop3A_2378 = arith.index_cast %parallel_loop3A_2059 : i32 to index
        %parallel_loop3A_2379 = arith.constant 96 : index
        %parallel_loop3A_2380 = tpu.vector_load %arg25[%parallel_loop3A_2378, %parallel_loop3A_2379] {strides = array<i32>} : memref<48x128xf32, #tpu.memory_space<vmem>>, vector<16xf32>,
        %parallel_loop3A_2381 = arith.index_cast %parallel_loop3A_2022 : i32 to index
        %parallel_loop3A_2382 = arith.constant 96 : index
        %parallel_loop3A_2383 = tpu.vector_load %arg35[%parallel_loop3A_2381, %parallel_loop3A_2382] {strides = array<i32>} : memref<32x128xf32, #tpu.memory_space<vmem>>, vector<16xf32>,
        tpu.vector_store %arg35[%parallel_loop3A_2381, %parallel_loop3A_2382], %parallel_loop3A_2380 {strides = array<i32>} : memref<32x128xf32, #tpu.memory_space<vmem>>, vector<16xf32>,
        %parallel_loop3A_2384 = arith.index_cast %parallel_loop3A_2066 : i32 to index
        %parallel_loop3A_2385 = arith.constant 96 : index
        %parallel_loop3A_2386 = tpu.vector_load %arg25[%parallel_loop3A_2384, %parallel_loop3A_2385] {strides = array<i32>} : memref<48x128xf32, #tpu.memory_space<vmem>>, vector<16xf32>,
        %parallel_loop3A_2387 = arith.index_cast %parallel_loop3A_2022 : i32 to index
        %parallel_loop3A_2388 = arith.constant 96 : index
        %parallel_loop3A_2389 = tpu.vector_load %arg36[%parallel_loop3A_2387, %parallel_loop3A_2388] {strides = array<i32>} : memref<32x128xf32, #tpu.memory_space<vmem>>, vector<16xf32>,
        tpu.vector_store %arg36[%parallel_loop3A_2387, %parallel_loop3A_2388], %parallel_loop3A_2386 {strides = array<i32>} : memref<32x128xf32, #tpu.memory_space<vmem>>, vector<16xf32>,
        %parallel_loop3A_2390 = arith.index_cast %parallel_loop3A_2073 : i32 to index
        %parallel_loop3A_2391 = arith.constant 96 : index
        %parallel_loop3A_2392 = tpu.vector_load %arg25[%parallel_loop3A_2390, %parallel_loop3A_2391] {strides = array<i32>} : memref<48x128xf32, #tpu.memory_space<vmem>>, vector<16xf32>,
        %parallel_loop3A_2393 = arith.index_cast %parallel_loop3A_2022 : i32 to index
        %parallel_loop3A_2394 = arith.constant 96 : index
        %parallel_loop3A_2395 = tpu.vector_load %arg37[%parallel_loop3A_2393, %parallel_loop3A_2394] {strides = array<i32>} : memref<32x128xf32, #tpu.memory_space<vmem>>, vector<16xf32>,
        tpu.vector_store %arg37[%parallel_loop3A_2393, %parallel_loop3A_2394], %parallel_loop3A_2392 {strides = array<i32>} : memref<32x128xf32, #tpu.memory_space<vmem>>, vector<16xf32>,
        %parallel_loop3A_2396 = arith.mulf %get3A_1495, %parallel_loop3A_2028 : vector<16xf32>
        %parallel_loop3A_2397 = arith.addf %parallel_loop3A_2396, %get3A_1527 : vector<16xf32>
        %parallel_loop3A_2398 = arith.index_cast %parallel_loop3A_2022 : i32 to index
        %parallel_loop3A_2399 = arith.constant 112 : index
        %parallel_loop3A_2400 = tpu.vector_load %arg30[%parallel_loop3A_2398, %parallel_loop3A_2399] {strides = array<i32>} : memref<32x128xf32, #tpu.memory_space<vmem>>, vector<16xf32>,
        tpu.vector_store %arg30[%parallel_loop3A_2398, %parallel_loop3A_2399], %parallel_loop3A_2397 {strides = array<i32>} : memref<32x128xf32, #tpu.memory_space<vmem>>, vector<16xf32>,
        %parallel_loop3A_2401 = arith.mulf %get3A_1559, %parallel_loop3A_2031 : vector<16xf32>
        %parallel_loop3A_2402 = arith.addf %parallel_loop3A_2401, %get3A_1591 : vector<16xf32>
        %parallel_loop3A_2403 = arith.index_cast %parallel_loop3A_2022 : i32 to index
        %parallel_loop3A_2404 = arith.constant 112 : index
        %parallel_loop3A_2405 = tpu.vector_load %arg31[%parallel_loop3A_2403, %parallel_loop3A_2404] {strides = array<i32>} : memref<32x128xf32, #tpu.memory_space<vmem>>, vector<16xf32>,
        tpu.vector_store %arg31[%parallel_loop3A_2403, %parallel_loop3A_2404], %parallel_loop3A_2402 {strides = array<i32>} : memref<32x128xf32, #tpu.memory_space<vmem>>, vector<16xf32>,
        %parallel_loop3A_2406 = arith.index_cast %parallel_loop3A_2038 : i32 to index
        %parallel_loop3A_2407 = arith.constant 112 : index
        %parallel_loop3A_2408 = tpu.vector_load %arg25[%parallel_loop3A_2406, %parallel_loop3A_2407] {strides = array<i32>} : memref<48x128xf32, #tpu.memory_space<vmem>>, vector<16xf32>,
        %parallel_loop3A_2409 = arith.index_cast %parallel_loop3A_2022 : i32 to index
        %parallel_loop3A_2410 = arith.constant 112 : index
        %parallel_loop3A_2411 = tpu.vector_load %arg32[%parallel_loop3A_2409, %parallel_loop3A_2410] {strides = array<i32>} : memref<32x128xf32, #tpu.memory_space<vmem>>, vector<16xf32>,
        tpu.vector_store %arg32[%parallel_loop3A_2409, %parallel_loop3A_2410], %parallel_loop3A_2408 {strides = array<i32>} : memref<32x128xf32, #tpu.memory_space<vmem>>, vector<16xf32>,
        %parallel_loop3A_2412 = arith.index_cast %parallel_loop3A_2045 : i32 to index
        %parallel_loop3A_2413 = arith.constant 112 : index
        %parallel_loop3A_2414 = tpu.vector_load %arg25[%parallel_loop3A_2412, %parallel_loop3A_2413] {strides = array<i32>} : memref<48x128xf32, #tpu.memory_space<vmem>>, vector<16xf32>,
        %parallel_loop3A_2415 = arith.index_cast %parallel_loop3A_2022 : i32 to index
        %parallel_loop3A_2416 = arith.constant 112 : index
        %parallel_loop3A_2417 = tpu.vector_load %arg33[%parallel_loop3A_2415, %parallel_loop3A_2416] {strides = array<i32>} : memref<32x128xf32, #tpu.memory_space<vmem>>, vector<16xf32>,
        tpu.vector_store %arg33[%parallel_loop3A_2415, %parallel_loop3A_2416], %parallel_loop3A_2414 {strides = array<i32>} : memref<32x128xf32, #tpu.memory_space<vmem>>, vector<16xf32>,
        %parallel_loop3A_2418 = arith.index_cast %parallel_loop3A_2052 : i32 to index
        %parallel_loop3A_2419 = arith.constant 112 : index
        %parallel_loop3A_2420 = tpu.vector_load %arg25[%parallel_loop3A_2418, %parallel_loop3A_2419] {strides = array<i32>} : memref<48x128xf32, #tpu.memory_space<vmem>>, vector<16xf32>,
        %parallel_loop3A_2421 = arith.index_cast %parallel_loop3A_2022 : i32 to index
        %parallel_loop3A_2422 = arith.constant 112 : index
        %parallel_loop3A_2423 = tpu.vector_load %arg34[%parallel_loop3A_2421, %parallel_loop3A_2422] {strides = array<i32>} : memref<32x128xf32, #tpu.memory_space<vmem>>, vector<16xf32>,
        tpu.vector_store %arg34[%parallel_loop3A_2421, %parallel_loop3A_2422], %parallel_loop3A_2420 {strides = array<i32>} : memref<32x128xf32, #tpu.memory_space<vmem>>, vector<16xf32>,
        %parallel_loop3A_2424 = arith.index_cast %parallel_loop3A_2059 : i32 to index
        %parallel_loop3A_2425 = arith.constant 112 : index
        %parallel_loop3A_2426 = tpu.vector_load %arg25[%parallel_loop3A_2424, %parallel_loop3A_2425] {strides = array<i32>} : memref<48x128xf32, #tpu.memory_space<vmem>>, vector<16xf32>,
        %parallel_loop3A_2427 = arith.index_cast %parallel_loop3A_2022 : i32 to index
        %parallel_loop3A_2428 = arith.constant 112 : index
        %parallel_loop3A_2429 = tpu.vector_load %arg35[%parallel_loop3A_2427, %parallel_loop3A_2428] {strides = array<i32>} : memref<32x128xf32, #tpu.memory_space<vmem>>, vector<16xf32>,
        tpu.vector_store %arg35[%parallel_loop3A_2427, %parallel_loop3A_2428], %parallel_loop3A_2426 {strides = array<i32>} : memref<32x128xf32, #tpu.memory_space<vmem>>, vector<16xf32>,
        %parallel_loop3A_2430 = arith.index_cast %parallel_loop3A_2066 : i32 to index
        %parallel_loop3A_2431 = arith.constant 112 : index
        %parallel_loop3A_2432 = tpu.vector_load %arg25[%parallel_loop3A_2430, %parallel_loop3A_2431] {strides = array<i32>} : memref<48x128xf32, #tpu.memory_space<vmem>>, vector<16xf32>,
        %parallel_loop3A_2433 = arith.index_cast %parallel_loop3A_2022 : i32 to index
        %parallel_loop3A_2434 = arith.constant 112 : index
        %parallel_loop3A_2435 = tpu.vector_load %arg36[%parallel_loop3A_2433, %parallel_loop3A_2434] {strides = array<i32>} : memref<32x128xf32, #tpu.memory_space<vmem>>, vector<16xf32>,
        tpu.vector_store %arg36[%parallel_loop3A_2433, %parallel_loop3A_2434], %parallel_loop3A_2432 {strides = array<i32>} : memref<32x128xf32, #tpu.memory_space<vmem>>, vector<16xf32>,
        %parallel_loop3A_2436 = arith.index_cast %parallel_loop3A_2073 : i32 to index
        %parallel_loop3A_2437 = arith.constant 112 : index
        %parallel_loop3A_2438 = tpu.vector_load %arg25[%parallel_loop3A_2436, %parallel_loop3A_2437] {strides = array<i32>} : memref<48x128xf32, #tpu.memory_space<vmem>>, vector<16xf32>,
        %parallel_loop3A_2439 = arith.index_cast %parallel_loop3A_2022 : i32 to index
        %parallel_loop3A_2440 = arith.constant 112 : index
        %parallel_loop3A_2441 = tpu.vector_load %arg37[%parallel_loop3A_2439, %parallel_loop3A_2440] {strides = array<i32>} : memref<32x128xf32, #tpu.memory_space<vmem>>, vector<16xf32>,
        tpu.vector_store %arg37[%parallel_loop3A_2439, %parallel_loop3A_2440], %parallel_loop3A_2438 {strides = array<i32>} : memref<32x128xf32, #tpu.memory_space<vmem>>, vector<16xf32>,
      } {sc.loop_unroll_factor = 1 : i64, sc.parallel_access}
      %dma_start3A_1594 = arith.constant 0 : i32
      %dma_start3A_1595 = arith.constant 0 : i32
      %dma_start3A_1596 = tpu.memref_slice %arg24[%add3A_1461, %dma_start3A_1594, %dma_start3A_1595] : memref<16384x10x128xf32, #tpu.memory_space<hbm>> -> memref<32x1x128xf32, #tpu.memory_space<hbm>>
      %dma_start3A_1597 = tpu.memref_squeeze %dma_start3A_1596 : memref<32x1x128xf32, #tpu.memory_space<hbm>> -> memref<32x128xf32, #tpu.memory_space<hbm>>
      %dma_start3A_1598 = arith.constant 0 : i32
      %dma_start3A_1599 = tpu.memref_slice %arg24[%add3A_1461, %dma_start3A_1594, %dma_start3A_1598] : memref<16384x10x128xf32, #tpu.memory_space<hbm>> -> memref<32x1x128xf32, #tpu.memory_space<hbm>>
      %dma_start3A_1600 = tpu.memref_squeeze %dma_start3A_1599 : memref<32x1x128xf32, #tpu.memory_space<hbm>> -> memref<32x128xf32, #tpu.memory_space<hbm>>
      tpu.enqueue_dma source(%arg29 : memref<32x128xf32, #tpu.memory_space<vmem>>) target(%dma_start3A_1600 : memref<32x128xf32, #tpu.memory_space<hbm>>) target_semaphore(%arg39 : memref<!tpu.dma_semaphore, #tpu.memory_space<semaphore_mem>>)
      %dma_start3A_1601 = arith.constant 1 : i32
      %dma_start3A_1602 = arith.constant 0 : i32
      %dma_start3A_1603 = tpu.memref_slice %arg24[%add3A_1461, %dma_start3A_1601, %dma_start3A_1602] : memref<16384x10x128xf32, #tpu.memory_space<hbm>> -> memref<32x1x128xf32, #tpu.memory_space<hbm>>
      %dma_start3A_1604 = tpu.memref_squeeze %dma_start3A_1603 : memref<32x1x128xf32, #tpu.memory_space<hbm>> -> memref<32x128xf32, #tpu.memory_space<hbm>>
      %dma_start3A_1605 = arith.constant 0 : i32
      %dma_start3A_1606 = tpu.memref_slice %arg24[%add3A_1461, %dma_start3A_1601, %dma_start3A_1605] : memref<16384x10x128xf32, #tpu.memory_space<hbm>> -> memref<32x1x128xf32, #tpu.memory_space<hbm>>
      %dma_start3A_1607 = tpu.memref_squeeze %dma_start3A_1606 : memref<32x1x128xf32, #tpu.memory_space<hbm>> -> memref<32x128xf32, #tpu.memory_space<hbm>>
      tpu.enqueue_dma source(%arg30 : memref<32x128xf32, #tpu.memory_space<vmem>>) target(%dma_start3A_1607 : memref<32x128xf32, #tpu.memory_space<hbm>>) target_semaphore(%arg39 : memref<!tpu.dma_semaphore, #tpu.memory_space<semaphore_mem>>)
      %dma_start3A_1608 = arith.constant 2 : i32
      %dma_start3A_1609 = arith.constant 0 : i32
      %dma_start3A_1610 = tpu.memref_slice %arg24[%add3A_1461, %dma_start3A_1608, %dma_start3A_1609] : memref<16384x10x128xf32, #tpu.memory_space<hbm>> -> memref<32x1x128xf32, #tpu.memory_space<hbm>>
      %dma_start3A_1611 = tpu.memref_squeeze %dma_start3A_1610 : memref<32x1x128xf32, #tpu.memory_space<hbm>> -> memref<32x128xf32, #tpu.memory_space<hbm>>
      %dma_start3A_1612 = arith.constant 0 : i32
      %dma_start3A_1613 = tpu.memref_slice %arg24[%add3A_1461, %dma_start3A_1608, %dma_start3A_1612] : memref<16384x10x128xf32, #tpu.memory_space<hbm>> -> memref<32x1x128xf32, #tpu.memory_space<hbm>>
      %dma_start3A_1614 = tpu.memref_squeeze %dma_start3A_1613 : memref<32x1x128xf32, #tpu.memory_space<hbm>> -> memref<32x128xf32, #tpu.memory_space<hbm>>
      tpu.enqueue_dma source(%arg31 : memref<32x128xf32, #tpu.memory_space<vmem>>) target(%dma_start3A_1614 : memref<32x128xf32, #tpu.memory_space<hbm>>) target_semaphore(%arg39 : memref<!tpu.dma_semaphore, #tpu.memory_space<semaphore_mem>>)
      %dma_start3A_1615 = arith.constant 3 : i32
      %dma_start3A_1616 = arith.constant 0 : i32
      %dma_start3A_1617 = tpu.memref_slice %arg24[%add3A_1461, %dma_start3A_1615, %dma_start3A_1616] : memref<16384x10x128xf32, #tpu.memory_space<hbm>> -> memref<32x1x128xf32, #tpu.memory_space<hbm>>
      %dma_start3A_1618 = tpu.memref_squeeze %dma_start3A_1617 : memref<32x1x128xf32, #tpu.memory_space<hbm>> -> memref<32x128xf32, #tpu.memory_space<hbm>>
      %dma_start3A_1619 = arith.constant 0 : i32
      %dma_start3A_1620 = tpu.memref_slice %arg24[%add3A_1461, %dma_start3A_1615, %dma_start3A_1619] : memref<16384x10x128xf32, #tpu.memory_space<hbm>> -> memref<32x1x128xf32, #tpu.memory_space<hbm>>
      %dma_start3A_1621 = tpu.memref_squeeze %dma_start3A_1620 : memref<32x1x128xf32, #tpu.memory_space<hbm>> -> memref<32x128xf32, #tpu.memory_space<hbm>>
      tpu.enqueue_dma source(%arg32 : memref<32x128xf32, #tpu.memory_space<vmem>>) target(%dma_start3A_1621 : memref<32x128xf32, #tpu.memory_space<hbm>>) target_semaphore(%arg39 : memref<!tpu.dma_semaphore, #tpu.memory_space<semaphore_mem>>)
      %dma_start3A_1622 = arith.constant 4 : i32
      %dma_start3A_1623 = arith.constant 0 : i32
      %dma_start3A_1624 = tpu.memref_slice %arg24[%add3A_1461, %dma_start3A_1622, %dma_start3A_1623] : memref<16384x10x128xf32, #tpu.memory_space<hbm>> -> memref<32x1x128xf32, #tpu.memory_space<hbm>>
      %dma_start3A_1625 = tpu.memref_squeeze %dma_start3A_1624 : memref<32x1x128xf32, #tpu.memory_space<hbm>> -> memref<32x128xf32, #tpu.memory_space<hbm>>
      %dma_start3A_1626 = arith.constant 0 : i32
      %dma_start3A_1627 = tpu.memref_slice %arg24[%add3A_1461, %dma_start3A_1622, %dma_start3A_1626] : memref<16384x10x128xf32, #tpu.memory_space<hbm>> -> memref<32x1x128xf32, #tpu.memory_space<hbm>>
      %dma_start3A_1628 = tpu.memref_squeeze %dma_start3A_1627 : memref<32x1x128xf32, #tpu.memory_space<hbm>> -> memref<32x128xf32, #tpu.memory_space<hbm>>
      tpu.enqueue_dma source(%arg33 : memref<32x128xf32, #tpu.memory_space<vmem>>) target(%dma_start3A_1628 : memref<32x128xf32, #tpu.memory_space<hbm>>) target_semaphore(%arg39 : memref<!tpu.dma_semaphore, #tpu.memory_space<semaphore_mem>>)
      %dma_start3A_1629 = arith.constant 5 : i32
      %dma_start3A_1630 = arith.constant 0 : i32
      %dma_start3A_1631 = tpu.memref_slice %arg24[%add3A_1461, %dma_start3A_1629, %dma_start3A_1630] : memref<16384x10x128xf32, #tpu.memory_space<hbm>> -> memref<32x1x128xf32, #tpu.memory_space<hbm>>
      %dma_start3A_1632 = tpu.memref_squeeze %dma_start3A_1631 : memref<32x1x128xf32, #tpu.memory_space<hbm>> -> memref<32x128xf32, #tpu.memory_space<hbm>>
      %dma_start3A_1633 = arith.constant 0 : i32
      %dma_start3A_1634 = tpu.memref_slice %arg24[%add3A_1461, %dma_start3A_1629, %dma_start3A_1633] : memref<16384x10x128xf32, #tpu.memory_space<hbm>> -> memref<32x1x128xf32, #tpu.memory_space<hbm>>
      %dma_start3A_1635 = tpu.memref_squeeze %dma_start3A_1634 : memref<32x1x128xf32, #tpu.memory_space<hbm>> -> memref<32x128xf32, #tpu.memory_space<hbm>>
      tpu.enqueue_dma source(%arg34 : memref<32x128xf32, #tpu.memory_space<vmem>>) target(%dma_start3A_1635 : memref<32x128xf32, #tpu.memory_space<hbm>>) target_semaphore(%arg39 : memref<!tpu.dma_semaphore, #tpu.memory_space<semaphore_mem>>)
      %dma_start3A_1636 = arith.constant 6 : i32
      %dma_start3A_1637 = arith.constant 0 : i32
      %dma_start3A_1638 = tpu.memref_slice %arg24[%add3A_1461, %dma_start3A_1636, %dma_start3A_1637] : memref<16384x10x128xf32, #tpu.memory_space<hbm>> -> memref<32x1x128xf32, #tpu.memory_space<hbm>>
      %dma_start3A_1639 = tpu.memref_squeeze %dma_start3A_1638 : memref<32x1x128xf32, #tpu.memory_space<hbm>> -> memref<32x128xf32, #tpu.memory_space<hbm>>
      %dma_start3A_1640 = arith.constant 0 : i32
      %dma_start3A_1641 = tpu.memref_slice %arg24[%add3A_1461, %dma_start3A_1636, %dma_start3A_1640] : memref<16384x10x128xf32, #tpu.memory_space<hbm>> -> memref<32x1x128xf32, #tpu.memory_space<hbm>>
      %dma_start3A_1642 = tpu.memref_squeeze %dma_start3A_1641 : memref<32x1x128xf32, #tpu.memory_space<hbm>> -> memref<32x128xf32, #tpu.memory_space<hbm>>
      tpu.enqueue_dma source(%arg35 : memref<32x128xf32, #tpu.memory_space<vmem>>) target(%dma_start3A_1642 : memref<32x128xf32, #tpu.memory_space<hbm>>) target_semaphore(%arg39 : memref<!tpu.dma_semaphore, #tpu.memory_space<semaphore_mem>>)
      %dma_start3A_1643 = arith.constant 7 : i32
      %dma_start3A_1644 = arith.constant 0 : i32
      %dma_start3A_1645 = tpu.memref_slice %arg24[%add3A_1461, %dma_start3A_1643, %dma_start3A_1644] : memref<16384x10x128xf32, #tpu.memory_space<hbm>> -> memref<32x1x128xf32, #tpu.memory_space<hbm>>
      %dma_start3A_1646 = tpu.memref_squeeze %dma_start3A_1645 : memref<32x1x128xf32, #tpu.memory_space<hbm>> -> memref<32x128xf32, #tpu.memory_space<hbm>>
      %dma_start3A_1647 = arith.constant 0 : i32
      %dma_start3A_1648 = tpu.memref_slice %arg24[%add3A_1461, %dma_start3A_1643, %dma_start3A_1647] : memref<16384x10x128xf32, #tpu.memory_space<hbm>> -> memref<32x1x128xf32, #tpu.memory_space<hbm>>
      %dma_start3A_1649 = tpu.memref_squeeze %dma_start3A_1648 : memref<32x1x128xf32, #tpu.memory_space<hbm>> -> memref<32x128xf32, #tpu.memory_space<hbm>>
      tpu.enqueue_dma source(%arg36 : memref<32x128xf32, #tpu.memory_space<vmem>>) target(%dma_start3A_1649 : memref<32x128xf32, #tpu.memory_space<hbm>>) target_semaphore(%arg39 : memref<!tpu.dma_semaphore, #tpu.memory_space<semaphore_mem>>)
      %dma_start3A_1650 = arith.constant 8 : i32
      %dma_start3A_1651 = arith.constant 0 : i32
      %dma_start3A_1652 = tpu.memref_slice %arg24[%add3A_1461, %dma_start3A_1650, %dma_start3A_1651] : memref<16384x10x128xf32, #tpu.memory_space<hbm>> -> memref<32x1x128xf32, #tpu.memory_space<hbm>>
      %dma_start3A_1653 = tpu.memref_squeeze %dma_start3A_1652 : memref<32x1x128xf32, #tpu.memory_space<hbm>> -> memref<32x128xf32, #tpu.memory_space<hbm>>
      %dma_start3A_1654 = arith.constant 0 : i32
      %dma_start3A_1655 = tpu.memref_slice %arg24[%add3A_1461, %dma_start3A_1650, %dma_start3A_1654] : memref<16384x10x128xf32, #tpu.memory_space<hbm>> -> memref<32x1x128xf32, #tpu.memory_space<hbm>>
      %dma_start3A_1656 = tpu.memref_squeeze %dma_start3A_1655 : memref<32x1x128xf32, #tpu.memory_space<hbm>> -> memref<32x128xf32, #tpu.memory_space<hbm>>
      tpu.enqueue_dma source(%arg37 : memref<32x128xf32, #tpu.memory_space<vmem>>) target(%dma_start3A_1656 : memref<32x128xf32, #tpu.memory_space<hbm>>) target_semaphore(%arg39 : memref<!tpu.dma_semaphore, #tpu.memory_space<semaphore_mem>>)
      %get3A_1657 = arith.constant 36 : i32
      %get3A_1658 = arith.index_cast %get3A_1657 : i32 to index
      %get3A_1659 = arith.constant 0 : index
      %get3A_1660 = tpu.vector_load %arg25[%get3A_1658, %get3A_1659] {strides = array<i32>} : memref<48x128xf32, #tpu.memory_space<vmem>>, vector<16xf32>,
      %get3A_1661 = arith.constant 37 : i32
      %get3A_1662 = arith.index_cast %get3A_1661 : i32 to index
      %get3A_1663 = arith.constant 0 : index
      %get3A_1664 = tpu.vector_load %arg25[%get3A_1662, %get3A_1663] {strides = array<i32>} : memref<48x128xf32, #tpu.memory_space<vmem>>, vector<16xf32>,
      %get3A_1665 = arith.constant 38 : i32
      %get3A_1666 = arith.index_cast %get3A_1665 : i32 to index
      %get3A_1667 = arith.constant 0 : index
      %get3A_1668 = tpu.vector_load %arg25[%get3A_1666, %get3A_1667] {strides = array<i32>} : memref<48x128xf32, #tpu.memory_space<vmem>>, vector<16xf32>,
      %get3A_1669 = arith.constant 39 : i32
      %get3A_1670 = arith.index_cast %get3A_1669 : i32 to index
      %get3A_1671 = arith.constant 0 : index
      %get3A_1672 = tpu.vector_load %arg25[%get3A_1670, %get3A_1671] {strides = array<i32>} : memref<48x128xf32, #tpu.memory_space<vmem>>, vector<16xf32>,
      %get3A_1673 = arith.constant 40 : i32
      %get3A_1674 = arith.index_cast %get3A_1673 : i32 to index
      %get3A_1675 = arith.constant 0 : index
      %get3A_1676 = tpu.vector_load %arg25[%get3A_1674, %get3A_1675] {strides = array<i32>} : memref<48x128xf32, #tpu.memory_space<vmem>>, vector<16xf32>,
      %get3A_1677 = arith.constant 41 : i32
      %get3A_1678 = arith.index_cast %get3A_1677 : i32 to index
      %get3A_1679 = arith.constant 0 : index
      %get3A_1680 = tpu.vector_load %arg25[%get3A_1678, %get3A_1679] {strides = array<i32>} : memref<48x128xf32, #tpu.memory_space<vmem>>, vector<16xf32>,
      %get3A_1681 = arith.constant 42 : i32
      %get3A_1682 = arith.index_cast %get3A_1681 : i32 to index
      %get3A_1683 = arith.constant 0 : index
      %get3A_1684 = tpu.vector_load %arg25[%get3A_1682, %get3A_1683] {strides = array<i32>} : memref<48x128xf32, #tpu.memory_space<vmem>>, vector<16xf32>,
      %get3A_1685 = arith.constant 43 : i32
      %get3A_1686 = arith.index_cast %get3A_1685 : i32 to index
      %get3A_1687 = arith.constant 0 : index
      %get3A_1688 = tpu.vector_load %arg25[%get3A_1686, %get3A_1687] {strides = array<i32>} : memref<48x128xf32, #tpu.memory_space<vmem>>, vector<16xf32>,
      %get3A_1689 = arith.constant 44 : i32
      %get3A_1690 = arith.index_cast %get3A_1689 : i32 to index
      %get3A_1691 = arith.constant 0 : index
      %get3A_1692 = tpu.vector_load %arg25[%get3A_1690, %get3A_1691] {strides = array<i32>} : memref<48x128xf32, #tpu.memory_space<vmem>>, vector<16xf32>,
      %get3A_1693 = arith.constant 45 : i32
      %get3A_1694 = arith.index_cast %get3A_1693 : i32 to index
      %get3A_1695 = arith.constant 0 : index
      %get3A_1696 = tpu.vector_load %arg25[%get3A_1694, %get3A_1695] {strides = array<i32>} : memref<48x128xf32, #tpu.memory_space<vmem>>, vector<16xf32>,
      %get3A_1697 = arith.constant 36 : i32
      %get3A_1698 = arith.index_cast %get3A_1697 : i32 to index
      %get3A_1699 = arith.constant 16 : index
      %get3A_1700 = tpu.vector_load %arg25[%get3A_1698, %get3A_1699] {strides = array<i32>} : memref<48x128xf32, #tpu.memory_space<vmem>>, vector<16xf32>,
      %get3A_1701 = arith.constant 37 : i32
      %get3A_1702 = arith.index_cast %get3A_1701 : i32 to index
      %get3A_1703 = arith.constant 16 : index
      %get3A_1704 = tpu.vector_load %arg25[%get3A_1702, %get3A_1703] {strides = array<i32>} : memref<48x128xf32, #tpu.memory_space<vmem>>, vector<16xf32>,
      %get3A_1705 = arith.constant 38 : i32
      %get3A_1706 = arith.index_cast %get3A_1705 : i32 to index
      %get3A_1707 = arith.constant 16 : index
      %get3A_1708 = tpu.vector_load %arg25[%get3A_1706, %get3A_1707] {strides = array<i32>} : memref<48x128xf32, #tpu.memory_space<vmem>>, vector<16xf32>,
      %get3A_1709 = arith.constant 39 : i32
      %get3A_1710 = arith.index_cast %get3A_1709 : i32 to index
      %get3A_1711 = arith.constant 16 : index
      %get3A_1712 = tpu.vector_load %arg25[%get3A_1710, %get3A_1711] {strides = array<i32>} : memref<48x128xf32, #tpu.memory_space<vmem>>, vector<16xf32>,
      %get3A_1713 = arith.constant 40 : i32
      %get3A_1714 = arith.index_cast %get3A_1713 : i32 to index
      %get3A_1715 = arith.constant 16 : index
      %get3A_1716 = tpu.vector_load %arg25[%get3A_1714, %get3A_1715] {strides = array<i32>} : memref<48x128xf32, #tpu.memory_space<vmem>>, vector<16xf32>,
      %get3A_1717 = arith.constant 41 : i32
      %get3A_1718 = arith.index_cast %get3A_1717 : i32 to index
      %get3A_1719 = arith.constant 16 : index
      %get3A_1720 = tpu.vector_load %arg25[%get3A_1718, %get3A_1719] {strides = array<i32>} : memref<48x128xf32, #tpu.memory_space<vmem>>, vector<16xf32>,
      %get3A_1721 = arith.constant 42 : i32
      %get3A_1722 = arith.index_cast %get3A_1721 : i32 to index
      %get3A_1723 = arith.constant 16 : index
      %get3A_1724 = tpu.vector_load %arg25[%get3A_1722, %get3A_1723] {strides = array<i32>} : memref<48x128xf32, #tpu.memory_space<vmem>>, vector<16xf32>,
      %get3A_1725 = arith.constant 43 : i32
      %get3A_1726 = arith.index_cast %get3A_1725 : i32 to index
      %get3A_1727 = arith.constant 16 : index
      %get3A_1728 = tpu.vector_load %arg25[%get3A_1726, %get3A_1727] {strides = array<i32>} : memref<48x128xf32, #tpu.memory_space<vmem>>, vector<16xf32>,
      %get3A_1729 = arith.constant 44 : i32
      %get3A_1730 = arith.index_cast %get3A_1729 : i32 to index
      %get3A_1731 = arith.constant 16 : index
      %get3A_1732 = tpu.vector_load %arg25[%get3A_1730, %get3A_1731] {strides = array<i32>} : memref<48x128xf32, #tpu.memory_space<vmem>>, vector<16xf32>,
      %get3A_1733 = arith.constant 45 : i32
      %get3A_1734 = arith.index_cast %get3A_1733 : i32 to index
      %get3A_1735 = arith.constant 16 : index
      %get3A_1736 = tpu.vector_load %arg25[%get3A_1734, %get3A_1735] {strides = array<i32>} : memref<48x128xf32, #tpu.memory_space<vmem>>, vector<16xf32>,
      %get3A_1737 = arith.constant 36 : i32
      %get3A_1738 = arith.index_cast %get3A_1737 : i32 to index
      %get3A_1739 = arith.constant 32 : index
      %get3A_1740 = tpu.vector_load %arg25[%get3A_1738, %get3A_1739] {strides = array<i32>} : memref<48x128xf32, #tpu.memory_space<vmem>>, vector<16xf32>,
      %get3A_1741 = arith.constant 37 : i32
      %get3A_1742 = arith.index_cast %get3A_1741 : i32 to index
      %get3A_1743 = arith.constant 32 : index
      %get3A_1744 = tpu.vector_load %arg25[%get3A_1742, %get3A_1743] {strides = array<i32>} : memref<48x128xf32, #tpu.memory_space<vmem>>, vector<16xf32>,
      %get3A_1745 = arith.constant 38 : i32
      %get3A_1746 = arith.index_cast %get3A_1745 : i32 to index
      %get3A_1747 = arith.constant 32 : index
      %get3A_1748 = tpu.vector_load %arg25[%get3A_1746, %get3A_1747] {strides = array<i32>} : memref<48x128xf32, #tpu.memory_space<vmem>>, vector<16xf32>,
      %get3A_1749 = arith.constant 39 : i32
      %get3A_1750 = arith.index_cast %get3A_1749 : i32 to index
      %get3A_1751 = arith.constant 32 : index
      %get3A_1752 = tpu.vector_load %arg25[%get3A_1750, %get3A_1751] {strides = array<i32>} : memref<48x128xf32, #tpu.memory_space<vmem>>, vector<16xf32>,
      %get3A_1753 = arith.constant 40 : i32
      %get3A_1754 = arith.index_cast %get3A_1753 : i32 to index
      %get3A_1755 = arith.constant 32 : index
      %get3A_1756 = tpu.vector_load %arg25[%get3A_1754, %get3A_1755] {strides = array<i32>} : memref<48x128xf32, #tpu.memory_space<vmem>>, vector<16xf32>,
      %get3A_1757 = arith.constant 41 : i32
      %get3A_1758 = arith.index_cast %get3A_1757 : i32 to index
      %get3A_1759 = arith.constant 32 : index
      %get3A_1760 = tpu.vector_load %arg25[%get3A_1758, %get3A_1759] {strides = array<i32>} : memref<48x128xf32, #tpu.memory_space<vmem>>, vector<16xf32>,
      %get3A_1761 = arith.constant 42 : i32
      %get3A_1762 = arith.index_cast %get3A_1761 : i32 to index
      %get3A_1763 = arith.constant 32 : index
      %get3A_1764 = tpu.vector_load %arg25[%get3A_1762, %get3A_1763] {strides = array<i32>} : memref<48x128xf32, #tpu.memory_space<vmem>>, vector<16xf32>,
      %get3A_1765 = arith.constant 43 : i32
      %get3A_1766 = arith.index_cast %get3A_1765 : i32 to index
      %get3A_1767 = arith.constant 32 : index
      %get3A_1768 = tpu.vector_load %arg25[%get3A_1766, %get3A_1767] {strides = array<i32>} : memref<48x128xf32, #tpu.memory_space<vmem>>, vector<16xf32>,
      %get3A_1769 = arith.constant 44 : i32
      %get3A_1770 = arith.index_cast %get3A_1769 : i32 to index
      %get3A_1771 = arith.constant 32 : index
      %get3A_1772 = tpu.vector_load %arg25[%get3A_1770, %get3A_1771] {strides = array<i32>} : memref<48x128xf32, #tpu.memory_space<vmem>>, vector<16xf32>,
      %get3A_1773 = arith.constant 45 : i32
      %get3A_1774 = arith.index_cast %get3A_1773 : i32 to index
      %get3A_1775 = arith.constant 32 : index
      %get3A_1776 = tpu.vector_load %arg25[%get3A_1774, %get3A_1775] {strides = array<i32>} : memref<48x128xf32, #tpu.memory_space<vmem>>, vector<16xf32>,
      %get3A_1777 = arith.constant 36 : i32
      %get3A_1778 = arith.index_cast %get3A_1777 : i32 to index
      %get3A_1779 = arith.constant 48 : index
      %get3A_1780 = tpu.vector_load %arg25[%get3A_1778, %get3A_1779] {strides = array<i32>} : memref<48x128xf32, #tpu.memory_space<vmem>>, vector<16xf32>,
      %get3A_1781 = arith.constant 37 : i32
      %get3A_1782 = arith.index_cast %get3A_1781 : i32 to index
      %get3A_1783 = arith.constant 48 : index
      %get3A_1784 = tpu.vector_load %arg25[%get3A_1782, %get3A_1783] {strides = array<i32>} : memref<48x128xf32, #tpu.memory_space<vmem>>, vector<16xf32>,
      %get3A_1785 = arith.constant 38 : i32
      %get3A_1786 = arith.index_cast %get3A_1785 : i32 to index
      %get3A_1787 = arith.constant 48 : index
      %get3A_1788 = tpu.vector_load %arg25[%get3A_1786, %get3A_1787] {strides = array<i32>} : memref<48x128xf32, #tpu.memory_space<vmem>>, vector<16xf32>,
      %get3A_1789 = arith.constant 39 : i32
      %get3A_1790 = arith.index_cast %get3A_1789 : i32 to index
      %get3A_1791 = arith.constant 48 : index
      %get3A_1792 = tpu.vector_load %arg25[%get3A_1790, %get3A_1791] {strides = array<i32>} : memref<48x128xf32, #tpu.memory_space<vmem>>, vector<16xf32>,
      %get3A_1793 = arith.constant 40 : i32
      %get3A_1794 = arith.index_cast %get3A_1793 : i32 to index
      %get3A_1795 = arith.constant 48 : index
      %get3A_1796 = tpu.vector_load %arg25[%get3A_1794, %get3A_1795] {strides = array<i32>} : memref<48x128xf32, #tpu.memory_space<vmem>>, vector<16xf32>,
      %get3A_1797 = arith.constant 41 : i32
      %get3A_1798 = arith.index_cast %get3A_1797 : i32 to index
      %get3A_1799 = arith.constant 48 : index
      %get3A_1800 = tpu.vector_load %arg25[%get3A_1798, %get3A_1799] {strides = array<i32>} : memref<48x128xf32, #tpu.memory_space<vmem>>, vector<16xf32>,
      %get3A_1801 = arith.constant 42 : i32
      %get3A_1802 = arith.index_cast %get3A_1801 : i32 to index
      %get3A_1803 = arith.constant 48 : index
      %get3A_1804 = tpu.vector_load %arg25[%get3A_1802, %get3A_1803] {strides = array<i32>} : memref<48x128xf32, #tpu.memory_space<vmem>>, vector<16xf32>,
      %get3A_1805 = arith.constant 43 : i32
      %get3A_1806 = arith.index_cast %get3A_1805 : i32 to index
      %get3A_1807 = arith.constant 48 : index
      %get3A_1808 = tpu.vector_load %arg25[%get3A_1806, %get3A_1807] {strides = array<i32>} : memref<48x128xf32, #tpu.memory_space<vmem>>, vector<16xf32>,
      %get3A_1809 = arith.constant 44 : i32
      %get3A_1810 = arith.index_cast %get3A_1809 : i32 to index
      %get3A_1811 = arith.constant 48 : index
      %get3A_1812 = tpu.vector_load %arg25[%get3A_1810, %get3A_1811] {strides = array<i32>} : memref<48x128xf32, #tpu.memory_space<vmem>>, vector<16xf32>,
      %get3A_1813 = arith.constant 45 : i32
      %get3A_1814 = arith.index_cast %get3A_1813 : i32 to index
      %get3A_1815 = arith.constant 48 : index
      %get3A_1816 = tpu.vector_load %arg25[%get3A_1814, %get3A_1815] {strides = array<i32>} : memref<48x128xf32, #tpu.memory_space<vmem>>, vector<16xf32>,
      %get3A_1817 = arith.constant 35 : i32
      %get3A_1818 = arith.index_cast %get3A_1817 : i32 to index
      %get3A_1819 = arith.constant 0 : index
      %get3A_1820 = tpu.vector_load %arg25[%get3A_1818, %get3A_1819] {strides = array<i32>} : memref<48x128xf32, #tpu.memory_space<vmem>>, vector<16xf32>,
      %get3A_1821 = arith.constant 35 : i32
      %get3A_1822 = arith.index_cast %get3A_1821 : i32 to index
      %get3A_1823 = arith.constant 16 : index
      %get3A_1824 = tpu.vector_load %arg25[%get3A_1822, %get3A_1823] {strides = array<i32>} : memref<48x128xf32, #tpu.memory_space<vmem>>, vector<16xf32>,
      %get3A_1825 = arith.constant 35 : i32
      %get3A_1826 = arith.index_cast %get3A_1825 : i32 to index
      %get3A_1827 = arith.constant 32 : index
      %get3A_1828 = tpu.vector_load %arg25[%get3A_1826, %get3A_1827] {strides = array<i32>} : memref<48x128xf32, #tpu.memory_space<vmem>>, vector<16xf32>,
      %get3A_1829 = arith.constant 35 : i32
      %get3A_1830 = arith.index_cast %get3A_1829 : i32 to index
      %get3A_1831 = arith.constant 48 : index
      %get3A_1832 = tpu.vector_load %arg25[%get3A_1830, %get3A_1831] {strides = array<i32>} : memref<48x128xf32, #tpu.memory_space<vmem>>, vector<16xf32>,
      %parallel_loop3A_1833 = arith.constant 0 : i32
      %parallel_loop3A_1834 = arith.constant 32 : i32
      %parallel_loop3A_1835 = arith.constant 1 : i32
      scf.for %parallel_loop3A_2022 = %parallel_loop3A_1833 to %parallel_loop3A_1834 step %parallel_loop3A_1835  : i32 {
        %parallel_loop3A_2023 = vector.broadcast %mul3A_1460 : i32 to vector<16xi32>
        %parallel_loop3A_2024 = vector.broadcast %parallel_loop3A_2022 : i32 to vector<16xi32>
        %parallel_loop3A_2025 = arith.addi %parallel_loop3A_2023, %parallel_loop3A_2024 : vector<16xi32>
        %parallel_loop3A_2026 = arith.constant 0 : i32
        %parallel_loop3A_2027 = vector.broadcast %parallel_loop3A_2026 : i32 to vector<16xi32>
        %parallel_loop3A_2028 = tpu.vector_load_idx %arg28[%parallel_loop3A_2025, %parallel_loop3A_2027] : memref<512x10xf32, #tpu.memory_space<vmem>>[vector<16xi32>, vector<16xi32>], vector<16xf32>,
        %parallel_loop3A_2029 = arith.constant 1 : i32
        %parallel_loop3A_2030 = vector.broadcast %parallel_loop3A_2029 : i32 to vector<16xi32>
        %parallel_loop3A_2031 = tpu.vector_load_idx %arg28[%parallel_loop3A_2025, %parallel_loop3A_2030] : memref<512x10xf32, #tpu.memory_space<vmem>>[vector<16xi32>, vector<16xi32>], vector<16xf32>,
        %parallel_loop3A_2032 = arith.constant 2 : i32
        %parallel_loop3A_2033 = vector.broadcast %parallel_loop3A_2032 : i32 to vector<16xi32>
        %parallel_loop3A_2034 = tpu.vector_load_idx %arg28[%parallel_loop3A_2025, %parallel_loop3A_2033] : memref<512x10xf32, #tpu.memory_space<vmem>>[vector<16xi32>, vector<16xi32>], vector<16xf32>,
        %parallel_loop3A_2035 = arith.constant 3 : i32
        %parallel_loop3A_2036 = vector.broadcast %parallel_loop3A_2035 : i32 to vector<16xi32>
        %parallel_loop3A_2037 = tpu.vector_load_idx %arg28[%parallel_loop3A_2025, %parallel_loop3A_2036] : memref<512x10xf32, #tpu.memory_space<vmem>>[vector<16xi32>, vector<16xi32>], vector<16xf32>,
        %parallel_loop3A_2038 = arith.constant 4 : i32
        %parallel_loop3A_2039 = vector.broadcast %parallel_loop3A_2038 : i32 to vector<16xi32>
        %parallel_loop3A_2040 = tpu.vector_load_idx %arg28[%parallel_loop3A_2025, %parallel_loop3A_2039] : memref<512x10xf32, #tpu.memory_space<vmem>>[vector<16xi32>, vector<16xi32>], vector<16xf32>,
        %parallel_loop3A_2041 = arith.constant 5 : i32
        %parallel_loop3A_2042 = vector.broadcast %parallel_loop3A_2041 : i32 to vector<16xi32>
        %parallel_loop3A_2043 = tpu.vector_load_idx %arg28[%parallel_loop3A_2025, %parallel_loop3A_2042] : memref<512x10xf32, #tpu.memory_space<vmem>>[vector<16xi32>, vector<16xi32>], vector<16xf32>,
        %parallel_loop3A_2044 = arith.constant 6 : i32
        %parallel_loop3A_2045 = vector.broadcast %parallel_loop3A_2044 : i32 to vector<16xi32>
        %parallel_loop3A_2046 = tpu.vector_load_idx %arg28[%parallel_loop3A_2025, %parallel_loop3A_2045] : memref<512x10xf32, #tpu.memory_space<vmem>>[vector<16xi32>, vector<16xi32>], vector<16xf32>,
        %parallel_loop3A_2047 = arith.constant 7 : i32
        %parallel_loop3A_2048 = vector.broadcast %parallel_loop3A_2047 : i32 to vector<16xi32>
        %parallel_loop3A_2049 = tpu.vector_load_idx %arg28[%parallel_loop3A_2025, %parallel_loop3A_2048] : memref<512x10xf32, #tpu.memory_space<vmem>>[vector<16xi32>, vector<16xi32>], vector<16xf32>,
        %parallel_loop3A_2050 = arith.constant 8 : i32
        %parallel_loop3A_2051 = vector.broadcast %parallel_loop3A_2050 : i32 to vector<16xi32>
        %parallel_loop3A_2052 = tpu.vector_load_idx %arg28[%parallel_loop3A_2025, %parallel_loop3A_2051] : memref<512x10xf32, #tpu.memory_space<vmem>>[vector<16xi32>, vector<16xi32>], vector<16xf32>,
        %parallel_loop3A_2053 = arith.constant 9 : i32
        %parallel_loop3A_2054 = vector.broadcast %parallel_loop3A_2053 : i32 to vector<16xi32>
        %parallel_loop3A_2055 = tpu.vector_load_idx %arg28[%parallel_loop3A_2025, %parallel_loop3A_2054] : memref<512x10xf32, #tpu.memory_space<vmem>>[vector<16xi32>, vector<16xi32>], vector<16xf32>,
        %parallel_loop3A_2056 = arith.mulf %get3A_1660, %parallel_loop3A_2028 : vector<16xf32>
        %parallel_loop3A_2057 = arith.mulf %get3A_1664, %parallel_loop3A_2031 : vector<16xf32>
        %parallel_loop3A_2058 = arith.mulf %get3A_1668, %parallel_loop3A_2034 : vector<16xf32>
        %parallel_loop3A_2059 = arith.mulf %get3A_1672, %parallel_loop3A_2037 : vector<16xf32>
        %parallel_loop3A_2060 = arith.mulf %get3A_1676, %parallel_loop3A_2040 : vector<16xf32>
        %parallel_loop3A_2061 = arith.mulf %get3A_1680, %parallel_loop3A_2043 : vector<16xf32>
        %parallel_loop3A_2062 = arith.mulf %get3A_1684, %parallel_loop3A_2046 : vector<16xf32>
        %parallel_loop3A_2063 = arith.mulf %get3A_1688, %parallel_loop3A_2049 : vector<16xf32>
        %parallel_loop3A_2064 = arith.mulf %get3A_1692, %parallel_loop3A_2052 : vector<16xf32>
        %parallel_loop3A_2065 = arith.mulf %get3A_1696, %parallel_loop3A_2055 : vector<16xf32>
        %parallel_loop3A_2066 = arith.addf %parallel_loop3A_2056, %parallel_loop3A_2057 : vector<16xf32>
        %parallel_loop3A_2067 = arith.addf %parallel_loop3A_2058, %parallel_loop3A_2059 : vector<16xf32>
        %parallel_loop3A_2068 = arith.addf %parallel_loop3A_2060, %parallel_loop3A_2061 : vector<16xf32>
        %parallel_loop3A_2069 = arith.addf %parallel_loop3A_2062, %parallel_loop3A_2063 : vector<16xf32>
        %parallel_loop3A_2070 = arith.addf %parallel_loop3A_2064, %parallel_loop3A_2065 : vector<16xf32>
        %parallel_loop3A_2071 = arith.addf %parallel_loop3A_2066, %parallel_loop3A_2067 : vector<16xf32>
        %parallel_loop3A_2072 = arith.addf %parallel_loop3A_2068, %parallel_loop3A_2069 : vector<16xf32>
        %parallel_loop3A_2073 = arith.addf %parallel_loop3A_2071, %parallel_loop3A_2072 : vector<16xf32>
        %parallel_loop3A_2074 = arith.addf %parallel_loop3A_2073, %parallel_loop3A_2070 : vector<16xf32>
        %parallel_loop3A_2075 = arith.addf %parallel_loop3A_2074, %get3A_1820 : vector<16xf32>
        %parallel_loop3A_2076 = arith.index_cast %parallel_loop3A_2022 : i32 to index
        %parallel_loop3A_2077 = arith.constant 0 : index
        %parallel_loop3A_2078 = tpu.vector_load %arg38[%parallel_loop3A_2076, %parallel_loop3A_2077] {strides = array<i32>} : memref<32x128xf32, #tpu.memory_space<vmem>>, vector<16xf32>,
        tpu.vector_store %arg38[%parallel_loop3A_2076, %parallel_loop3A_2077], %parallel_loop3A_2075 {strides = array<i32>} : memref<32x128xf32, #tpu.memory_space<vmem>>, vector<16xf32>,
        %parallel_loop3A_2079 = arith.mulf %get3A_1700, %parallel_loop3A_2028 : vector<16xf32>
        %parallel_loop3A_2080 = arith.mulf %get3A_1704, %parallel_loop3A_2031 : vector<16xf32>
        %parallel_loop3A_2081 = arith.mulf %get3A_1708, %parallel_loop3A_2034 : vector<16xf32>
        %parallel_loop3A_2082 = arith.mulf %get3A_1712, %parallel_loop3A_2037 : vector<16xf32>
        %parallel_loop3A_2083 = arith.mulf %get3A_1716, %parallel_loop3A_2040 : vector<16xf32>
        %parallel_loop3A_2084 = arith.mulf %get3A_1720, %parallel_loop3A_2043 : vector<16xf32>
        %parallel_loop3A_2085 = arith.mulf %get3A_1724, %parallel_loop3A_2046 : vector<16xf32>
        %parallel_loop3A_2086 = arith.mulf %get3A_1728, %parallel_loop3A_2049 : vector<16xf32>
        %parallel_loop3A_2087 = arith.mulf %get3A_1732, %parallel_loop3A_2052 : vector<16xf32>
        %parallel_loop3A_2088 = arith.mulf %get3A_1736, %parallel_loop3A_2055 : vector<16xf32>
        %parallel_loop3A_2089 = arith.addf %parallel_loop3A_2079, %parallel_loop3A_2080 : vector<16xf32>
        %parallel_loop3A_2090 = arith.addf %parallel_loop3A_2081, %parallel_loop3A_2082 : vector<16xf32>
        %parallel_loop3A_2091 = arith.addf %parallel_loop3A_2083, %parallel_loop3A_2084 : vector<16xf32>
        %parallel_loop3A_2092 = arith.addf %parallel_loop3A_2085, %parallel_loop3A_2086 : vector<16xf32>
        %parallel_loop3A_2093 = arith.addf %parallel_loop3A_2087, %parallel_loop3A_2088 : vector<16xf32>
        %parallel_loop3A_2094 = arith.addf %parallel_loop3A_2089, %parallel_loop3A_2090 : vector<16xf32>
        %parallel_loop3A_2095 = arith.addf %parallel_loop3A_2091, %parallel_loop3A_2092 : vector<16xf32>
        %parallel_loop3A_2096 = arith.addf %parallel_loop3A_2094, %parallel_loop3A_2095 : vector<16xf32>
        %parallel_loop3A_2097 = arith.addf %parallel_loop3A_2096, %parallel_loop3A_2093 : vector<16xf32>
        %parallel_loop3A_2098 = arith.addf %parallel_loop3A_2097, %get3A_1824 : vector<16xf32>
        %parallel_loop3A_2099 = arith.index_cast %parallel_loop3A_2022 : i32 to index
        %parallel_loop3A_2100 = arith.constant 16 : index
        %parallel_loop3A_2101 = tpu.vector_load %arg38[%parallel_loop3A_2099, %parallel_loop3A_2100] {strides = array<i32>} : memref<32x128xf32, #tpu.memory_space<vmem>>, vector<16xf32>,
        tpu.vector_store %arg38[%parallel_loop3A_2099, %parallel_loop3A_2100], %parallel_loop3A_2098 {strides = array<i32>} : memref<32x128xf32, #tpu.memory_space<vmem>>, vector<16xf32>,
        %parallel_loop3A_2102 = arith.mulf %get3A_1740, %parallel_loop3A_2028 : vector<16xf32>
        %parallel_loop3A_2103 = arith.mulf %get3A_1744, %parallel_loop3A_2031 : vector<16xf32>
        %parallel_loop3A_2104 = arith.mulf %get3A_1748, %parallel_loop3A_2034 : vector<16xf32>
        %parallel_loop3A_2105 = arith.mulf %get3A_1752, %parallel_loop3A_2037 : vector<16xf32>
        %parallel_loop3A_2106 = arith.mulf %get3A_1756, %parallel_loop3A_2040 : vector<16xf32>
        %parallel_loop3A_2107 = arith.mulf %get3A_1760, %parallel_loop3A_2043 : vector<16xf32>
        %parallel_loop3A_2108 = arith.mulf %get3A_1764, %parallel_loop3A_2046 : vector<16xf32>
        %parallel_loop3A_2109 = arith.mulf %get3A_1768, %parallel_loop3A_2049 : vector<16xf32>
        %parallel_loop3A_2110 = arith.mulf %get3A_1772, %parallel_loop3A_2052 : vector<16xf32>
        %parallel_loop3A_2111 = arith.mulf %get3A_1776, %parallel_loop3A_2055 : vector<16xf32>
        %parallel_loop3A_2112 = arith.addf %parallel_loop3A_2102, %parallel_loop3A_2103 : vector<16xf32>
        %parallel_loop3A_2113 = arith.addf %parallel_loop3A_2104, %parallel_loop3A_2105 : vector<16xf32>
        %parallel_loop3A_2114 = arith.addf %parallel_loop3A_2106, %parallel_loop3A_2107 : vector<16xf32>
        %parallel_loop3A_2115 = arith.addf %parallel_loop3A_2108, %parallel_loop3A_2109 : vector<16xf32>
        %parallel_loop3A_2116 = arith.addf %parallel_loop3A_2110, %parallel_loop3A_2111 : vector<16xf32>
        %parallel_loop3A_2117 = arith.addf %parallel_loop3A_2112, %parallel_loop3A_2113 : vector<16xf32>
        %parallel_loop3A_2118 = arith.addf %parallel_loop3A_2114, %parallel_loop3A_2115 : vector<16xf32>
        %parallel_loop3A_2119 = arith.addf %parallel_loop3A_2117, %parallel_loop3A_2118 : vector<16xf32>
        %parallel_loop3A_2120 = arith.addf %parallel_loop3A_2119, %parallel_loop3A_2116 : vector<16xf32>
        %parallel_loop3A_2121 = arith.addf %parallel_loop3A_2120, %get3A_1828 : vector<16xf32>
        %parallel_loop3A_2122 = arith.index_cast %parallel_loop3A_2022 : i32 to index
        %parallel_loop3A_2123 = arith.constant 32 : index
        %parallel_loop3A_2124 = tpu.vector_load %arg38[%parallel_loop3A_2122, %parallel_loop3A_2123] {strides = array<i32>} : memref<32x128xf32, #tpu.memory_space<vmem>>, vector<16xf32>,
        tpu.vector_store %arg38[%parallel_loop3A_2122, %parallel_loop3A_2123], %parallel_loop3A_2121 {strides = array<i32>} : memref<32x128xf32, #tpu.memory_space<vmem>>, vector<16xf32>,
        %parallel_loop3A_2125 = arith.mulf %get3A_1780, %parallel_loop3A_2028 : vector<16xf32>
        %parallel_loop3A_2126 = arith.mulf %get3A_1784, %parallel_loop3A_2031 : vector<16xf32>
        %parallel_loop3A_2127 = arith.mulf %get3A_1788, %parallel_loop3A_2034 : vector<16xf32>
        %parallel_loop3A_2128 = arith.mulf %get3A_1792, %parallel_loop3A_2037 : vector<16xf32>
        %parallel_loop3A_2129 = arith.mulf %get3A_1796, %parallel_loop3A_2040 : vector<16xf32>
        %parallel_loop3A_2130 = arith.mulf %get3A_1800, %parallel_loop3A_2043 : vector<16xf32>
        %parallel_loop3A_2131 = arith.mulf %get3A_1804, %parallel_loop3A_2046 : vector<16xf32>
        %parallel_loop3A_2132 = arith.mulf %get3A_1808, %parallel_loop3A_2049 : vector<16xf32>
        %parallel_loop3A_2133 = arith.mulf %get3A_1812, %parallel_loop3A_2052 : vector<16xf32>
        %parallel_loop3A_2134 = arith.mulf %get3A_1816, %parallel_loop3A_2055 : vector<16xf32>
        %parallel_loop3A_2135 = arith.addf %parallel_loop3A_2125, %parallel_loop3A_2126 : vector<16xf32>
        %parallel_loop3A_2136 = arith.addf %parallel_loop3A_2127, %parallel_loop3A_2128 : vector<16xf32>
        %parallel_loop3A_2137 = arith.addf %parallel_loop3A_2129, %parallel_loop3A_2130 : vector<16xf32>
        %parallel_loop3A_2138 = arith.addf %parallel_loop3A_2131, %parallel_loop3A_2132 : vector<16xf32>
        %parallel_loop3A_2139 = arith.addf %parallel_loop3A_2133, %parallel_loop3A_2134 : vector<16xf32>
        %parallel_loop3A_2140 = arith.addf %parallel_loop3A_2135, %parallel_loop3A_2136 : vector<16xf32>
        %parallel_loop3A_2141 = arith.addf %parallel_loop3A_2137, %parallel_loop3A_2138 : vector<16xf32>
        %parallel_loop3A_2142 = arith.addf %parallel_loop3A_2140, %parallel_loop3A_2141 : vector<16xf32>
        %parallel_loop3A_2143 = arith.addf %parallel_loop3A_2142, %parallel_loop3A_2139 : vector<16xf32>
        %parallel_loop3A_2144 = arith.addf %parallel_loop3A_2143, %get3A_1832 : vector<16xf32>
        %parallel_loop3A_2145 = arith.index_cast %parallel_loop3A_2022 : i32 to index
        %parallel_loop3A_2146 = arith.constant 48 : index
        %parallel_loop3A_2147 = tpu.vector_load %arg38[%parallel_loop3A_2145, %parallel_loop3A_2146] {strides = array<i32>} : memref<32x128xf32, #tpu.memory_space<vmem>>, vector<16xf32>,
        tpu.vector_store %arg38[%parallel_loop3A_2145, %parallel_loop3A_2146], %parallel_loop3A_2144 {strides = array<i32>} : memref<32x128xf32, #tpu.memory_space<vmem>>, vector<16xf32>,
      } {sc.loop_unroll_factor = 1 : i64, sc.parallel_access}
      %get3A_1836 = arith.constant 36 : i32
      %get3A_1837 = arith.index_cast %get3A_1836 : i32 to index
      %get3A_1838 = arith.constant 64 : index
      %get3A_1839 = tpu.vector_load %arg25[%get3A_1837, %get3A_1838] {strides = array<i32>} : memref<48x128xf32, #tpu.memory_space<vmem>>, vector<16xf32>,
      %get3A_1840 = arith.constant 37 : i32
      %get3A_1841 = arith.index_cast %get3A_1840 : i32 to index
      %get3A_1842 = arith.constant 64 : index
      %get3A_1843 = tpu.vector_load %arg25[%get3A_1841, %get3A_1842] {strides = array<i32>} : memref<48x128xf32, #tpu.memory_space<vmem>>, vector<16xf32>,
      %get3A_1844 = arith.constant 38 : i32
      %get3A_1845 = arith.index_cast %get3A_1844 : i32 to index
      %get3A_1846 = arith.constant 64 : index
      %get3A_1847 = tpu.vector_load %arg25[%get3A_1845, %get3A_1846] {strides = array<i32>} : memref<48x128xf32, #tpu.memory_space<vmem>>, vector<16xf32>,
      %get3A_1848 = arith.constant 39 : i32
      %get3A_1849 = arith.index_cast %get3A_1848 : i32 to index
      %get3A_1850 = arith.constant 64 : index
      %get3A_1851 = tpu.vector_load %arg25[%get3A_1849, %get3A_1850] {strides = array<i32>} : memref<48x128xf32, #tpu.memory_space<vmem>>, vector<16xf32>,
      %get3A_1852 = arith.constant 40 : i32
      %get3A_1853 = arith.index_cast %get3A_1852 : i32 to index
      %get3A_1854 = arith.constant 64 : index
      %get3A_1855 = tpu.vector_load %arg25[%get3A_1853, %get3A_1854] {strides = array<i32>} : memref<48x128xf32, #tpu.memory_space<vmem>>, vector<16xf32>,
      %get3A_1856 = arith.constant 41 : i32
      %get3A_1857 = arith.index_cast %get3A_1856 : i32 to index
      %get3A_1858 = arith.constant 64 : index
      %get3A_1859 = tpu.vector_load %arg25[%get3A_1857, %get3A_1858] {strides = array<i32>} : memref<48x128xf32, #tpu.memory_space<vmem>>, vector<16xf32>,
      %get3A_1860 = arith.constant 42 : i32
      %get3A_1861 = arith.index_cast %get3A_1860 : i32 to index
      %get3A_1862 = arith.constant 64 : index
      %get3A_1863 = tpu.vector_load %arg25[%get3A_1861, %get3A_1862] {strides = array<i32>} : memref<48x128xf32, #tpu.memory_space<vmem>>, vector<16xf32>,
      %get3A_1864 = arith.constant 43 : i32
      %get3A_1865 = arith.index_cast %get3A_1864 : i32 to index
      %get3A_1866 = arith.constant 64 : index
      %get3A_1867 = tpu.vector_load %arg25[%get3A_1865, %get3A_1866] {strides = array<i32>} : memref<48x128xf32, #tpu.memory_space<vmem>>, vector<16xf32>,
      %get3A_1868 = arith.constant 44 : i32
      %get3A_1869 = arith.index_cast %get3A_1868 : i32 to index
      %get3A_1870 = arith.constant 64 : index
      %get3A_1871 = tpu.vector_load %arg25[%get3A_1869, %get3A_1870] {strides = array<i32>} : memref<48x128xf32, #tpu.memory_space<vmem>>, vector<16xf32>,
      %get3A_1872 = arith.constant 45 : i32
      %get3A_1873 = arith.index_cast %get3A_1872 : i32 to index
      %get3A_1874 = arith.constant 64 : index
      %get3A_1875 = tpu.vector_load %arg25[%get3A_1873, %get3A_1874] {strides = array<i32>} : memref<48x128xf32, #tpu.memory_space<vmem>>, vector<16xf32>,
      %get3A_1876 = arith.constant 36 : i32
      %get3A_1877 = arith.index_cast %get3A_1876 : i32 to index
      %get3A_1878 = arith.constant 80 : index
      %get3A_1879 = tpu.vector_load %arg25[%get3A_1877, %get3A_1878] {strides = array<i32>} : memref<48x128xf32, #tpu.memory_space<vmem>>, vector<16xf32>,
      %get3A_1880 = arith.constant 37 : i32
      %get3A_1881 = arith.index_cast %get3A_1880 : i32 to index
      %get3A_1882 = arith.constant 80 : index
      %get3A_1883 = tpu.vector_load %arg25[%get3A_1881, %get3A_1882] {strides = array<i32>} : memref<48x128xf32, #tpu.memory_space<vmem>>, vector<16xf32>,
      %get3A_1884 = arith.constant 38 : i32
      %get3A_1885 = arith.index_cast %get3A_1884 : i32 to index
      %get3A_1886 = arith.constant 80 : index
      %get3A_1887 = tpu.vector_load %arg25[%get3A_1885, %get3A_1886] {strides = array<i32>} : memref<48x128xf32, #tpu.memory_space<vmem>>, vector<16xf32>,
      %get3A_1888 = arith.constant 39 : i32
      %get3A_1889 = arith.index_cast %get3A_1888 : i32 to index
      %get3A_1890 = arith.constant 80 : index
      %get3A_1891 = tpu.vector_load %arg25[%get3A_1889, %get3A_1890] {strides = array<i32>} : memref<48x128xf32, #tpu.memory_space<vmem>>, vector<16xf32>,
      %get3A_1892 = arith.constant 40 : i32
      %get3A_1893 = arith.index_cast %get3A_1892 : i32 to index
      %get3A_1894 = arith.constant 80 : index
      %get3A_1895 = tpu.vector_load %arg25[%get3A_1893, %get3A_1894] {strides = array<i32>} : memref<48x128xf32, #tpu.memory_space<vmem>>, vector<16xf32>,
      %get3A_1896 = arith.constant 41 : i32
      %get3A_1897 = arith.index_cast %get3A_1896 : i32 to index
      %get3A_1898 = arith.constant 80 : index
      %get3A_1899 = tpu.vector_load %arg25[%get3A_1897, %get3A_1898] {strides = array<i32>} : memref<48x128xf32, #tpu.memory_space<vmem>>, vector<16xf32>,
      %get3A_1900 = arith.constant 42 : i32
      %get3A_1901 = arith.index_cast %get3A_1900 : i32 to index
      %get3A_1902 = arith.constant 80 : index
      %get3A_1903 = tpu.vector_load %arg25[%get3A_1901, %get3A_1902] {strides = array<i32>} : memref<48x128xf32, #tpu.memory_space<vmem>>, vector<16xf32>,
      %get3A_1904 = arith.constant 43 : i32
      %get3A_1905 = arith.index_cast %get3A_1904 : i32 to index
      %get3A_1906 = arith.constant 80 : index
      %get3A_1907 = tpu.vector_load %arg25[%get3A_1905, %get3A_1906] {strides = array<i32>} : memref<48x128xf32, #tpu.memory_space<vmem>>, vector<16xf32>,
      %get3A_1908 = arith.constant 44 : i32
      %get3A_1909 = arith.index_cast %get3A_1908 : i32 to index
      %get3A_1910 = arith.constant 80 : index
      %get3A_1911 = tpu.vector_load %arg25[%get3A_1909, %get3A_1910] {strides = array<i32>} : memref<48x128xf32, #tpu.memory_space<vmem>>, vector<16xf32>,
      %get3A_1912 = arith.constant 45 : i32
      %get3A_1913 = arith.index_cast %get3A_1912 : i32 to index
      %get3A_1914 = arith.constant 80 : index
      %get3A_1915 = tpu.vector_load %arg25[%get3A_1913, %get3A_1914] {strides = array<i32>} : memref<48x128xf32, #tpu.memory_space<vmem>>, vector<16xf32>,
      %get3A_1916 = arith.constant 36 : i32
      %get3A_1917 = arith.index_cast %get3A_1916 : i32 to index
      %get3A_1918 = arith.constant 96 : index
      %get3A_1919 = tpu.vector_load %arg25[%get3A_1917, %get3A_1918] {strides = array<i32>} : memref<48x128xf32, #tpu.memory_space<vmem>>, vector<16xf32>,
      %get3A_1920 = arith.constant 37 : i32
      %get3A_1921 = arith.index_cast %get3A_1920 : i32 to index
      %get3A_1922 = arith.constant 96 : index
      %get3A_1923 = tpu.vector_load %arg25[%get3A_1921, %get3A_1922] {strides = array<i32>} : memref<48x128xf32, #tpu.memory_space<vmem>>, vector<16xf32>,
      %get3A_1924 = arith.constant 38 : i32
      %get3A_1925 = arith.index_cast %get3A_1924 : i32 to index
      %get3A_1926 = arith.constant 96 : index
      %get3A_1927 = tpu.vector_load %arg25[%get3A_1925, %get3A_1926] {strides = array<i32>} : memref<48x128xf32, #tpu.memory_space<vmem>>, vector<16xf32>,
      %get3A_1928 = arith.constant 39 : i32
      %get3A_1929 = arith.index_cast %get3A_1928 : i32 to index
      %get3A_1930 = arith.constant 96 : index
      %get3A_1931 = tpu.vector_load %arg25[%get3A_1929, %get3A_1930] {strides = array<i32>} : memref<48x128xf32, #tpu.memory_space<vmem>>, vector<16xf32>,
      %get3A_1932 = arith.constant 40 : i32
      %get3A_1933 = arith.index_cast %get3A_1932 : i32 to index
      %get3A_1934 = arith.constant 96 : index
      %get3A_1935 = tpu.vector_load %arg25[%get3A_1933, %get3A_1934] {strides = array<i32>} : memref<48x128xf32, #tpu.memory_space<vmem>>, vector<16xf32>,
      %get3A_1936 = arith.constant 41 : i32
      %get3A_1937 = arith.index_cast %get3A_1936 : i32 to index
      %get3A_1938 = arith.constant 96 : index
      %get3A_1939 = tpu.vector_load %arg25[%get3A_1937, %get3A_1938] {strides = array<i32>} : memref<48x128xf32, #tpu.memory_space<vmem>>, vector<16xf32>,
      %get3A_1940 = arith.constant 42 : i32
      %get3A_1941 = arith.index_cast %get3A_1940 : i32 to index
      %get3A_1942 = arith.constant 96 : index
      %get3A_1943 = tpu.vector_load %arg25[%get3A_1941, %get3A_1942] {strides = array<i32>} : memref<48x128xf32, #tpu.memory_space<vmem>>, vector<16xf32>,
      %get3A_1944 = arith.constant 43 : i32
      %get3A_1945 = arith.index_cast %get3A_1944 : i32 to index
      %get3A_1946 = arith.constant 96 : index
      %get3A_1947 = tpu.vector_load %arg25[%get3A_1945, %get3A_1946] {strides = array<i32>} : memref<48x128xf32, #tpu.memory_space<vmem>>, vector<16xf32>,
      %get3A_1948 = arith.constant 44 : i32
      %get3A_1949 = arith.index_cast %get3A_1948 : i32 to index
      %get3A_1950 = arith.constant 96 : index
      %get3A_1951 = tpu.vector_load %arg25[%get3A_1949, %get3A_1950] {strides = array<i32>} : memref<48x128xf32, #tpu.memory_space<vmem>>, vector<16xf32>,
      %get3A_1952 = arith.constant 45 : i32
      %get3A_1953 = arith.index_cast %get3A_1952 : i32 to index
      %get3A_1954 = arith.constant 96 : index
      %get3A_1955 = tpu.vector_load %arg25[%get3A_1953, %get3A_1954] {strides = array<i32>} : memref<48x128xf32, #tpu.memory_space<vmem>>, vector<16xf32>,
      %get3A_1956 = arith.constant 36 : i32
      %get3A_1957 = arith.index_cast %get3A_1956 : i32 to index
      %get3A_1958 = arith.constant 112 : index
      %get3A_1959 = tpu.vector_load %arg25[%get3A_1957, %get3A_1958] {strides = array<i32>} : memref<48x128xf32, #tpu.memory_space<vmem>>, vector<16xf32>,
      %get3A_1960 = arith.constant 37 : i32
      %get3A_1961 = arith.index_cast %get3A_1960 : i32 to index
      %get3A_1962 = arith.constant 112 : index
      %get3A_1963 = tpu.vector_load %arg25[%get3A_1961, %get3A_1962] {strides = array<i32>} : memref<48x128xf32, #tpu.memory_space<vmem>>, vector<16xf32>,
      %get3A_1964 = arith.constant 38 : i32
      %get3A_1965 = arith.index_cast %get3A_1964 : i32 to index
      %get3A_1966 = arith.constant 112 : index
      %get3A_1967 = tpu.vector_load %arg25[%get3A_1965, %get3A_1966] {strides = array<i32>} : memref<48x128xf32, #tpu.memory_space<vmem>>, vector<16xf32>,
      %get3A_1968 = arith.constant 39 : i32
      %get3A_1969 = arith.index_cast %get3A_1968 : i32 to index
      %get3A_1970 = arith.constant 112 : index
      %get3A_1971 = tpu.vector_load %arg25[%get3A_1969, %get3A_1970] {strides = array<i32>} : memref<48x128xf32, #tpu.memory_space<vmem>>, vector<16xf32>,
      %get3A_1972 = arith.constant 40 : i32
      %get3A_1973 = arith.index_cast %get3A_1972 : i32 to index
      %get3A_1974 = arith.constant 112 : index
      %get3A_1975 = tpu.vector_load %arg25[%get3A_1973, %get3A_1974] {strides = array<i32>} : memref<48x128xf32, #tpu.memory_space<vmem>>, vector<16xf32>,
      %get3A_1976 = arith.constant 41 : i32
      %get3A_1977 = arith.index_cast %get3A_1976 : i32 to index
      %get3A_1978 = arith.constant 112 : index
      %get3A_1979 = tpu.vector_load %arg25[%get3A_1977, %get3A_1978] {strides = array<i32>} : memref<48x128xf32, #tpu.memory_space<vmem>>, vector<16xf32>,
      %get3A_1980 = arith.constant 42 : i32
      %get3A_1981 = arith.index_cast %get3A_1980 : i32 to index
      %get3A_1982 = arith.constant 112 : index
      %get3A_1983 = tpu.vector_load %arg25[%get3A_1981, %get3A_1982] {strides = array<i32>} : memref<48x128xf32, #tpu.memory_space<vmem>>, vector<16xf32>,
      %get3A_1984 = arith.constant 43 : i32
      %get3A_1985 = arith.index_cast %get3A_1984 : i32 to index
      %get3A_1986 = arith.constant 112 : index
      %get3A_1987 = tpu.vector_load %arg25[%get3A_1985, %get3A_1986] {strides = array<i32>} : memref<48x128xf32, #tpu.memory_space<vmem>>, vector<16xf32>,
      %get3A_1988 = arith.constant 44 : i32
      %get3A_1989 = arith.index_cast %get3A_1988 : i32 to index
      %get3A_1990 = arith.constant 112 : index
      %get3A_1991 = tpu.vector_load %arg25[%get3A_1989, %get3A_1990] {strides = array<i32>} : memref<48x128xf32, #tpu.memory_space<vmem>>, vector<16xf32>,
      %get3A_1992 = arith.constant 45 : i32
      %get3A_1993 = arith.index_cast %get3A_1992 : i32 to index
      %get3A_1994 = arith.constant 112 : index
      %get3A_1995 = tpu.vector_load %arg25[%get3A_1993, %get3A_1994] {strides = array<i32>} : memref<48x128xf32, #tpu.memory_space<vmem>>, vector<16xf32>,
      %get3A_1996 = arith.constant 35 : i32
      %get3A_1997 = arith.index_cast %get3A_1996 : i32 to index
      %get3A_1998 = arith.constant 64 : index
      %get3A_1999 = tpu.vector_load %arg25[%get3A_1997, %get3A_1998] {strides = array<i32>} : memref<48x128xf32, #tpu.memory_space<vmem>>, vector<16xf32>,
      %get3A_2000 = arith.constant 35 : i32
      %get3A_2001 = arith.index_cast %get3A_2000 : i32 to index
      %get3A_2002 = arith.constant 80 : index
      %get3A_2003 = tpu.vector_load %arg25[%get3A_2001, %get3A_2002] {strides = array<i32>} : memref<48x128xf32, #tpu.memory_space<vmem>>, vector<16xf32>,
      %get3A_2004 = arith.constant 35 : i32
      %get3A_2005 = arith.index_cast %get3A_2004 : i32 to index
      %get3A_2006 = arith.constant 96 : index
      %get3A_2007 = tpu.vector_load %arg25[%get3A_2005, %get3A_2006] {strides = array<i32>} : memref<48x128xf32, #tpu.memory_space<vmem>>, vector<16xf32>,
      %get3A_2008 = arith.constant 35 : i32
      %get3A_2009 = arith.index_cast %get3A_2008 : i32 to index
      %get3A_2010 = arith.constant 112 : index
      %get3A_2011 = tpu.vector_load %arg25[%get3A_2009, %get3A_2010] {strides = array<i32>} : memref<48x128xf32, #tpu.memory_space<vmem>>, vector<16xf32>,
      %parallel_loop3A_2012 = arith.constant 0 : i32
      %parallel_loop3A_2013 = arith.constant 32 : i32
      %parallel_loop3A_2014 = arith.constant 1 : i32
      scf.for %parallel_loop3A_2022 = %parallel_loop3A_2012 to %parallel_loop3A_2013 step %parallel_loop3A_2014  : i32 {
        %parallel_loop3A_2023 = vector.broadcast %mul3A_1460 : i32 to vector<16xi32>
        %parallel_loop3A_2024 = vector.broadcast %parallel_loop3A_2022 : i32 to vector<16xi32>
        %parallel_loop3A_2025 = arith.addi %parallel_loop3A_2023, %parallel_loop3A_2024 : vector<16xi32>
        %parallel_loop3A_2026 = arith.constant 0 : i32
        %parallel_loop3A_2027 = vector.broadcast %parallel_loop3A_2026 : i32 to vector<16xi32>
        %parallel_loop3A_2028 = tpu.vector_load_idx %arg28[%parallel_loop3A_2025, %parallel_loop3A_2027] : memref<512x10xf32, #tpu.memory_space<vmem>>[vector<16xi32>, vector<16xi32>], vector<16xf32>,
        %parallel_loop3A_2029 = arith.constant 1 : i32
        %parallel_loop3A_2030 = vector.broadcast %parallel_loop3A_2029 : i32 to vector<16xi32>
        %parallel_loop3A_2031 = tpu.vector_load_idx %arg28[%parallel_loop3A_2025, %parallel_loop3A_2030] : memref<512x10xf32, #tpu.memory_space<vmem>>[vector<16xi32>, vector<16xi32>], vector<16xf32>,
        %parallel_loop3A_2032 = arith.constant 2 : i32
        %parallel_loop3A_2033 = vector.broadcast %parallel_loop3A_2032 : i32 to vector<16xi32>
        %parallel_loop3A_2034 = tpu.vector_load_idx %arg28[%parallel_loop3A_2025, %parallel_loop3A_2033] : memref<512x10xf32, #tpu.memory_space<vmem>>[vector<16xi32>, vector<16xi32>], vector<16xf32>,
        %parallel_loop3A_2035 = arith.constant 3 : i32
        %parallel_loop3A_2036 = vector.broadcast %parallel_loop3A_2035 : i32 to vector<16xi32>
        %parallel_loop3A_2037 = tpu.vector_load_idx %arg28[%parallel_loop3A_2025, %parallel_loop3A_2036] : memref<512x10xf32, #tpu.memory_space<vmem>>[vector<16xi32>, vector<16xi32>], vector<16xf32>,
        %parallel_loop3A_2038 = arith.constant 4 : i32
        %parallel_loop3A_2039 = vector.broadcast %parallel_loop3A_2038 : i32 to vector<16xi32>
        %parallel_loop3A_2040 = tpu.vector_load_idx %arg28[%parallel_loop3A_2025, %parallel_loop3A_2039] : memref<512x10xf32, #tpu.memory_space<vmem>>[vector<16xi32>, vector<16xi32>], vector<16xf32>,
        %parallel_loop3A_2041 = arith.constant 5 : i32
        %parallel_loop3A_2042 = vector.broadcast %parallel_loop3A_2041 : i32 to vector<16xi32>
        %parallel_loop3A_2043 = tpu.vector_load_idx %arg28[%parallel_loop3A_2025, %parallel_loop3A_2042] : memref<512x10xf32, #tpu.memory_space<vmem>>[vector<16xi32>, vector<16xi32>], vector<16xf32>,
        %parallel_loop3A_2044 = arith.constant 6 : i32
        %parallel_loop3A_2045 = vector.broadcast %parallel_loop3A_2044 : i32 to vector<16xi32>
        %parallel_loop3A_2046 = tpu.vector_load_idx %arg28[%parallel_loop3A_2025, %parallel_loop3A_2045] : memref<512x10xf32, #tpu.memory_space<vmem>>[vector<16xi32>, vector<16xi32>], vector<16xf32>,
        %parallel_loop3A_2047 = arith.constant 7 : i32
        %parallel_loop3A_2048 = vector.broadcast %parallel_loop3A_2047 : i32 to vector<16xi32>
        %parallel_loop3A_2049 = tpu.vector_load_idx %arg28[%parallel_loop3A_2025, %parallel_loop3A_2048] : memref<512x10xf32, #tpu.memory_space<vmem>>[vector<16xi32>, vector<16xi32>], vector<16xf32>,
        %parallel_loop3A_2050 = arith.constant 8 : i32
        %parallel_loop3A_2051 = vector.broadcast %parallel_loop3A_2050 : i32 to vector<16xi32>
        %parallel_loop3A_2052 = tpu.vector_load_idx %arg28[%parallel_loop3A_2025, %parallel_loop3A_2051] : memref<512x10xf32, #tpu.memory_space<vmem>>[vector<16xi32>, vector<16xi32>], vector<16xf32>,
        %parallel_loop3A_2053 = arith.constant 9 : i32
        %parallel_loop3A_2054 = vector.broadcast %parallel_loop3A_2053 : i32 to vector<16xi32>
        %parallel_loop3A_2055 = tpu.vector_load_idx %arg28[%parallel_loop3A_2025, %parallel_loop3A_2054] : memref<512x10xf32, #tpu.memory_space<vmem>>[vector<16xi32>, vector<16xi32>], vector<16xf32>,
        %parallel_loop3A_2056 = arith.mulf %get3A_1839, %parallel_loop3A_2028 : vector<16xf32>
        %parallel_loop3A_2057 = arith.mulf %get3A_1843, %parallel_loop3A_2031 : vector<16xf32>
        %parallel_loop3A_2058 = arith.mulf %get3A_1847, %parallel_loop3A_2034 : vector<16xf32>
        %parallel_loop3A_2059 = arith.mulf %get3A_1851, %parallel_loop3A_2037 : vector<16xf32>
        %parallel_loop3A_2060 = arith.mulf %get3A_1855, %parallel_loop3A_2040 : vector<16xf32>
        %parallel_loop3A_2061 = arith.mulf %get3A_1859, %parallel_loop3A_2043 : vector<16xf32>
        %parallel_loop3A_2062 = arith.mulf %get3A_1863, %parallel_loop3A_2046 : vector<16xf32>
        %parallel_loop3A_2063 = arith.mulf %get3A_1867, %parallel_loop3A_2049 : vector<16xf32>
        %parallel_loop3A_2064 = arith.mulf %get3A_1871, %parallel_loop3A_2052 : vector<16xf32>
        %parallel_loop3A_2065 = arith.mulf %get3A_1875, %parallel_loop3A_2055 : vector<16xf32>
        %parallel_loop3A_2066 = arith.addf %parallel_loop3A_2056, %parallel_loop3A_2057 : vector<16xf32>
        %parallel_loop3A_2067 = arith.addf %parallel_loop3A_2058, %parallel_loop3A_2059 : vector<16xf32>
        %parallel_loop3A_2068 = arith.addf %parallel_loop3A_2060, %parallel_loop3A_2061 : vector<16xf32>
        %parallel_loop3A_2069 = arith.addf %parallel_loop3A_2062, %parallel_loop3A_2063 : vector<16xf32>
        %parallel_loop3A_2070 = arith.addf %parallel_loop3A_2064, %parallel_loop3A_2065 : vector<16xf32>
        %parallel_loop3A_2071 = arith.addf %parallel_loop3A_2066, %parallel_loop3A_2067 : vector<16xf32>
        %parallel_loop3A_2072 = arith.addf %parallel_loop3A_2068, %parallel_loop3A_2069 : vector<16xf32>
        %parallel_loop3A_2073 = arith.addf %parallel_loop3A_2071, %parallel_loop3A_2072 : vector<16xf32>
        %parallel_loop3A_2074 = arith.addf %parallel_loop3A_2073, %parallel_loop3A_2070 : vector<16xf32>
        %parallel_loop3A_2075 = arith.addf %parallel_loop3A_2074, %get3A_1999 : vector<16xf32>
        %parallel_loop3A_2076 = arith.index_cast %parallel_loop3A_2022 : i32 to index
        %parallel_loop3A_2077 = arith.constant 64 : index
        %parallel_loop3A_2078 = tpu.vector_load %arg38[%parallel_loop3A_2076, %parallel_loop3A_2077] {strides = array<i32>} : memref<32x128xf32, #tpu.memory_space<vmem>>, vector<16xf32>,
        tpu.vector_store %arg38[%parallel_loop3A_2076, %parallel_loop3A_2077], %parallel_loop3A_2075 {strides = array<i32>} : memref<32x128xf32, #tpu.memory_space<vmem>>, vector<16xf32>,
        %parallel_loop3A_2079 = arith.mulf %get3A_1879, %parallel_loop3A_2028 : vector<16xf32>
        %parallel_loop3A_2080 = arith.mulf %get3A_1883, %parallel_loop3A_2031 : vector<16xf32>
        %parallel_loop3A_2081 = arith.mulf %get3A_1887, %parallel_loop3A_2034 : vector<16xf32>
        %parallel_loop3A_2082 = arith.mulf %get3A_1891, %parallel_loop3A_2037 : vector<16xf32>
        %parallel_loop3A_2083 = arith.mulf %get3A_1895, %parallel_loop3A_2040 : vector<16xf32>
        %parallel_loop3A_2084 = arith.mulf %get3A_1899, %parallel_loop3A_2043 : vector<16xf32>
        %parallel_loop3A_2085 = arith.mulf %get3A_1903, %parallel_loop3A_2046 : vector<16xf32>
        %parallel_loop3A_2086 = arith.mulf %get3A_1907, %parallel_loop3A_2049 : vector<16xf32>
        %parallel_loop3A_2087 = arith.mulf %get3A_1911, %parallel_loop3A_2052 : vector<16xf32>
        %parallel_loop3A_2088 = arith.mulf %get3A_1915, %parallel_loop3A_2055 : vector<16xf32>
        %parallel_loop3A_2089 = arith.addf %parallel_loop3A_2079, %parallel_loop3A_2080 : vector<16xf32>
        %parallel_loop3A_2090 = arith.addf %parallel_loop3A_2081, %parallel_loop3A_2082 : vector<16xf32>
        %parallel_loop3A_2091 = arith.addf %parallel_loop3A_2083, %parallel_loop3A_2084 : vector<16xf32>
        %parallel_loop3A_2092 = arith.addf %parallel_loop3A_2085, %parallel_loop3A_2086 : vector<16xf32>
        %parallel_loop3A_2093 = arith.addf %parallel_loop3A_2087, %parallel_loop3A_2088 : vector<16xf32>
        %parallel_loop3A_2094 = arith.addf %parallel_loop3A_2089, %parallel_loop3A_2090 : vector<16xf32>
        %parallel_loop3A_2095 = arith.addf %parallel_loop3A_2091, %parallel_loop3A_2092 : vector<16xf32>
        %parallel_loop3A_2096 = arith.addf %parallel_loop3A_2094, %parallel_loop3A_2095 : vector<16xf32>
        %parallel_loop3A_2097 = arith.addf %parallel_loop3A_2096, %parallel_loop3A_2093 : vector<16xf32>
        %parallel_loop3A_2098 = arith.addf %parallel_loop3A_2097, %get3A_2003 : vector<16xf32>
        %parallel_loop3A_2099 = arith.index_cast %parallel_loop3A_2022 : i32 to index
        %parallel_loop3A_2100 = arith.constant 80 : index
        %parallel_loop3A_2101 = tpu.vector_load %arg38[%parallel_loop3A_2099, %parallel_loop3A_2100] {strides = array<i32>} : memref<32x128xf32, #tpu.memory_space<vmem>>, vector<16xf32>,
        tpu.vector_store %arg38[%parallel_loop3A_2099, %parallel_loop3A_2100], %parallel_loop3A_2098 {strides = array<i32>} : memref<32x128xf32, #tpu.memory_space<vmem>>, vector<16xf32>,
        %parallel_loop3A_2102 = arith.mulf %get3A_1919, %parallel_loop3A_2028 : vector<16xf32>
        %parallel_loop3A_2103 = arith.mulf %get3A_1923, %parallel_loop3A_2031 : vector<16xf32>
        %parallel_loop3A_2104 = arith.mulf %get3A_1927, %parallel_loop3A_2034 : vector<16xf32>
        %parallel_loop3A_2105 = arith.mulf %get3A_1931, %parallel_loop3A_2037 : vector<16xf32>
        %parallel_loop3A_2106 = arith.mulf %get3A_1935, %parallel_loop3A_2040 : vector<16xf32>
        %parallel_loop3A_2107 = arith.mulf %get3A_1939, %parallel_loop3A_2043 : vector<16xf32>
        %parallel_loop3A_2108 = arith.mulf %get3A_1943, %parallel_loop3A_2046 : vector<16xf32>
        %parallel_loop3A_2109 = arith.mulf %get3A_1947, %parallel_loop3A_2049 : vector<16xf32>
        %parallel_loop3A_2110 = arith.mulf %get3A_1951, %parallel_loop3A_2052 : vector<16xf32>
        %parallel_loop3A_2111 = arith.mulf %get3A_1955, %parallel_loop3A_2055 : vector<16xf32>
        %parallel_loop3A_2112 = arith.addf %parallel_loop3A_2102, %parallel_loop3A_2103 : vector<16xf32>
        %parallel_loop3A_2113 = arith.addf %parallel_loop3A_2104, %parallel_loop3A_2105 : vector<16xf32>
        %parallel_loop3A_2114 = arith.addf %parallel_loop3A_2106, %parallel_loop3A_2107 : vector<16xf32>
        %parallel_loop3A_2115 = arith.addf %parallel_loop3A_2108, %parallel_loop3A_2109 : vector<16xf32>
        %parallel_loop3A_2116 = arith.addf %parallel_loop3A_2110, %parallel_loop3A_2111 : vector<16xf32>
        %parallel_loop3A_2117 = arith.addf %parallel_loop3A_2112, %parallel_loop3A_2113 : vector<16xf32>
        %parallel_loop3A_2118 = arith.addf %parallel_loop3A_2114, %parallel_loop3A_2115 : vector<16xf32>
        %parallel_loop3A_2119 = arith.addf %parallel_loop3A_2117, %parallel_loop3A_2118 : vector<16xf32>
        %parallel_loop3A_2120 = arith.addf %parallel_loop3A_2119, %parallel_loop3A_2116 : vector<16xf32>
        %parallel_loop3A_2121 = arith.addf %parallel_loop3A_2120, %get3A_2007 : vector<16xf32>
        %parallel_loop3A_2122 = arith.index_cast %parallel_loop3A_2022 : i32 to index
        %parallel_loop3A_2123 = arith.constant 96 : index
        %parallel_loop3A_2124 = tpu.vector_load %arg38[%parallel_loop3A_2122, %parallel_loop3A_2123] {strides = array<i32>} : memref<32x128xf32, #tpu.memory_space<vmem>>, vector<16xf32>,
        tpu.vector_store %arg38[%parallel_loop3A_2122, %parallel_loop3A_2123], %parallel_loop3A_2121 {strides = array<i32>} : memref<32x128xf32, #tpu.memory_space<vmem>>, vector<16xf32>,
        %parallel_loop3A_2125 = arith.mulf %get3A_1959, %parallel_loop3A_2028 : vector<16xf32>
        %parallel_loop3A_2126 = arith.mulf %get3A_1963, %parallel_loop3A_2031 : vector<16xf32>
        %parallel_loop3A_2127 = arith.mulf %get3A_1967, %parallel_loop3A_2034 : vector<16xf32>
        %parallel_loop3A_2128 = arith.mulf %get3A_1971, %parallel_loop3A_2037 : vector<16xf32>
        %parallel_loop3A_2129 = arith.mulf %get3A_1975, %parallel_loop3A_2040 : vector<16xf32>
        %parallel_loop3A_2130 = arith.mulf %get3A_1979, %parallel_loop3A_2043 : vector<16xf32>
        %parallel_loop3A_2131 = arith.mulf %get3A_1983, %parallel_loop3A_2046 : vector<16xf32>
        %parallel_loop3A_2132 = arith.mulf %get3A_1987, %parallel_loop3A_2049 : vector<16xf32>
        %parallel_loop3A_2133 = arith.mulf %get3A_1991, %parallel_loop3A_2052 : vector<16xf32>
        %parallel_loop3A_2134 = arith.mulf %get3A_1995, %parallel_loop3A_2055 : vector<16xf32>
        %parallel_loop3A_2135 = arith.addf %parallel_loop3A_2125, %parallel_loop3A_2126 : vector<16xf32>
        %parallel_loop3A_2136 = arith.addf %parallel_loop3A_2127, %parallel_loop3A_2128 : vector<16xf32>
        %parallel_loop3A_2137 = arith.addf %parallel_loop3A_2129, %parallel_loop3A_2130 : vector<16xf32>
        %parallel_loop3A_2138 = arith.addf %parallel_loop3A_2131, %parallel_loop3A_2132 : vector<16xf32>
        %parallel_loop3A_2139 = arith.addf %parallel_loop3A_2133, %parallel_loop3A_2134 : vector<16xf32>
        %parallel_loop3A_2140 = arith.addf %parallel_loop3A_2135, %parallel_loop3A_2136 : vector<16xf32>
        %parallel_loop3A_2141 = arith.addf %parallel_loop3A_2137, %parallel_loop3A_2138 : vector<16xf32>
        %parallel_loop3A_2142 = arith.addf %parallel_loop3A_2140, %parallel_loop3A_2141 : vector<16xf32>
        %parallel_loop3A_2143 = arith.addf %parallel_loop3A_2142, %parallel_loop3A_2139 : vector<16xf32>
        %parallel_loop3A_2144 = arith.addf %parallel_loop3A_2143, %get3A_2011 : vector<16xf32>
        %parallel_loop3A_2145 = arith.index_cast %parallel_loop3A_2022 : i32 to index
        %parallel_loop3A_2146 = arith.constant 112 : index
        %parallel_loop3A_2147 = tpu.vector_load %arg38[%parallel_loop3A_2145, %parallel_loop3A_2146] {strides = array<i32>} : memref<32x128xf32, #tpu.memory_space<vmem>>, vector<16xf32>,
        tpu.vector_store %arg38[%parallel_loop3A_2145, %parallel_loop3A_2146], %parallel_loop3A_2144 {strides = array<i32>} : memref<32x128xf32, #tpu.memory_space<vmem>>, vector<16xf32>,
      } {sc.loop_unroll_factor = 1 : i64, sc.parallel_access}
      %dma_start3A_2015 = arith.constant 9 : i32
      %dma_start3A_2016 = arith.constant 0 : i32
      %dma_start3A_2017 = tpu.memref_slice %arg24[%add3A_1461, %dma_start3A_2015, %dma_start3A_2016] : memref<16384x10x128xf32, #tpu.memory_space<hbm>> -> memref<32x1x128xf32, #tpu.memory_space<hbm>>
      %dma_start3A_2018 = tpu.memref_squeeze %dma_start3A_2017 : memref<32x1x128xf32, #tpu.memory_space<hbm>> -> memref<32x128xf32, #tpu.memory_space<hbm>>
      %dma_start3A_2019 = arith.constant 0 : i32
      %dma_start3A_2020 = tpu.memref_slice %arg24[%add3A_1461, %dma_start3A_2015, %dma_start3A_2019] : memref<16384x10x128xf32, #tpu.memory_space<hbm>> -> memref<32x1x128xf32, #tpu.memory_space<hbm>>
      %dma_start3A_2021 = tpu.memref_squeeze %dma_start3A_2020 : memref<32x1x128xf32, #tpu.memory_space<hbm>> -> memref<32x128xf32, #tpu.memory_space<hbm>>
      tpu.enqueue_dma source(%arg38 : memref<32x128xf32, #tpu.memory_space<vmem>>) target(%dma_start3A_2021 : memref<32x128xf32, #tpu.memory_space<hbm>>) target_semaphore(%arg39 : memref<!tpu.dma_semaphore, #tpu.memory_space<semaphore_mem>>)
    }
    %scan3A_1367 = arith.constant 16 : i32
    %dma_wait3A_1368 = arith.constant 0 : i32
    %dma_wait3A_1369 = arith.constant 0 : i32
    %dma_wait3A_1370 = arith.constant 0 : i32
    %dma_wait3A_1371 = tpu.memref_slice %arg24[%dma_wait3A_1369, %dma_wait3A_1368, %dma_wait3A_1370] : memref<16384x10x128xf32, #tpu.memory_space<hbm>> -> memref<32x1x128xf32, #tpu.memory_space<hbm>>
    %dma_wait3A_1372 = tpu.memref_squeeze %dma_wait3A_1371 : memref<32x1x128xf32, #tpu.memory_space<hbm>> -> memref<32x128xf32, #tpu.memory_space<hbm>>
    %dma_wait3A_1373 = arith.constant 0 : i32
    %dma_wait3A_1374 = arith.constant 0 : i32
    %dma_wait3A_1375 = tpu.memref_slice %arg24[%dma_wait3A_1373, %dma_wait3A_1368, %dma_wait3A_1374] : memref<16384x10x128xf32, #tpu.memory_space<hbm>> -> memref<32x1x128xf32, #tpu.memory_space<hbm>>
    %dma_wait3A_1376 = tpu.memref_squeeze %dma_wait3A_1375 : memref<32x1x128xf32, #tpu.memory_space<hbm>> -> memref<32x128xf32, #tpu.memory_space<hbm>>
    tpu.wait_dma2 semaphore(%arg39 : memref<!tpu.dma_semaphore, #tpu.memory_space<semaphore_mem>>) src(%arg29 : memref<32x128xf32, #tpu.memory_space<vmem>>) dst(%dma_wait3A_1376 : memref<32x128xf32, #tpu.memory_space<hbm>>)
    %dma_wait3A_1377 = arith.constant 1 : i32
    %dma_wait3A_1378 = arith.constant 0 : i32
    %dma_wait3A_1379 = arith.constant 0 : i32
    %dma_wait3A_1380 = tpu.memref_slice %arg24[%dma_wait3A_1378, %dma_wait3A_1377, %dma_wait3A_1379] : memref<16384x10x128xf32, #tpu.memory_space<hbm>> -> memref<32x1x128xf32, #tpu.memory_space<hbm>>
    %dma_wait3A_1381 = tpu.memref_squeeze %dma_wait3A_1380 : memref<32x1x128xf32, #tpu.memory_space<hbm>> -> memref<32x128xf32, #tpu.memory_space<hbm>>
    %dma_wait3A_1382 = arith.constant 0 : i32
    %dma_wait3A_1383 = arith.constant 0 : i32
    %dma_wait3A_1384 = tpu.memref_slice %arg24[%dma_wait3A_1382, %dma_wait3A_1377, %dma_wait3A_1383] : memref<16384x10x128xf32, #tpu.memory_space<hbm>> -> memref<32x1x128xf32, #tpu.memory_space<hbm>>
    %dma_wait3A_1385 = tpu.memref_squeeze %dma_wait3A_1384 : memref<32x1x128xf32, #tpu.memory_space<hbm>> -> memref<32x128xf32, #tpu.memory_space<hbm>>
    tpu.wait_dma2 semaphore(%arg39 : memref<!tpu.dma_semaphore, #tpu.memory_space<semaphore_mem>>) src(%arg30 : memref<32x128xf32, #tpu.memory_space<vmem>>) dst(%dma_wait3A_1385 : memref<32x128xf32, #tpu.memory_space<hbm>>)
    %dma_wait3A_1386 = arith.constant 2 : i32
    %dma_wait3A_1387 = arith.constant 0 : i32
    %dma_wait3A_1388 = arith.constant 0 : i32
    %dma_wait3A_1389 = tpu.memref_slice %arg24[%dma_wait3A_1387, %dma_wait3A_1386, %dma_wait3A_1388] : memref<16384x10x128xf32, #tpu.memory_space<hbm>> -> memref<32x1x128xf32, #tpu.memory_space<hbm>>
    %dma_wait3A_1390 = tpu.memref_squeeze %dma_wait3A_1389 : memref<32x1x128xf32, #tpu.memory_space<hbm>> -> memref<32x128xf32, #tpu.memory_space<hbm>>
    %dma_wait3A_1391 = arith.constant 0 : i32
    %dma_wait3A_1392 = arith.constant 0 : i32
    %dma_wait3A_1393 = tpu.memref_slice %arg24[%dma_wait3A_1391, %dma_wait3A_1386, %dma_wait3A_1392] : memref<16384x10x128xf32, #tpu.memory_space<hbm>> -> memref<32x1x128xf32, #tpu.memory_space<hbm>>
    %dma_wait3A_1394 = tpu.memref_squeeze %dma_wait3A_1393 : memref<32x1x128xf32, #tpu.memory_space<hbm>> -> memref<32x128xf32, #tpu.memory_space<hbm>>
    tpu.wait_dma2 semaphore(%arg39 : memref<!tpu.dma_semaphore, #tpu.memory_space<semaphore_mem>>) src(%arg31 : memref<32x128xf32, #tpu.memory_space<vmem>>) dst(%dma_wait3A_1394 : memref<32x128xf32, #tpu.memory_space<hbm>>)
    %dma_wait3A_1395 = arith.constant 3 : i32
    %dma_wait3A_1396 = arith.constant 0 : i32
    %dma_wait3A_1397 = arith.constant 0 : i32
    %dma_wait3A_1398 = tpu.memref_slice %arg24[%dma_wait3A_1396, %dma_wait3A_1395, %dma_wait3A_1397] : memref<16384x10x128xf32, #tpu.memory_space<hbm>> -> memref<32x1x128xf32, #tpu.memory_space<hbm>>
    %dma_wait3A_1399 = tpu.memref_squeeze %dma_wait3A_1398 : memref<32x1x128xf32, #tpu.memory_space<hbm>> -> memref<32x128xf32, #tpu.memory_space<hbm>>
    %dma_wait3A_1400 = arith.constant 0 : i32
    %dma_wait3A_1401 = arith.constant 0 : i32
    %dma_wait3A_1402 = tpu.memref_slice %arg24[%dma_wait3A_1400, %dma_wait3A_1395, %dma_wait3A_1401] : memref<16384x10x128xf32, #tpu.memory_space<hbm>> -> memref<32x1x128xf32, #tpu.memory_space<hbm>>
    %dma_wait3A_1403 = tpu.memref_squeeze %dma_wait3A_1402 : memref<32x1x128xf32, #tpu.memory_space<hbm>> -> memref<32x128xf32, #tpu.memory_space<hbm>>
    tpu.wait_dma2 semaphore(%arg39 : memref<!tpu.dma_semaphore, #tpu.memory_space<semaphore_mem>>) src(%arg32 : memref<32x128xf32, #tpu.memory_space<vmem>>) dst(%dma_wait3A_1403 : memref<32x128xf32, #tpu.memory_space<hbm>>)
    %dma_wait3A_1404 = arith.constant 4 : i32
    %dma_wait3A_1405 = arith.constant 0 : i32
    %dma_wait3A_1406 = arith.constant 0 : i32
    %dma_wait3A_1407 = tpu.memref_slice %arg24[%dma_wait3A_1405, %dma_wait3A_1404, %dma_wait3A_1406] : memref<16384x10x128xf32, #tpu.memory_space<hbm>> -> memref<32x1x128xf32, #tpu.memory_space<hbm>>
    %dma_wait3A_1408 = tpu.memref_squeeze %dma_wait3A_1407 : memref<32x1x128xf32, #tpu.memory_space<hbm>> -> memref<32x128xf32, #tpu.memory_space<hbm>>
    %dma_wait3A_1409 = arith.constant 0 : i32
    %dma_wait3A_1410 = arith.constant 0 : i32
    %dma_wait3A_1411 = tpu.memref_slice %arg24[%dma_wait3A_1409, %dma_wait3A_1404, %dma_wait3A_1410] : memref<16384x10x128xf32, #tpu.memory_space<hbm>> -> memref<32x1x128xf32, #tpu.memory_space<hbm>>
    %dma_wait3A_1412 = tpu.memref_squeeze %dma_wait3A_1411 : memref<32x1x128xf32, #tpu.memory_space<hbm>> -> memref<32x128xf32, #tpu.memory_space<hbm>>
    tpu.wait_dma2 semaphore(%arg39 : memref<!tpu.dma_semaphore, #tpu.memory_space<semaphore_mem>>) src(%arg33 : memref<32x128xf32, #tpu.memory_space<vmem>>) dst(%dma_wait3A_1412 : memref<32x128xf32, #tpu.memory_space<hbm>>)
    %dma_wait3A_1413 = arith.constant 5 : i32
    %dma_wait3A_1414 = arith.constant 0 : i32
    %dma_wait3A_1415 = arith.constant 0 : i32
    %dma_wait3A_1416 = tpu.memref_slice %arg24[%dma_wait3A_1414, %dma_wait3A_1413, %dma_wait3A_1415] : memref<16384x10x128xf32, #tpu.memory_space<hbm>> -> memref<32x1x128xf32, #tpu.memory_space<hbm>>
    %dma_wait3A_1417 = tpu.memref_squeeze %dma_wait3A_1416 : memref<32x1x128xf32, #tpu.memory_space<hbm>> -> memref<32x128xf32, #tpu.memory_space<hbm>>
    %dma_wait3A_1418 = arith.constant 0 : i32
    %dma_wait3A_1419 = arith.constant 0 : i32
    %dma_wait3A_1420 = tpu.memref_slice %arg24[%dma_wait3A_1418, %dma_wait3A_1413, %dma_wait3A_1419] : memref<16384x10x128xf32, #tpu.memory_space<hbm>> -> memref<32x1x128xf32, #tpu.memory_space<hbm>>
    %dma_wait3A_1421 = tpu.memref_squeeze %dma_wait3A_1420 : memref<32x1x128xf32, #tpu.memory_space<hbm>> -> memref<32x128xf32, #tpu.memory_space<hbm>>
    tpu.wait_dma2 semaphore(%arg39 : memref<!tpu.dma_semaphore, #tpu.memory_space<semaphore_mem>>) src(%arg34 : memref<32x128xf32, #tpu.memory_space<vmem>>) dst(%dma_wait3A_1421 : memref<32x128xf32, #tpu.memory_space<hbm>>)
    %dma_wait3A_1422 = arith.constant 6 : i32
    %dma_wait3A_1423 = arith.constant 0 : i32
    %dma_wait3A_1424 = arith.constant 0 : i32
    %dma_wait3A_1425 = tpu.memref_slice %arg24[%dma_wait3A_1423, %dma_wait3A_1422, %dma_wait3A_1424] : memref<16384x10x128xf32, #tpu.memory_space<hbm>> -> memref<32x1x128xf32, #tpu.memory_space<hbm>>
    %dma_wait3A_1426 = tpu.memref_squeeze %dma_wait3A_1425 : memref<32x1x128xf32, #tpu.memory_space<hbm>> -> memref<32x128xf32, #tpu.memory_space<hbm>>
    %dma_wait3A_1427 = arith.constant 0 : i32
    %dma_wait3A_1428 = arith.constant 0 : i32
    %dma_wait3A_1429 = tpu.memref_slice %arg24[%dma_wait3A_1427, %dma_wait3A_1422, %dma_wait3A_1428] : memref<16384x10x128xf32, #tpu.memory_space<hbm>> -> memref<32x1x128xf32, #tpu.memory_space<hbm>>
    %dma_wait3A_1430 = tpu.memref_squeeze %dma_wait3A_1429 : memref<32x1x128xf32, #tpu.memory_space<hbm>> -> memref<32x128xf32, #tpu.memory_space<hbm>>
    tpu.wait_dma2 semaphore(%arg39 : memref<!tpu.dma_semaphore, #tpu.memory_space<semaphore_mem>>) src(%arg35 : memref<32x128xf32, #tpu.memory_space<vmem>>) dst(%dma_wait3A_1430 : memref<32x128xf32, #tpu.memory_space<hbm>>)
    %dma_wait3A_1431 = arith.constant 7 : i32
    %dma_wait3A_1432 = arith.constant 0 : i32
    %dma_wait3A_1433 = arith.constant 0 : i32
    %dma_wait3A_1434 = tpu.memref_slice %arg24[%dma_wait3A_1432, %dma_wait3A_1431, %dma_wait3A_1433] : memref<16384x10x128xf32, #tpu.memory_space<hbm>> -> memref<32x1x128xf32, #tpu.memory_space<hbm>>
    %dma_wait3A_1435 = tpu.memref_squeeze %dma_wait3A_1434 : memref<32x1x128xf32, #tpu.memory_space<hbm>> -> memref<32x128xf32, #tpu.memory_space<hbm>>
    %dma_wait3A_1436 = arith.constant 0 : i32
    %dma_wait3A_1437 = arith.constant 0 : i32
    %dma_wait3A_1438 = tpu.memref_slice %arg24[%dma_wait3A_1436, %dma_wait3A_1431, %dma_wait3A_1437] : memref<16384x10x128xf32, #tpu.memory_space<hbm>> -> memref<32x1x128xf32, #tpu.memory_space<hbm>>
    %dma_wait3A_1439 = tpu.memref_squeeze %dma_wait3A_1438 : memref<32x1x128xf32, #tpu.memory_space<hbm>> -> memref<32x128xf32, #tpu.memory_space<hbm>>
    tpu.wait_dma2 semaphore(%arg39 : memref<!tpu.dma_semaphore, #tpu.memory_space<semaphore_mem>>) src(%arg36 : memref<32x128xf32, #tpu.memory_space<vmem>>) dst(%dma_wait3A_1439 : memref<32x128xf32, #tpu.memory_space<hbm>>)
    %dma_wait3A_1440 = arith.constant 8 : i32
    %dma_wait3A_1441 = arith.constant 0 : i32
    %dma_wait3A_1442 = arith.constant 0 : i32
    %dma_wait3A_1443 = tpu.memref_slice %arg24[%dma_wait3A_1441, %dma_wait3A_1440, %dma_wait3A_1442] : memref<16384x10x128xf32, #tpu.memory_space<hbm>> -> memref<32x1x128xf32, #tpu.memory_space<hbm>>
    %dma_wait3A_1444 = tpu.memref_squeeze %dma_wait3A_1443 : memref<32x1x128xf32, #tpu.memory_space<hbm>> -> memref<32x128xf32, #tpu.memory_space<hbm>>
    %dma_wait3A_1445 = arith.constant 0 : i32
    %dma_wait3A_1446 = arith.constant 0 : i32
    %dma_wait3A_1447 = tpu.memref_slice %arg24[%dma_wait3A_1445, %dma_wait3A_1440, %dma_wait3A_1446] : memref<16384x10x128xf32, #tpu.memory_space<hbm>> -> memref<32x1x128xf32, #tpu.memory_space<hbm>>
    %dma_wait3A_1448 = tpu.memref_squeeze %dma_wait3A_1447 : memref<32x1x128xf32, #tpu.memory_space<hbm>> -> memref<32x128xf32, #tpu.memory_space<hbm>>
    tpu.wait_dma2 semaphore(%arg39 : memref<!tpu.dma_semaphore, #tpu.memory_space<semaphore_mem>>) src(%arg37 : memref<32x128xf32, #tpu.memory_space<vmem>>) dst(%dma_wait3A_1448 : memref<32x128xf32, #tpu.memory_space<hbm>>)
    %dma_wait3A_1449 = arith.constant 9 : i32
    %dma_wait3A_1450 = arith.constant 0 : i32
    %dma_wait3A_1451 = arith.constant 0 : i32
    %dma_wait3A_1452 = tpu.memref_slice %arg24[%dma_wait3A_1450, %dma_wait3A_1449, %dma_wait3A_1451] : memref<16384x10x128xf32, #tpu.memory_space<hbm>> -> memref<32x1x128xf32, #tpu.memory_space<hbm>>
    %dma_wait3A_1453 = tpu.memref_squeeze %dma_wait3A_1452 : memref<32x1x128xf32, #tpu.memory_space<hbm>> -> memref<32x128xf32, #tpu.memory_space<hbm>>
    %dma_wait3A_1454 = arith.constant 0 : i32
    %dma_wait3A_1455 = arith.constant 0 : i32
    %dma_wait3A_1456 = tpu.memref_slice %arg24[%dma_wait3A_1454, %dma_wait3A_1449, %dma_wait3A_1455] : memref<16384x10x128xf32, #tpu.memory_space<hbm>> -> memref<32x1x128xf32, #tpu.memory_space<hbm>>
    %dma_wait3A_1457 = tpu.memref_squeeze %dma_wait3A_1456 : memref<32x1x128xf32, #tpu.memory_space<hbm>> -> memref<32x128xf32, #tpu.memory_space<hbm>>
    tpu.wait_dma2 semaphore(%arg39 : memref<!tpu.dma_semaphore, #tpu.memory_space<semaphore_mem>>) src(%arg38 : memref<32x128xf32, #tpu.memory_space<vmem>>) dst(%dma_wait3A_1457 : memref<32x128xf32, #tpu.memory_space<hbm>>)
    return
  }
}

</mosaic_0001>

<sc_bundles>
// kernel: _run.3.cloned.1.call-start
scs
__scs_entry_jumppad:
0x0: {  	(pc) =	sbr.rel $0x88, $3  }
0x1: {  	(tag) =	ssettag $0x0;
	lr =	simm.s32 $0x1  }
0x2: {  	[smem:$0x3F8B] =	sst lr;
	_ =	strace $0xD0000000  }
0x3: {  	_ = 	snop  }
0x4: {  	_ = 	snop  }
0x5: {  	_ = 	snop  }
0x6: {  	_ = 	snop  }
0x7: {  	_ = 	snop  }
__scs_overlays_trampoline_lowered:
0x8: {  	[smem:$0x3F9A] =	sst s0  }
0x9: {  	[smem:$0x3F9B] =	sst s1  }
0xa: {  	[smem:$0x3F9C] =	sst s2  }
0xb: {  	[smem:$0x3F9D] =	sst s3  }
0xc: {  	[smem:$0x3F9E] =	sst s4  }
0xd: {  	[smem:$0x3F9F] =	sst s5  }
0xe: {  	[smem:$0x3FA0] =	sst s6  }
0xf: {  	[smem:$0x3FA1] =	sst s7  }
0x10: {  	[smem:$0x3FA2] =	sst s8  }
0x11: {  	[smem:$0x3FA3] =	sst s9;
	s0 =	simm.s32 @!p0 $0x0  }
0x12: {  	s1 =	sld [smem:$0x3F89];
	s0 =	simm.s32 @p0 $0x1  }
0x13: {  	[smem:$0x3FA4] =	sst s0;
	s0 =	simm.s32 @!p1 $0x0  }
0x14: {  	s2 =	sld [smem:$0x3F88];
	s0 =	simm.s32 @p1 $0x1  }
0x15: {  	[smem:$0x3FA5] =	sst s0;
	s0 =	simm.s32 @!p2 $0x0  }
0x16: {  	s3 =	sld [smem:$0x3FDB];
	s0 =	simm.s32 @p2 $0x1  }
0x17: {  	s4 =	simm.s32 $0x1BF5;
	[smem:$0x3FA7] =	sst s0  }
0x18: {  	s0 =	sld [smem:$0x3F8A];
	_ =	swait.ge [sflag:s4], $0x0  }
0x19: {  	s7 =	sld [smem:$0x3F8B]  }
0x1a: {  	s8 =	sadd.s32 $0xFFFFE003, lr  }
0x1b: {  	s9 =	sadd.s32 $0xFFFFFEF7, lr;
	s5 =	simm.s32 $0xFFFFFFFF;
	p2 =	slt.u32 s8, $0xFFFFF086  }
0x1c: {  	p1 =	slt.u32 s9, $0xF7A;
	s5 =	simm.s32 @!p2 $0x0  }
0x1d: {  	s5 =	simm.s32 @p1 $0x1;
	p0 =	seq.s32 s7, s2  }
0x1e: {  	s7 =	smul.u32 @!p0 $0xF7A, s2;
	p2 =	seq.s32 @!p0 s5, $0x0  }
0x1f: {  	s9 =	smul.u32 $0xF7A, s1;
	s8 =	simm.s32 @!p0 $0x1BF5;
	p2 =	por !p2, p0  }
0x20: {  	[sflag:s8] =	ssyncset.s32 @!p0 $0xFFFFF086;
	s6 =	sadd.s32 @!p0 s3, s7;
	s7 =	simm.s32 @!p0 $0x108  }
0x21: {  	s3 =	sadd.s32 s3, s9;
	s6 =	sadd.s32 @!p0 $0x88, s6;
	s7 =	simm.s32 @p2 $0x1082  }
0x22: {  	[simem:s7], [sflag:s8] =	dma.local @!p0 [hbm:s6], $0xF7A  }
0x23: {  	s9 =	sor.u32 $0xD0000000, s2;
	s6 =	simm.s32 $0x108;
	_ =	swait.ge @!p0 [sflag:s8], $0x0  }
0x24: {  	s3 =	sadd.s32 $0x88, s3;
	s6 =	simm.s32 @!p1 $0x1082;
	[sflag:s4] =	ssyncset.s32 $0xFFFFF086  }
0x25: {  	[simem:s6], [sflag:s4] =	dma.local [hbm:s3], $0xF7A  }
0x26: {  	[smem:$0x3F8B] =	sst s1;
	(tag) =	ssettag s2;
	_ =	strace s9  }
0x27: {  	s1 =	sld [smem:$0x3F9B]  }
0x28: {  	s2 =	sld [smem:$0x3F9C]  }
0x29: {  	s4 =	sld [smem:$0x3F9E]  }
0x2a: {  	p0 =	seq.s32 s5, $0x0;
	s5 =	sld [smem:$0x3F9F]  }
0x2b: {  	s6 =	sld [smem:$0x3FA0]  }
0x2c: {  	s7 =	sld [smem:$0x3FA1]  }
0x2d: {  	s3 =	simm.s32 $0x108;
	s8 =	sld [smem:$0x3FA2]  }
0x2e: {  	s3 =	simm.s32 @!p0 $0x1082;
	s9 =	sld [smem:$0x3FA3]  }
0x2f: {  	lr =	sadd.s32 s0, s3;
	s0 =	sld [smem:$0x3F9A]  }
0x30: {  	s3 =	sld [smem:$0x3F9D]  }
0x31: {  	[smem:$0x3FA6] =	sst s10  }
0x32: {  	s10 =	sld [smem:$0x3FA4];
	_ =	sdelay $0x3  }
0x33: {  	p0 =	seq.s32 s10, $0x1;
	s10 =	sld [smem:$0x3FA6];
	_ =	sdelay $0x3  }
0x34: {  	[smem:$0x3FA6] =	sst s10  }
0x35: {  	s10 =	sld [smem:$0x3FA5];
	_ =	sdelay $0x3  }
0x36: {  	p1 =	seq.s32 s10, $0x1;
	s10 =	sld [smem:$0x3FA6];
	_ =	sdelay $0x3  }
0x37: {  	[smem:$0x3FA6] =	sst s10  }
0x38: {  	s10 =	sld [smem:$0x3FA7]  }
0x39: {  	_ = 	snop;
	(pc) =	sbr.ind lr, $3  }
0x3a: {  	_ = 	snop  }
0x3b: {  	_ = 	snop  }
0x3c: {  	p2 =	seq.s32 s10, $0x1;
	s10 =	sld [smem:$0x3FA6]  }
0x3d: {  	_ =	shalt  }
0x3e: {  	_ =	shalt  }
0x3f: {  	_ =	shalt  }
0x40: {  	_ =	shalt  }
0x41: {  	_ =	shalt  }
0x42: {  	_ =	shalt  }
0x43: {  	_ =	shalt  }
0x44: {  	_ =	shalt  }
0x45: {  	_ =	shalt  }
0x46: {  	_ =	shalt  }
0x47: {  	_ =	shalt  }
0x48: {  	_ =	shalt  }
0x49: {  	_ =	shalt  }
0x4a: {  	_ =	shalt  }
0x4b: {  	_ =	shalt  }
0x4c: {  	_ =	shalt  }
0x4d: {  	_ =	shalt  }
0x4e: {  	_ =	shalt  }
0x4f: {  	_ =	shalt  }
0x50: {  	_ =	shalt  }
0x51: {  	_ =	shalt  }
0x52: {  	_ =	shalt  }
0x53: {  	_ =	shalt  }
0x54: {  	_ =	shalt  }
0x55: {  	_ =	shalt  }
0x56: {  	_ =	shalt  }
0x57: {  	_ =	shalt  }
0x58: {  	_ =	shalt  }
0x59: {  	_ =	shalt  }
0x5a: {  	_ =	shalt  }
0x5b: {  	_ =	shalt  }
0x5c: {  	_ =	shalt  }
0x5d: {  	_ =	shalt  }
0x5e: {  	_ =	shalt  }
0x5f: {  	_ =	shalt  }
0x60: {  	_ =	shalt  }
0x61: {  	_ =	shalt  }
0x62: {  	_ =	shalt  }
0x63: {  	_ =	shalt  }
0x64: {  	_ =	shalt  }
0x65: {  	_ =	shalt  }
0x66: {  	_ =	shalt  }
0x67: {  	_ =	shalt  }
0x68: {  	_ =	shalt  }
0x69: {  	_ =	shalt  }
0x6a: {  	_ =	shalt  }
0x6b: {  	_ =	shalt  }
0x6c: {  	_ =	shalt  }
0x6d: {  	_ =	shalt  }
0x6e: {  	_ =	shalt  }
0x6f: {  	_ =	shalt  }
0x70: {  	_ =	shalt  }
0x71: {  	_ =	shalt  }
0x72: {  	_ =	shalt  }
0x73: {  	_ =	shalt  }
0x74: {  	_ =	shalt  }
0x75: {  	_ =	shalt  }
0x76: {  	_ =	shalt  }
0x77: {  	_ =	shalt  }
0x78: {  	_ =	shalt  }
0x79: {  	_ =	shalt  }
0x7a: {  	_ =	shalt  }
0x7b: {  	_ =	shalt  }
0x7c: {  	_ =	shalt  }
0x7d: {  	_ =	shalt  }
0x7e: {  	_ =	shalt  }
0x7f: {  	_ =	shalt  }
0x80: {  	_ =	shalt  }
0x81: {  	_ =	shalt  }
0x82: {  	_ =	shalt  }
0x83: {  	_ =	shalt  }
0x84: {  	_ =	shalt  }
0x85: {  	_ =	shalt  }
0x86: {  	_ =	shalt  }
0x87: {  	_ =	shalt  }
.Lfunc_end0:
.L_simem_size_0:
called_computation_lowered:
.L_overlay_start_0:
0x88: {  	s2 =	sld [smem:$0x3FD9]  }
0x89: {  	s3 =	sld [smem:$0x3FFE];
	_ =	sdelay $0x1  }
0x8a: {  	s1 =	srdreg.scid  }
0x8b: {  	s0 =	sand.u32 $0x1, s1  }
0x8c: {  	s29 =	sshll.u32 s0, $0xA;
	s2 =	sadd.s32 s3, s2  }
0x8d: {  	s2 =	sadd.s32 s2, s29  }
0x8e: {  	[smem:$0x3FB2] =	sst s2  }
0x8f: {  	_ = 	snop  }
0x90: {  	s2 =	sld [smem:$0x3FC9]  }
0x91: {  	s3 =	sld [smem:$0x3FC8]  }
0x92: {  	s4 =	sld [smem:$0x3FC7]  }
0x93: {  	s5 =	sld [smem:$0x3FC6]  }
0x94: {  	s6 =	sld [smem:$0x3FC5]  }
0x95: {  	s7 =	sld [smem:$0x3FC4]  }
0x96: {  	s8 =	sld [smem:$0x3FC3]  }
0x97: {  	s9 =	sld [smem:$0x3FC2]  }
0x98: {  	s10 =	sld [smem:$0x3FC1]  }
0x99: {  	s11 =	sld [smem:$0x3FC0]  }
0x9a: {  	s12 =	sld [smem:$0x3FBF]  }
0x9b: {  	s13 =	sld [smem:$0x3FBE]  }
0x9c: {  	s14 =	sld [smem:$0x3FBD]  }
0x9d: {  	s15 =	sld [smem:$0x3FBC]  }
0x9e: {  	s17 =	sld [smem:$0x3FBB]  }
0x9f: {  	s18 =	sld [smem:$0x3FBA]  }
0xa0: {  	s19 =	sld [smem:$0x3FB9]  }
0xa1: {  	s20 =	sld [smem:$0x3FB8]  }
0xa2: {  	s21 =	sld [smem:$0x3FB7]  }
0xa3: {  	s22 =	sld [smem:$0x3FB6]  }
0xa4: {  	s23 =	sld [smem:$0x3FB5]  }
0xa5: {  	s24 =	sld [smem:$0x3FD0];
	(tm) =	ssettm $0x1  }
0xa6: {  	s16 =	sld [smem:$0x3FFB];
	_ =	sdelay $0x3  }
0xa7: {  	_ =	strace s16  }
0xa8: {  	s16 =	sld [smem:$0x3FFC];
	_ =	sdelay $0x3  }
0xa9: {  	_ =	strace s16  }
0xaa: {  	s16 =	sld [smem:$0x3FFD];
	_ =	sdelay $0x3  }
0xab: {  	_ =	strace s16  }
0xac: {  	_ =	strace $0x8FFFFFFF  }
0xad: {  	s30 =	sld [smem:$0x3FDB];
	_ =	sdelay $0x1  }
0xae: {  	s25 =	simm.s32 $_scs_section_size  }
0xaf: {  	s26 =	simm.s32 $_size__tile_task_arg_handler_lowered;
	s28 =	simm.s32 $_tile_task_arg_handler_lowered  }
0xb0: {  	s31 =	sshll.u32 s26, $0x1;
	s29 =	sshll.u32 s28, $0x1;
	s25 =	sadd.s32 s25, s30  }
0xb1: {  	s28 =	simm.s32 $0x1BFF;
	s26 =	sadd.s32 s29, s25;
	s29 =	simm.s32 $0x60  }
0xb2: {  	[timem:s29], [sflag:s28] =	dma.local [hbm:s26], s31  }
0xb3: {  	_ =	swait.ge [sflag:s28], s31  }
0xb4: {  	s16 =	ssub.s32 $0x0, s31;
	s30 =	simm.s32 $_tile_overlayer_lowered;
	[sflag:s28] =	ssyncset.done $0x0  }
0xb5: {  	s29 =	simm.s32 $_size__tile_overlayer_lowered;
	s31 =	sshll.u32 s30, $0x1;
	[sflag:s28] =	ssyncadd.s32 s16  }
0xb6: {  	s26 =	sshll.u32 s29, $0x1;
	s30 =	sadd.s32 s31, s25;
	s16 =	simm.s32 $0x0  }
0xb7: {  	[timem:s16], [sflag:s28] =	dma.local [hbm:s30], s26  }
0xb8: {  	_ =	swait.ge [sflag:s28], s26  }
0xb9: {  	s26 =	ssub.s32 $0x0, s26;
	[sflag:s28] =	ssyncset.done $0x0  }
0xba: {  	[sflag:s28] =	ssyncadd.s32 s26;
	_ =	sdelay $0x1  }
0xbb: {  	s31 =	simm.s32 $0x1B8B  }
0xbc: {  	_ =	swait.ge [sflag:s31], $0x1  }
0xbd: {  	[sflag:s31] =	ssyncset.done $0x0  }
0xbe: {  	s28 =	simm.s32 $0x1B8E;
	s26 =	sld [smem:$0x3FFE];
	[sflag:s31] =	ssyncadd.s32 $0xFFFFFFFF  }
0xbf: {  	s29 =	simm.s32 $execute0_lowered;
	[smem:$0x3FD2] =	sst s28  }
0xc0: {  	s28 =	sshll.u32 s29, $0x1;
	_ =	strace $0x80000046;
	[dreg:$0x1] =	wrdreg $0xFFFFFFFF  }
0xc1: {  	s30 =	simm.s32 $_size_execute0_lowered;
	s25 =	sadd.s32 s25, s28;
	[dreg:$0x0] =	wrdreg $0x0  }
0xc2: {  	s31 =	sshll.u32 s30, $0x1;
	[dreg:$0x2] =	wrdreg s25  }
0xc3: {  	[dreg:$0x3] =	wrdreg s31  }
0xc4: {  	[dreg:$0x4] =	wrdreg $0xC0  }
0xc5: {  	_ =	task [dreg:s16], $0x5FFFF  }
0xc6: {  	[dreg:$0x1] =	wrdreg $0xFFFFFFFF  }
0xc7: {  	[dreg:$0x0] =	wrdreg $0x30  }
0xc8: {  	[dreg:$0x2] =	wrdreg $0x0  }
0xc9: {  	[dreg:$0x3] =	wrdreg s17  }
0xca: {  	[dreg:$0x4] =	wrdreg s18  }
0xcb: {  	[dreg:$0x5] =	wrdreg s19  }
0xcc: {  	[dreg:$0x6] =	wrdreg s20  }
0xcd: {  	[dreg:$0x7] =	wrdreg s21  }
0xce: {  	[dreg:$0x8] =	wrdreg s22  }
0xcf: {  	[dreg:$0x9] =	wrdreg s23  }
0xd0: {  	[dreg:$0xa] =	wrdreg s24  }
0xd1: {  	[dreg:$0xb] =	wrdreg s26  }
0xd2: {  	[dreg:$0xc] =	wrdreg $0x9  }
0xd3: {  	_ =	task [dreg:s16], $0xDFFFF  }
0xd4: {  	[dreg:$0x1] =	wrdreg $0xFFFFFFFF  }
0xd5: {  	[dreg:$0x0] =	wrdreg $0x60  }
0xd6: {  	[dreg:$0x2] =	wrdreg s2  }
0xd7: {  	[dreg:$0x3] =	wrdreg s3  }
0xd8: {  	[dreg:$0x4] =	wrdreg s4  }
0xd9: {  	[dreg:$0x5] =	wrdreg s5  }
0xda: {  	[dreg:$0x6] =	wrdreg s6  }
0xdb: {  	[dreg:$0x7] =	wrdreg s7  }
0xdc: {  	[dreg:$0x8] =	wrdreg s8  }
0xdd: {  	[dreg:$0x9] =	wrdreg s9  }
0xde: {  	[dreg:$0xa] =	wrdreg s10  }
0xdf: {  	[dreg:$0xb] =	wrdreg s11  }
0xe0: {  	[dreg:$0xc] =	wrdreg s12  }
0xe1: {  	[dreg:$0xd] =	wrdreg s13  }
0xe2: {  	[dreg:$0xe] =	wrdreg s14  }
0xe3: {  	[dreg:$0xf] =	wrdreg s15  }
0xe4: {  	_ =	task.clear_ibuf [dreg:s16], $0x10FFFF;
	_ =	strace $0x90000046  }
0xe5: {  	s28 =	simm.s32 $0x9;
	_ =	strace $0x80000048  }
0xe6: {  	_ =	swait.ge [sflag:s28], $0x1  }
0xe7: {  	[sflag:s28] =	ssyncadd.s32 $0xFFFFFFFF  }
0xe8: {  	_ =	strace $0x90000048  }
0xe9: {  	_ =	sfence  }
0xea: {  	s29 =	sld [smem:$0x0];
	_ =	sdelay $0x2  }
0xeb: {  	s30 =	sshll.u32 s1, $0xD;
	s1 =	sshrl.u32 s1, $0x2  }
0xec: {  	s31 =	sand.u32 $0x4000, s30;
	s1 =	sadd.s32 s1, s29  }
0xed: {  	s0 =	sor.u32 s31, s0;
	s1 =	sshll.u32 s1, $0x11  }
0xee: {  	s0 =	sor.u32 s1, s0  }
0xef: {  	s0 =	sadd.s32 $0x8F2B, s0  }
0xf0: {  	[sflag:s0] =	ssyncadd.remote.s32 $0x1  }
0xf1: {  	_ =	sfence.sel $0xFFFF  }
0xf2: {  	[dreg:$0x0] =	wrdreg $0xFFFFFFFF;
	(pc) =	sbr.abs _section_cstart, $3  }
0xf3: {  	[dreg:$0x1] =	wrdreg $0xFFFFFFFF  }
0xf4: {  	_ =	task.clear_ibuf [dreg:s16], $0x2FFFF;
	_ =	strace $0x9FFFFFFF  }
0xf5: {  	(tm) =	ssettm $0x7FFFFFFF  }
tec
_tile_task_arg_handler_lowered:
.L_overlay_start_1:
0x0: {  	(tag) =	ssettag $0x1  }
0x1: {  	s0 =	rddreg [dreg:$0x0]  }
0x2: {  	s1 =	rddreg [dreg:$0x1]  }
0x3: {  	s2 =	rddreg [dreg:$0x2]  }
0x4: {  	s3 =	rddreg [dreg:$0x3]  }
0x5: {  	s4 =	rddreg [dreg:$0x4]  }
0x6: {  	s5 =	rddreg [dreg:$0x5]  }
0x7: {  	s6 =	rddreg [dreg:$0x6]  }
0x8: {  	s7 =	rddreg [dreg:$0x7]  }
0x9: {  	s8 =	rddreg [dreg:$0x8]  }
0xa: {  	s9 =	rddreg [dreg:$0x9]  }
0xb: {  	s10 =	rddreg [dreg:$0xa]  }
0xc: {  	s11 =	rddreg [dreg:$0xb]  }
0xd: {  	s12 =	rddreg [dreg:$0xc]  }
0xe: {  	s13 =	rddreg [dreg:$0xd]  }
0xf: {  	[smem:s0] =	sst s1  }
0x10: {  	[smem:s0+$0x1] =	sst s2  }
0x11: {  	[smem:s0+$0x2] =	sst s3  }
0x12: {  	[smem:s0+$0x3] =	sst s4  }
0x13: {  	[smem:s0+$0x4] =	sst s5  }
0x14: {  	[smem:s0+$0x5] =	sst s6  }
0x15: {  	[smem:s0+$0x6] =	sst s7  }
0x16: {  	[smem:s0+$0x7] =	sst s8  }
0x17: {  	[smem:s0+$0x8] =	sst s9  }
0x18: {  	[smem:s0+$0x9] =	sst s10  }
0x19: {  	[smem:s0+$0xA] =	sst s11  }
0x1a: {  	[smem:s0+$0xB] =	sst s12  }
0x1b: {  	[smem:s0+$0xC] =	sst s13;
	_ =	shalt  }
.Lfunc_end2:
execute0_lowered:
.L_overlay_start_2:
0x1c: {  	(tag) =	ssettag $0x2  }
0x1d: {  	s0 =	rddreg [dreg:$0xd];
	s1 =	simm.s32 $0x0  }
0x1e: {  	[smem:$0x7FF] =	sst s1  }
0x1f: {  	s1 =	sld [smem:$0x0]  }
0x20: {  	s2 =	sld [smem:$0x1]  }
0x21: {  	s3 =	sld [smem:$0x2]  }
0x22: {  	s5 =	sld [smem:$0x3]  }
0x23: {  	s8 =	sld [smem:$0x4]  }
0x24: {  	s4 =	srdreg.scid;
	s14 =	sld [smem:$0x5]  }
0x25: {  	s7 =	stileid.u32;
	s15 =	sld [smem:$0x6]  }
0x26: {  	s4 =	sand.u32 $0x1, s4;
	s7 =	sshll.u32 s7, $0xA;
	s16 =	sld [smem:$0x7]  }
0x27: {  	s6 =	ssub.s32 $0x2, s4;
	s4 =	sshll.u32 s4, $0x9;
	s18 =	sld [smem:$0x9]  }
0x28: {  	s17 =	sld [smem:$0x8];
	s10 =	sor.u32 s4, s7  }
0x29: {  	s7 =	sshrl.u32 s10, $0x3;
	[dreg:$0x17] =	wrdreg s10;
	s19 =	sshll.u32 s10, $0x4  }
0x2a: {  	s11 =	sadd.s32 s0, s7;
	[dreg:$0x1b] =	wrdreg s18;
	s0 =	sadd.s32 s16, s19  }
0x2b: {  	s20 =	sadd.s32 $0x400, s17;
	[smem:$0x7D9] =	sst s0  }
0x2c: {  	s21 =	sadd.s32 $0x410, s17;
	_ =	strace $0x80000047;
	[smem:$0x7DA] =	sst s20  }
0x2d: {  	s22 =	sadd.s32 $0x420, s17;
	[smem:$0x7DB] =	sst s21  }
0x2e: {  	s23 =	sadd.s32 $0x430, s17;
	[smem:$0x7DC] =	sst s22  }
0x2f: {  	s24 =	sadd.s32 $0x440, s17;
	[smem:$0x7DD] =	sst s23  }
0x30: {  	s25 =	sadd.s32 $0x450, s17;
	[smem:$0x7DE] =	sst s24  }
0x31: {  	s26 =	sadd.s32 $0x460, s17;
	[smem:$0x7DF] =	sst s25  }
0x32: {  	s28 =	sadd.s32 $0x470, s17;
	[smem:$0x7E0] =	sst s26  }
0x33: {  	s9 =	sshrl.u32 s6, $0x1;
	s29 =	sadd.s32 $0x480, s17;
	[smem:$0x7E1] =	sst s28  }
0x34: {  	s6 =	ssub.s32 s6, s9;
	s30 =	sadd.s32 $0x490, s17;
	[smem:$0x7E2] =	sst s29  }
0x35: {  	s31 =	smax.u32 s6, $0x1;
	[smem:$0x7E3] =	sst s30  }
0x36: {  	s12 =	sadd.s32 s1, s7;
	s1 =	sadd.s32 $0x10, s11;
	[smem:$0x7E4] =	sst s31  }
0x37: {  	s13 =	sadd.s32 s2, s7;
	s2 =	sadd.s32 $0x20, s11;
	[smem:$0x7E5] =	sst s1  }
0x38: {  	[smem:$0x7E6] =	sst s2  }
0x39: {  	s6 =	sadd.s32 $0x30, s11;
	[dreg:$0x18] =	wrdreg s11  }
0x3a: {  	s9 =	sadd.s32 $0x10, s12;
	[smem:$0x7E7] =	sst s6  }
0x3b: {  	s10 =	sadd.s32 $0x20, s12;
	[smem:$0x7E8] =	sst s9  }
0x3c: {  	s3 =	sadd.s32 s3, s7;
	[smem:$0x7E9] =	sst s10  }
0x3d: {  	s4 =	sadd.s32 s14, s7;
	s14 =	sadd.s32 $0x20, s13;
	[dreg:$0x19] =	wrdreg s12  }
0x3e: {  	s5 =	sadd.s32 s5, s7;
	s8 =	sadd.s32 s8, s7;
	[smem:$0x7EC] =	sst s14  }
0x3f: {  	s7 =	sadd.s32 s15, s7;
	s15 =	sadd.s32 $0x30, s13;
	[dreg:$0x1a] =	wrdreg s13  }
0x40: {  	s16 =	sadd.s32 $0x10, s3;
	[smem:$0x7ED] =	sst s15  }
0x41: {  	s17 =	sadd.s32 $0x20, s3;
	[smem:$0x7EE] =	sst s16  }
0x42: {  	[smem:$0x7EF] =	sst s17  }
0x43: {  	s18 =	sadd.s32 $0x30, s3;
	[dreg:$0x1c] =	wrdreg s3  }
0x44: {  	s19 =	sadd.s32 $0x10, s5;
	[smem:$0x7F0] =	sst s18  }
0x45: {  	[smem:$0x7F1] =	sst s19  }
0x46: {  	[dreg:$0x1d] =	wrdreg s5  }
0x47: {  	[dreg:$0x1e] =	wrdreg s8  }
0x48: {  	[dreg:$0x1f] =	wrdreg s4  }
0x49: {  	s11 =	sadd.s32 $0x30, s12;
	[smem:$0x7FC] =	sst s7  }
0x4a: {  	s12 =	sadd.s32 $0x10, s13;
	[smem:$0x7EA] =	sst s11  }
0x4b: {  	s20 =	sadd.s32 $0x20, s5;
	[smem:$0x7EB] =	sst s12  }
0x4c: {  	s21 =	sadd.s32 $0x30, s5;
	[smem:$0x7F2] =	sst s20  }
0x4d: {  	s22 =	sadd.s32 $0x10, s8;
	[smem:$0x7F3] =	sst s21  }
0x4e: {  	s23 =	sadd.s32 $0x20, s8;
	[smem:$0x7F4] =	sst s22  }
0x4f: {  	s24 =	sadd.s32 $0x30, s8;
	[smem:$0x7F5] =	sst s23  }
0x50: {  	s25 =	sadd.s32 $0x10, s4;
	[smem:$0x7F6] =	sst s24  }
0x51: {  	s26 =	sadd.s32 $0x20, s4;
	[smem:$0x7F7] =	sst s25  }
0x52: {  	s28 =	sadd.s32 $0x30, s4;
	[smem:$0x7F8] =	sst s26  }
0x53: {  	s29 =	sadd.s32 $0x10, s7;
	s30 =	sadd.s32 $0x20, s7;
	[smem:$0x7F9] =	sst s28  }
0x54: {  	s31 =	sadd.s32 $0x30, s7;
	s6 =	simm.s32 $0x80;
	[smem:$0x7FA] =	sst s29  }
0x55: {  	s7 =	simm.s32 $0x2800;
	s8 =	simm.s32 $0x2C00;
	[smem:$0x7FB] =	sst s30  }
0x56: {  	s3 =	simm.s32 $0x1;
	s1 =	simm.s32 $0x0;
	[smem:$0x7FD] =	sst s31  }
.LBB3_1:
0x57: {  	[smem:$0x7D8] =	sst s1  }
0x58: {  	s0 =	rddreg [dreg:$0x0]  }
0x59: {  	s1 =	simm.s32 $0x0;
	s23 =	rddreg [dreg:$0x1]  }
0x5a: {  	[tilespmem:s1], [sflag:$0x1] =	stream.linear.gather [hbm4b:s0+s1], $0x80, $0x38;
	[tilespmem:$0x1CC00] =	vst v63  }
0x5b: {  	s24 =	rddreg [dreg:$0x2]  }
0x5c: {  	[tilespmem:s6], [sflag:$0x1] =	stream.linear.gather [hbm4b:s23+s1], $0x80, $0x38;
	[tilespmem:$0x1CC00] =	vst v63  }
0x5d: {  	s2 =	simm.s32 $0x100;
	s25 =	rddreg [dreg:$0x3]  }
0x5e: {  	[tilespmem:s2], [sflag:$0x1] =	stream.linear.gather [hbm4b:s24+s1], $0x80, $0x38;
	[tilespmem:$0x1CC00] =	vst v63  }
0x5f: {  	s26 =	simm.s32 $0x180;
	s28 =	rddreg [dreg:$0x4]  }
0x60: {  	[tilespmem:s26], [sflag:$0x1] =	stream.linear.gather [hbm4b:s25+s1], $0x180, $0x38;
	[tilespmem:$0x1CC00] =	vst v63  }
0x61: {  	s29 =	simm.s32 $0x300;
	s30 =	rddreg [dreg:$0x5]  }
0x62: {  	[tilespmem:s29], [sflag:$0x1] =	stream.linear.gather [hbm4b:s28+s1], $0x180, $0x38;
	[tilespmem:$0x1CC00] =	vst v63  }
0x63: {  	s31 =	simm.s32 $0x480;
	s5 =	rddreg [dreg:$0x7]  }
0x64: {  	[tilespmem:s31], [sflag:$0x1] =	stream.linear.gather [hbm4b:s30+s1], $0x180, $0x38;
	[tilespmem:$0x1CC00] =	vst v63  }
0x65: {  	s4 =	simm.s32 $0x600;
	s2 =	rddreg [dreg:$0x6]  }
0x66: {  	[tilespmem:s4], [sflag:$0x1] =	stream.linear.gather [hbm4b:s2+s1], $0x180, $0x38;
	[tilespmem:$0x1CC00] =	vst v63  }
0x67: {  	s9 =	rddreg [dreg:$0x8];
	s6 =	simm.s32 $0x780  }
0x68: {  	[tilespmem:s6], [sflag:$0x1] =	stream.linear.gather [hbm4b:s5+s1], $0x500, $0x38;
	[tilespmem:$0x1CC00] =	vst v63  }
0x69: {  	s10 =	simm.s32 $0xC80;
	s11 =	rddreg [dreg:$0x9]  }
0x6a: {  	[tilespmem:s10], [sflag:$0x1] =	stream.linear.gather [hbm4b:s9+s1], $0x500, $0x38;
	[tilespmem:$0x1CC00] =	vst v63  }
0x6b: {  	s12 =	simm.s32 $0x1180;
	s13 =	rddreg [dreg:$0xa]  }
0x6c: {  	[tilespmem:s12], [sflag:$0x1] =	stream.linear.gather [hbm4b:s11+s1], $0x80, $0x38;
	[tilespmem:$0x1CC00] =	vst v63  }
0x6d: {  	s14 =	simm.s32 $0x1200;
	s15 =	rddreg [dreg:$0xb]  }
0x6e: {  	[tilespmem:s14], [sflag:$0x1] =	stream.linear.gather [hbm4b:s13+s1], $0x500, $0x38;
	[tilespmem:$0x1CC00] =	vst v63  }
0x6f: {  	s16 =	simm.s32 $0x1700;
	s17 =	rddreg [dreg:$0xc]  }
0x70: {  	[tilespmem:s16], [sflag:$0x1] =	stream.linear.gather [hbm4b:s15+s1], $0x80, $0x38;
	[tilespmem:$0x1CC00] =	vst v63  }
0x71: {  	s18 =	simm.s32 $0x1780;
	s19 =	rddreg [dreg:$0x18]  }
0x72: {  	[tilespmem:s18], [sflag:$0x1] =	stream.linear.gather [hbm4b:s17+s1], $0x80, $0x38;
	[tilespmem:$0x1CC00] =	vst v63  }
0x73: {  	s20 =	simm.s32 $0x1800;
	s21 =	sld [smem:$0x7E5]  }
0x74: {  	[tilespmem:s20], [sflag:$0x1] =	stream.linear.gather [hbm4b:s19+s1], $0x80, $0x38;
	[tilespmem:$0x1CC00] =	vst v63  }
0x75: {  	s22 =	simm.s32 $0x1C00;
	s23 =	sld [smem:$0x7E6]  }
0x76: {  	[tilespmem:s22], [sflag:$0x1] =	stream.linear.gather [hbm4b:s21+s1], $0x80, $0x38;
	[tilespmem:$0x1CC00] =	vst v63  }
0x77: {  	s24 =	simm.s32 $0x2000;
	s25 =	sld [smem:$0x7E7]  }
0x78: {  	[tilespmem:s24], [sflag:$0x1] =	stream.linear.gather [hbm4b:s23+s1], $0x80, $0x38;
	[tilespmem:$0x1CC00] =	vst v63  }
0x79: {  	s26 =	simm.s32 $0x2400;
	s28 =	rddreg [dreg:$0x19]  }
0x7a: {  	[tilespmem:s26], [sflag:$0x1] =	stream.linear.gather [hbm4b:s25+s1], $0x80, $0x38;
	[tilespmem:$0x1CC00] =	vst v63  }
0x7b: {  	s29 =	simm.s32 $0x1880;
	s30 =	sld [smem:$0x7E8]  }
0x7c: {  	[tilespmem:s29], [sflag:$0x1] =	stream.linear.gather [hbm4b:s28+s1], $0x80, $0x38;
	[tilespmem:$0x1CC00] =	vst v63  }
0x7d: {  	s31 =	simm.s32 $0x1C80;
	s2 =	sld [smem:$0x7E9]  }
0x7e: {  	[tilespmem:s31], [sflag:$0x1] =	stream.linear.gather [hbm4b:s30+s1], $0x80, $0x38;
	[tilespmem:$0x1CC00] =	vst v63  }
0x7f: {  	s4 =	simm.s32 $0x2080;
	s5 =	sld [smem:$0x7EA]  }
0x80: {  	[tilespmem:s4], [sflag:$0x1] =	stream.linear.gather [hbm4b:s2+s1], $0x80, $0x38;
	[tilespmem:$0x1CC00] =	vst v63  }
0x81: {  	s6 =	simm.s32 $0x2480;
	s9 =	rddreg [dreg:$0x1a]  }
0x82: {  	[tilespmem:s6], [sflag:$0x1] =	stream.linear.gather [hbm4b:s5+s1], $0x80, $0x38;
	[tilespmem:$0x1CC00] =	vst v63  }
0x83: {  	s10 =	simm.s32 $0x1900;
	s11 =	sld [smem:$0x7EB]  }
0x84: {  	[tilespmem:s10], [sflag:$0x1] =	stream.linear.gather [hbm4b:s9+s1], $0x80, $0x38;
	[tilespmem:$0x1CC00] =	vst v63  }
0x85: {  	s12 =	simm.s32 $0x1D00;
	s13 =	sld [smem:$0x7EC]  }
0x86: {  	[tilespmem:s12], [sflag:$0x1] =	stream.linear.gather [hbm4b:s11+s1], $0x80, $0x38;
	[tilespmem:$0x1CC00] =	vst v63  }
0x87: {  	s14 =	simm.s32 $0x2100;
	s15 =	sld [smem:$0x7ED]  }
0x88: {  	[tilespmem:s14], [sflag:$0x1] =	stream.linear.gather [hbm4b:s13+s1], $0x80, $0x38;
	[tilespmem:$0x1CC00] =	vst v63  }
0x89: {  	s16 =	simm.s32 $0x2500;
	s17 =	rddreg [dreg:$0x1c]  }
0x8a: {  	[tilespmem:s16], [sflag:$0x1] =	stream.linear.gather [hbm4b:s15+s1], $0x80, $0x38;
	[tilespmem:$0x1CC00] =	vst v63  }
0x8b: {  	s18 =	simm.s32 $0x1980;
	s19 =	sld [smem:$0x7EE]  }
0x8c: {  	[tilespmem:s18], [sflag:$0x1] =	stream.linear.gather [hbm4b:s17+s1], $0x80, $0x38;
	[tilespmem:$0x1CC00] =	vst v63  }
0x8d: {  	s20 =	simm.s32 $0x1D80;
	s21 =	sld [smem:$0x7EF]  }
0x8e: {  	[tilespmem:s20], [sflag:$0x1] =	stream.linear.gather [hbm4b:s19+s1], $0x80, $0x38;
	[tilespmem:$0x1CC00] =	vst v63  }
0x8f: {  	s22 =	simm.s32 $0x2180;
	s23 =	sld [smem:$0x7F0]  }
0x90: {  	[tilespmem:s22], [sflag:$0x1] =	stream.linear.gather [hbm4b:s21+s1], $0x80, $0x38;
	[tilespmem:$0x1CC00] =	vst v63  }
0x91: {  	s24 =	simm.s32 $0x2580;
	s25 =	rddreg [dreg:$0x1d]  }
0x92: {  	[tilespmem:s24], [sflag:$0x1] =	stream.linear.gather [hbm4b:s23+s1], $0x80, $0x38;
	[tilespmem:$0x1CC00] =	vst v63  }
0x93: {  	s26 =	simm.s32 $0x1A00;
	s28 =	sld [smem:$0x7F1]  }
0x94: {  	[tilespmem:s26], [sflag:$0x1] =	stream.linear.gather [hbm4b:s25+s1], $0x80, $0x38;
	[tilespmem:$0x1CC00] =	vst v63  }
0x95: {  	s29 =	simm.s32 $0x1E00;
	s30 =	sld [smem:$0x7F2]  }
0x96: {  	[tilespmem:s29], [sflag:$0x1] =	stream.linear.gather [hbm4b:s28+s1], $0x80, $0x38;
	[tilespmem:$0x1CC00] =	vst v63  }
0x97: {  	s31 =	simm.s32 $0x2200;
	s2 =	sld [smem:$0x7F3]  }
0x98: {  	[tilespmem:s31], [sflag:$0x1] =	stream.linear.gather [hbm4b:s30+s1], $0x80, $0x38;
	[tilespmem:$0x1CC00] =	vst v63  }
0x99: {  	s4 =	simm.s32 $0x2600;
	s5 =	rddreg [dreg:$0x1e]  }
0x9a: {  	[tilespmem:s4], [sflag:$0x1] =	stream.linear.gather [hbm4b:s2+s1], $0x80, $0x38;
	[tilespmem:$0x1CC00] =	vst v63  }
0x9b: {  	s6 =	simm.s32 $0x1A80;
	s9 =	sld [smem:$0x7F4]  }
0x9c: {  	[tilespmem:s6], [sflag:$0x1] =	stream.linear.gather [hbm4b:s5+s1], $0x80, $0x38;
	[tilespmem:$0x1CC00] =	vst v63  }
0x9d: {  	s10 =	simm.s32 $0x1E80;
	s11 =	sld [smem:$0x7F5]  }
0x9e: {  	[tilespmem:s10], [sflag:$0x1] =	stream.linear.gather [hbm4b:s9+s1], $0x80, $0x38;
	[tilespmem:$0x1CC00] =	vst v63  }
0x9f: {  	s12 =	simm.s32 $0x2280;
	s13 =	sld [smem:$0x7F6]  }
0xa0: {  	[tilespmem:s12], [sflag:$0x1] =	stream.linear.gather [hbm4b:s11+s1], $0x80, $0x38;
	[tilespmem:$0x1CC00] =	vst v63  }
0xa1: {  	s14 =	simm.s32 $0x2680;
	s15 =	rddreg [dreg:$0x1f]  }
0xa2: {  	[tilespmem:s14], [sflag:$0x1] =	stream.linear.gather [hbm4b:s13+s1], $0x80, $0x38;
	[tilespmem:$0x1CC00] =	vst v63  }
0xa3: {  	s16 =	sld [smem:$0x7F7]  }
0xa4: {  	[tilespmem:s7], [sflag:$0x1] =	stream.linear.gather [hbm4b:s15+s1], $0x80, $0x38;
	[tilespmem:$0x1CC00] =	vst v63  }
0xa5: {  	s17 =	simm.s32 $0x2900;
	s18 =	sld [smem:$0x7F8]  }
0xa6: {  	[tilespmem:s17], [sflag:$0x1] =	stream.linear.gather [hbm4b:s16+s1], $0x80, $0x38;
	[tilespmem:$0x1CC00] =	vst v63  }
0xa7: {  	s19 =	simm.s32 $0x2A00;
	s20 =	sld [smem:$0x7F9]  }
0xa8: {  	[tilespmem:s19], [sflag:$0x1] =	stream.linear.gather [hbm4b:s18+s1], $0x80, $0x38;
	[tilespmem:$0x1CC00] =	vst v63  }
0xa9: {  	s21 =	simm.s32 $0x2B00;
	s22 =	sld [smem:$0x7FC]  }
0xaa: {  	[tilespmem:s21], [sflag:$0x1] =	stream.linear.gather [hbm4b:s20+s1], $0x80, $0x38;
	[tilespmem:$0x1CC00] =	vst v63  }
0xab: {  	s23 =	simm.s32 $0x2880;
	s24 =	sld [smem:$0x7FA]  }
0xac: {  	[tilespmem:s23], [sflag:$0x1] =	stream.linear.gather [hbm4b:s22+s1], $0x80, $0x38;
	[tilespmem:$0x1CC00] =	vst v63  }
0xad: {  	s25 =	simm.s32 $0x2980;
	s26 =	sld [smem:$0x7FB]  }
0xae: {  	[tilespmem:s25], [sflag:$0x1] =	stream.linear.gather [hbm4b:s24+s1], $0x80, $0x38;
	[tilespmem:$0x1CC00] =	vst v63  }
0xaf: {  	s28 =	simm.s32 $0x2A80;
	s29 =	sld [smem:$0x7FD]  }
0xb0: {  	[tilespmem:s28], [sflag:$0x1] =	stream.linear.gather [hbm4b:s26+s1], $0x80, $0x38;
	[tilespmem:$0x1CC00] =	vst v63  }
0xb1: {  	s30 =	simm.s32 $0x2B80;
	s31 =	sld [smem:$0x7D9]  }
0xb2: {  	[tilespmem:s30], [sflag:$0x1] =	stream.linear.gather [hbm4b:s29+s1], $0x80, $0x38;
	[tilespmem:$0x1CC00] =	vst v63  }
0xb3: {  	_ = 	snop  }
0xb4: {  	[tilespmem:s8], [sflag:$0x1] =	stream.linear.gather [hbm4b:s31+s1], $0x10000, $0x38;
	[tilespmem:$0x1CC00] =	vst v63  }
0xb5: {  	_ =	swait.ge [sflag:s3], $0x80  }
0xb6: {  	[sflag:s3] =	ssyncset.done $0x0  }
0xb7: {  	[sflag:s3] =	ssyncadd.s32 $0xFFFFFF80  }
0xb8: {  	_ =	swait.ge [sflag:s3], $0x80  }
0xb9: {  	[sflag:s3] =	ssyncset.done $0x0  }
0xba: {  	[sflag:s3] =	ssyncadd.s32 $0xFFFFFF80  }
0xbb: {  	_ =	swait.ge [sflag:s3], $0x80  }
0xbc: {  	[sflag:s3] =	ssyncset.done $0x0  }
0xbd: {  	[sflag:s3] =	ssyncadd.s32 $0xFFFFFF80  }
0xbe: {  	_ =	swait.ge [sflag:s3], $0x180  }
0xbf: {  	[sflag:s3] =	ssyncset.done $0x0  }
0xc0: {  	[sflag:s3] =	ssyncadd.s32 $0xFFFFFE80  }
0xc1: {  	_ =	swait.ge [sflag:s3], $0x180  }
0xc2: {  	[sflag:s3] =	ssyncset.done $0x0  }
0xc3: {  	[sflag:s3] =	ssyncadd.s32 $0xFFFFFE80  }
0xc4: {  	_ =	swait.ge [sflag:s3], $0x180  }
0xc5: {  	[sflag:s3] =	ssyncset.done $0x0  }
0xc6: {  	[sflag:s3] =	ssyncadd.s32 $0xFFFFFE80  }
0xc7: {  	_ =	swait.ge [sflag:s3], $0x180  }
0xc8: {  	[sflag:s3] =	ssyncset.done $0x0  }
0xc9: {  	[sflag:s3] =	ssyncadd.s32 $0xFFFFFE80  }
0xca: {  	_ =	swait.ge [sflag:s3], $0x500  }
0xcb: {  	[sflag:s3] =	ssyncset.done $0x0  }
0xcc: {  	[sflag:s3] =	ssyncadd.s32 $0xFFFFFB00  }
0xcd: {  	_ =	swait.ge [sflag:s3], $0x500  }
0xce: {  	[sflag:s3] =	ssyncset.done $0x0  }
0xcf: {  	[sflag:s3] =	ssyncadd.s32 $0xFFFFFB00  }
0xd0: {  	_ =	swait.ge [sflag:s3], $0x80  }
0xd1: {  	[sflag:s3] =	ssyncset.done $0x0  }
0xd2: {  	[sflag:s3] =	ssyncadd.s32 $0xFFFFFF80  }
0xd3: {  	_ =	swait.ge [sflag:s3], $0x500  }
0xd4: {  	[sflag:s3] =	ssyncset.done $0x0  }
0xd5: {  	[sflag:s3] =	ssyncadd.s32 $0xFFFFFB00  }
0xd6: {  	_ =	swait.ge [sflag:s3], $0x80  }
0xd7: {  	[sflag:s3] =	ssyncset.done $0x0  }
0xd8: {  	[sflag:s3] =	ssyncadd.s32 $0xFFFFFF80  }
0xd9: {  	_ =	swait.ge [sflag:s3], $0x80  }
0xda: {  	[sflag:s3] =	ssyncset.done $0x0  }
0xdb: {  	[sflag:s3] =	ssyncadd.s32 $0xFFFFFF80  }
0xdc: {  	_ =	swait.ge [sflag:s3], $0x200  }
0xdd: {  	[sflag:s3] =	ssyncset.done $0x0  }
0xde: {  	[sflag:s3] =	ssyncadd.s32 $0xFFFFFE00  }
0xdf: {  	_ =	swait.ge [sflag:s3], $0x200  }
0xe0: {  	[sflag:s3] =	ssyncset.done $0x0  }
0xe1: {  	[sflag:s3] =	ssyncadd.s32 $0xFFFFFE00  }
0xe2: {  	_ =	swait.ge [sflag:s3], $0x200  }
0xe3: {  	[sflag:s3] =	ssyncset.done $0x0  }
0xe4: {  	[sflag:s3] =	ssyncadd.s32 $0xFFFFFE00  }
0xe5: {  	_ =	swait.ge [sflag:s3], $0x200  }
0xe6: {  	[sflag:s3] =	ssyncset.done $0x0  }
0xe7: {  	[sflag:s3] =	ssyncadd.s32 $0xFFFFFE00  }
0xe8: {  	_ =	swait.ge [sflag:s3], $0x200  }
0xe9: {  	[sflag:s3] =	ssyncset.done $0x0  }
0xea: {  	[sflag:s3] =	ssyncadd.s32 $0xFFFFFE00  }
0xeb: {  	_ =	swait.ge [sflag:s3], $0x200  }
0xec: {  	[sflag:s3] =	ssyncset.done $0x0  }
0xed: {  	[sflag:s3] =	ssyncadd.s32 $0xFFFFFE00  }
0xee: {  	_ =	swait.ge [sflag:s3], $0x200  }
0xef: {  	[sflag:s3] =	ssyncset.done $0x0  }
0xf0: {  	[sflag:s3] =	ssyncadd.s32 $0xFFFFFE00  }
0xf1: {  	_ =	swait.ge [sflag:s3], $0x200  }
0xf2: {  	[sflag:s3] =	ssyncset.done $0x0  }
0xf3: {  	[sflag:s3] =	ssyncadd.s32 $0xFFFFFE00  }
0xf4: {  	_ =	swait.ge [sflag:s3], $0x10000  }
0xf5: {  	[sflag:s3] =	ssyncset.done $0x0  }
0xf6: {  	[sflag:s3] =	ssyncadd.s32 $0xFFFF0000  }
0xf7: {  	v0 =	vld [tilespmem:$0x0];
	_ =	sdelay $0x4  }
0xf8: {  	[tilespmem:$0x12C00] =	vst v0  }
0xf9: {  	[tilespmem:$0x12C80] =	vst v0  }
0xfa: {  	[tilespmem:$0x12D00] =	vst v0  }
0xfb: {  	[tilespmem:$0x12D80] =	vst v0  }
0xfc: {  	[tilespmem:$0x12E00] =	vst v0  }
0xfd: {  	[tilespmem:$0x12E80] =	vst v0  }
0xfe: {  	[tilespmem:$0x12F00] =	vst v0  }
0xff: {  	[tilespmem:$0x12F80] =	vst v0  }
0x100: {  	[tilespmem:$0x13000] =	vst v0  }
0x101: {  	[tilespmem:$0x13080] =	vst v0  }
0x102: {  	[tilespmem:$0x13100] =	vst v0  }
0x103: {  	[tilespmem:$0x13180] =	vst v0  }
0x104: {  	[tilespmem:$0x13200] =	vst v0  }
0x105: {  	[tilespmem:$0x13280] =	vst v0  }
0x106: {  	[tilespmem:$0x13300] =	vst v0  }
0x107: {  	[tilespmem:$0x13380] =	vst v0  }
0x108: {  	[tilespmem:$0x13400] =	vst v0  }
0x109: {  	[tilespmem:$0x13480] =	vst v0  }
0x10a: {  	[tilespmem:$0x13500] =	vst v0  }
0x10b: {  	[tilespmem:$0x13580] =	vst v0  }
0x10c: {  	[tilespmem:$0x13600] =	vst v0  }
0x10d: {  	[tilespmem:$0x13680] =	vst v0  }
0x10e: {  	[tilespmem:$0x13700] =	vst v0  }
0x10f: {  	[tilespmem:$0x13780] =	vst v0  }
0x110: {  	[tilespmem:$0x13800] =	vst v0  }
0x111: {  	[tilespmem:$0x13880] =	vst v0  }
0x112: {  	[tilespmem:$0x13900] =	vst v0  }
0x113: {  	v1 =	vld [tilespmem:$0x10];
	[tilespmem:$0x13980] =	vst v0  }
0x114: {  	[tilespmem:$0x13A00] =	vst v0  }
0x115: {  	[tilespmem:$0x13A80] =	vst v0  }
0x116: {  	[tilespmem:$0x13B00] =	vst v0  }
0x117: {  	[tilespmem:$0x13B80] =	vst v0  }
0x118: {  	[tilespmem:$0x12C10] =	vst v1  }
0x119: {  	[tilespmem:$0x12C90] =	vst v1  }
0x11a: {  	[tilespmem:$0x12D10] =	vst v1  }
0x11b: {  	[tilespmem:$0x12D90] =	vst v1  }
0x11c: {  	[tilespmem:$0x12E10] =	vst v1  }
0x11d: {  	[tilespmem:$0x12E90] =	vst v1  }
0x11e: {  	[tilespmem:$0x12F10] =	vst v1  }
0x11f: {  	[tilespmem:$0x12F90] =	vst v1  }
0x120: {  	[tilespmem:$0x13010] =	vst v1  }
0x121: {  	[tilespmem:$0x13090] =	vst v1  }
0x122: {  	[tilespmem:$0x13110] =	vst v1  }
0x123: {  	[tilespmem:$0x13190] =	vst v1  }
0x124: {  	[tilespmem:$0x13210] =	vst v1  }
0x125: {  	[tilespmem:$0x13290] =	vst v1  }
0x126: {  	[tilespmem:$0x13310] =	vst v1  }
0x127: {  	[tilespmem:$0x13390] =	vst v1  }
0x128: {  	[tilespmem:$0x13410] =	vst v1  }
0x129: {  	[tilespmem:$0x13490] =	vst v1  }
0x12a: {  	[tilespmem:$0x13510] =	vst v1  }
0x12b: {  	[tilespmem:$0x13590] =	vst v1  }
0x12c: {  	[tilespmem:$0x13610] =	vst v1  }
0x12d: {  	[tilespmem:$0x13690] =	vst v1  }
0x12e: {  	[tilespmem:$0x13710] =	vst v1  }
0x12f: {  	[tilespmem:$0x13790] =	vst v1  }
0x130: {  	[tilespmem:$0x13810] =	vst v1  }
0x131: {  	[tilespmem:$0x13890] =	vst v1  }
0x132: {  	[tilespmem:$0x13910] =	vst v1  }
0x133: {  	v58 =	vld [tilespmem:$0x20];
	[tilespmem:$0x13990] =	vst v1  }
0x134: {  	[tilespmem:$0x13A10] =	vst v1  }
0x135: {  	[tilespmem:$0x13A90] =	vst v1  }
0x136: {  	[tilespmem:$0x13B10] =	vst v1  }
0x137: {  	[tilespmem:$0x13B90] =	vst v1  }
0x138: {  	[tilespmem:$0x12C20] =	vst v58  }
0x139: {  	[tilespmem:$0x12CA0] =	vst v58  }
0x13a: {  	[tilespmem:$0x12D20] =	vst v58  }
0x13b: {  	[tilespmem:$0x12DA0] =	vst v58  }
0x13c: {  	[tilespmem:$0x12E20] =	vst v58  }
0x13d: {  	[tilespmem:$0x12EA0] =	vst v58  }
0x13e: {  	[tilespmem:$0x12F20] =	vst v58  }
0x13f: {  	[tilespmem:$0x12FA0] =	vst v58  }
0x140: {  	[tilespmem:$0x13020] =	vst v58  }
0x141: {  	[tilespmem:$0x130A0] =	vst v58  }
0x142: {  	[tilespmem:$0x13120] =	vst v58  }
0x143: {  	[tilespmem:$0x131A0] =	vst v58  }
0x144: {  	[tilespmem:$0x13220] =	vst v58  }
0x145: {  	[tilespmem:$0x132A0] =	vst v58  }
0x146: {  	[tilespmem:$0x13320] =	vst v58  }
0x147: {  	[tilespmem:$0x133A0] =	vst v58  }
0x148: {  	[tilespmem:$0x13420] =	vst v58  }
0x149: {  	[tilespmem:$0x134A0] =	vst v58  }
0x14a: {  	[tilespmem:$0x13520] =	vst v58  }
0x14b: {  	[tilespmem:$0x135A0] =	vst v58  }
0x14c: {  	[tilespmem:$0x13620] =	vst v58  }
0x14d: {  	[tilespmem:$0x136A0] =	vst v58  }
0x14e: {  	[tilespmem:$0x13720] =	vst v58  }
0x14f: {  	[tilespmem:$0x137A0] =	vst v58  }
0x150: {  	[tilespmem:$0x13820] =	vst v58  }
0x151: {  	[tilespmem:$0x138A0] =	vst v58  }
0x152: {  	[tilespmem:$0x13920] =	vst v58  }
0x153: {  	v59 =	vld [tilespmem:$0x30];
	[tilespmem:$0x139A0] =	vst v58  }
0x154: {  	[tilespmem:$0x13A20] =	vst v58  }
0x155: {  	[tilespmem:$0x13AA0] =	vst v58  }
0x156: {  	[tilespmem:$0x13B20] =	vst v58  }
0x157: {  	[tilespmem:$0x13BA0] =	vst v58  }
0x158: {  	[tilespmem:$0x12C30] =	vst v59  }
0x159: {  	[tilespmem:$0x12CB0] =	vst v59  }
0x15a: {  	[tilespmem:$0x12D30] =	vst v59  }
0x15b: {  	[tilespmem:$0x12DB0] =	vst v59  }
0x15c: {  	[tilespmem:$0x12E30] =	vst v59  }
0x15d: {  	[tilespmem:$0x12EB0] =	vst v59  }
0x15e: {  	[tilespmem:$0x12F30] =	vst v59  }
0x15f: {  	[tilespmem:$0x12FB0] =	vst v59  }
0x160: {  	[tilespmem:$0x13030] =	vst v59  }
0x161: {  	[tilespmem:$0x130B0] =	vst v59  }
0x162: {  	[tilespmem:$0x13130] =	vst v59  }
0x163: {  	[tilespmem:$0x131B0] =	vst v59  }
0x164: {  	[tilespmem:$0x13230] =	vst v59  }
0x165: {  	[tilespmem:$0x132B0] =	vst v59  }
0x166: {  	[tilespmem:$0x13330] =	vst v59  }
0x167: {  	[tilespmem:$0x133B0] =	vst v59  }
0x168: {  	[tilespmem:$0x13430] =	vst v59  }
0x169: {  	[tilespmem:$0x134B0] =	vst v59  }
0x16a: {  	[tilespmem:$0x13530] =	vst v59  }
0x16b: {  	[tilespmem:$0x135B0] =	vst v59  }
0x16c: {  	[tilespmem:$0x13630] =	vst v59  }
0x16d: {  	[tilespmem:$0x136B0] =	vst v59  }
0x16e: {  	[tilespmem:$0x13730] =	vst v59  }
0x16f: {  	[tilespmem:$0x137B0] =	vst v59  }
0x170: {  	[tilespmem:$0x13830] =	vst v59  }
0x171: {  	[tilespmem:$0x138B0] =	vst v59  }
0x172: {  	[tilespmem:$0x13930] =	vst v59  }
0x173: {  	v60 =	vld [tilespmem:$0x40];
	[tilespmem:$0x139B0] =	vst v59  }
0x174: {  	[tilespmem:$0x13A30] =	vst v59  }
0x175: {  	[tilespmem:$0x13AB0] =	vst v59  }
0x176: {  	[tilespmem:$0x13B30] =	vst v59  }
0x177: {  	[tilespmem:$0x13BB0] =	vst v59  }
0x178: {  	[tilespmem:$0x12C40] =	vst v60  }
0x179: {  	[tilespmem:$0x12CC0] =	vst v60  }
0x17a: {  	[tilespmem:$0x12D40] =	vst v60  }
0x17b: {  	[tilespmem:$0x12DC0] =	vst v60  }
0x17c: {  	[tilespmem:$0x12E40] =	vst v60  }
0x17d: {  	[tilespmem:$0x12EC0] =	vst v60  }
0x17e: {  	[tilespmem:$0x12F40] =	vst v60  }
0x17f: {  	[tilespmem:$0x12FC0] =	vst v60  }
0x180: {  	[tilespmem:$0x13040] =	vst v60  }
0x181: {  	[tilespmem:$0x130C0] =	vst v60  }
0x182: {  	[tilespmem:$0x13140] =	vst v60  }
0x183: {  	[tilespmem:$0x131C0] =	vst v60  }
0x184: {  	[tilespmem:$0x13240] =	vst v60  }
0x185: {  	[tilespmem:$0x132C0] =	vst v60  }
0x186: {  	[tilespmem:$0x13340] =	vst v60  }
0x187: {  	[tilespmem:$0x133C0] =	vst v60  }
0x188: {  	[tilespmem:$0x13440] =	vst v60  }
0x189: {  	[tilespmem:$0x134C0] =	vst v60  }
0x18a: {  	[tilespmem:$0x13540] =	vst v60  }
0x18b: {  	[tilespmem:$0x135C0] =	vst v60  }
0x18c: {  	[tilespmem:$0x13640] =	vst v60  }
0x18d: {  	[tilespmem:$0x136C0] =	vst v60  }
0x18e: {  	[tilespmem:$0x13740] =	vst v60  }
0x18f: {  	[tilespmem:$0x137C0] =	vst v60  }
0x190: {  	[tilespmem:$0x13840] =	vst v60  }
0x191: {  	[tilespmem:$0x138C0] =	vst v60  }
0x192: {  	[tilespmem:$0x13940] =	vst v60  }
0x193: {  	v61 =	vld [tilespmem:$0x50];
	[tilespmem:$0x139C0] =	vst v60  }
0x194: {  	[tilespmem:$0x13A40] =	vst v60  }
0x195: {  	[tilespmem:$0x13AC0] =	vst v60  }
0x196: {  	[tilespmem:$0x13B40] =	vst v60  }
0x197: {  	[tilespmem:$0x13BC0] =	vst v60  }
0x198: {  	[tilespmem:$0x12C50] =	vst v61  }
0x199: {  	[tilespmem:$0x12CD0] =	vst v61  }
0x19a: {  	[tilespmem:$0x12D50] =	vst v61  }
0x19b: {  	[tilespmem:$0x12DD0] =	vst v61  }
0x19c: {  	[tilespmem:$0x12E50] =	vst v61  }
0x19d: {  	[tilespmem:$0x12ED0] =	vst v61  }
0x19e: {  	[tilespmem:$0x12F50] =	vst v61  }
0x19f: {  	[tilespmem:$0x12FD0] =	vst v61  }
0x1a0: {  	[tilespmem:$0x13050] =	vst v61  }
0x1a1: {  	[tilespmem:$0x130D0] =	vst v61  }
0x1a2: {  	[tilespmem:$0x13150] =	vst v61  }
0x1a3: {  	[tilespmem:$0x131D0] =	vst v61  }
0x1a4: {  	[tilespmem:$0x13250] =	vst v61  }
0x1a5: {  	[tilespmem:$0x132D0] =	vst v61  }
0x1a6: {  	[tilespmem:$0x13350] =	vst v61  }
0x1a7: {  	[tilespmem:$0x133D0] =	vst v61  }
0x1a8: {  	[tilespmem:$0x13450] =	vst v61  }
0x1a9: {  	[tilespmem:$0x134D0] =	vst v61  }
0x1aa: {  	[tilespmem:$0x13550] =	vst v61  }
0x1ab: {  	[tilespmem:$0x135D0] =	vst v61  }
0x1ac: {  	[tilespmem:$0x13650] =	vst v61  }
0x1ad: {  	[tilespmem:$0x136D0] =	vst v61  }
0x1ae: {  	[tilespmem:$0x13750] =	vst v61  }
0x1af: {  	[tilespmem:$0x137D0] =	vst v61  }
0x1b0: {  	[tilespmem:$0x13850] =	vst v61  }
0x1b1: {  	[tilespmem:$0x138D0] =	vst v61  }
0x1b2: {  	[tilespmem:$0x13950] =	vst v61  }
0x1b3: {  	v62 =	vld [tilespmem:$0x60];
	[tilespmem:$0x139D0] =	vst v61  }
0x1b4: {  	[tilespmem:$0x13A50] =	vst v61  }
0x1b5: {  	[tilespmem:$0x13AD0] =	vst v61  }
0x1b6: {  	[tilespmem:$0x13B50] =	vst v61  }
0x1b7: {  	[tilespmem:$0x13BD0] =	vst v61  }
0x1b8: {  	[tilespmem:$0x12C60] =	vst v62  }
0x1b9: {  	[tilespmem:$0x12CE0] =	vst v62  }
0x1ba: {  	[tilespmem:$0x12D60] =	vst v62  }
0x1bb: {  	[tilespmem:$0x12DE0] =	vst v62  }
0x1bc: {  	[tilespmem:$0x12E60] =	vst v62  }
0x1bd: {  	[tilespmem:$0x12EE0] =	vst v62  }
0x1be: {  	[tilespmem:$0x12F60] =	vst v62  }
0x1bf: {  	[tilespmem:$0x12FE0] =	vst v62  }
0x1c0: {  	[tilespmem:$0x13060] =	vst v62  }
0x1c1: {  	[tilespmem:$0x130E0] =	vst v62  }
0x1c2: {  	[tilespmem:$0x13160] =	vst v62  }
0x1c3: {  	[tilespmem:$0x131E0] =	vst v62  }
0x1c4: {  	[tilespmem:$0x13260] =	vst v62  }
0x1c5: {  	[tilespmem:$0x132E0] =	vst v62  }
0x1c6: {  	[tilespmem:$0x13360] =	vst v62  }
0x1c7: {  	[tilespmem:$0x133E0] =	vst v62  }
0x1c8: {  	[tilespmem:$0x13460] =	vst v62  }
0x1c9: {  	[tilespmem:$0x134E0] =	vst v62  }
0x1ca: {  	[tilespmem:$0x13560] =	vst v62  }
0x1cb: {  	[tilespmem:$0x135E0] =	vst v62  }
0x1cc: {  	[tilespmem:$0x13660] =	vst v62  }
0x1cd: {  	[tilespmem:$0x136E0] =	vst v62  }
0x1ce: {  	[tilespmem:$0x13760] =	vst v62  }
0x1cf: {  	[tilespmem:$0x137E0] =	vst v62  }
0x1d0: {  	[tilespmem:$0x13860] =	vst v62  }
0x1d1: {  	[tilespmem:$0x138E0] =	vst v62  }
0x1d2: {  	[tilespmem:$0x13960] =	vst v62  }
0x1d3: {  	v63 =	vld [tilespmem:$0x70];
	[tilespmem:$0x139E0] =	vst v62  }
0x1d4: {  	[tilespmem:$0x13A60] =	vst v62  }
0x1d5: {  	[tilespmem:$0x13AE0] =	vst v62  }
0x1d6: {  	[tilespmem:$0x13B60] =	vst v62  }
0x1d7: {  	[tilespmem:$0x13BE0] =	vst v62  }
0x1d8: {  	[tilespmem:$0x12C70] =	vst v63  }
0x1d9: {  	[tilespmem:$0x12CF0] =	vst v63  }
0x1da: {  	[tilespmem:$0x12D70] =	vst v63  }
0x1db: {  	[tilespmem:$0x12DF0] =	vst v63  }
0x1dc: {  	[tilespmem:$0x12E70] =	vst v63  }
0x1dd: {  	[tilespmem:$0x12EF0] =	vst v63  }
0x1de: {  	[tilespmem:$0x12F70] =	vst v63  }
0x1df: {  	[tilespmem:$0x12FF0] =	vst v63  }
0x1e0: {  	[tilespmem:$0x13070] =	vst v63  }
0x1e1: {  	[tilespmem:$0x130F0] =	vst v63  }
0x1e2: {  	[tilespmem:$0x13170] =	vst v63  }
0x1e3: {  	[tilespmem:$0x131F0] =	vst v63  }
0x1e4: {  	[tilespmem:$0x13270] =	vst v63  }
0x1e5: {  	[tilespmem:$0x132F0] =	vst v63  }
0x1e6: {  	[tilespmem:$0x13370] =	vst v63  }
0x1e7: {  	[tilespmem:$0x133F0] =	vst v63  }
0x1e8: {  	[tilespmem:$0x13470] =	vst v63  }
0x1e9: {  	[tilespmem:$0x134F0] =	vst v63  }
0x1ea: {  	[tilespmem:$0x13570] =	vst v63  }
0x1eb: {  	[tilespmem:$0x135F0] =	vst v63  }
0x1ec: {  	[tilespmem:$0x13670] =	vst v63  }
0x1ed: {  	[tilespmem:$0x136F0] =	vst v63  }
0x1ee: {  	[tilespmem:$0x13770] =	vst v63  }
0x1ef: {  	[tilespmem:$0x137F0] =	vst v63  }
0x1f0: {  	[tilespmem:$0x13870] =	vst v63  }
0x1f1: {  	[tilespmem:$0x138F0] =	vst v63  }
0x1f2: {  	[tilespmem:$0x13970] =	vst v63  }
0x1f3: {  	[tilespmem:$0x139F0] =	vst v63  }
0x1f4: {  	[tilespmem:$0x13A70] =	vst v63  }
0x1f5: {  	[tilespmem:$0x13AF0] =	vst v63  }
0x1f6: {  	[tilespmem:$0x13B70] =	vst v63  }
0x1f7: {  	s1 =	simm.s32 $0x0;
	[tilespmem:$0x13BF0] =	vst v63  }
.LBB3_2:
0x1f8: {  	p0 =	seq.s32 s1, $0x0  }
0x1f9: {  	s0 =	simm.s32 @!p0 $0x1  }
0x1fa: {  	_ =	swait.ge @!p0 [sflag:s0], $0x1000  }
0x1fb: {  	[sflag:s0] =	ssyncset.done @!p0 $0x0  }
0x1fc: {  	[sflag:s0] =	ssyncadd.s32 @!p0 $0xFFFFF000  }
0x1fd: {  	_ =	swait.ge @!p0 [sflag:s0], $0x1000  }
0x1fe: {  	[sflag:s0] =	ssyncset.done @!p0 $0x0  }
0x1ff: {  	[sflag:s0] =	ssyncadd.s32 @!p0 $0xFFFFF000  }
0x200: {  	_ =	swait.ge @!p0 [sflag:s0], $0x1000  }
0x201: {  	[sflag:s0] =	ssyncset.done @!p0 $0x0  }
0x202: {  	[sflag:s0] =	ssyncadd.s32 @!p0 $0xFFFFF000  }
0x203: {  	_ =	swait.ge @!p0 [sflag:s0], $0x1000  }
0x204: {  	[sflag:s0] =	ssyncset.done @!p0 $0x0  }
0x205: {  	[sflag:s0] =	ssyncadd.s32 @!p0 $0xFFFFF000  }
0x206: {  	_ =	swait.ge @!p0 [sflag:s0], $0x1000  }
0x207: {  	[sflag:s0] =	ssyncset.done @!p0 $0x0  }
0x208: {  	[sflag:s0] =	ssyncadd.s32 @!p0 $0xFFFFF000  }
0x209: {  	_ =	swait.ge @!p0 [sflag:s0], $0x1000  }
0x20a: {  	[sflag:s0] =	ssyncset.done @!p0 $0x0  }
0x20b: {  	[sflag:s0] =	ssyncadd.s32 @!p0 $0xFFFFF000  }
0x20c: {  	_ =	swait.ge @!p0 [sflag:s0], $0x1000  }
0x20d: {  	[sflag:s0] =	ssyncset.done @!p0 $0x0  }
0x20e: {  	[sflag:s0] =	ssyncadd.s32 @!p0 $0xFFFFF000  }
0x20f: {  	_ =	swait.ge @!p0 [sflag:s0], $0x1000  }
0x210: {  	[sflag:s0] =	ssyncset.done @!p0 $0x0  }
0x211: {  	[sflag:s0] =	ssyncadd.s32 @!p0 $0xFFFFF000  }
0x212: {  	_ =	swait.ge @!p0 [sflag:s0], $0x1000  }
0x213: {  	[sflag:s0] =	ssyncset.done @!p0 $0x0  }
0x214: {  	[sflag:s0] =	ssyncadd.s32 @!p0 $0xFFFFF000  }
0x215: {  	_ =	swait.ge @!p0 [sflag:s0], $0x1000  }
0x216: {  	[sflag:s0] =	ssyncset.done @!p0 $0x0  }
0x217: {  	[sflag:s0] =	ssyncadd.s32 @!p0 $0xFFFFF000  }
0x218: {  	v35 =	vld [tilespmem:$0x80]  }
0x219: {  	v30 =	vld [tilespmem:$0x90]  }
0x21a: {  	v26 =	vld [tilespmem:$0xA0]  }
0x21b: {  	v22 =	vld [tilespmem:$0xB0]  }
0x21c: {  	v16 =	vld [tilespmem:$0xC0]  }
0x21d: {  	v10 =	vld [tilespmem:$0xD0]  }
0x21e: {  	v4 =	vld [tilespmem:$0xE0]  }
0x21f: {  	v0 =	vld [tilespmem:$0xF0]  }
0x220: {  	s29 =	sshll.u32 s1, $0x5;
	v36 =	vld [tilespmem:$0x1700]  }
0x221: {  	s13 =	sadd.s32 $0x0, s29;
	v31 =	vld [tilespmem:$0x1710]  }
0x222: {  	v1 =	vmov s13;
	v27 =	vld [tilespmem:$0x1720]  }
0x223: {  	v3 =	vshrl.u32 v1, $0x7;
	v23 =	vld [tilespmem:$0x1730]  }
0x224: {  	v6 =	vand.u32 $0x7F, v1;
	v1 =	vshll.u32 v3, $0xA;
	v17 =	vld [tilespmem:$0x1740]  }
0x225: {  	v9 =	vor.u32 v6, v1;
	v11 =	vld [tilespmem:$0x1750]  }
0x226: {  	v5 =	vld [tilespmem:$0x1760]  }
0x227: {  	v1 =	vld [tilespmem:$0x1770]  }
0x228: {  	v38 =	vld [tilespmem:$0x100]  }
0x229: {  	s5 =	simm.s32 $0x1800;
	[smem:$0x7D6] =	sst s1;
	v32 =	vld [tilespmem:$0x110]  }
0x22a: {  	v7 =	vld.idx.msk [tilespmem:v9+s5+$0x0], $0xffff  }
0x22b: {  	v28 =	vld [tilespmem:$0x120]  }
0x22c: {  	v12 =	vor.u32 $0x80, v9;
	v24 =	vld [tilespmem:$0x130]  }
0x22d: {  	v18 =	vld [tilespmem:$0x140]  }
0x22e: {  	v14 =	vld [tilespmem:$0x150]  }
0x22f: {  	v3 =	vshll.u32 v3, $0x8;
	v8 =	vld [tilespmem:$0x160];
	(v2sf) =	vpush v7, $0x0  }
0x230: {  	v3 =	vor.u32 v6, v3;
	v2 =	vld [tilespmem:$0x170]  }
0x231: {  	v7 =	vld.idx.msk [tilespmem:v12+s5+$0x0], $0xffff;
	v12 =	vor.u32 $0x100, v9  }
0x232: {  	v13 =	vor.u32 $0x80, v3;
	v39 =	vld [tilespmem:$0x1780]  }
0x233: {  	v34 =	vld [tilespmem:$0x1790]  }
0x234: {  	v29 =	vld [tilespmem:$0x17A0]  }
0x235: {  	v6 =	vld.idx.msk [tilespmem:v3+s7+$0x0], $0xffff  }
0x236: {  	(v2sf) =	vpush v7, $0x0;
	v12 =	vld.idx.msk [tilespmem:v12+s5+$0x0], $0xffff  }
0x237: {  	v20 =	vor.u32 $0x180, v9;
	v7 =	vld.idx.msk [tilespmem:v13+s7+$0x0], $0xffff  }
0x238: {  	v21 =	vor.u32 $0x280, v9;
	v25 =	vld [tilespmem:$0x17B0]  }
0x239: {  	v19 =	vld [tilespmem:$0x17C0]  }
0x23a: {  	v15 =	vld [tilespmem:$0x17D0];
	v13 =	vor.u32 $0x200, v9  }
0x23b: {  	v3 =	vld [tilespmem:$0x17F0];
	v33 =	vmul.f32 v6, v35  }
0x23c: {  	(v2sf) =	vpush v12, $0x0;
	v12 =	vld.idx.msk [tilespmem:v20+s5+$0x0], $0xffff;
	v20 =	vmul.f32 v7, v38  }
0x23d: {  	v21 =	vld.idx.msk [tilespmem:v21+s5+$0x0], $0xffff;
	v33 =	vadd.f32 v33, v36  }
0x23e: {  	s23 =	simm.s32 $0x0;
	v9 =	vld [tilespmem:$0x17E0];
	v20 =	vadd.f32 v20, v39;
	s14 =	spop (v2sf)  }
0x23f: {  	v13 =	vld.idx.msk [tilespmem:v13+s5+$0x0], $0xffff;
	[tilespmem:s23+$0x13C00] =	vst v33;
	s0 =	sshll.u32 s14, $0x9  }
0x240: {  	[tilespmem:s23+$0x14C00] =	vst v20;
	s3 =	sshra.s32 s0, $0x2  }
0x241: {  	[dreg:$0x14] =	wrdreg s3  }
0x242: {  	(v2sf) =	vpush v12, $0x0;
	v20 =	vld [tilespmem:s3+$0x180];
	_ =	sdelay $0x2  }
0x243: {  	s15 =	spop (v2sf)  }
0x244: {  	s0 =	sshll.u32 s15, $0x9  }
0x245: {  	s17 =	sshra.s32 s0, $0x2;
	[tilespmem:s23+$0x15C00] =	vst v20  }
0x246: {  	(v2sf) =	vpush v13, $0x0;
	v12 =	vld [tilespmem:s17+$0x300];
	_ =	sdelay $0x2  }
0x247: {  	s16 =	spop (v2sf)  }
0x248: {  	s0 =	sshll.u32 s16, $0x9  }
0x249: {  	s16 =	sshra.s32 s0, $0x2;
	[tilespmem:s23+$0x16C00] =	vst v12  }
0x24a: {  	(v2sf) =	vpush v21, $0x0;
	v12 =	vld [tilespmem:s16+$0x480];
	_ =	sdelay $0x2  }
0x24b: {  	s18 =	spop (v2sf)  }
0x24c: {  	s0 =	sshll.u32 s18, $0x9  }
0x24d: {  	s9 =	sshra.s32 s0, $0x2;
	[tilespmem:s23+$0x17C00] =	vst v12  }
0x24e: {  	v12 =	vld [tilespmem:s9+$0x600];
	_ =	sdelay $0x2  }
0x24f: {  	s19 =	spop (v2sf)  }
0x250: {  	s0 =	sshll.u32 s19, $0x9  }
0x251: {  	s8 =	sshra.s32 s0, $0x2;
	[tilespmem:s23+$0x18C00] =	vst v12  }
0x252: {  	v12 =	vld [tilespmem:s8+$0x780];
	_ =	sdelay $0x2  }
0x253: {  	s20 =	spop (v2sf)  }
0x254: {  	s0 =	sshll.u32 s20, $0x9  }
0x255: {  	v13 =	vmul.f32 v6, v30;
	s24 =	sshra.s32 s0, $0x2;
	[tilespmem:s23+$0x19C00] =	vst v12  }
0x256: {  	v12 =	vmul.f32 v7, v32;
	v20 =	vld [tilespmem:s24+$0xC80]  }
0x257: {  	v13 =	vadd.f32 v13, v31  }
0x258: {  	v12 =	vadd.f32 v12, v34  }
0x259: {  	[tilespmem:s23+$0x13C10] =	vst v13  }
0x25a: {  	s21 =	sadd.s32 $0x1, s29;
	[tilespmem:s23+$0x14C10] =	vst v12  }
0x25b: {  	v12 =	vmov s21;
	[tilespmem:s23+$0x1AC00] =	vst v20  }
0x25c: {  	v20 =	vshrl.u32 v12, $0x7;
	v13 =	vld [tilespmem:s3+$0x190]  }
0x25d: {  	v12 =	vand.u32 $0x7F, v12;
	v21 =	vshll.u32 v20, $0xA  }
0x25e: {  	v21 =	vor.u32 v12, v21;
	_ =	sdelay $0x2  }
0x25f: {  	[tilespmem:s23+$0x15C10] =	vst v13  }
0x260: {  	v13 =	vld [tilespmem:s17+$0x310]  }
0x261: {  	v37 =	vor.u32 $0x80, v21;
	v55 =	vld.idx.msk [tilespmem:v21+s5+$0x0], $0xffff;
	_ =	sdelay $0x3  }
0x262: {  	v20 =	vshll.u32 v20, $0x8  }
0x263: {  	v12 =	vor.u32 v12, v20;
	v20 =	vld.idx.msk [tilespmem:v37+s5+$0x0], $0xffff;
	[tilespmem:s23+$0x16C10] =	vst v13;
	(v2sf) =	vpush v55, $0x0  }
0x264: {  	v56 =	vor.u32 $0x100, v21;
	v13 =	vld [tilespmem:s16+$0x490];
	_ =	sdelay $0x1  }
0x265: {  	v57 =	vor.u32 $0x80, v12;
	_ =	sdelay $0x1  }
0x266: {  	v12 =	vld.idx.msk [tilespmem:v12+s7+$0x0], $0xffff  }
0x267: {  	v33 =	vld.idx.msk [tilespmem:v56+s5+$0x0], $0xffff;
	(v2sf) =	vpush v20, $0x0;
	[tilespmem:s23+$0x17C10] =	vst v13  }
0x268: {  	v41 =	vor.u32 $0x180, v21;
	v40 =	vld [tilespmem:s9+$0x610]  }
0x269: {  	v13 =	vld.idx.msk [tilespmem:v57+s7+$0x0], $0xffff;
	_ =	sdelay $0x1  }
0x26a: {  	v20 =	vor.u32 $0x200, v21  }
0x26b: {  	v21 =	vor.u32 $0x280, v21  }
0x26c: {  	v59 =	vld.idx.msk [tilespmem:v41+s5+$0x0], $0xffff;
	v58 =	vmul.f32 v12, v35;
	(v2sf) =	vpush v33, $0x0;
	[tilespmem:s23+$0x18C10] =	vst v40  }
0x26d: {  	v60 =	vmul.f32 v13, v38;
	v40 =	vld [tilespmem:s8+$0x790]  }
0x26e: {  	v37 =	vadd.f32 v58, v36  }
0x26f: {  	s14 =	simm.s32 $0x80;
	v20 =	vld.idx.msk [tilespmem:v20+s5+$0x0], $0xffff;
	v41 =	vadd.f32 v60, v39;
	s22 =	spop (v2sf)  }
0x270: {  	v21 =	vld.idx.msk [tilespmem:v21+s5+$0x0], $0xffff;
	[tilespmem:s14+$0x13C00] =	vst v37;
	s0 =	sshll.u32 s22, $0x9  }
0x271: {  	v61 =	vmul.f32 v6, v26;
	[tilespmem:s14+$0x14C00] =	vst v41;
	s19 =	sshra.s32 s0, $0x2  }
0x272: {  	v62 =	vmul.f32 v7, v28;
	(v2sf) =	vpush v59, $0x0;
	[tilespmem:s23+$0x19C10] =	vst v40;
	v42 =	vld [tilespmem:s19+$0x180]  }
0x273: {  	v37 =	vadd.f32 v61, v27;
	v63 =	vld [tilespmem:s24+$0xC90]  }
0x274: {  	v45 =	vadd.f32 v62, v29  }
0x275: {  	s25 =	spop (v2sf);
	[tilespmem:s23+$0x13C20] =	vst v37  }
0x276: {  	s0 =	sshll.u32 s25, $0x9;
	[tilespmem:s23+$0x14C20] =	vst v45  }
0x277: {  	s21 =	sshra.s32 s0, $0x2;
	[tilespmem:s14+$0x15C00] =	vst v42  }
0x278: {  	(v2sf) =	vpush v20, $0x0;
	[tilespmem:s23+$0x1AC10] =	vst v63;
	v46 =	vld [tilespmem:s21+$0x300]  }
0x279: {  	v33 =	vld [tilespmem:s3+$0x1A0];
	_ =	sdelay $0x1  }
0x27a: {  	s26 =	spop (v2sf)  }
0x27b: {  	s0 =	sshll.u32 s26, $0x9  }
0x27c: {  	s10 =	sshra.s32 s0, $0x2;
	[tilespmem:s14+$0x16C00] =	vst v46  }
0x27d: {  	(v2sf) =	vpush v21, $0x0;
	[tilespmem:s23+$0x15C20] =	vst v33;
	v47 =	vld [tilespmem:s10+$0x480]  }
0x27e: {  	v20 =	vld [tilespmem:s17+$0x320];
	_ =	sdelay $0x1  }
0x27f: {  	s1 =	spop (v2sf)  }
0x280: {  	s0 =	sshll.u32 s1, $0x9  }
0x281: {  	s4 =	sshra.s32 s0, $0x2;
	[tilespmem:s14+$0x17C00] =	vst v47  }
0x282: {  	[tilespmem:s23+$0x16C20] =	vst v20;
	v21 =	vld [tilespmem:s4+$0x600]  }
0x283: {  	v20 =	vld [tilespmem:s16+$0x4A0];
	_ =	sdelay $0x1  }
0x284: {  	s2 =	spop (v2sf)  }
0x285: {  	s0 =	sshll.u32 s2, $0x9  }
0x286: {  	s12 =	sshra.s32 s0, $0x2;
	[tilespmem:s14+$0x18C00] =	vst v21  }
0x287: {  	[tilespmem:s23+$0x17C20] =	vst v20;
	v21 =	vld [tilespmem:s12+$0x780]  }
0x288: {  	v20 =	vld [tilespmem:s9+$0x620];
	_ =	sdelay $0x1  }
0x289: {  	s6 =	spop (v2sf)  }
0x28a: {  	s0 =	sshll.u32 s6, $0x9  }
0x28b: {  	v48 =	vmul.f32 v12, v30;
	s22 =	sshra.s32 s0, $0x2;
	[tilespmem:s14+$0x19C00] =	vst v21  }
0x28c: {  	[tilespmem:s23+$0x18C20] =	vst v20;
	v20 =	vmul.f32 v13, v32;
	v37 =	vld [tilespmem:s22+$0xC80]  }
0x28d: {  	v33 =	vadd.f32 v48, v31  }
0x28e: {  	v21 =	vld [tilespmem:s8+$0x7A0];
	v20 =	vadd.f32 v20, v34  }
0x28f: {  	[tilespmem:s14+$0x13C10] =	vst v33  }
0x290: {  	s11 =	sadd.s32 $0x2, s29;
	[tilespmem:s14+$0x14C10] =	vst v20  }
0x291: {  	v50 =	vmov s11;
	[tilespmem:s14+$0x1AC00] =	vst v37  }
0x292: {  	v52 =	vshrl.u32 v50, $0x7;
	v20 =	vmul.f32 v6, v22;
	v51 =	vld [tilespmem:s19+$0x190]  }
0x293: {  	v53 =	vshll.u32 v52, $0xA;
	v37 =	vand.u32 $0x7F, v50;
	[tilespmem:s23+$0x19C20] =	vst v21  }
0x294: {  	v21 =	vmul.f32 v7, v24;
	v20 =	vadd.f32 v20, v23;
	v42 =	vor.u32 v37, v53;
	v49 =	vld [tilespmem:s24+$0xCA0];
	_ =	sdelay $0x1  }
0x295: {  	v21 =	vadd.f32 v21, v25;
	[tilespmem:s23+$0x13C30] =	vst v20  }
0x296: {  	[tilespmem:s14+$0x15C10] =	vst v51  }
0x297: {  	v55 =	vor.u32 $0x80, v42;
	[tilespmem:s23+$0x14C30] =	vst v21;
	v21 =	vld [tilespmem:s21+$0x310]  }
0x298: {  	v41 =	vshll.u32 v52, $0x8;
	v54 =	vld.idx.msk [tilespmem:v42+s5+$0x0], $0xffff;
	[tilespmem:s23+$0x1AC20] =	vst v49  }
0x299: {  	v37 =	vor.u32 v37, v41;
	v20 =	vld [tilespmem:s3+$0x1B0];
	_ =	sdelay $0x2  }
0x29a: {  	v57 =	vld.idx.msk [tilespmem:v55+s5+$0x0], $0xffff;
	[tilespmem:s14+$0x16C10] =	vst v21  }
0x29b: {  	v58 =	vor.u32 $0x100, v42;
	(v2sf) =	vpush v54, $0x0;
	v56 =	vld [tilespmem:s10+$0x490]  }
0x29c: {  	[tilespmem:s23+$0x15C30] =	vst v20;
	v20 =	vld.idx.msk [tilespmem:v37+s7+$0x0], $0xffff  }
0x29d: {  	v37 =	vor.u32 $0x80, v37;
	v21 =	vld [tilespmem:s17+$0x330];
	_ =	sdelay $0x2  }
0x29e: {  	v40 =	vld.idx.msk [tilespmem:v58+s5+$0x0], $0xffff;
	[tilespmem:s14+$0x17C10] =	vst v56  }
0x29f: {  	(v2sf) =	vpush v57, $0x0;
	v44 =	vld [tilespmem:s4+$0x610]  }
0x2a0: {  	v43 =	vor.u32 $0x200, v42;
	v60 =	vor.u32 $0x280, v42;
	v42 =	vor.u32 $0x180, v42;
	[tilespmem:s23+$0x16C30] =	vst v21;
	v21 =	vld.idx.msk [tilespmem:v37+s7+$0x0], $0xffff  }
0x2a1: {  	v59 =	vld [tilespmem:s16+$0x4B0];
	_ =	sdelay $0x3  }
0x2a2: {  	v48 =	vld.idx.msk [tilespmem:v42+s5+$0x0], $0xffff;
	(v2sf) =	vpush v40, $0x0;
	v62 =	vmul.f32 v20, v35;
	[tilespmem:s14+$0x18C10] =	vst v44  }
0x2a3: {  	v49 =	vmul.f32 v21, v38;
	[tilespmem:s23+$0x17C30] =	vst v59;
	v44 =	vld [tilespmem:s12+$0x790]  }
0x2a4: {  	v41 =	vadd.f32 v62, v36;
	v63 =	vld [tilespmem:s9+$0x630]  }
0x2a5: {  	s28 =	simm.s32 $0x100;
	v61 =	vld.idx.msk [tilespmem:v43+s5+$0x0], $0xffff;
	v50 =	vadd.f32 v49, v39;
	s13 =	spop (v2sf)  }
0x2a6: {  	v33 =	vld.idx.msk [tilespmem:v60+s5+$0x0], $0xffff;
	[tilespmem:s28+$0x13C00] =	vst v41;
	s0 =	sshll.u32 s13, $0x9  }
0x2a7: {  	v51 =	vmul.f32 v12, v26;
	[tilespmem:s28+$0x14C00] =	vst v50;
	s20 =	sshra.s32 s0, $0x2  }
0x2a8: {  	v52 =	vmul.f32 v13, v28;
	(v2sf) =	vpush v48, $0x0;
	v45 =	vld [tilespmem:s20+$0x180];
	[tilespmem:s14+$0x19C10] =	vst v44  }
0x2a9: {  	v54 =	vadd.f32 v51, v27;
	[tilespmem:s23+$0x18C30] =	vst v63;
	v55 =	vld [tilespmem:s22+$0xC90]  }
0x2aa: {  	v43 =	vadd.f32 v52, v29;
	v53 =	vld [tilespmem:s8+$0x7B0]  }
0x2ab: {  	s15 =	spop (v2sf);
	[tilespmem:s14+$0x13C20] =	vst v54  }
0x2ac: {  	s0 =	sshll.u32 s15, $0x9;
	[tilespmem:s14+$0x14C20] =	vst v43  }
0x2ad: {  	v56 =	vmul.f32 v6, v16;
	s15 =	sshra.s32 s0, $0x2;
	[tilespmem:s28+$0x15C00] =	vst v45  }
0x2ae: {  	v57 =	vmul.f32 v7, v18;
	(v2sf) =	vpush v61, $0x0;
	v59 =	vld [tilespmem:s15+$0x300];
	[tilespmem:s14+$0x1AC10] =	vst v55  }
0x2af: {  	v40 =	vadd.f32 v56, v17;
	[tilespmem:s23+$0x19C30] =	vst v53;
	v43 =	vld [tilespmem:s19+$0x1A0]  }
0x2b0: {  	v41 =	vadd.f32 v57, v19;
	v58 =	vld [tilespmem:s24+$0xCB0]  }
0x2b1: {  	s18 =	spop (v2sf);
	[tilespmem:s23+$0x13C40] =	vst v40  }
0x2b2: {  	s0 =	sshll.u32 s18, $0x9;
	[tilespmem:s23+$0x14C40] =	vst v41  }
0x2b3: {  	s11 =	sshra.s32 s0, $0x2;
	[tilespmem:s28+$0x16C00] =	vst v59  }
0x2b4: {  	(v2sf) =	vpush v33, $0x0;
	v62 =	vld [tilespmem:s11+$0x480];
	[tilespmem:s14+$0x15C20] =	vst v43  }
0x2b5: {  	[tilespmem:s23+$0x1AC30] =	vst v58;
	v61 =	vld [tilespmem:s21+$0x320]  }
0x2b6: {  	v60 =	vld [tilespmem:s3+$0x1C0]  }
0x2b7: {  	s25 =	spop (v2sf)  }
0x2b8: {  	s0 =	sshll.u32 s25, $0x9  }
0x2b9: {  	s18 =	sshra.s32 s0, $0x2;
	[tilespmem:s28+$0x17C00] =	vst v62  }
0x2ba: {  	v45 =	vld [tilespmem:s18+$0x600];
	[tilespmem:s14+$0x16C20] =	vst v61  }
0x2bb: {  	[tilespmem:s23+$0x15C40] =	vst v60;
	v44 =	vld [tilespmem:s10+$0x4A0]  }
0x2bc: {  	v63 =	vld [tilespmem:s17+$0x340]  }
0x2bd: {  	s26 =	spop (v2sf)  }
0x2be: {  	s0 =	sshll.u32 s26, $0x9  }
0x2bf: {  	s26 =	sshra.s32 s0, $0x2;
	[tilespmem:s28+$0x18C00] =	vst v45  }
0x2c0: {  	v40 =	vld [tilespmem:s26+$0x780];
	[tilespmem:s14+$0x17C20] =	vst v44  }
0x2c1: {  	[tilespmem:s23+$0x16C40] =	vst v63;
	v37 =	vld [tilespmem:s4+$0x620]  }
0x2c2: {  	v33 =	vld [tilespmem:s16+$0x4C0]  }
0x2c3: {  	s1 =	spop (v2sf)  }
0x2c4: {  	s0 =	sshll.u32 s1, $0x9  }
0x2c5: {  	v46 =	vmul.f32 v20, v30;
	s0 =	sshra.s32 s0, $0x2;
	[tilespmem:s28+$0x19C00] =	vst v40  }
0x2c6: {  	v47 =	vmul.f32 v21, v32;
	v51 =	vld [tilespmem:s0+$0xC80];
	[tilespmem:s14+$0x18C20] =	vst v37  }
0x2c7: {  	v41 =	vadd.f32 v46, v31;
	s1 =	sadd.s32 $0x3, s29;
	[tilespmem:s23+$0x17C40] =	vst v33;
	v49 =	vld [tilespmem:s12+$0x7A0]  }
0x2c8: {  	v50 =	vmov s1;
	v33 =	vadd.f32 v47, v34;
	v48 =	vld [tilespmem:s9+$0x640]  }
0x2c9: {  	v52 =	vshrl.u32 v50, $0x7;
	[tilespmem:s28+$0x13C10] =	vst v41  }
0x2ca: {  	v53 =	vand.u32 $0x7F, v50;
	v54 =	vshll.u32 v52, $0xA;
	[tilespmem:s28+$0x14C10] =	vst v33  }
0x2cb: {  	v55 =	vmul.f32 v12, v22;
	v42 =	vor.u32 v53, v54;
	[tilespmem:s28+$0x1AC00] =	vst v51  }
0x2cc: {  	v56 =	vmul.f32 v13, v24;
	v45 =	vld [tilespmem:s20+$0x190];
	[tilespmem:s14+$0x19C20] =	vst v49  }
0x2cd: {  	v33 =	vadd.f32 v55, v23;
	[tilespmem:s23+$0x18C40] =	vst v48;
	v58 =	vld [tilespmem:s22+$0xCA0]  }
0x2ce: {  	v37 =	vadd.f32 v56, v25;
	v57 =	vld [tilespmem:s8+$0x7C0]  }
0x2cf: {  	[tilespmem:s14+$0x13C30] =	vst v33  }
0x2d0: {  	v59 =	vld.idx.msk [tilespmem:v42+s5+$0x0], $0xffff;
	[tilespmem:s14+$0x14C30] =	vst v37  }
0x2d1: {  	v61 =	vmul.f32 v6, v10;
	v62 =	vor.u32 $0x80, v42;
	v44 =	vshll.u32 v52, $0x8;
	[tilespmem:s28+$0x15C10] =	vst v45  }
0x2d2: {  	v46 =	vmul.f32 v7, v14;
	v41 =	vor.u32 v53, v44;
	v48 =	vld [tilespmem:s15+$0x310];
	[tilespmem:s14+$0x1AC20] =	vst v58  }
0x2d3: {  	v47 =	vadd.f32 v61, v11;
	[tilespmem:s23+$0x19C40] =	vst v57;
	v52 =	vld [tilespmem:s19+$0x1B0]  }
0x2d4: {  	v46 =	vadd.f32 v46, v15;
	v63 =	vld [tilespmem:s24+$0xCC0]  }
0x2d5: {  	(v2sf) =	vpush v59, $0x0;
	[tilespmem:s23+$0x13C50] =	vst v47  }
0x2d6: {  	v60 =	vor.u32 $0x200, v42;
	v40 =	vld.idx.msk [tilespmem:v62+s5+$0x0], $0xffff;
	[tilespmem:s23+$0x14C50] =	vst v46  }
0x2d7: {  	v54 =	vor.u32 $0x180, v42;
	v53 =	vor.u32 $0x280, v42;
	v42 =	vor.u32 $0x100, v42;
	v33 =	vld.idx.msk [tilespmem:v41+s7+$0x0], $0xffff;
	[tilespmem:s28+$0x16C10] =	vst v48  }
0x2d8: {  	v41 =	vor.u32 $0x80, v41;
	v55 =	vld [tilespmem:s11+$0x490];
	[tilespmem:s14+$0x15C30] =	vst v52  }
0x2d9: {  	[tilespmem:s23+$0x1AC40] =	vst v63;
	v45 =	vld [tilespmem:s21+$0x330]  }
0x2da: {  	v43 =	vld [tilespmem:s3+$0x1D0]  }
0x2db: {  	v44 =	vld.idx.msk [tilespmem:v60+s5+$0x0], $0xffff  }
0x2dc: {  	(v2sf) =	vpush v40, $0x0;
	v42 =	vld.idx.msk [tilespmem:v42+s5+$0x0], $0xffff  }
0x2dd: {  	v37 =	vld.idx.msk [tilespmem:v41+s7+$0x0], $0xffff;
	[tilespmem:s28+$0x17C10] =	vst v55  }
0x2de: {  	v56 =	vmul.f32 v33, v35;
	v59 =	vld [tilespmem:s18+$0x610];
	[tilespmem:s14+$0x16C30] =	vst v45  }
0x2df: {  	[tilespmem:s23+$0x15C50] =	vst v43;
	v58 =	vld [tilespmem:s10+$0x4B0]  }
0x2e0: {  	v40 =	vadd.f32 v56, v36;
	v57 =	vld [tilespmem:s17+$0x350]  }
0x2e1: {  	s1 =	simm.s32 $0x180;
	v46 =	vld.idx.msk [tilespmem:v54+s5+$0x0], $0xffff  }
0x2e2: {  	v48 =	vld.idx.msk [tilespmem:v53+s5+$0x0], $0xffff;
	[tilespmem:s1+$0x13C00] =	vst v40;
	v60 =	vmul.f32 v37, v38  }
0x2e3: {  	[tilespmem:s28+$0x18C10] =	vst v59  }
0x2e4: {  	s2 =	spop (v2sf);
	v61 =	vadd.f32 v60, v39;
	v62 =	vld [tilespmem:s26+$0x790];
	[tilespmem:s14+$0x17C30] =	vst v58  }
0x2e5: {  	s2 =	sshll.u32 s2, $0x9;
	[tilespmem:s23+$0x16C50] =	vst v57;
	v43 =	vld [tilespmem:s4+$0x630]  }
0x2e6: {  	s2 =	sshra.s32 s2, $0x2;
	[tilespmem:s1+$0x14C00] =	vst v61;
	v41 =	vld [tilespmem:s16+$0x4D0]  }
0x2e7: {  	[dreg:$0xf] =	wrdreg s2  }
0x2e8: {  	v50 =	vmul.f32 v20, v26;
	v63 =	vld [tilespmem:s2+$0x180]  }
0x2e9: {  	s6 =	sadd.s32 $0x4, s29;
	[tilespmem:s28+$0x19C10] =	vst v62  }
0x2ea: {  	v50 =	vadd.f32 v50, v27;
	v53 =	vmov s6;
	v58 =	vld [tilespmem:s0+$0xC90];
	[tilespmem:s14+$0x18C30] =	vst v43  }
0x2eb: {  	v54 =	vshrl.u32 v53, $0x7;
	v55 =	vmul.f32 v21, v28;
	s2 =	spop (v2sf);
	[tilespmem:s23+$0x17C50] =	vst v41;
	v51 =	vld [tilespmem:s12+$0x7B0]  }
0x2ec: {  	(v2sf) =	vpush v42, $0x0;
	v47 =	vand.u32 $0x7F, v53;
	v49 =	vshll.u32 v54, $0x8;
	s6 =	sshll.u32 s2, $0x9;
	[tilespmem:s28+$0x13C20] =	vst v50;
	v56 =	vld [tilespmem:s9+$0x650]  }
0x2ed: {  	v57 =	vadd.f32 v55, v29;
	s13 =	sshra.s32 s6, $0x2;
	v41 =	vor.u32 v47, v49;
	[tilespmem:s1+$0x15C00] =	vst v63  }
0x2ee: {  	[dreg:$0x13] =	wrdreg s13  }
0x2ef: {  	[tilespmem:s28+$0x14C20] =	vst v57  }
0x2f0: {  	[tilespmem:s14+$0x19C30] =	vst v51  }
0x2f1: {  	v42 =	vshll.u32 v54, $0xA;
	(v2sf) =	vpush v46, $0x0;
	v59 =	vmul.f32 v12, v16;
	v46 =	vld [tilespmem:s13+$0x300];
	[tilespmem:s23+$0x18C50] =	vst v56  }
0x2f2: {  	v61 =	vmul.f32 v13, v18;
	v47 =	vor.u32 v47, v42;
	v40 =	vld.idx.msk [tilespmem:v41+s7+$0x0], $0xffff;
	[dreg:$0x10] =	wrdreg s8  }
0x2f3: {  	v49 =	vadd.f32 v59, v17;
	v42 =	vor.u32 $0x200, v47;
	v62 =	vld [tilespmem:s8+$0x7D0]  }
0x2f4: {  	v52 =	vadd.f32 v61, v19;
	v60 =	vor.u32 $0x280, v47;
	[tilespmem:s28+$0x1AC10] =	vst v58;
	v63 =	vld [tilespmem:s22+$0xCB0]  }
0x2f5: {  	[tilespmem:s14+$0x13C40] =	vst v49;
	v53 =	vld [tilespmem:s20+$0x1A0]  }
0x2f6: {  	[tilespmem:s14+$0x14C40] =	vst v52  }
0x2f7: {  	v54 =	vld.idx.msk [tilespmem:v47+s5+$0x0], $0xffff;
	[tilespmem:s1+$0x16C00] =	vst v46  }
0x2f8: {  	(v2sf) =	vpush v44, $0x0;
	v56 =	vor.u32 $0x180, v47;
	v43 =	vld.idx.msk [tilespmem:v42+s5+$0x0], $0xffff;
	[tilespmem:s23+$0x19C50] =	vst v62  }
0x2f9: {  	v57 =	vmul.f32 v6, v4;
	v42 =	vld.idx.msk [tilespmem:v60+s5+$0x0], $0xffff;
	[tilespmem:s14+$0x1AC30] =	vst v63  }
0x2fa: {  	v41 =	vor.u32 $0x80, v41;
	v58 =	vmul.f32 v7, v8;
	v51 =	vld [tilespmem:s24+$0xCD0];
	[tilespmem:s28+$0x15C20] =	vst v53  }
0x2fb: {  	s31 =	smov.u32 s20;
	v59 =	vadd.f32 v57, v5;
	s20 =	spop (v2sf);
	v60 =	vld [tilespmem:s19+$0x1C0];
	[dreg:$0x11] =	wrdreg s15  }
0x2fc: {  	s6 =	sshll.u32 s20, $0x9;
	v61 =	vadd.f32 v58, v9;
	v62 =	vld [tilespmem:s15+$0x320]  }
0x2fd: {  	s13 =	smov.u32 s22;
	s22 =	sshra.s32 s6, $0x2;
	[tilespmem:s23+$0x13C60] =	vst v59;
	v45 =	vld.idx.msk [tilespmem:v56+s5+$0x0], $0xffff;
	v56 =	vor.u32 $0x100, v47  }
0x2fe: {  	(v2sf) =	vpush v48, $0x0;
	v63 =	vld [tilespmem:s22+$0x480];
	[tilespmem:s23+$0x14C60] =	vst v61  }
0x2ff: {  	v41 =	vld.idx.msk [tilespmem:v41+s7+$0x0], $0xffff;
	[tilespmem:s23+$0x1AC50] =	vst v51  }
0x300: {  	v47 =	vor.u32 $0x80, v47;
	[tilespmem:s14+$0x15C40] =	vst v60;
	v57 =	vld [tilespmem:s3+$0x1E0]  }
0x301: {  	v60 =	vmul.f32 v40, v35;
	s3 =	spop (v2sf);
	v58 =	vld [tilespmem:s21+$0x340]  }
0x302: {  	s6 =	sshll.u32 s3, $0x9;
	[tilespmem:s28+$0x16C20] =	vst v62;
	v46 =	vld.idx.msk [tilespmem:v56+s5+$0x0], $0xffff  }
0x303: {  	[tilespmem:s1+$0x17C00] =	vst v63;
	v44 =	vadd.f32 v60, v36;
	s6 =	sshra.s32 s6, $0x2;
	v59 =	vld [tilespmem:s11+$0x4A0]  }
0x304: {  	s8 =	smov.u32 s22;
	s22 =	simm.s32 $0x200;
	v52 =	vld [tilespmem:s6+$0x600]  }
0x305: {  	v48 =	vld.idx.msk [tilespmem:v47+s5+$0x0], $0xffff;
	[tilespmem:s22+$0x13C00] =	vst v44  }
0x306: {  	[tilespmem:s23+$0x15C60] =	vst v57  }
0x307: {  	s7 =	spop (v2sf);
	[tilespmem:s14+$0x16C40] =	vst v58;
	v57 =	vmul.f32 v41, v38;
	v61 =	vld [tilespmem:s17+$0x360]  }
0x308: {  	s15 =	smov.u32 s6;
	s6 =	sshll.u32 s7, $0x9;
	v62 =	vld [tilespmem:s10+$0x4C0];
	[tilespmem:s28+$0x17C20] =	vst v59  }
0x309: {  	s3 =	smov.u32 s21;
	s21 =	sshra.s32 s6, $0x2;
	v44 =	vadd.f32 v57, v39;
	[tilespmem:s1+$0x18C00] =	vst v52;
	v63 =	vld [tilespmem:s18+$0x620]  }
0x30a: {  	v56 =	vld [tilespmem:s21+$0x780]  }
0x30b: {  	[tilespmem:s22+$0x14C00] =	vst v44  }
0x30c: {  	v58 =	vmul.f32 v33, v30;
	[tilespmem:s23+$0x16C60] =	vst v61  }
0x30d: {  	s25 =	smov.u32 s19;
	s19 =	smov.u32 s11;
	v60 =	vmul.f32 v37, v32;
	s11 =	spop (v2sf);
	[tilespmem:s14+$0x17C40] =	vst v62;
	v59 =	vld [tilespmem:s16+$0x4E0]  }
0x30e: {  	s7 =	sshll.u32 s11, $0x9;
	v47 =	vadd.f32 v58, v31;
	v61 =	vld [tilespmem:s4+$0x640];
	[tilespmem:s28+$0x18C20] =	vst v63  }
0x30f: {  	s20 =	smov.u32 s17;
	s17 =	sshra.s32 s7, $0x2;
	v62 =	vadd.f32 v60, v34;
	[tilespmem:s1+$0x19C00] =	vst v56;
	v53 =	vld [tilespmem:s26+$0x7A0]  }
0x310: {  	v51 =	vld [tilespmem:s17+$0xC80];
	[tilespmem:s1+$0x13C10] =	vst v47  }
0x311: {  	[tilespmem:s1+$0x14C10] =	vst v62  }
0x312: {  	[tilespmem:s23+$0x17C60] =	vst v59  }
0x313: {  	[tilespmem:s14+$0x18C40] =	vst v61  }
0x314: {  	[dreg:$0x12] =	wrdreg s9  }
0x315: {  	s30 =	smov.u32 s10;
	s2 =	smov.u32 s4;
	s10 =	smov.u32 s18;
	[tilespmem:s28+$0x19C20] =	vst v53  }
0x316: {  	s18 =	smov.u32 s16;
	s4 =	smov.u32 s12;
	v63 =	vmul.f32 v20, v22;
	v44 =	vld [tilespmem:s9+$0x660];
	s16 =	rddreg [dreg:$0x17]  }
0x317: {  	v47 =	vld [tilespmem:s12+$0x7C0];
	s9 =	smov.u32 s24;
	[dreg:$0xe] =	wrdreg s29;
	s29 =	sor.u32 s16, s29  }
0x318: {  	v49 =	vmul.f32 v21, v24;
	(v2sf) =	vpush v54, $0x0;
	v50 =	vadd.f32 v63, v23;
	s24 =	simm.s32 $0x4;
	s12 =	simm.s32 $0xA00;
	[smem:$0x7D7] =	sst s29  }
.LBB3_3:
0x319: {  	[tilespmem:s1+$0x1AC00] =	vst v51  }
0x31a: {  	s5 =	rddreg [dreg:$0xf];
	v51 =	vld [tilespmem:s0+$0xCA0];
	v49 =	vadd.f32 v49, v25  }
0x31b: {  	v52 =	vld [tilespmem:s5+$0x190];
	[tilespmem:s28+$0x13C30] =	vst v50  }
0x31c: {  	[tilespmem:s28+$0x14C30] =	vst v49  }
0x31d: {  	[tilespmem:s23+$0x18C60] =	vst v44  }
0x31e: {  	v55 =	vmul.f32 v12, v10;
	s11 =	smov.u32 s26;
	s26 =	smov.u32 s4;
	s4 =	rddreg [dreg:$0x10];
	[tilespmem:s14+$0x19C40] =	vst v47  }
0x31f: {  	v56 =	vmul.f32 v13, v14;
	v47 =	vld [tilespmem:s4+$0x7E0];
	[tilespmem:s28+$0x1AC20] =	vst v51  }
0x320: {  	(v2sf) =	vpush v48, $0x0;
	v48 =	vadd.f32 v55, v11;
	v49 =	vld [tilespmem:s13+$0xCC0];
	[tilespmem:s1+$0x15C10] =	vst v52  }
0x321: {  	s16 =	rddreg [dreg:$0x13];
	v44 =	vadd.f32 v56, v15;
	v50 =	vld [tilespmem:s31+$0x1B0]  }
0x322: {  	v51 =	vld [tilespmem:s16+$0x310];
	[tilespmem:s14+$0x13C50] =	vst v48  }
0x323: {  	[tilespmem:s14+$0x14C50] =	vst v44  }
0x324: {  	[tilespmem:s23+$0x19C60] =	vst v47  }
0x325: {  	v57 =	vmul.f32 v6, v0;
	[tilespmem:s14+$0x1AC40] =	vst v49  }
0x326: {  	v59 =	vmul.f32 v7, v2;
	v58 =	vld [tilespmem:s9+$0xCE0];
	[tilespmem:s28+$0x15C30] =	vst v50  }
0x327: {  	s7 =	smov.u32 s0;
	s0 =	rddreg [dreg:$0x11];
	v44 =	vadd.f32 v57, v1;
	v60 =	vld [tilespmem:s25+$0x1D0];
	[tilespmem:s1+$0x16C10] =	vst v51  }
0x328: {  	[dreg:$0x15] =	wrdreg s9;
	s6 =	smov.u32 s13;
	v47 =	vadd.f32 v59, v3;
	s13 =	spop (v2sf);
	v48 =	vld [tilespmem:s0+$0x330]  }
0x329: {  	s29 =	smov.u32 s31;
	s31 =	smov.u32 s25;
	s25 =	sshll.u32 s13, $0x9;
	v49 =	vld [tilespmem:s8+$0x490];
	[tilespmem:s23+$0x13C70] =	vst v44  }
0x32a: {  	s9 =	rddreg [dreg:$0x14];
	s13 =	smov.u32 s6;
	s25 =	sshra.s32 s25, $0x2;
	[tilespmem:s23+$0x14C70] =	vst v47  }
0x32b: {  	s6 =	smov.u32 s17;
	s17 =	smov.u32 s21;
	s21 =	smov.u32 s29;
	v44 =	vld [tilespmem:s25+$0x180];
	[tilespmem:s23+$0x1AC60] =	vst v58  }
0x32c: {  	s24 =	sadd.s32 $0x1, s24;
	[dreg:$0x16] =	wrdreg s21;
	[tilespmem:s14+$0x15C50] =	vst v60  }
0x32d: {  	v6 =	vmovc v12;
	v12 =	vmov v20;
	v20 =	vmov v33;
	v33 =	vmov v40;
	s21 =	smov.u32 s5;
	s5 =	rddreg [dreg:$0xe];
	v40 =	vld [tilespmem:s9+$0x1F0];
	s9 =	smov.u32 s31;
	[tilespmem:s28+$0x16C30] =	vst v48  }
0x32e: {  	v7 =	vmovc v13;
	v13 =	vmov v21;
	v21 =	vmov v37;
	v37 =	vmov v41;
	s29 =	smov.u32 s3;
	[dreg:$0x14] =	wrdreg s9;
	v41 =	vld [tilespmem:s3+$0x350];
	s9 =	smov.u32 s25;
	[tilespmem:s1+$0x17C10] =	vst v49  }
0x32f: {  	s3 =	spop (v2sf);
	[dreg:$0xf] =	wrdreg s9;
	s9 =	sadd.s32 s5, s24;
	v47 =	vld [tilespmem:s19+$0x4B0]  }
0x330: {  	v49 =	vld [tilespmem:s15+$0x610];
	v61 =	vmov s9;
	s9 =	sshll.u32 s3, $0x9  }
0x331: {  	[tilespmem:s22+$0x15C00] =	vst v44;
	s9 =	sshra.s32 s9, $0x2  }
0x332: {  	v62 =	vshrl.u32 v61, $0x7;
	v51 =	vld [tilespmem:s9+$0x300];
	[tilespmem:s23+$0x15C70] =	vst v40  }
0x333: {  	v63 =	vand.u32 $0x7F, v61;
	v54 =	vshll.u32 v62, $0x8;
	[tilespmem:s14+$0x16C50] =	vst v41  }
0x334: {  	v48 =	vor.u32 v63, v54;
	v41 =	vld [tilespmem:s20+$0x370];
	[tilespmem:s28+$0x17C30] =	vst v47  }
0x335: {  	v47 =	vld [tilespmem:s30+$0x4D0];
	[tilespmem:s1+$0x18C10] =	vst v49  }
0x336: {  	v49 =	vld [tilespmem:s10+$0x630]  }
0x337: {  	s3 =	smov.u32 s9;
	v52 =	vld [tilespmem:s17+$0x790]  }
0x338: {  	[dreg:$0x13] =	wrdreg s3;
	s3 =	simm.s32 $0x2800;
	[tilespmem:s22+$0x16C00] =	vst v51  }
0x339: {  	v50 =	vshll.u32 v62, $0xA;
	v40 =	vld.idx.msk [tilespmem:v48+s3+$0x0], $0xffff;
	[tilespmem:s23+$0x16C70] =	vst v41  }
0x33a: {  	v55 =	vmul.f32 v20, v26;
	(v2sf) =	vpush v46, $0x0;
	v46 =	vor.u32 v63, v50;
	[tilespmem:s14+$0x17C50] =	vst v47  }
0x33b: {  	v57 =	vmul.f32 v21, v28;
	v56 =	vor.u32 $0x200, v46;
	v47 =	vld [tilespmem:s18+$0x4F0];
	[tilespmem:s28+$0x18C30] =	vst v49  }
0x33c: {  	v44 =	vadd.f32 v55, v27;
	v49 =	vld [tilespmem:s2+$0x650];
	[tilespmem:s1+$0x19C10] =	vst v52  }
0x33d: {  	v50 =	vadd.f32 v57, v29;
	v51 =	vld [tilespmem:s11+$0x7B0]  }
0x33e: {  	s5 =	simm.s32 $0x1800;
	v52 =	vld [tilespmem:s6+$0xC90];
	[tilespmem:s1+$0x13C20] =	vst v44  }
0x33f: {  	v44 =	vld.idx.msk [tilespmem:v46+s5+$0x0], $0xffff;
	[tilespmem:s1+$0x14C20] =	vst v50  }
0x340: {  	v41 =	vld.idx.msk [tilespmem:v56+s5+$0x0], $0xffff;
	[tilespmem:s23+$0x17C70] =	vst v47  }
0x341: {  	v59 =	vmul.f32 v12, v16;
	s9 =	rddreg [dreg:$0x12];
	v58 =	vor.u32 $0x280, v46;
	[tilespmem:s14+$0x18C50] =	vst v49  }
0x342: {  	v53 =	vmul.f32 v13, v18;
	(v2sf) =	vpush v45, $0x0;
	v60 =	vor.u32 $0x180, v46;
	v49 =	vld [tilespmem:s9+$0x670];
	[tilespmem:s28+$0x19C30] =	vst v51  }
0x343: {  	v50 =	vadd.f32 v59, v17;
	v51 =	vld [tilespmem:s26+$0x7D0];
	[tilespmem:s1+$0x1AC10] =	vst v52  }
0x344: {  	v53 =	vadd.f32 v53, v19;
	v52 =	vld [tilespmem:s7+$0xCB0]  }
0x345: {  	v54 =	vld [tilespmem:s21+$0x1A0];
	[tilespmem:s28+$0x13C40] =	vst v50  }
0x346: {  	v50 =	vld.idx.msk [tilespmem:v58+s5+$0x0], $0xffff;
	[tilespmem:s28+$0x14C40] =	vst v53  }
0x347: {  	v45 =	vld.idx.msk [tilespmem:v60+s5+$0x0], $0xffff;
	[tilespmem:s23+$0x18C70] =	vst v49  }
0x348: {  	v61 =	vmul.f32 v6, v4;
	[tilespmem:s14+$0x19C50] =	vst v51  }
0x349: {  	(v2sf) =	vpush v43, $0x0;
	v63 =	vmul.f32 v7, v8;
	s20 =	smov.u32 s30;
	v62 =	vor.u32 $0x80, v48;
	v49 =	vld [tilespmem:s4+$0x7F0];
	s4 =	smov.u32 s11;
	s11 =	spop (v2sf);
	[tilespmem:s28+$0x1AC30] =	vst v52  }
0x34a: {  	s30 =	smov.u32 s8;
	v47 =	vadd.f32 v61, v5;
	v51 =	vld [tilespmem:s13+$0xCD0];
	s8 =	sshll.u32 s11, $0x9;
	[tilespmem:s1+$0x15C20] =	vst v54;
	s11 =	rddreg [dreg:$0x16]  }
0x34b: {  	s31 =	smov.u32 s0;
	s0 =	smov.u32 s16;
	v48 =	vadd.f32 v63, v9;
	v52 =	vld [tilespmem:s11+$0x1C0]  }
0x34c: {  	s16 =	smov.u32 s2;
	s2 =	smov.u32 s15;
	s15 =	sshra.s32 s8, $0x2;
	v53 =	vld [tilespmem:s0+$0x320];
	[tilespmem:s14+$0x13C60] =	vst v47  }
0x34d: {  	v47 =	vld [tilespmem:s15+$0x480];
	[tilespmem:s14+$0x14C60] =	vst v48  }
0x34e: {  	s18 =	smov.u32 s10;
	v43 =	vmov v41;
	v41 =	vld.idx.msk [tilespmem:v62+s3+$0x0], $0xffff;
	[tilespmem:s23+$0x19C70] =	vst v49  }
0x34f: {  	s10 =	smov.u32 s26;
	s26 =	smov.u32 s17;
	s17 =	rddreg [dreg:$0x15];
	[tilespmem:s14+$0x1AC50] =	vst v51  }
0x350: {  	s25 =	smov.u32 s29;
	s29 =	smov.u32 s19;
	s19 =	rddreg [dreg:$0x14];
	v56 =	vor.u32 $0x100, v46;
	(v2sf) =	vpush v42, $0x0;
	v49 =	vld [tilespmem:s17+$0xCF0];
	[tilespmem:s28+$0x15C40] =	vst v52  }
0x351: {  	[dreg:$0x11] =	wrdreg s0;
	v57 =	vor.u32 $0x80, v46;
	s0 =	smov.u32 s6;
	s6 =	spop (v2sf);
	v51 =	vld [tilespmem:s19+$0x1E0];
	[tilespmem:s1+$0x16C20] =	vst v53  }
0x352: {  	s9 =	smov.u32 s13;
	s13 =	smov.u32 s7;
	s7 =	sshll.u32 s6, $0x9;
	v52 =	vld [tilespmem:s31+$0x340];
	[tilespmem:s22+$0x17C00] =	vst v47  }
0x353: {  	s7 =	sshra.s32 s7, $0x2;
	v47 =	vld [tilespmem:s30+$0x4A0]  }
0x354: {  	v53 =	vld [tilespmem:s7+$0x600]  }
0x355: {  	v46 =	vld.idx.msk [tilespmem:v56+s5+$0x0], $0xffff;
	[tilespmem:s23+$0x1AC70] =	vst v49;
	s23 =	smov.u32 s14  }
0x356: {  	v58 =	vmul.f32 v40, v35;
	s14 =	smov.u32 s28;
	v48 =	vld.idx.msk [tilespmem:v57+s5+$0x0], $0xffff;
	[tilespmem:s23+$0x15C60] =	vst v51  }
0x357: {  	s28 =	smov.u32 s1;
	[tilespmem:s14+$0x16C40] =	vst v52  }
0x358: {  	[dreg:$0x10] =	wrdreg s10;
	s10 =	spop (v2sf);
	v59 =	vmul.f32 v41, v38;
	s1 =	smov.u32 s22;
	v49 =	vadd.f32 v58, v36;
	v51 =	vld [tilespmem:s25+$0x360];
	[tilespmem:s28+$0x17C20] =	vst v47  }
0x359: {  	s17 =	sshll.u32 s10, $0x9;
	s22 =	sshra.s32 s12, $0x2;
	v47 =	vld [tilespmem:s29+$0x4C0];
	[tilespmem:s1+$0x18C00] =	vst v53  }
0x35a: {  	v42 =	vmov v50;
	s3 =	smov.u32 s31;
	s31 =	smov.u32 s21;
	s21 =	sshra.s32 s17, $0x2;
	v50 =	vadd.f32 v59, v39;
	v52 =	vld [tilespmem:s2+$0x620];
	[tilespmem:s22+$0x13C00] =	vst v49  }
0x35b: {  	v49 =	vld [tilespmem:s21+$0x780]  }
0x35c: {  	[tilespmem:s22+$0x14C00] =	vst v50  }
0x35d: {  	[tilespmem:s23+$0x16C60] =	vst v51  }
0x35e: {  	v60 =	vmul.f32 v33, v30;
	[tilespmem:s14+$0x17C40] =	vst v47  }
0x35f: {  	v61 =	vmul.f32 v37, v32;
	s19 =	smov.u32 s30;
	s30 =	smov.u32 s29;
	s29 =	spop (v2sf);
	v47 =	vld [tilespmem:s20+$0x4E0];
	[tilespmem:s28+$0x18C20] =	vst v52  }
0x360: {  	s8 =	smov.u32 s15;
	s15 =	smov.u32 s7;
	s7 =	sshll.u32 s29, $0x9;
	v50 =	vadd.f32 v60, v31;
	v52 =	vld [tilespmem:s18+$0x640];
	[tilespmem:s1+$0x19C00] =	vst v49  }
0x361: {  	v62 =	vadd.f32 v61, v34;
	s17 =	sshra.s32 s7, $0x2;
	v53 =	vld [tilespmem:s26+$0x7A0]  }
0x362: {  	p0 =	sne.s32 s12, $0x3E00;
	v51 =	vld [tilespmem:s17+$0xC80];
	[tilespmem:s1+$0x13C10] =	vst v50  }
.Ltmp0:
0x363: {  	[tilespmem:s1+$0x14C10] =	vst v62;
	(pc) =	sbr.rel @p0 .LBB3_3-.Ltmp0, $4  }
0x364: {  	[tilespmem:s23+$0x17C60] =	vst v47  }
0x365: {  	[dreg:$0x12] =	wrdreg s16;
	v63 =	vmul.f32 v20, v22;
	[tilespmem:s14+$0x18C40] =	vst v52  }
0x366: {  	s10 =	smov.u32 s2;
	s12 =	sadd.s32 $0x200, s12;
	(v2sf) =	vpush v44, $0x0;
	s2 =	smov.u32 s18;
	v44 =	vld [tilespmem:s16+$0x660];
	[tilespmem:s28+$0x19C20] =	vst v53  }
0x367: {  	v49 =	vmul.f32 v21, v24;
	s18 =	smov.u32 s20;
	s20 =	smov.u32 s25;
	s25 =	smov.u32 s11;
	v50 =	vadd.f32 v63, v23;
	v47 =	vld [tilespmem:s4+$0x7C0]  }
0x368: {  	_ =	sdelay $0x3  }
0x369: {  	(v2sf) =	vpush v48, $0x0;
	_ =	sdelay $0x5  }
0x36a: {  	(v2sf) =	vpush v46, $0x0;
	_ =	sdelay $0x2  }
0x36b: {  	s16 =	spop (v2sf)  }
0x36c: {  	[dreg:$0x15] =	wrdreg s9;
	s9 =	sshll.u32 s16, $0x9  }
0x36d: {  	s11 =	sshra.s32 s9, $0x2  }
0x36e: {  	(v2sf) =	vpush v45, $0x0;
	v35 =	vld [tilespmem:s11+$0x180];
	_ =	sdelay $0x2  }
0x36f: {  	s24 =	spop (v2sf)  }
0x370: {  	s9 =	sshll.u32 s24, $0x9  }
0x371: {  	s5 =	sshra.s32 s9, $0x2;
	[tilespmem:s22+$0x15C00] =	vst v35  }
0x372: {  	(v2sf) =	vpush v43, $0x0;
	v35 =	vld [tilespmem:s5+$0x300];
	_ =	sdelay $0x2  }
0x373: {  	s29 =	spop (v2sf)  }
0x374: {  	s9 =	sshll.u32 s29, $0x9  }
0x375: {  	s29 =	sshra.s32 s9, $0x2;
	[tilespmem:s22+$0x16C00] =	vst v35  }
0x376: {  	(v2sf) =	vpush v42, $0x0;
	v35 =	vld [tilespmem:s29+$0x480];
	_ =	sdelay $0x2  }
0x377: {  	s6 =	spop (v2sf)  }
0x378: {  	s9 =	sshll.u32 s6, $0x9  }
0x379: {  	s12 =	sshra.s32 s9, $0x2;
	[tilespmem:s22+$0x17C00] =	vst v35  }
0x37a: {  	v35 =	vld [tilespmem:s12+$0x600];
	_ =	sdelay $0x2  }
0x37b: {  	s7 =	spop (v2sf)  }
0x37c: {  	s9 =	sshll.u32 s7, $0x9  }
0x37d: {  	s6 =	sshra.s32 s9, $0x2;
	[tilespmem:s22+$0x18C00] =	vst v35  }
0x37e: {  	v35 =	vld [tilespmem:s6+$0x780];
	_ =	sdelay $0x2  }
0x37f: {  	s16 =	spop (v2sf)  }
0x380: {  	s9 =	sshll.u32 s16, $0x9  }
0x381: {  	v30 =	vmul.f32 v40, v30;
	s24 =	sshra.s32 s9, $0x2;
	[tilespmem:s22+$0x19C00] =	vst v35  }
0x382: {  	v32 =	vmul.f32 v41, v32;
	[tilespmem:s1+$0x1AC00] =	vst v51;
	v35 =	vld [tilespmem:s24+$0xC80]  }
0x383: {  	v30 =	vadd.f32 v30, v31;
	s7 =	rddreg [dreg:$0xf]  }
0x384: {  	v31 =	vadd.f32 v32, v34;
	v45 =	vld [tilespmem:s7+$0x190]  }
0x385: {  	[tilespmem:s22+$0x13C10] =	vst v30  }
0x386: {  	[tilespmem:s22+$0x14C10] =	vst v31  }
0x387: {  	[tilespmem:s22+$0x1AC00] =	vst v35  }
0x388: {  	v30 =	vld [tilespmem:s11+$0x190]  }
0x389: {  	[tilespmem:s1+$0x15C10] =	vst v45  }
0x38a: {  	s9 =	smov.u32 s11;
	s11 =	rddreg [dreg:$0x13]  }
0x38b: {  	v31 =	vld [tilespmem:s11+$0x310];
	_ =	sdelay $0x1  }
0x38c: {  	[tilespmem:s22+$0x15C10] =	vst v30  }
0x38d: {  	v30 =	vld [tilespmem:s5+$0x310];
	_ =	sdelay $0x1  }
0x38e: {  	[tilespmem:s1+$0x16C10] =	vst v31  }
0x38f: {  	v31 =	vld [tilespmem:s8+$0x490];
	_ =	sdelay $0x1  }
0x390: {  	[tilespmem:s22+$0x16C10] =	vst v30  }
0x391: {  	v30 =	vld [tilespmem:s29+$0x490];
	_ =	sdelay $0x1  }
0x392: {  	[tilespmem:s1+$0x17C10] =	vst v31  }
0x393: {  	v31 =	vld [tilespmem:s15+$0x610];
	_ =	sdelay $0x1  }
0x394: {  	[tilespmem:s22+$0x17C10] =	vst v30  }
0x395: {  	v30 =	vld [tilespmem:s12+$0x610];
	_ =	sdelay $0x1  }
0x396: {  	[tilespmem:s1+$0x18C10] =	vst v31  }
0x397: {  	v31 =	vld [tilespmem:s21+$0x790];
	_ =	sdelay $0x1  }
0x398: {  	[tilespmem:s22+$0x18C10] =	vst v30  }
0x399: {  	v46 =	vmul.f32 v33, v26;
	v30 =	vld [tilespmem:s6+$0x790];
	_ =	sdelay $0x1  }
0x39a: {  	v32 =	vadd.f32 v46, v27;
	[tilespmem:s1+$0x19C10] =	vst v31;
	v31 =	vmul.f32 v37, v28  }
0x39b: {  	v26 =	vmul.f32 v40, v26;
	v48 =	vld [tilespmem:s17+$0xC90]  }
0x39c: {  	[tilespmem:s1+$0x13C20] =	vst v32;
	v31 =	vadd.f32 v31, v29  }
0x39d: {  	v26 =	vadd.f32 v26, v27;
	v28 =	vmul.f32 v41, v28;
	[tilespmem:s22+$0x19C10] =	vst v30  }
0x39e: {  	[tilespmem:s1+$0x14C20] =	vst v31  }
0x39f: {  	v27 =	vadd.f32 v28, v29;
	v30 =	vld [tilespmem:s24+$0xC90];
	[tilespmem:s22+$0x13C20] =	vst v26  }
0x3a0: {  	v26 =	vld [tilespmem:s0+$0xCA0];
	[tilespmem:s1+$0x1AC10] =	vst v48  }
0x3a1: {  	v29 =	vadd.f32 v49, v25;
	[tilespmem:s22+$0x14C20] =	vst v27;
	v28 =	vld [tilespmem:s7+$0x1A0]  }
0x3a2: {  	[tilespmem:s28+$0x13C30] =	vst v50  }
0x3a3: {  	[tilespmem:s28+$0x14C30] =	vst v29  }
0x3a4: {  	[tilespmem:s22+$0x1AC10] =	vst v30  }
0x3a5: {  	[tilespmem:s28+$0x1AC20] =	vst v26;
	v27 =	vld [tilespmem:s9+$0x1A0]  }
0x3a6: {  	v26 =	vld [tilespmem:s31+$0x1B0];
	[tilespmem:s1+$0x15C20] =	vst v28  }
0x3a7: {  	v28 =	vld [tilespmem:s11+$0x320];
	_ =	sdelay $0x2  }
0x3a8: {  	[tilespmem:s22+$0x15C20] =	vst v27  }
0x3a9: {  	[tilespmem:s28+$0x15C30] =	vst v26;
	v27 =	vld [tilespmem:s5+$0x320]  }
0x3aa: {  	[tilespmem:s1+$0x16C20] =	vst v28  }
0x3ab: {  	s16 =	smov.u32 s8;
	v28 =	vld [tilespmem:s8+$0x4A0];
	s8 =	rddreg [dreg:$0x11]  }
0x3ac: {  	v26 =	vld [tilespmem:s8+$0x330];
	_ =	sdelay $0x1  }
0x3ad: {  	[tilespmem:s22+$0x16C20] =	vst v27  }
0x3ae: {  	v27 =	vld [tilespmem:s29+$0x4A0]  }
0x3af: {  	[tilespmem:s1+$0x17C20] =	vst v28  }
0x3b0: {  	v28 =	vld [tilespmem:s15+$0x620];
	[tilespmem:s28+$0x16C30] =	vst v26  }
0x3b1: {  	v26 =	vld [tilespmem:s19+$0x4B0]  }
0x3b2: {  	[smem:$0x7D0] =	sst s19  }
0x3b3: {  	[tilespmem:s22+$0x17C20] =	vst v27  }
0x3b4: {  	v27 =	vld [tilespmem:s12+$0x620]  }
0x3b5: {  	[tilespmem:s1+$0x18C20] =	vst v28  }
0x3b6: {  	v28 =	vld [tilespmem:s21+$0x7A0];
	[tilespmem:s28+$0x17C30] =	vst v26  }
0x3b7: {  	v26 =	vld [tilespmem:s10+$0x630];
	_ =	sdelay $0x1  }
0x3b8: {  	[tilespmem:s22+$0x18C20] =	vst v27  }
0x3b9: {  	v29 =	vmul.f32 v33, v22;
	v27 =	vld [tilespmem:s6+$0x7A0]  }
0x3ba: {  	[tilespmem:s1+$0x19C20] =	vst v28  }
0x3bb: {  	v28 =	vmul.f32 v37, v24;
	v30 =	vld [tilespmem:s17+$0xCA0];
	[tilespmem:s28+$0x18C30] =	vst v26;
	v26 =	vadd.f32 v29, v23;
	_ =	sdelay $0x1  }
0x3bc: {  	v28 =	vadd.f32 v28, v25;
	[tilespmem:s1+$0x13C30] =	vst v26  }
0x3bd: {  	v22 =	vmul.f32 v40, v22;
	[tilespmem:s22+$0x19C20] =	vst v27  }
0x3be: {  	v24 =	vmul.f32 v41, v24;
	[tilespmem:s1+$0x14C30] =	vst v28;
	v26 =	vld [tilespmem:s24+$0xCA0]  }
0x3bf: {  	v22 =	vadd.f32 v22, v23;
	[tilespmem:s1+$0x1AC20] =	vst v30  }
0x3c0: {  	v23 =	vadd.f32 v24, v25;
	v24 =	vld [tilespmem:s7+$0x1B0]  }
0x3c1: {  	[tilespmem:s22+$0x13C30] =	vst v22;
	v22 =	vld [tilespmem:s26+$0x7B0]  }
0x3c2: {  	[tilespmem:s22+$0x14C30] =	vst v23  }
0x3c3: {  	[tilespmem:s22+$0x1AC20] =	vst v26  }
0x3c4: {  	v23 =	vld [tilespmem:s9+$0x1B0]  }
0x3c5: {  	[tilespmem:s1+$0x15C30] =	vst v24  }
0x3c6: {  	[tilespmem:s28+$0x19C30] =	vst v22;
	v22 =	vmul.f32 v21, v18;
	v25 =	vld [tilespmem:s11+$0x330];
	_ =	sdelay $0x1  }
0x3c7: {  	v26 =	vld [tilespmem:s0+$0xCB0];
	v24 =	vmul.f32 v20, v16;
	v22 =	vadd.f32 v22, v19  }
0x3c8: {  	[tilespmem:s22+$0x15C30] =	vst v23  }
0x3c9: {  	v24 =	vadd.f32 v24, v17;
	[tilespmem:s28+$0x14C40] =	vst v22;
	v23 =	vld [tilespmem:s5+$0x330]  }
0x3ca: {  	[tilespmem:s1+$0x16C30] =	vst v25  }
0x3cb: {  	[tilespmem:s28+$0x13C40] =	vst v24;
	v22 =	vld [tilespmem:s16+$0x4B0]  }
0x3cc: {  	[tilespmem:s28+$0x1AC30] =	vst v26  }
0x3cd: {  	v24 =	vld [tilespmem:s31+$0x1C0]  }
0x3ce: {  	[tilespmem:s22+$0x16C30] =	vst v23  }
0x3cf: {  	v23 =	vld [tilespmem:s29+$0x4B0]  }
0x3d0: {  	[tilespmem:s1+$0x17C30] =	vst v22  }
0x3d1: {  	v22 =	vld [tilespmem:s15+$0x630]  }
0x3d2: {  	[tilespmem:s28+$0x15C40] =	vst v24  }
0x3d3: {  	v24 =	vld [tilespmem:s8+$0x340]  }
0x3d4: {  	[tilespmem:s22+$0x17C30] =	vst v23  }
0x3d5: {  	[tilespmem:s14+$0x19C40] =	vst v47;
	v23 =	vld [tilespmem:s12+$0x630]  }
0x3d6: {  	[tilespmem:s1+$0x18C30] =	vst v22  }
0x3d7: {  	v22 =	vmul.f32 v12, v10;
	v25 =	vld [tilespmem:s21+$0x7B0];
	[smem:$0x7D5] =	sst s13  }
0x3d8: {  	[tilespmem:s28+$0x16C40] =	vst v24  }
0x3d9: {  	v24 =	vmul.f32 v13, v14;
	v22 =	vadd.f32 v22, v11;
	v27 =	vld [tilespmem:s19+$0x4C0]  }
0x3da: {  	v26 =	vld [tilespmem:s13+$0xCC0];
	[tilespmem:s22+$0x18C30] =	vst v23  }
0x3db: {  	v24 =	vadd.f32 v24, v15;
	[tilespmem:s14+$0x13C50] =	vst v22;
	v22 =	vmul.f32 v33, v16;
	v23 =	vld [tilespmem:s6+$0x7B0]  }
0x3dc: {  	[tilespmem:s1+$0x19C30] =	vst v25  }
0x3dd: {  	[tilespmem:s14+$0x14C50] =	vst v24;
	v24 =	vmul.f32 v37, v18;
	v22 =	vadd.f32 v22, v17  }
0x3de: {  	v16 =	vmul.f32 v40, v16;
	v25 =	vld [tilespmem:s17+$0xCB0];
	[tilespmem:s28+$0x17C40] =	vst v27  }
0x3df: {  	v24 =	vadd.f32 v24, v19;
	[tilespmem:s1+$0x13C40] =	vst v22  }
0x3e0: {  	v16 =	vadd.f32 v16, v17;
	[tilespmem:s22+$0x19C30] =	vst v23  }
0x3e1: {  	[tilespmem:s1+$0x14C40] =	vst v24  }
0x3e2: {  	v18 =	vmul.f32 v41, v18;
	v22 =	vld [tilespmem:s24+$0xCB0];
	[tilespmem:s22+$0x13C40] =	vst v16  }
0x3e3: {  	v16 =	vld [tilespmem:s10+$0x640];
	[tilespmem:s1+$0x1AC30] =	vst v25  }
0x3e4: {  	v17 =	vadd.f32 v18, v19;
	v18 =	vld [tilespmem:s7+$0x1C0]  }
0x3e5: {  	[tilespmem:s14+$0x1AC40] =	vst v26  }
0x3e6: {  	v19 =	vld [tilespmem:s25+$0x1D0];
	[tilespmem:s22+$0x14C40] =	vst v17  }
0x3e7: {  	[tilespmem:s22+$0x1AC30] =	vst v22  }
0x3e8: {  	[tilespmem:s28+$0x18C40] =	vst v16;
	v17 =	vld [tilespmem:s9+$0x1C0]  }
0x3e9: {  	v16 =	vld [tilespmem:s26+$0x7C0];
	[tilespmem:s1+$0x15C40] =	vst v18  }
0x3ea: {  	v18 =	vld [tilespmem:s11+$0x340]  }
0x3eb: {  	[tilespmem:s14+$0x15C50] =	vst v19  }
0x3ec: {  	v19 =	vld [tilespmem:s3+$0x350]  }
0x3ed: {  	[tilespmem:s22+$0x15C40] =	vst v17  }
0x3ee: {  	[tilespmem:s28+$0x19C40] =	vst v16;
	v16 =	vmul.f32 v21, v14;
	v17 =	vld [tilespmem:s5+$0x340]  }
0x3ef: {  	[tilespmem:s1+$0x16C40] =	vst v18  }
0x3f0: {  	v18 =	vmul.f32 v20, v10;
	v16 =	vadd.f32 v16, v15;
	v22 =	vld [tilespmem:s16+$0x4C0]  }
0x3f1: {  	[tilespmem:s14+$0x16C50] =	vst v19  }
0x3f2: {  	v23 =	vld [tilespmem:s0+$0xCC0];
	v18 =	vadd.f32 v18, v11;
	[tilespmem:s28+$0x14C50] =	vst v16  }
0x3f3: {  	[tilespmem:s22+$0x16C40] =	vst v17  }
0x3f4: {  	[tilespmem:s28+$0x13C50] =	vst v18  }
0x3f5: {  	s19 =	smov.u32 s5;
	s5 =	smov.u32 s3;
	v17 =	vld [tilespmem:s29+$0x4C0];
	[tilespmem:s1+$0x17C40] =	vst v22  }
0x3f6: {  	v16 =	vld [tilespmem:s15+$0x640];
	[smem:$0x7D4] =	sst s5  }
0x3f7: {  	[smem:$0x7D1] =	sst s30  }
0x3f8: {  	v18 =	vld [tilespmem:s30+$0x4D0];
	[tilespmem:s28+$0x1AC40] =	vst v23  }
0x3f9: {  	[smem:$0x7D3] =	sst s31  }
0x3fa: {  	v19 =	vld [tilespmem:s31+$0x1D0];
	[tilespmem:s22+$0x17C40] =	vst v17  }
0x3fb: {  	v17 =	vld [tilespmem:s12+$0x640]  }
0x3fc: {  	[tilespmem:s1+$0x18C40] =	vst v16  }
0x3fd: {  	[tilespmem:s14+$0x17C50] =	vst v18  }
0x3fe: {  	v16 =	vld [tilespmem:s21+$0x7C0];
	[smem:$0x7D2] =	sst s2  }
0x3ff: {  	v18 =	vld [tilespmem:s2+$0x650];
	[tilespmem:s28+$0x15C50] =	vst v19  }
0x400: {  	s13 =	smov.u32 s6;
	v19 =	vld [tilespmem:s8+$0x350];
	[tilespmem:s22+$0x18C40] =	vst v17  }
0x401: {  	v17 =	vld [tilespmem:s13+$0x7C0];
	_ =	sdelay $0x1  }
0x402: {  	[tilespmem:s1+$0x19C40] =	vst v16;
	v16 =	vmul.f32 v37, v14  }
0x403: {  	v22 =	vmul.f32 v33, v10;
	[tilespmem:s14+$0x18C50] =	vst v18  }
0x404: {  	v10 =	vmul.f32 v40, v10;
	v16 =	vadd.f32 v16, v15;
	[tilespmem:s28+$0x16C50] =	vst v19  }
0x405: {  	v50 =	vmul.f32 v41, v14;
	v18 =	vld [tilespmem:s17+$0xCC0];
	v19 =	vadd.f32 v22, v11;
	[tilespmem:s22+$0x19C40] =	vst v17  }
0x406: {  	v10 =	vadd.f32 v10, v11;
	[tilespmem:s1+$0x14C50] =	vst v16  }
0x407: {  	v11 =	vadd.f32 v50, v15;
	[tilespmem:s1+$0x13C50] =	vst v19  }
0x408: {  	v17 =	vld [tilespmem:s24+$0xCC0];
	[tilespmem:s22+$0x13C50] =	vst v10  }
0x409: {  	[tilespmem:s22+$0x14C50] =	vst v11  }
0x40a: {  	[tilespmem:s1+$0x1AC40] =	vst v18  }
0x40b: {  	s2 =	sld [smem:$0x7D0]  }
0x40c: {  	v51 =	vld [tilespmem:s7+$0x1D0]  }
0x40d: {  	v10 =	vld [tilespmem:s4+$0x7D0]  }
0x40e: {  	[tilespmem:s22+$0x1AC40] =	vst v17;
	v11 =	vld [tilespmem:s2+$0x4D0]  }
0x40f: {  	v15 =	vld [tilespmem:s9+$0x1D0];
	_ =	sdelay $0x1  }
0x410: {  	[tilespmem:s1+$0x15C50] =	vst v51  }
0x411: {  	v52 =	vmul.f32 v12, v4;
	[tilespmem:s14+$0x19C50] =	vst v10;
	v10 =	vld [tilespmem:s11+$0x350]  }
0x412: {  	s3 =	smov.u32 s0;
	s0 =	sld [smem:$0x7D5];
	[tilespmem:s28+$0x17C50] =	vst v11  }
0x413: {  	v14 =	vadd.f32 v52, v5;
	v11 =	vmul.f32 v13, v8;
	[tilespmem:s22+$0x15C50] =	vst v15;
	v17 =	vld [tilespmem:s10+$0x650]  }
0x414: {  	v15 =	vld [tilespmem:s19+$0x350]  }
0x415: {  	v16 =	vld [tilespmem:s0+$0xCD0];
	[tilespmem:s14+$0x13C60] =	vst v14;
	v11 =	vadd.f32 v11, v9  }
0x416: {  	[tilespmem:s1+$0x16C50] =	vst v10  }
0x417: {  	[tilespmem:s14+$0x14C60] =	vst v11;
	v10 =	vld [tilespmem:s16+$0x4D0]  }
0x418: {  	[tilespmem:s28+$0x18C50] =	vst v17  }
0x419: {  	[tilespmem:s22+$0x16C50] =	vst v15;
	v11 =	vld [tilespmem:s26+$0x7D0]  }
0x41a: {  	[tilespmem:s14+$0x1AC50] =	vst v16;
	v53 =	vld [tilespmem:s29+$0x4D0]  }
0x41b: {  	v15 =	vld [tilespmem:s25+$0x1E0]  }
0x41c: {  	[tilespmem:s1+$0x17C50] =	vst v10  }
0x41d: {  	v10 =	vmul.f32 v20, v4;
	v16 =	vld [tilespmem:s15+$0x650]  }
0x41e: {  	[tilespmem:s28+$0x19C50] =	vst v11  }
0x41f: {  	v10 =	vadd.f32 v10, v5;
	v11 =	vmul.f32 v21, v8;
	[tilespmem:s22+$0x17C50] =	vst v53;
	v17 =	vld [tilespmem:s3+$0xCD0]  }
0x420: {  	[tilespmem:s14+$0x15C60] =	vst v15;
	v14 =	vld [tilespmem:s12+$0x650]  }
0x421: {  	[tilespmem:s28+$0x13C60] =	vst v10;
	v11 =	vadd.f32 v11, v9  }
0x422: {  	[tilespmem:s1+$0x18C50] =	vst v16  }
0x423: {  	[tilespmem:s28+$0x14C60] =	vst v11;
	v10 =	vld [tilespmem:s21+$0x7D0]  }
0x424: {  	v11 =	vld [tilespmem:s5+$0x360];
	[tilespmem:s28+$0x1AC50] =	vst v17  }
0x425: {  	[tilespmem:s22+$0x18C50] =	vst v14;
	v15 =	vld [tilespmem:s31+$0x1E0]  }
0x426: {  	v14 =	vld [tilespmem:s13+$0x7D0];
	_ =	sdelay $0x1  }
0x427: {  	[tilespmem:s1+$0x19C50] =	vst v10;
	v10 =	vmul.f32 v37, v8  }
0x428: {  	v16 =	vmul.f32 v33, v4;
	v4 =	vmul.f32 v40, v4;
	[tilespmem:s14+$0x16C60] =	vst v11  }
0x429: {  	v11 =	vld [tilespmem:s17+$0xCD0];
	v10 =	vadd.f32 v10, v9;
	[tilespmem:s28+$0x15C60] =	vst v15  }
0x42a: {  	v4 =	vadd.f32 v4, v5;
	[tilespmem:s22+$0x19C50] =	vst v14  }
0x42b: {  	v15 =	vadd.f32 v16, v5;
	[tilespmem:s1+$0x14C60] =	vst v10  }
0x42c: {  	v14 =	vld [tilespmem:s24+$0xCD0];
	[tilespmem:s22+$0x13C60] =	vst v4  }
0x42d: {  	v8 =	vmul.f32 v41, v8;
	[tilespmem:s1+$0x13C60] =	vst v15  }
0x42e: {  	s30 =	smov.u32 s19;
	[tilespmem:s1+$0x1AC50] =	vst v11  }
0x42f: {  	s19 =	smov.u32 s12;
	s12 =	smov.u32 s13;
	v5 =	vadd.f32 v8, v9;
	s13 =	sld [smem:$0x7D1]  }
0x430: {  	_ = 	snop  }
0x431: {  	v8 =	vld [tilespmem:s7+$0x1E0];
	[tilespmem:s22+$0x14C60] =	vst v5  }
0x432: {  	[tilespmem:s23+$0x18C60] =	vst v44;
	v4 =	vld [tilespmem:s13+$0x4E0]  }
0x433: {  	v5 =	vld [tilespmem:s8+$0x360];
	[tilespmem:s22+$0x1AC50] =	vst v14  }
0x434: {  	v9 =	vld [tilespmem:s9+$0x1E0];
	s25 =	rddreg [dreg:$0x10]  }
0x435: {  	v10 =	vld [tilespmem:s25+$0x7E0]  }
0x436: {  	[tilespmem:s1+$0x15C60] =	vst v8  }
0x437: {  	[tilespmem:s14+$0x17C60] =	vst v4;
	v4 =	vld [tilespmem:s11+$0x360]  }
0x438: {  	s5 =	sld [smem:$0x7D2];
	[tilespmem:s28+$0x16C60] =	vst v5  }
0x439: {  	v6 =	vmul.f32 v6, v0;
	[tilespmem:s22+$0x15C60] =	vst v9;
	v5 =	vld [tilespmem:s2+$0x4E0]  }
0x43a: {  	s6 =	smov.u32 s29;
	[tilespmem:s23+$0x19C60] =	vst v10;
	v9 =	vld [tilespmem:s30+$0x360]  }
0x43b: {  	v6 =	vadd.f32 v6, v1;
	s29 =	smov.u32 s2;
	s2 =	smov.u32 s30;
	s30 =	rddreg [dreg:$0x15];
	v8 =	vld [tilespmem:s5+$0x660]  }
0x43c: {  	v10 =	vld [tilespmem:s30+$0xCE0];
	[tilespmem:s1+$0x16C60] =	vst v4  }
0x43d: {  	[tilespmem:s23+$0x13C70] =	vst v6;
	v4 =	vmul.f32 v7, v2;
	v7 =	vld [tilespmem:s16+$0x4E0]  }
0x43e: {  	[tilespmem:s28+$0x17C60] =	vst v5  }
0x43f: {  	[tilespmem:s22+$0x16C60] =	vst v9;
	v5 =	vld [tilespmem:s10+$0x660]  }
0x440: {  	v6 =	vld [tilespmem:s6+$0x4E0];
	[tilespmem:s14+$0x18C60] =	vst v8  }
0x441: {  	v4 =	vadd.f32 v4, v3;
	[tilespmem:s23+$0x1AC60] =	vst v10;
	v8 =	vld [tilespmem:s4+$0x7E0]  }
0x442: {  	[tilespmem:s1+$0x17C60] =	vst v7  }
0x443: {  	[tilespmem:s23+$0x14C70] =	vst v4;
	v4 =	vmul.f32 v12, v0;
	v7 =	vld [tilespmem:s15+$0x660]  }
0x444: {  	[tilespmem:s28+$0x18C60] =	vst v5  }
0x445: {  	v4 =	vadd.f32 v4, v1;
	v5 =	vmul.f32 v13, v2;
	[tilespmem:s22+$0x17C60] =	vst v6;
	v9 =	vld [tilespmem:s26+$0x7E0]  }
0x446: {  	v6 =	vld [tilespmem:s19+$0x660];
	[tilespmem:s14+$0x19C60] =	vst v8  }
0x447: {  	v5 =	vadd.f32 v5, v3;
	v8 =	vld [tilespmem:s0+$0xCE0];
	[tilespmem:s14+$0x13C70] =	vst v4  }
0x448: {  	v4 =	vmul.f32 v20, v0;
	[tilespmem:s1+$0x18C60] =	vst v7  }
0x449: {  	[tilespmem:s14+$0x14C70] =	vst v5;
	v5 =	vld [tilespmem:s21+$0x7E0]  }
0x44a: {  	v4 =	vadd.f32 v4, v1;
	[tilespmem:s28+$0x19C60] =	vst v9  }
0x44b: {  	v9 =	vmul.f32 v21, v2;
	[tilespmem:s22+$0x18C60] =	vst v6  }
0x44c: {  	v7 =	vld [tilespmem:s3+$0xCE0];
	[tilespmem:s28+$0x13C70] =	vst v4;
	v4 =	vmul.f32 v33, v0  }
0x44d: {  	v6 =	vld [tilespmem:s12+$0x7E0];
	[tilespmem:s14+$0x1AC60] =	vst v8;
	v8 =	vadd.f32 v9, v3  }
0x44e: {  	v4 =	vadd.f32 v4, v1;
	[tilespmem:s1+$0x19C60] =	vst v5  }
0x44f: {  	[tilespmem:s28+$0x14C70] =	vst v8;
	v8 =	vmul.f32 v37, v2;
	v5 =	vld [tilespmem:s17+$0xCE0]  }
0x450: {  	[tilespmem:s1+$0x13C70] =	vst v4  }
0x451: {  	[tilespmem:s28+$0x1AC60] =	vst v7;
	v7 =	vadd.f32 v8, v3  }
0x452: {  	v0 =	vmul.f32 v40, v0;
	[tilespmem:s22+$0x19C60] =	vst v6  }
0x453: {  	[tilespmem:s1+$0x14C70] =	vst v7  }
0x454: {  	v0 =	vadd.f32 v0, v1;
	v2 =	vmul.f32 v41, v2;
	v4 =	vld [tilespmem:s24+$0xCE0];
	s0 =	rddreg [dreg:$0x14];
	[tilespmem:s1+$0x1AC60] =	vst v5  }
0x455: {  	s31 =	smov.u32 s8;
	s8 =	smov.u32 s3;
	v1 =	vld [tilespmem:s0+$0x1F0];
	s3 =	rddreg [dreg:$0x16]  }
0x456: {  	v2 =	vadd.f32 v2, v3;
	[tilespmem:s22+$0x13C70] =	vst v0;
	v3 =	vld [tilespmem:s3+$0x1F0]  }
0x457: {  	s3 =	sld [smem:$0x7D3]  }
0x458: {  	[tilespmem:s22+$0x14C70] =	vst v2  }
0x459: {  	[tilespmem:s22+$0x1AC60] =	vst v4  }
0x45a: {  	v0 =	vld [tilespmem:s3+$0x1F0];
	[tilespmem:s23+$0x15C70] =	vst v1  }
0x45b: {  	v2 =	vld [tilespmem:s7+$0x1F0];
	[tilespmem:s14+$0x15C70] =	vst v3  }
0x45c: {  	v4 =	vld [tilespmem:s9+$0x1F0];
	s7 =	sld [smem:$0x7D4]  }
0x45d: {  	v1 =	vld [tilespmem:s20+$0x370];
	_ =	sdelay $0x1  }
0x45e: {  	[tilespmem:s28+$0x15C70] =	vst v0;
	v3 =	vld [tilespmem:s7+$0x370]  }
0x45f: {  	[tilespmem:s1+$0x15C70] =	vst v2;
	v0 =	vld [tilespmem:s31+$0x370]  }
0x460: {  	[tilespmem:s22+$0x15C70] =	vst v4;
	v2 =	vld [tilespmem:s11+$0x370]  }
0x461: {  	v4 =	vld [tilespmem:s2+$0x370];
	[tilespmem:s23+$0x16C70] =	vst v1  }
0x462: {  	v1 =	vld [tilespmem:s18+$0x4F0]  }
0x463: {  	[tilespmem:s14+$0x16C70] =	vst v3  }
0x464: {  	[tilespmem:s28+$0x16C70] =	vst v0;
	v3 =	vld [tilespmem:s13+$0x4F0]  }
0x465: {  	[tilespmem:s1+$0x16C70] =	vst v2;
	v0 =	vld [tilespmem:s29+$0x4F0]  }
0x466: {  	[tilespmem:s22+$0x16C70] =	vst v4;
	v2 =	vld [tilespmem:s16+$0x4F0]  }
0x467: {  	[tilespmem:s23+$0x17C70] =	vst v1  }
0x468: {  	v4 =	vld [tilespmem:s6+$0x4F0];
	s9 =	rddreg [dreg:$0x12]  }
0x469: {  	v1 =	vld [tilespmem:s9+$0x670];
	[tilespmem:s14+$0x17C70] =	vst v3  }
0x46a: {  	[tilespmem:s28+$0x17C70] =	vst v0;
	v3 =	vld [tilespmem:s5+$0x670]  }
0x46b: {  	[tilespmem:s1+$0x17C70] =	vst v2;
	v0 =	vld [tilespmem:s10+$0x670]  }
0x46c: {  	v2 =	vld [tilespmem:s15+$0x670]  }
0x46d: {  	[tilespmem:s22+$0x17C70] =	vst v4  }
0x46e: {  	v4 =	vld [tilespmem:s19+$0x670];
	[tilespmem:s23+$0x18C70] =	vst v1  }
0x46f: {  	v1 =	vld [tilespmem:s25+$0x7F0];
	[tilespmem:s14+$0x18C70] =	vst v3  }
0x470: {  	[tilespmem:s28+$0x18C70] =	vst v0;
	v3 =	vld [tilespmem:s4+$0x7F0]  }
0x471: {  	[tilespmem:s1+$0x18C70] =	vst v2;
	v0 =	vld [tilespmem:s26+$0x7F0]  }
0x472: {  	v2 =	vld [tilespmem:s21+$0x7F0]  }
0x473: {  	[tilespmem:s22+$0x18C70] =	vst v4  }
0x474: {  	v4 =	vld [tilespmem:s12+$0x7F0];
	[tilespmem:s23+$0x19C70] =	vst v1  }
0x475: {  	[tilespmem:s14+$0x19C70] =	vst v3  }
0x476: {  	v1 =	vld [tilespmem:s30+$0xCF0];
	s11 =	sld [smem:$0x7D5];
	[tilespmem:s28+$0x19C70] =	vst v0  }
0x477: {  	[tilespmem:s1+$0x19C70] =	vst v2;
	v0 =	vld [tilespmem:s8+$0xCF0]  }
0x478: {  	v2 =	vld [tilespmem:s17+$0xCF0]  }
0x479: {  	[tilespmem:s22+$0x19C70] =	vst v4;
	v3 =	vld [tilespmem:s11+$0xCF0]  }
0x47a: {  	v4 =	vld [tilespmem:s24+$0xCF0]  }
0x47b: {  	[tilespmem:s23+$0x1AC70] =	vst v1  }
0x47c: {  	[tilespmem:s28+$0x1AC70] =	vst v0  }
0x47d: {  	[tilespmem:s1+$0x1AC70] =	vst v2  }
0x47e: {  	[tilespmem:s14+$0x1AC70] =	vst v3  }
0x47f: {  	s12 =	sld [smem:$0x7D7];
	[tilespmem:s22+$0x1AC70] =	vst v4  }
0x480: {  	s1 =	sld [smem:$0x7DA]  }
0x481: {  	s6 =	simm.s32 $0x80  }
0x482: {  	s13 =	simm.s32 $0x12C00;
	s14 =	sld [smem:$0x7DB];
	s0 =	sshll.u32 s12, $0x8  }
0x483: {  	s9 =	simm.s32 $0x800;
	s16 =	sld [smem:$0x7DC];
	s1 =	sadd.s32 s1, s0  }
0x484: {  	[hbm4b:s1+s6] =	stream.strided.scatter [tilespmem:s13], [sflag:$0x1], $0x1000, s9, s6, $0x38;
	[tilespmem:$0x1CC00] =	vst v63  }
0x485: {  	s15 =	simm.s32 $0x13C00;
	s18 =	sld [smem:$0x7DD];
	s1 =	sadd.s32 s0, s14  }
0x486: {  	[hbm4b:s1+s6] =	stream.strided.scatter [tilespmem:s15], [sflag:$0x1], $0x1000, s9, s6, $0x38;
	[tilespmem:$0x1CC00] =	vst v63  }
0x487: {  	s17 =	simm.s32 $0x14C00;
	s20 =	sld [smem:$0x7DE];
	s1 =	sadd.s32 s0, s16  }
0x488: {  	[hbm4b:s1+s6] =	stream.strided.scatter [tilespmem:s17], [sflag:$0x1], $0x1000, s9, s6, $0x38;
	[tilespmem:$0x1CC00] =	vst v63  }
0x489: {  	s19 =	simm.s32 $0x15C00;
	s22 =	sld [smem:$0x7DF];
	s1 =	sadd.s32 s0, s18  }
0x48a: {  	[hbm4b:s1+s6] =	stream.strided.scatter [tilespmem:s19], [sflag:$0x1], $0x1000, s9, s6, $0x38;
	[tilespmem:$0x1CC00] =	vst v63  }
0x48b: {  	s21 =	simm.s32 $0x16C00;
	s24 =	sld [smem:$0x7E0];
	s1 =	sadd.s32 s0, s20  }
0x48c: {  	[hbm4b:s1+s6] =	stream.strided.scatter [tilespmem:s21], [sflag:$0x1], $0x1000, s9, s6, $0x38;
	[tilespmem:$0x1CC00] =	vst v63  }
0x48d: {  	s23 =	simm.s32 $0x17C00;
	s26 =	sld [smem:$0x7E1];
	s1 =	sadd.s32 s0, s22  }
0x48e: {  	[hbm4b:s1+s6] =	stream.strided.scatter [tilespmem:s23], [sflag:$0x1], $0x1000, s9, s6, $0x38;
	[tilespmem:$0x1CC00] =	vst v63  }
0x48f: {  	s25 =	simm.s32 $0x18C00;
	s29 =	sld [smem:$0x7E2];
	s1 =	sadd.s32 s0, s24  }
0x490: {  	[hbm4b:s1+s6] =	stream.strided.scatter [tilespmem:s25], [sflag:$0x1], $0x1000, s9, s6, $0x38;
	[tilespmem:$0x1CC00] =	vst v63  }
0x491: {  	s28 =	simm.s32 $0x19C00;
	s1 =	sadd.s32 s0, s26  }
0x492: {  	[hbm4b:s1+s6] =	stream.strided.scatter [tilespmem:s28], [sflag:$0x1], $0x1000, s9, s6, $0x38;
	[tilespmem:$0x1CC00] =	vst v63  }
0x493: {  	s30 =	simm.s32 $0x1AC00;
	s1 =	sadd.s32 s0, s29  }
0x494: {  	[hbm4b:s1+s6] =	stream.strided.scatter [tilespmem:s30], [sflag:$0x1], $0x1000, s9, s6, $0x38;
	[tilespmem:$0x1CC00] =	vst v63  }
0x495: {  	v0 =	vld [tilespmem:$0x1480];
	_ =	sdelay $0x4  }
0x496: {  	[tilespmem:$0x1FEF0] =	vst v0;
	v0 =	vld [tilespmem:$0x1500];
	_ =	sdelay $0x4  }
0x497: {  	[tilespmem:$0x1FF00] =	vst v0;
	v0 =	vld [tilespmem:$0x1580];
	_ =	sdelay $0x4  }
0x498: {  	[tilespmem:$0x1FF10] =	vst v0;
	v0 =	vld [tilespmem:$0x1600];
	_ =	sdelay $0x4  }
0x499: {  	[tilespmem:$0x1FF20] =	vst v0;
	v0 =	vld [tilespmem:$0x1680];
	_ =	sdelay $0x1  }
0x49a: {  	v7 =	vld [tilespmem:$0x1200]  }
0x49b: {  	v44 =	vld [tilespmem:$0x1280]  }
0x49c: {  	v10 =	vld [tilespmem:$0x1300]  }
0x49d: {  	[tilespmem:$0x1FF30] =	vst v0;
	v0 =	vld [tilespmem:$0x1410]  }
0x49e: {  	v11 =	vld [tilespmem:$0x1380]  }
0x49f: {  	v27 =	vld [tilespmem:$0x1400]  }
0x4a0: {  	v54 =	vld [tilespmem:$0x1210]  }
0x4a1: {  	v14 =	vld [tilespmem:$0x1290]  }
0x4a2: {  	[tilespmem:$0x1FF40] =	vst v0;
	v0 =	vld [tilespmem:$0x1590]  }
0x4a3: {  	v15 =	vld [tilespmem:$0x1310]  }
0x4a4: {  	v16 =	vld [tilespmem:$0x1390]  }
0x4a5: {  	v12 =	vld [tilespmem:$0x1490]  }
0x4a6: {  	v21 =	vld [tilespmem:$0x1510]  }
0x4a7: {  	[tilespmem:$0x1FF50] =	vst v0;
	v0 =	vld [tilespmem:$0x1610]  }
0x4a8: {  	v18 =	vld [tilespmem:$0x1690]  }
0x4a9: {  	v20 =	vld [tilespmem:$0x1220]  }
0x4aa: {  	v24 =	vld [tilespmem:$0x12A0]  }
0x4ab: {  	v26 =	vld [tilespmem:$0x1320]  }
0x4ac: {  	[tilespmem:$0x1FF60] =	vst v0;
	v0 =	vld [tilespmem:$0x14A0]  }
0x4ad: {  	v28 =	vld [tilespmem:$0x13A0]  }
0x4ae: {  	s10 =	rddreg [dreg:$0xe];
	v34 =	vld [tilespmem:$0x1520]  }
0x4af: {  	s31 =	sadd.s32 $0x0, s10;
	v29 =	vld [tilespmem:$0x16A0]  }
0x4b0: {  	s1 =	sshll.u32 s31, $0x7;
	v31 =	vld [tilespmem:$0x1230]  }
0x4b1: {  	v55 =	vld [tilespmem:$0x12B0];
	[tilespmem:$0x1FF70] =	vst v0;
	v0 =	vmov s1  }
0x4b2: {  	v25 =	vld [tilespmem:$0x1330];
	v1 =	vor.u32 $0x2, v0  }
0x4b3: {  	v46 =	vld [tilespmem:$0x13B0];
	v2 =	vor.u32 $0x9, v0  }
0x4b4: {  	v63 =	vld [tilespmem:$0x1430];
	v3 =	vor.u32 $0x1, v0  }
0x4b5: {  	s8 =	simm.s32 $0x2C00;
	v37 =	vld [tilespmem:$0x14B0];
	v5 =	vor.u32 $0x6, v0  }
0x4b6: {  	v4 =	vld.idx.msk [tilespmem:v0+s8+$0x0], $0xffff  }
0x4b7: {  	v6 =	vor.u32 $0x3, v0;
	v1 =	vld.idx.msk [tilespmem:v1+s8+$0x0], $0xffff  }
0x4b8: {  	v23 =	vld.idx.msk [tilespmem:v2+s8+$0x0], $0xffff;
	v2 =	vor.u32 $0x7, v0  }
0x4b9: {  	v8 =	vld.idx.msk [tilespmem:v3+s8+$0x0], $0xffff;
	v3 =	vor.u32 $0x8, v0;
	[tilespmem:$0x1FF80] =	vst v7  }
0x4ba: {  	v50 =	vld.idx.msk [tilespmem:v5+s8+$0x0], $0xffff;
	[tilespmem:$0x1FF90] =	vst v54  }
0x4bb: {  	v17 =	vld [tilespmem:$0x1530];
	[tilespmem:$0x1FFA0] =	vst v10  }
0x4bc: {  	v6 =	vld.idx.msk [tilespmem:v6+s8+$0x0], $0xffff;
	v47 =	vmul.f32 v4, v7;
	v7 =	vor.u32 $0x5, v0  }
0x4bd: {  	v0 =	vor.u32 $0x4, v0;
	v49 =	vld.idx.msk [tilespmem:v2+s8+$0x0], $0xffff  }
0x4be: {  	v2 =	vmul.f32 v8, v55;
	v36 =	vld.idx.msk [tilespmem:v3+s8+$0x0], $0xffff;
	v3 =	vmul.f32 v4, v31  }
0x4bf: {  	v22 =	vld [tilespmem:$0x15B0]  }
0x4c0: {  	v41 =	vmovc v55;
	v5 =	vmul.f32 v4, v54;
	v13 =	vmul.f32 v4, v20;
	v55 =	vadd.f32 v2, v3;
	v2 =	vld [tilespmem:$0x1180]  }
0x4c1: {  	v10 =	vmul.f32 v1, v10;
	v4 =	vmul.f32 v8, v24;
	v54 =	vld.idx.msk [tilespmem:v7+s8+$0x0], $0xffff  }
0x4c2: {  	v51 =	vmul.f32 v1, v25;
	v58 =	vmul.f32 v1, v15;
	v59 =	vld.idx.msk [tilespmem:v0+s8+$0x0], $0xffff  }
0x4c3: {  	v60 =	vmul.f32 v1, v26;
	v62 =	vmul.f32 v6, v28;
	v56 =	vadd.f32 v4, v13;
	v4 =	vld [tilespmem:$0x1190]  }
0x4c4: {  	v9 =	vld [tilespmem:$0x1420];
	v30 =	vmovc v20;
	v40 =	vmov v31;
	v3 =	vmul.f32 v6, v46;
	v0 =	vmul.f32 v8, v14  }
0x4c5: {  	v45 =	vld [tilespmem:$0x1630];
	v20 =	vmovc v11;
	v31 =	vmovc v24;
	v24 =	vmov v14;
	v14 =	vmul.f32 v6, v11;
	v11 =	vmul.f32 v50, v17  }
0x4c6: {  	v1 =	vld [tilespmem:$0x1620];
	v7 =	vmul.f32 v6, v16;
	[tilespmem:$0x1FFC0] =	vst v2;
	v2 =	vmul.f32 v49, v22  }
0x4c7: {  	v48 =	vld [tilespmem:$0x15A0];
	v0 =	vadd.f32 v0, v5;
	v5 =	vmul.f32 v59, v63;
	v6 =	vmul.f32 v54, v37  }
0x4c8: {  	v42 =	vmovc v25;
	v39 =	vmov v29;
	v38 =	vmov v34;
	[tilespmem:$0x1FFD0] =	vst v4;
	v4 =	vadd.f32 v2, v11;
	v2 =	vld [tilespmem:$0x11A0]  }
0x4c9: {  	v35 =	vmovc v28;
	v19 =	vmovc v17;
	v43 =	vmov v63;
	v32 =	vmul.f32 v23, v29;
	v5 =	vadd.f32 v6, v5;
	v6 =	vld [tilespmem:$0x11B0]  }
0x4ca: {  	v25 =	vmovc v15;
	v29 =	vmovc v18;
	v33 =	vmul.f32 v23, v18;
	v18 =	vmov v44;
	v61 =	vmul.f32 v50, v34  }
0x4cb: {  	v34 =	vmovc v26;
	v26 =	vmov v16;
	v53 =	vmul.f32 v50, v21;
	[tilespmem:$0x1FFB0] =	vst v1;
	v1 =	vmul.f32 v8, v44  }
0x4cc: {  	v28 =	vmovc v21;
	v21 =	vmovc v27;
	v17 =	vmov v46;
	v52 =	vmul.f32 v36, v45;
	v8 =	vmul.f32 v49, v48  }
0x4cd: {  	v44 =	vmovc v22;
	v57 =	vadd.f32 v14, v10;
	v22 =	vmov v37;
	v63 =	vmul.f32 v59, v27;
	[tilespmem:$0x1FFE0] =	vst v2  }
0x4ce: {  	s2 =	simm.s32 $0x1BC20;
	s4 =	simm.s32 $0x1;
	s1 =	simm.s32 $0x1BC20;
	v46 =	vld [tilespmem:$0x16B0];
	v27 =	vmovc v12;
	v37 =	vmov v9;
	v2 =	vmul.f32 v54, v12;
	[tilespmem:$0x1FFF0] =	vst v6;
	v6 =	vmul.f32 v59, v9  }
.LBB3_5:
0x4cf: {  	v10 =	vld [tilespmem:$0x1FF70];
	_ =	sdelay $0x3  }
0x4d0: {  	v11 =	vld [tilespmem:$0x1FF40]  }
0x4d1: {  	v14 =	vmul.f32 v54, v10;
	v10 =	vld [tilespmem:$0x1FF00];
	_ =	sdelay $0x1  }
0x4d2: {  	v9 =	vld [tilespmem:$0x1FF10]  }
0x4d3: {  	s5 =	sadd.s32 s10, s4;
	v13 =	vld [tilespmem:$0x1FF50];
	v7 =	vadd.f32 v7, v58  }
0x4d4: {  	s5 =	sshll.u32 s5, $0x7;
	v8 =	vadd.f32 v8, v61;
	v3 =	vadd.f32 v3, v51  }
0x4d5: {  	v10 =	vmul.f32 v50, v10;
	v50 =	vmul.f32 v59, v11;
	v59 =	vmov s5;
	v11 =	vld [tilespmem:$0x1FEF0]  }
0x4d6: {  	v15 =	vld [tilespmem:$0x1FF60];
	v4 =	vadd.f32 v4, v5;
	v3 =	vadd.f32 v3, v55;
	v61 =	vor.u32 $0x2, v59  }
0x4d7: {  	v16 =	vld [tilespmem:$0x1FF20];
	v60 =	vadd.f32 v62, v60;
	v9 =	vmul.f32 v49, v9;
	v12 =	vor.u32 $0x6, v59  }
0x4d8: {  	v13 =	vmul.f32 v49, v13;
	v3 =	vadd.f32 v4, v3;
	v4 =	vld [tilespmem:$0x1FFB0];
	v49 =	vor.u32 $0x7, v59  }
0x4d9: {  	v1 =	vadd.f32 v1, v47;
	v9 =	vadd.f32 v9, v10;
	v10 =	vld [tilespmem:$0x1FF80]  }
0x4da: {  	v6 =	vadd.f32 v14, v6;
	v54 =	vmul.f32 v54, v11;
	v11 =	vor.u32 $0x5, v59;
	v5 =	vld.idx.msk [tilespmem:v59+s8+$0x0], $0xffff  }
0x4db: {  	v0 =	vadd.f32 v7, v0;
	v13 =	vadd.f32 v13, v53;
	v7 =	vld.idx.msk [tilespmem:v61+s8+$0x0], $0xffff  }
0x4dc: {  	v6 =	vadd.f32 v8, v6;
	v2 =	vadd.f32 v2, v50;
	v50 =	vld.idx.msk [tilespmem:v12+s8+$0x0], $0xffff  }
0x4dd: {  	v58 =	vor.u32 $0x1, v59;
	v49 =	vld.idx.msk [tilespmem:v49+s8+$0x0], $0xffff;
	v61 =	vadd.f32 v54, v63;
	v54 =	vadd.f32 v60, v56  }
0x4de: {  	v1 =	vadd.f32 v57, v1;
	v51 =	vor.u32 $0x3, v59;
	v56 =	vld [tilespmem:$0x1FF30]  }
0x4df: {  	v2 =	vadd.f32 v13, v2;
	v6 =	vadd.f32 v6, v54;
	v54 =	vld.idx.msk [tilespmem:v11+s8+$0x0], $0xffff  }
0x4e0: {  	v8 =	vmul.f32 v23, v46;
	v4 =	vmul.f32 v36, v4;
	v62 =	vor.u32 $0x4, v59;
	v11 =	vld [tilespmem:$0x1FFA0]  }
0x4e1: {  	v14 =	vor.u32 $0x9, v59;
	v59 =	vor.u32 $0x8, v59;
	v0 =	vadd.f32 v2, v0;
	v2 =	vld [tilespmem:$0x1FFE0]  }
0x4e2: {  	v8 =	vadd.f32 v8, v52;
	v63 =	vmul.f32 v36, v15;
	v15 =	vld.idx.msk [tilespmem:v58+s8+$0x0], $0xffff;
	v58 =	vmul.f32 v36, v16  }
0x4e3: {  	v4 =	vadd.f32 v32, v4;
	v16 =	vld.idx.msk [tilespmem:v51+s8+$0x0], $0xffff;
	v47 =	vmul.f32 v5, v10;
	v12 =	vmul.f32 v23, v56  }
0x4e4: {  	v9 =	vadd.f32 v9, v61;
	v10 =	vld [tilespmem:$0x1FF90];
	v51 =	vmul.f32 v7, v42;
	v60 =	vmul.f32 v7, v34  }
0x4e5: {  	v12 =	vadd.f32 v12, v58;
	v58 =	vmul.f32 v7, v25;
	v11 =	vmul.f32 v7, v11;
	v7 =	vld [tilespmem:$0x1FFC0]  }
0x4e6: {  	v3 =	vadd.f32 v8, v3;
	v36 =	vld.idx.msk [tilespmem:v59+s8+$0x0], $0xffff;
	v1 =	vadd.f32 v9, v1;
	v61 =	vmul.f32 v50, v38  }
0x4e7: {  	v4 =	vadd.f32 v4, v6;
	v53 =	vmul.f32 v50, v28;
	v23 =	vld.idx.msk [tilespmem:v14+s8+$0x0], $0xffff;
	v14 =	vmul.f32 v5, v30  }
0x4e8: {  	v59 =	vld.idx.msk [tilespmem:v62+s8+$0x0], $0xffff;
	v57 =	vmul.f32 v15, v41;
	v6 =	vmul.f32 v16, v20;
	v1 =	vadd.f32 v12, v1  }
0x4e9: {  	v13 =	vadd.f32 v33, v63;
	v10 =	vmul.f32 v5, v10;
	v5 =	vmul.f32 v5, v40  }
0x4ea: {  	v8 =	vmul.f32 v15, v31;
	v2 =	vadd.f32 v4, v2;
	v1 =	vadd.f32 v1, v7  }
0x4eb: {  	v62 =	vmul.f32 v16, v35;
	v55 =	vadd.f32 v57, v5;
	v57 =	vadd.f32 v6, v11;
	v6 =	vld [tilespmem:$0x1FFF0]  }
0x4ec: {  	v4 =	vmul.f32 v50, v19;
	v56 =	vadd.f32 v8, v14;
	v8 =	vmul.f32 v49, v44;
	[tilespmem:s1+$0xFFFFFFE0] =	vst v1;
	v1 =	vld [tilespmem:$0x1FFD0]  }
0x4ed: {  	v52 =	vmul.f32 v36, v45;
	v63 =	vmul.f32 v59, v21  }
0x4ee: {  	p0 =	sne.s32 s4, $0x1F;
	v0 =	vadd.f32 v13, v0;
	[tilespmem:s1+$0x0] =	vst v2;
	v2 =	vmul.f32 v54, v27;
	v9 =	vmul.f32 v54, v22  }
.Ltmp1:
0x4ef: {  	v4 =	vadd.f32 v8, v4;
	v8 =	vmul.f32 v49, v48;
	v5 =	vmul.f32 v15, v24;
	(pc) =	sbr.rel @p0 .LBB3_5-.Ltmp1, $4  }
0x4f0: {  	v32 =	vmul.f32 v23, v39;
	v33 =	vmul.f32 v23, v29;
	v3 =	vadd.f32 v3, v6  }
0x4f1: {  	s3 =	smov.u32 s4;
	v1 =	vadd.f32 v0, v1;
	v0 =	vadd.f32 v5, v10;
	v5 =	vmul.f32 v59, v43  }
0x4f2: {  	s2 =	sadd.s32 $0x80, s2;
	s3 =	sadd.s32 $0x1, s4;
	v7 =	vmul.f32 v16, v26;
	v6 =	vmul.f32 v59, v37;
	[tilespmem:s1+$0x10] =	vst v3  }
0x4f3: {  	s4 =	smov.u32 s3;
	v3 =	vmul.f32 v16, v17;
	[tilespmem:s1+$0xFFFFFFF0] =	vst v1;
	s1 =	smov.u32 s2;
	v1 =	vmul.f32 v15, v18;
	v5 =	vadd.f32 v9, v5  }
0x4f4: {  	v9 =	vld [tilespmem:$0x1FF70];
	v7 =	vadd.f32 v7, v58  }
0x4f5: {  	v11 =	vld [tilespmem:$0x1FF40]  }
0x4f6: {  	v0 =	vadd.f32 v7, v0;
	v7 =	vld [tilespmem:$0x1FF50]  }
0x4f7: {  	v3 =	vadd.f32 v3, v51;
	_ =	sdelay $0x1  }
0x4f8: {  	v10 =	vld [tilespmem:$0x1FF10];
	v4 =	vadd.f32 v4, v5;
	v3 =	vadd.f32 v3, v55;
	v9 =	vmul.f32 v54, v9  }
0x4f9: {  	v8 =	vadd.f32 v8, v61;
	v5 =	vld [tilespmem:$0x1FF00];
	v11 =	vmul.f32 v59, v11  }
0x4fa: {  	v3 =	vadd.f32 v4, v3;
	v4 =	vld [tilespmem:$0x1FFB0];
	v6 =	vadd.f32 v9, v6;
	v7 =	vmul.f32 v49, v7  }
0x4fb: {  	v9 =	vld [tilespmem:$0x1FEF0];
	v2 =	vadd.f32 v2, v11  }
0x4fc: {  	v6 =	vadd.f32 v8, v6;
	v8 =	vmul.f32 v23, v46;
	v7 =	vadd.f32 v7, v53  }
0x4fd: {  	v12 =	vadd.f32 v62, v60;
	v1 =	vadd.f32 v1, v47  }
0x4fe: {  	v13 =	vld [tilespmem:$0x1FF30];
	v10 =	vmul.f32 v49, v10;
	v8 =	vadd.f32 v8, v52;
	v2 =	vadd.f32 v7, v2  }
0x4ff: {  	v12 =	vadd.f32 v12, v56;
	v5 =	vmul.f32 v50, v5;
	v11 =	vld [tilespmem:$0x1FF20];
	v4 =	vmul.f32 v36, v4  }
0x500: {  	v9 =	vmul.f32 v54, v9;
	v0 =	vadd.f32 v2, v0;
	v2 =	vadd.f32 v8, v3;
	v3 =	vld [tilespmem:$0x1FFE0]  }
0x501: {  	v6 =	vadd.f32 v6, v12;
	v4 =	vadd.f32 v32, v4  }
0x502: {  	v5 =	vadd.f32 v10, v5;
	v9 =	vadd.f32 v9, v63  }
0x503: {  	v1 =	vadd.f32 v57, v1;
	v4 =	vadd.f32 v4, v6  }
0x504: {  	v13 =	vmul.f32 v23, v13;
	v11 =	vmul.f32 v36, v11;
	v5 =	vadd.f32 v5, v9  }
0x505: {  	v3 =	vadd.f32 v4, v3;
	v4 =	vld [tilespmem:$0x1FFC0]  }
0x506: {  	v10 =	vadd.f32 v13, v11;
	v1 =	vadd.f32 v5, v1  }
0x507: {  	v9 =	vld [tilespmem:$0x1FF60]  }
0x508: {  	v1 =	vadd.f32 v10, v1;
	_ =	sdelay $0x1  }
0x509: {  	v1 =	vadd.f32 v1, v4  }
0x50a: {  	[tilespmem:s1+$0x0] =	vst v3  }
0x50b: {  	v9 =	vmul.f32 v36, v9;
	v3 =	vld [tilespmem:$0x1FFF0];
	[tilespmem:s1+$0xFFFFFFE0] =	vst v1  }
0x50c: {  	v1 =	vld [tilespmem:$0x1FFD0]  }
0x50d: {  	v5 =	vadd.f32 v33, v9;
	_ =	sdelay $0x1  }
0x50e: {  	v0 =	vadd.f32 v5, v0  }
0x50f: {  	v2 =	vadd.f32 v2, v3  }
0x510: {  	v0 =	vadd.f32 v0, v1  }
0x511: {  	[tilespmem:s1+$0x10] =	vst v2  }
0x512: {  	[tilespmem:s1+$0xFFFFFFF0] =	vst v0  }
0x513: {  	v0 =	vld [tilespmem:$0x14C0];
	_ =	sdelay $0x4  }
0x514: {  	[tilespmem:$0x1FDE0] =	vst v0;
	v0 =	vld [tilespmem:$0x1540];
	_ =	sdelay $0x4  }
0x515: {  	[tilespmem:$0x1FDF0] =	vst v0;
	v0 =	vld [tilespmem:$0x15C0];
	_ =	sdelay $0x4  }
0x516: {  	[tilespmem:$0x1FE00] =	vst v0;
	v0 =	vld [tilespmem:$0x1640];
	_ =	sdelay $0x4  }
0x517: {  	[tilespmem:$0x1FE10] =	vst v0;
	v0 =	vld [tilespmem:$0x16C0];
	_ =	sdelay $0x1  }
0x518: {  	v7 =	vld [tilespmem:$0x1240]  }
0x519: {  	v44 =	vld [tilespmem:$0x12C0]  }
0x51a: {  	v10 =	vld [tilespmem:$0x1340]  }
0x51b: {  	[tilespmem:$0x1FE20] =	vst v0;
	v0 =	vld [tilespmem:$0x1450]  }
0x51c: {  	v11 =	vld [tilespmem:$0x13C0]  }
0x51d: {  	v27 =	vld [tilespmem:$0x1440]  }
0x51e: {  	v54 =	vld [tilespmem:$0x1250]  }
0x51f: {  	v14 =	vld [tilespmem:$0x12D0]  }
0x520: {  	[tilespmem:$0x1FE30] =	vst v0;
	v0 =	vld [tilespmem:$0x15D0]  }
0x521: {  	v15 =	vld [tilespmem:$0x1350]  }
0x522: {  	v16 =	vld [tilespmem:$0x13D0]  }
0x523: {  	v12 =	vld [tilespmem:$0x14D0]  }
0x524: {  	v21 =	vld [tilespmem:$0x1550]  }
0x525: {  	[tilespmem:$0x1FE40] =	vst v0;
	v0 =	vld [tilespmem:$0x1650]  }
0x526: {  	v18 =	vld [tilespmem:$0x16D0]  }
0x527: {  	v20 =	vld [tilespmem:$0x1260]  }
0x528: {  	v24 =	vld [tilespmem:$0x12E0]  }
0x529: {  	v26 =	vld [tilespmem:$0x1360]  }
0x52a: {  	[tilespmem:$0x1FE50] =	vst v0;
	v0 =	vld [tilespmem:$0x14E0]  }
0x52b: {  	v28 =	vld [tilespmem:$0x13E0]  }
0x52c: {  	v34 =	vld [tilespmem:$0x1560]  }
0x52d: {  	s31 =	sadd.s32 $0x0, s10;
	v29 =	vld [tilespmem:$0x16E0]  }
0x52e: {  	s1 =	sshll.u32 s31, $0x7;
	v31 =	vld [tilespmem:$0x1270]  }
0x52f: {  	v55 =	vld [tilespmem:$0x12F0];
	[tilespmem:$0x1FE60] =	vst v0;
	v0 =	vmov s1  }
0x530: {  	v25 =	vld [tilespmem:$0x1370];
	v1 =	vor.u32 $0x2, v0  }
0x531: {  	v46 =	vld [tilespmem:$0x13F0];
	v2 =	vor.u32 $0x9, v0  }
0x532: {  	v63 =	vld [tilespmem:$0x1470];
	v3 =	vor.u32 $0x1, v0  }
0x533: {  	v37 =	vld [tilespmem:$0x14F0];
	v5 =	vor.u32 $0x6, v0  }
0x534: {  	v4 =	vld.idx.msk [tilespmem:v0+s8+$0x0], $0xffff  }
0x535: {  	v6 =	vor.u32 $0x3, v0;
	v1 =	vld.idx.msk [tilespmem:v1+s8+$0x0], $0xffff  }
0x536: {  	v23 =	vld.idx.msk [tilespmem:v2+s8+$0x0], $0xffff;
	v2 =	vor.u32 $0x7, v0  }
0x537: {  	v8 =	vld.idx.msk [tilespmem:v3+s8+$0x0], $0xffff;
	v3 =	vor.u32 $0x8, v0;
	[tilespmem:$0x1FE70] =	vst v7  }
0x538: {  	v50 =	vld.idx.msk [tilespmem:v5+s8+$0x0], $0xffff;
	[tilespmem:$0x1FE80] =	vst v54  }
0x539: {  	v17 =	vld [tilespmem:$0x1570];
	[tilespmem:$0x1FE90] =	vst v10  }
0x53a: {  	v6 =	vld.idx.msk [tilespmem:v6+s8+$0x0], $0xffff;
	v47 =	vmul.f32 v4, v7;
	v7 =	vor.u32 $0x5, v0  }
0x53b: {  	v0 =	vor.u32 $0x4, v0;
	v49 =	vld.idx.msk [tilespmem:v2+s8+$0x0], $0xffff  }
0x53c: {  	v2 =	vmul.f32 v8, v55;
	v36 =	vld.idx.msk [tilespmem:v3+s8+$0x0], $0xffff;
	v3 =	vmul.f32 v4, v31  }
0x53d: {  	v22 =	vld [tilespmem:$0x15F0]  }
0x53e: {  	v41 =	vmovc v55;
	v5 =	vmul.f32 v4, v54;
	v13 =	vmul.f32 v4, v20;
	v55 =	vadd.f32 v2, v3;
	v2 =	vld [tilespmem:$0x11C0]  }
0x53f: {  	v10 =	vmul.f32 v1, v10;
	v4 =	vmul.f32 v8, v24;
	v54 =	vld.idx.msk [tilespmem:v7+s8+$0x0], $0xffff  }
0x540: {  	v51 =	vmul.f32 v1, v25;
	v58 =	vmul.f32 v1, v15;
	v59 =	vld.idx.msk [tilespmem:v0+s8+$0x0], $0xffff  }
0x541: {  	v60 =	vmul.f32 v1, v26;
	v62 =	vmul.f32 v6, v28;
	v56 =	vadd.f32 v4, v13;
	v4 =	vld [tilespmem:$0x11D0]  }
0x542: {  	v9 =	vld [tilespmem:$0x1460];
	v30 =	vmovc v20;
	v20 =	vmov v11;
	v43 =	vmul.f32 v6, v11;
	v11 =	vmul.f32 v50, v17  }
0x543: {  	v45 =	vld [tilespmem:$0x1670];
	v3 =	vmul.f32 v6, v46;
	v0 =	vmul.f32 v8, v14  }
0x544: {  	v48 =	vld [tilespmem:$0x15E0];
	v42 =	vmovc v25;
	v39 =	vmov v29;
	v7 =	vmul.f32 v6, v16;
	[tilespmem:$0x1FEB0] =	vst v2;
	v2 =	vmul.f32 v49, v22  }
0x545: {  	v40 =	vmovc v31;
	v1 =	vld [tilespmem:$0x1660];
	v0 =	vadd.f32 v0, v5;
	v5 =	vmul.f32 v59, v63;
	v6 =	vmul.f32 v54, v37  }
0x546: {  	v38 =	vmovc v34;
	v35 =	vmovc v28;
	v19 =	vmov v17;
	v25 =	vmov v15;
	[tilespmem:$0x1FEC0] =	vst v4;
	v4 =	vadd.f32 v2, v11;
	v2 =	vld [tilespmem:$0x11E0]  }
0x547: {  	v32 =	vmul.f32 v23, v29;
	v29 =	vmovc v18;
	v33 =	vmul.f32 v23, v18;
	v5 =	vadd.f32 v6, v5;
	v6 =	vld [tilespmem:$0x11F0]  }
0x548: {  	v31 =	vmovc v24;
	v24 =	vmovc v14;
	v18 =	vmov v44;
	v61 =	vmul.f32 v50, v34;
	v34 =	vmov v26  }
0x549: {  	v26 =	vmovc v16;
	v53 =	vmul.f32 v50, v21;
	v17 =	vmovc v46;
	v28 =	vmov v21;
	v57 =	vadd.f32 v43, v10  }
0x54a: {  	v21 =	vmovc v27;
	[tilespmem:$0x1FEA0] =	vst v1;
	v1 =	vmul.f32 v8, v44;
	v52 =	vmul.f32 v36, v45;
	v44 =	vmov v22  }
0x54b: {  	s2 =	simm.s32 $0x1BC70;
	v8 =	vmul.f32 v49, v48;
	v43 =	vmovc v63;
	v22 =	vmov v37;
	v63 =	vmul.f32 v59, v27;
	[tilespmem:$0x1FED0] =	vst v2  }
0x54c: {  	s4 =	simm.s32 $0x1;
	s7 =	simm.s32 $0x2800;
	s1 =	simm.s32 $0x1BC70;
	v46 =	vld [tilespmem:$0x16F0];
	v27 =	vmovc v12;
	v37 =	vmov v9;
	v2 =	vmul.f32 v54, v12;
	[tilespmem:$0x1FEE0] =	vst v6;
	v6 =	vmul.f32 v59, v9  }
.LBB3_7:
0x54d: {  	v10 =	vld [tilespmem:$0x1FE60];
	_ =	sdelay $0x3  }
0x54e: {  	v11 =	vld [tilespmem:$0x1FE30]  }
0x54f: {  	v14 =	vmul.f32 v54, v10;
	v10 =	vld [tilespmem:$0x1FDF0];
	_ =	sdelay $0x1  }
0x550: {  	v9 =	vld [tilespmem:$0x1FE00]  }
0x551: {  	s5 =	sadd.s32 s10, s4;
	v13 =	vld [tilespmem:$0x1FE40];
	v7 =	vadd.f32 v7, v58  }
0x552: {  	s5 =	sshll.u32 s5, $0x7;
	v8 =	vadd.f32 v8, v61;
	v3 =	vadd.f32 v3, v51  }
0x553: {  	v10 =	vmul.f32 v50, v10;
	v50 =	vmul.f32 v59, v11;
	v59 =	vmov s5;
	v11 =	vld [tilespmem:$0x1FDE0]  }
0x554: {  	v15 =	vld [tilespmem:$0x1FE50];
	v4 =	vadd.f32 v4, v5;
	v3 =	vadd.f32 v3, v55;
	v61 =	vor.u32 $0x2, v59  }
0x555: {  	v16 =	vld [tilespmem:$0x1FE10];
	v60 =	vadd.f32 v62, v60;
	v9 =	vmul.f32 v49, v9;
	v12 =	vor.u32 $0x6, v59  }
0x556: {  	v13 =	vmul.f32 v49, v13;
	v3 =	vadd.f32 v4, v3;
	v4 =	vld [tilespmem:$0x1FEA0];
	v49 =	vor.u32 $0x7, v59  }
0x557: {  	v1 =	vadd.f32 v1, v47;
	v9 =	vadd.f32 v9, v10;
	v10 =	vld [tilespmem:$0x1FE70]  }
0x558: {  	v6 =	vadd.f32 v14, v6;
	v54 =	vmul.f32 v54, v11;
	v11 =	vor.u32 $0x5, v59;
	v5 =	vld.idx.msk [tilespmem:v59+s8+$0x0], $0xffff  }
0x559: {  	v0 =	vadd.f32 v7, v0;
	v13 =	vadd.f32 v13, v53;
	v7 =	vld.idx.msk [tilespmem:v61+s8+$0x0], $0xffff  }
0x55a: {  	v6 =	vadd.f32 v8, v6;
	v2 =	vadd.f32 v2, v50;
	v50 =	vld.idx.msk [tilespmem:v12+s8+$0x0], $0xffff  }
0x55b: {  	v58 =	vor.u32 $0x1, v59;
	v49 =	vld.idx.msk [tilespmem:v49+s8+$0x0], $0xffff;
	v61 =	vadd.f32 v54, v63;
	v54 =	vadd.f32 v60, v56  }
0x55c: {  	v1 =	vadd.f32 v57, v1;
	v51 =	vor.u32 $0x3, v59;
	v56 =	vld [tilespmem:$0x1FE20]  }
0x55d: {  	v2 =	vadd.f32 v13, v2;
	v6 =	vadd.f32 v6, v54;
	v54 =	vld.idx.msk [tilespmem:v11+s8+$0x0], $0xffff  }
0x55e: {  	v8 =	vmul.f32 v23, v46;
	v4 =	vmul.f32 v36, v4;
	v62 =	vor.u32 $0x4, v59;
	v11 =	vld [tilespmem:$0x1FE90]  }
0x55f: {  	v14 =	vor.u32 $0x9, v59;
	v59 =	vor.u32 $0x8, v59;
	v0 =	vadd.f32 v2, v0;
	v2 =	vld [tilespmem:$0x1FED0]  }
0x560: {  	v8 =	vadd.f32 v8, v52;
	v63 =	vmul.f32 v36, v15;
	v15 =	vld.idx.msk [tilespmem:v58+s8+$0x0], $0xffff;
	v58 =	vmul.f32 v36, v16  }
0x561: {  	v4 =	vadd.f32 v32, v4;
	v16 =	vld.idx.msk [tilespmem:v51+s8+$0x0], $0xffff;
	v47 =	vmul.f32 v5, v10;
	v12 =	vmul.f32 v23, v56  }
0x562: {  	v9 =	vadd.f32 v9, v61;
	v10 =	vld [tilespmem:$0x1FE80];
	v51 =	vmul.f32 v7, v42;
	v60 =	vmul.f32 v7, v34  }
0x563: {  	v12 =	vadd.f32 v12, v58;
	v58 =	vmul.f32 v7, v25;
	v11 =	vmul.f32 v7, v11;
	v7 =	vld [tilespmem:$0x1FEB0]  }
0x564: {  	v3 =	vadd.f32 v8, v3;
	v36 =	vld.idx.msk [tilespmem:v59+s8+$0x0], $0xffff;
	v1 =	vadd.f32 v9, v1;
	v61 =	vmul.f32 v50, v38  }
0x565: {  	v4 =	vadd.f32 v4, v6;
	v53 =	vmul.f32 v50, v28;
	v23 =	vld.idx.msk [tilespmem:v14+s8+$0x0], $0xffff;
	v14 =	vmul.f32 v5, v30  }
0x566: {  	v59 =	vld.idx.msk [tilespmem:v62+s8+$0x0], $0xffff;
	v57 =	vmul.f32 v15, v41;
	v6 =	vmul.f32 v16, v20;
	v1 =	vadd.f32 v12, v1  }
0x567: {  	v13 =	vadd.f32 v33, v63;
	v10 =	vmul.f32 v5, v10;
	v5 =	vmul.f32 v5, v40  }
0x568: {  	v8 =	vmul.f32 v15, v31;
	v2 =	vadd.f32 v4, v2;
	v1 =	vadd.f32 v1, v7  }
0x569: {  	v62 =	vmul.f32 v16, v35;
	v55 =	vadd.f32 v57, v5;
	v57 =	vadd.f32 v6, v11;
	v6 =	vld [tilespmem:$0x1FEE0]  }
0x56a: {  	v4 =	vmul.f32 v50, v19;
	v56 =	vadd.f32 v8, v14;
	v8 =	vmul.f32 v49, v44;
	[tilespmem:s1+$0xFFFFFFD0] =	vst v1;
	v1 =	vld [tilespmem:$0x1FEC0]  }
0x56b: {  	v52 =	vmul.f32 v36, v45;
	v63 =	vmul.f32 v59, v21  }
0x56c: {  	p0 =	sne.s32 s4, $0x1F;
	v0 =	vadd.f32 v13, v0;
	[tilespmem:s1+$0xFFFFFFF0] =	vst v2;
	v2 =	vmul.f32 v54, v27;
	v9 =	vmul.f32 v54, v22  }
.Ltmp2:
0x56d: {  	v4 =	vadd.f32 v8, v4;
	v8 =	vmul.f32 v49, v48;
	v5 =	vmul.f32 v15, v24;
	(pc) =	sbr.rel @p0 .LBB3_7-.Ltmp2, $4  }
0x56e: {  	v32 =	vmul.f32 v23, v39;
	v33 =	vmul.f32 v23, v29;
	v3 =	vadd.f32 v3, v6  }
0x56f: {  	s3 =	smov.u32 s4;
	v1 =	vadd.f32 v0, v1;
	v0 =	vadd.f32 v5, v10;
	v5 =	vmul.f32 v59, v43  }
0x570: {  	s2 =	sadd.s32 $0x80, s2;
	s3 =	sadd.s32 $0x1, s4;
	v7 =	vmul.f32 v16, v26;
	v6 =	vmul.f32 v59, v37;
	[tilespmem:s1+$0x0] =	vst v3  }
0x571: {  	s4 =	smov.u32 s3;
	v3 =	vmul.f32 v16, v17;
	[tilespmem:s1+$0xFFFFFFE0] =	vst v1;
	s1 =	smov.u32 s2;
	v1 =	vmul.f32 v15, v18;
	v5 =	vadd.f32 v9, v5  }
0x572: {  	v9 =	vld [tilespmem:$0x1FE60]  }
0x573: {  	v10 =	vld [tilespmem:$0x1FE00]  }
0x574: {  	v45 =	vld [tilespmem:$0x1FDE0]  }
0x575: {  	v48 =	vld [tilespmem:$0x1FDF0]  }
0x576: {  	v11 =	vld [tilespmem:$0x1FE30];
	v1 =	vadd.f32 v1, v47  }
0x577: {  	v7 =	vadd.f32 v7, v58;
	v8 =	vadd.f32 v8, v61;
	v13 =	vld [tilespmem:$0x1FE20];
	v9 =	vmul.f32 v54, v9  }
0x578: {  	v12 =	vadd.f32 v62, v60;
	v1 =	vadd.f32 v57, v1;
	v57 =	vld [tilespmem:$0x1FEA0]  }
0x579: {  	v3 =	vadd.f32 v3, v51;
	v6 =	vadd.f32 v9, v6;
	v9 =	vmul.f32 v54, v45;
	v54 =	vld [tilespmem:$0x1FE10]  }
0x57a: {  	v4 =	vadd.f32 v4, v5;
	v10 =	vmul.f32 v49, v10;
	v5 =	vmul.f32 v50, v48  }
0x57b: {  	v12 =	vadd.f32 v12, v56;
	v3 =	vadd.f32 v3, v55;
	v11 =	vmul.f32 v59, v11  }
0x57c: {  	v13 =	vmul.f32 v23, v13;
	v5 =	vadd.f32 v10, v5;
	v9 =	vadd.f32 v9, v63  }
0x57d: {  	v51 =	vld [tilespmem:$0x1FE40];
	v3 =	vadd.f32 v4, v3;
	v4 =	vmul.f32 v36, v57;
	v6 =	vadd.f32 v8, v6  }
0x57e: {  	v62 =	vld [tilespmem:$0x1FED0];
	v2 =	vadd.f32 v2, v11;
	v5 =	vadd.f32 v5, v9;
	v11 =	vmul.f32 v36, v54  }
0x57f: {  	v56 =	vmul.f32 v23, v46;
	v63 =	vld [tilespmem:$0x1FEB0];
	v4 =	vadd.f32 v32, v4;
	v6 =	vadd.f32 v6, v12  }
0x580: {  	v1 =	vadd.f32 v5, v1;
	v59 =	vadd.f32 v13, v11  }
0x581: {  	v58 =	vld [tilespmem:$0x1FE50];
	v8 =	vadd.f32 v56, v52;
	v4 =	vadd.f32 v4, v6  }
0x582: {  	v0 =	vadd.f32 v7, v0;
	v7 =	vmul.f32 v49, v51;
	v1 =	vadd.f32 v59, v1  }
0x583: {  	v61 =	vadd.f32 v8, v3;
	v3 =	vadd.f32 v4, v62  }
0x584: {  	v7 =	vadd.f32 v7, v53;
	v1 =	vadd.f32 v1, v63  }
0x585: {  	[tilespmem:s1+$0xFFFFFFF0] =	vst v3  }
0x586: {  	v2 =	vadd.f32 v7, v2;
	v9 =	vmul.f32 v36, v58;
	v3 =	vld [tilespmem:$0x1FEE0];
	[tilespmem:s1+$0xFFFFFFD0] =	vst v1  }
0x587: {  	v1 =	vld [tilespmem:$0x1FEC0]  }
0x588: {  	v0 =	vadd.f32 v2, v0;
	v60 =	vadd.f32 v33, v9;
	_ =	sdelay $0x1  }
0x589: {  	v0 =	vadd.f32 v60, v0  }
0x58a: {  	v2 =	vadd.f32 v61, v3  }
0x58b: {  	v0 =	vadd.f32 v0, v1  }
0x58c: {  	[tilespmem:s1+$0x0] =	vst v2  }
0x58d: {  	[tilespmem:s1+$0xFFFFFFE0] =	vst v0  }
0x58e: {  	s1 =	sld [smem:$0x7E3]  }
0x58f: {  	s31 =	sld [smem:$0x7D6];
	_ =	sdelay $0x2  }
0x590: {  	s0 =	sadd.s32 s0, s1;
	s1 =	sadd.s32 $0x1, s31  }
0x591: {  	p0 =	sne.s32 s1, $0x10  }
.Ltmp3:
0x592: {  	_ = 	snop;
	(pc) =	sbr.rel @p0 .LBB3_2-.Ltmp3, $3  }
0x593: {  	_ =	sdelay $0x1  }
0x594: {  	s30 =	simm.s32 $0x1BC00  }
0x595: {  	[hbm4b:s0+s6] =	stream.strided.scatter [tilespmem:s30], [sflag:$0x1], $0x1000, s9, s6, $0x38;
	[tilespmem:$0x1CC00] =	vst v63  }
0x596: {  	s3 =	simm.s32 $0x1  }
0x597: {  	_ =	swait.ge [sflag:s3], $0x1000  }
0x598: {  	[sflag:s3] =	ssyncset.done $0x0  }
0x599: {  	[sflag:s3] =	ssyncadd.s32 $0xFFFFF000  }
0x59a: {  	_ =	swait.ge [sflag:s3], $0x1000  }
0x59b: {  	[sflag:s3] =	ssyncset.done $0x0  }
0x59c: {  	[sflag:s3] =	ssyncadd.s32 $0xFFFFF000  }
0x59d: {  	_ =	swait.ge [sflag:s3], $0x1000  }
0x59e: {  	[sflag:s3] =	ssyncset.done $0x0  }
0x59f: {  	[sflag:s3] =	ssyncadd.s32 $0xFFFFF000  }
0x5a0: {  	_ =	swait.ge [sflag:s3], $0x1000  }
0x5a1: {  	[sflag:s3] =	ssyncset.done $0x0  }
0x5a2: {  	[sflag:s3] =	ssyncadd.s32 $0xFFFFF000  }
0x5a3: {  	_ =	swait.ge [sflag:s3], $0x1000  }
0x5a4: {  	[sflag:s3] =	ssyncset.done $0x0  }
0x5a5: {  	[sflag:s3] =	ssyncadd.s32 $0xFFFFF000  }
0x5a6: {  	_ =	swait.ge [sflag:s3], $0x1000  }
0x5a7: {  	[sflag:s3] =	ssyncset.done $0x0  }
0x5a8: {  	[sflag:s3] =	ssyncadd.s32 $0xFFFFF000  }
0x5a9: {  	_ =	swait.ge [sflag:s3], $0x1000  }
0x5aa: {  	[sflag:s3] =	ssyncset.done $0x0  }
0x5ab: {  	[sflag:s3] =	ssyncadd.s32 $0xFFFFF000  }
0x5ac: {  	_ =	swait.ge [sflag:s3], $0x1000  }
0x5ad: {  	[sflag:s3] =	ssyncset.done $0x0  }
0x5ae: {  	[sflag:s3] =	ssyncadd.s32 $0xFFFFF000  }
0x5af: {  	_ =	swait.ge [sflag:s3], $0x1000  }
0x5b0: {  	[sflag:s3] =	ssyncset.done $0x0  }
0x5b1: {  	[sflag:s3] =	ssyncadd.s32 $0xFFFFF000  }
0x5b2: {  	_ =	swait.ge [sflag:s3], $0x1000  }
0x5b3: {  	s1 =	sld [smem:$0x7D8]  }
0x5b4: {  	s0 =	sld [smem:$0x7E4];
	_ =	sdelay $0x1  }
0x5b5: {  	s1 =	sadd.s32 $0x1, s1  }
0x5b6: {  	p0 =	sne.s32 s1, s0  }
.Ltmp4:
0x5b7: {  	_ = 	snop;
	(pc) =	sbr.rel @p0 .LBB3_1-.Ltmp4, $3  }
0x5b8: {  	_ =	sdelay $0x1  }
0x5b9: {  	[sflag:s3] =	ssyncset.done $0x0  }
0x5ba: {  	[sflag:s3] =	ssyncadd.s32 $0xFFFFF000  }
0x5bb: {  	_ =	sfence.sel $0x180000  }
0x5bc: {  	[bflag:$0x0] =	sbarrier.arrive $0xFFFF  }
0x5bd: {  	_ =	strace $0x90000047  }
0x5be: {  	s0 =	stileid.u32;
	[bflag:$0x2] =	sbarrier.arrive $0xFFFF  }
0x5bf: {  	p0 =	sne.s32 s0, $0x0;
	s0 =	rddreg [dreg:$0x1b]  }
0x5c0: {  	s0 =	sadd.s32 @!p0 $0x100000, s0  }
0x5c1: {  	[sflag:s0] =	ssyncadd.tile.s32 @!p0 $0x1;
	_ =	shalt  }
.Lfunc_end3:
_tile_overlayer_lowered:
.L_overlay_start_3:
0x5c2: {  	(tag) =	ssettag $0x3  }
0x5c3: {  	s0 =	rddreg [dreg:$0x0];
	s2 =	stileid.u32  }
0x5c4: {  	s1 =	rddreg [dreg:$0x1];
	p0 =	sne.s32 s2, $0x0  }
0x5c5: {  	s3 =	rddreg [dreg:$0x2];
	[bflag:$0x3] =	sbarrier.arrive $0xFFFF;
	s2 =	simm.s32 @!p0 $0x1C02  }
0x5c6: {  	[timem:s3], [sflag:s2] =	dma.local @!p0 [hbm:s0], s1  }
0x5c7: {  	s0 =	simm.s32 @!p0 $0x2  }
0x5c8: {  	_ =	swait.ge @!p0 [sflag:s0], s1  }
0x5c9: {  	s1 =	ssub.s32 @!p0 $0x0, s1;
	[sflag:s0] =	ssyncset.done @!p0 $0x0  }
0x5ca: {  	[sflag:s0] =	ssyncadd.s32 @!p0 s1  }
0x5cb: {  	[bflag:$0x3] =	sbarrier.arrive $0xFFFF  }
0x5cc: {  	_ =	shalt  }

</sc_bundles>
